<compile_context>
chip_gen: v7x
topology: tpu7x:2x2x1
jax: 0.10.2.dev20260603
libtpu: 0.0.44.dev20260713+nightly
codegen_flags: <defaults>
</compile_context>

<pallas_src>
import functools

import jax
import jax.numpy as jnp
from jax import lax
from jax.experimental import pallas as pl
from jax.experimental.pallas import tpu as pltpu
from jax.experimental.pallas import tpu_sc as plsc

_ED = 16
_IDX_CHUNK = 128
_LANES = 3200
_CW = 640


def _iota16():
    return lax.iota(jnp.int32, 16)


@functools.cache
def _sc_repack(V: int):
    info = plsc.get_sparse_core_info()
    nc, ns = info.num_cores, info.num_subcores
    nw = nc * ns
    tail_lo = (nw - 1) * _LANES
    tail_w = (V - tail_lo) // 128 * 128
    tail_cw = 384
    assert tail_w % tail_cw == 0 and _LANES % _CW == 0
    mesh = plsc.VectorSubcoreMesh(core_axis_name="c", subcore_axis_name="s")

    @functools.partial(
        pl.kernel,
        out_type=(
            jax.ShapeDtypeStruct((V // 8 * 128,), jnp.float32),
            jax.ShapeDtypeStruct((V // 8 * 128,), jnp.float32),
        ),
        mesh=mesh,
        compiler_params=pltpu.CompilerParams(needs_layout_passes=False),
        scratch_types=[
            pltpu.VMEM((16, _CW), jnp.float32),
            pltpu.VMEM((16, _CW), jnp.float32),
            pltpu.VMEM((16, _CW), jnp.float32),
            pltpu.VMEM((16 * _CW,), jnp.float32),
            pltpu.VMEM((16 * _CW,), jnp.float32),
            pltpu.VMEM((16 * _CW,), jnp.float32),
            pltpu.SemaphoreType.DMA,
            pltpu.SemaphoreType.DMA,
            pltpu.SemaphoreType.DMA,
            pltpu.SemaphoreType.DMA,
            pltpu.SemaphoreType.DMA,
            pltpu.SemaphoreType.DMA,
        ],
    )
    def repack(taT, tbT, pa, pb, buf0, buf1, buf2, st0, st1, st2,
               sin0, sin1, sin2, sout0, sout1, sout2):
        wid = lax.axis_index("s") * nc + lax.axis_index("c")
        iota = _iota16()
        sbase = (iota // 8) * 128 + 16 * (iota % 8)
        bufs = (buf0, buf1, buf2)
        stages = (st0, st1, st2)
        sins = (sin0, sin1, sin2)
        souts = (sout0, sout1, sout2)

        def pack_chunk(buf, stage, cw):
            def body(t2, _):
                base_flat = 256 * t2 + sbase
                for f in range(16):
                    vals = buf[f, pl.ds(16 * t2, 16)]
                    plsc.store_scatter(stage, [base_flat + f], vals)
                return _

            lax.fori_loop(0, cw // 16, body, 0)

        def run(chunks, cw):
            n = len(chunks)
            ring = 3
            infl_in = [None] * ring
            infl_out = [None] * ring

            def start_in(i):
                src, _, lo = chunks[i]
                p = i % ring
                infl_in[p] = pltpu.async_copy(
                    src.at[:, pl.ds(pl.multiple_of(lo, 128), cw)],
                    bufs[p].at[:, pl.ds(0, cw)], sins[p])

            for i in range(min(2, n)):
                start_in(i)
            for i in range(n):
                p = i % ring
                infl_in[p].wait()
                if i + 2 < n:
                    start_in(i + 2)
                if infl_out[p] is not None:
                    infl_out[p].wait()
                pack_chunk(bufs[p], stages[p], cw)
                _, dst, lo = chunks[i]
                infl_out[p] = pltpu.async_copy(
                    stages[p].at[pl.ds(0, cw * 16)],
                    dst.at[pl.ds(pl.multiple_of(lo * 16, 2048), cw * 16)],
                    souts[p])
            for c in infl_out:
                if c is not None:
                    c.wait()

        @pl.when(wid < nw - 1)
        def _():
            lo = pl.multiple_of(wid * _LANES, _LANES)
            chunks = []
            for tab, dst in ((taT, pa), (tbT, pb)):
                for k in range(_LANES // _CW):
                    chunks.append((tab, dst, lo + k * _CW))
            run(chunks, _CW)

        @pl.when(wid == nw - 1)
        def _():
            chunks = []
            for tab, dst in ((taT, pa), (tbT, pb)):
                for k in range(tail_w // tail_cw):
                    chunks.append((tab, dst, tail_lo + k * tail_cw))
            run(chunks, tail_cw)

    return repack


@functools.cache
def _sc_gather2(B: int, V: int):
    info = plsc.get_sparse_core_info()
    nc, ns = info.num_cores, info.num_subcores
    nw = nc * ns
    bpw = B // nw
    n_chunks = bpw // _IDX_CHUNK
    assert bpw % _IDX_CHUNK == 0 and B % nw == 0
    mesh = plsc.VectorSubcoreMesh(core_axis_name="c", subcore_axis_name="s")

    @functools.partial(
        pl.kernel,
        out_type=jax.ShapeDtypeStruct((B, 128), jnp.float32),
        mesh=mesh,
        compiler_params=pltpu.CompilerParams(use_tc_tiling_on_sc=False),
        scratch_types=[
            pltpu.VMEM((bpw,), jnp.int32),
            pltpu.VMEM((bpw,), jnp.int32),
            pltpu.VMEM((bpw, _ED), jnp.float32),
            pltpu.VMEM((bpw, _ED), jnp.float32),
            pltpu.SemaphoreType.DMA,
            pltpu.SemaphoreType.DMA,
        ],
    )
    def gather2(ids_a_hbm, ids_b_hbm, tab_a, tab_b, out_ab,
                idx_a, idx_b, rows_a, rows_b, sem_a, sem_b):
        wid = lax.axis_index("s") * nc + lax.axis_index("c")
        base = pl.multiple_of(wid * bpw, bpw)
        ca = pltpu.async_copy(ids_a_hbm.at[pl.ds(base, bpw)], idx_a, sem_a)
        cb = pltpu.async_copy(ids_b_hbm.at[pl.ds(base, bpw)], idx_b, sem_b)
        ca.wait()
        cb.wait()
        copies = []
        for j in range(n_chunks):
            copies.append(pltpu.async_copy(
                tab_a.at[idx_a.at[pl.ds(j * _IDX_CHUNK, _IDX_CHUNK)]],
                rows_a.at[pl.ds(j * _IDX_CHUNK, _IDX_CHUNK)], sem_a))
            copies.append(pltpu.async_copy(
                tab_b.at[idx_b.at[pl.ds(j * _IDX_CHUNK, _IDX_CHUNK)]],
                rows_b.at[pl.ds(j * _IDX_CHUNK, _IDX_CHUNK)], sem_b))
        for c in copies:
            c.wait()
        wa = pltpu.async_copy(rows_a,
                              out_ab.at[pl.ds(base, bpw), pl.ds(0, _ED)],
                              sem_a)
        wb = pltpu.async_copy(rows_b,
                              out_ab.at[pl.ds(base, bpw), pl.ds(_ED, _ED)],
                              sem_b)
        wa.wait()
        wb.wait()

    return gather2


def _mlp_body(eab, num, w1a, w1b, w1n, b1, w2, b2, w3, b3, wo, bo, out):
    e = eab[...]
    h = jnp.dot(e[:, :_ED], w1a[...], preferred_element_type=jnp.float32)
    h = h + jnp.dot(e[:, _ED:2 * _ED], w1b[...], preferred_element_type=jnp.float32)
    h = h + jnp.dot(num[...], w1n[...], preferred_element_type=jnp.float32)
    h = jnp.maximum(h + b1[...], 0.0)
    h = jnp.maximum(
        jnp.dot(h, w2[...], preferred_element_type=jnp.float32) + b2[...], 0.0)
    h = jnp.maximum(
        jnp.dot(h, w3[...], preferred_element_type=jnp.float32) + b3[...], 0.0)
    z = jnp.sum(h * wo[...], axis=1, keepdims=True) + bo[...]
    out[...] = 1.0 / (1.0 + jnp.exp(-z))


@functools.cache
def _mlp_call(B: int, F: int, blk: int):
    full = lambda shape: pl.BlockSpec(shape, lambda i: (0, 0))
    return pl.pallas_call(
        _mlp_body,
        grid=(B // blk,),
        in_specs=[
            pl.BlockSpec((blk, 128), lambda i: (i, 0)),
            pl.BlockSpec((blk, F), lambda i: (i, 0)),
            full((_ED, 64)),
            full((_ED, 64)),
            full((F, 64)),
            full((1, 64)),
            full((64, 32)),
            full((1, 32)),
            full((32, 16)),
            full((1, 16)),
            full((1, 16)),
            full((1, 1)),
        ],
        out_specs=pl.BlockSpec((blk, 1), lambda i: (i, 0)),
        out_shape=jax.ShapeDtypeStruct((B, 1), jnp.float32),
    )


def kernel(x, emb_a, emb_b, W1, b1, W2, b2, W3, b3, Wo, bo):
    B, C = x.shape
    F = C - 2
    V = emb_a.shape[0]
    ids_a = x[:, 0].astype(jnp.int32)
    ids_b = x[:, 1].astype(jnp.int32)
    numeric = x[:, 2:]
    pa, pb = _sc_repack(V)(emb_a.T, emb_b.T)
    covered = V // 128 * 128
    if covered < V:
        pa = pa.at[covered * _ED:].set(emb_a[covered:].reshape(-1))
        pb = pb.at[covered * _ED:].set(emb_b[covered:].reshape(-1))
    pa = pa.reshape(V, _ED)
    pb = pb.reshape(V, _ED)
    eab = _sc_gather2(B, V)(ids_a, ids_b, pa, pb)
    W1T = W1.T
    out = _mlp_call(B, F, 4096)(
        eab, numeric,
        W1T[:_ED], W1T[_ED:2 * _ED], W1T[2 * _ED:],
        b1.reshape(1, 64), W2.T, b2.reshape(1, 32), W3.T, b3.reshape(1, 16),
        Wo, bo.reshape(1, 1))
    return out

# --- scband reference (transcript-rebuilt; emitter-appended) ---
"""Pipeline reference for scband-counter-predictor-9577777070782 (READ-ONLY COPY).

The authoritative reference and input builder live on the scoring server;
editing this copy changes nothing except your own understanding.
"""

import jax, jax.numpy as jnp
import numpy as np

B = 16384
V = 100000
F = 26  # input_features (numeric features)
ED = 16

def setup_inputs(seed: int = 0) -> dict:
    key = jax.random.key(seed)
    ks = jax.random.split(key, 16)
    ids_a = jax.random.randint(ks[0], (B,), 0, V)
    ids_b = jax.random.randint(ks[1], (B,), 0, V)
    numeric = jax.random.normal(ks[2], (B, F), dtype=jnp.float32)
    x = jnp.concatenate([ids_a[:, None].astype(jnp.float32),
                         ids_b[:, None].astype(jnp.float32),
                         numeric], axis=1)
    emb_a = jax.random.normal(ks[3], (V, ED), dtype=jnp.float32) * 0.02
    emb_b = jax.random.normal(ks[4], (V, ED), dtype=jnp.float32) * 0.02
    W1 = jax.random.normal(ks[5], (64, F + 2 * ED), dtype=jnp.float32) * 0.05
    b1 = jnp.zeros((64,), dtype=jnp.float32)
    W2 = jax.random.normal(ks[6], (32, 64), dtype=jnp.float32) * 0.05
    b2 = jnp.zeros((32,), dtype=jnp.float32)
    W3 = jax.random.normal(ks[7], (16, 32), dtype=jnp.float32) * 0.05
    b3 = jnp.zeros((16,), dtype=jnp.float32)
    Wo = jax.random.normal(ks[8], (1, 16), dtype=jnp.float32) * 0.05
    bo = jnp.zeros((1,), dtype=jnp.float32)
    return {"x": x, "emb_a": emb_a, "emb_b": emb_b,
            "W1": W1, "b1": b1, "W2": W2, "b2": b2,
            "W3": W3, "b3": b3, "Wo": Wo, "bo": bo}

def reference(x, emb_a, emb_b, W1, b1, W2, b2, W3, b3, Wo, bo):
    champ_a = x[:, 0].astype(jnp.int32)
    champ_b = x[:, 1].astype(jnp.int32)
    numeric = x[:, 2:]
    ea = jnp.take(emb_a, champ_a, axis=0)
    eb = jnp.take(emb_b, champ_b, axis=0)
    h = jnp.concatenate([ea, eb, numeric], axis=1)
    h = jax.nn.relu(h @ W1.T + b1)
    # dropout is identity in eval mode
    h = jax.nn.relu(h @ W2.T + b2)
    h = jax.nn.relu(h @ W3.T + b3)
    out = jax.nn.sigmoid(h @ Wo.T + bo)
    return out

if __name__ == "__main__":
    import jax
    _d = setup_inputs()
    print(jax.jit(kernel)(*tuple(_d.values())))

</pallas_src>

<mosaic_0001>
#map = affine_map<(d0, d1) -> (0, 0)>
#map1 = affine_map<(d0, d1) -> (0)>
module attributes {stable_mosaic.version = 14 : i64} {
  func.func @repack(%arg0: i32, %arg1: i32, %arg2: memref<16x100000xf32, #tpu.memory_space<hbm>>, %arg3: memref<16x100000xf32, #tpu.memory_space<hbm>>, %arg4: memref<1600000xf32, #tpu.memory_space<hbm>>, %arg5: memref<1600000xf32, #tpu.memory_space<hbm>>, %arg6: memref<16x640xf32, #tpu.memory_space<vmem>>, %arg7: memref<16x640xf32, #tpu.memory_space<vmem>>, %arg8: memref<16x640xf32, #tpu.memory_space<vmem>>, %arg9: memref<10240xf32, #tpu.memory_space<vmem>>, %arg10: memref<10240xf32, #tpu.memory_space<vmem>>, %arg11: memref<10240xf32, #tpu.memory_space<vmem>>, %arg12: memref<!tpu.dma_semaphore, #tpu.memory_space<semaphore_mem>>, %arg13: memref<!tpu.dma_semaphore, #tpu.memory_space<semaphore_mem>>, %arg14: memref<!tpu.dma_semaphore, #tpu.memory_space<semaphore_mem>>, %arg15: memref<!tpu.dma_semaphore, #tpu.memory_space<semaphore_mem>>, %arg16: memref<!tpu.dma_semaphore, #tpu.memory_space<semaphore_mem>>, %arg17: memref<!tpu.dma_semaphore, #tpu.memory_space<semaphore_mem>>) attributes {dimension_semantics = [#tpu.dimension_semantics<core_parallel>, #tpu.dimension_semantics<subcore_parallel>], iteration_bounds = array<i64: 2, 16>, scalar_prefetch = 0 : i64, scratch_operands = 12 : i64, tpu.core_type = #tpu.core_type<sc_vector_subcore>, window_params = [{transform_indices = #map}, {transform_indices = #map}, {transform_indices = #map1}, {transform_indices = #map1}]} {
    %mul3A = arith.constant 2 : i32
    %mul3A_0 = arith.muli %arg1, %mul3A : i32
    %add3A = arith.addi %mul3A_0, %arg0 : i32
    %iota3A = tpu.iota {dimensions = array<i32: 0>} : vector<16xi32>
    %jit3A = arith.constant 8 : i32
    %div3A = vector.broadcast %jit3A : i32 to vector<16xi32>
    %div3A_1 = arith.divsi %iota3A, %div3A : vector<16xi32>
    %sign3A = arith.constant 0 : i32
    %sign3A_2 = vector.broadcast %sign3A : i32 to vector<16xi32>
    %sign3A_3 = arith.cmpi sgt, %iota3A, %sign3A_2 : vector<16xi32>
    %sign3A_4 = arith.extui %sign3A_3 : vector<16xi1> to vector<16xi32>
    %sign3A_5 = arith.constant 0 : i32
    %sign3A_6 = vector.broadcast %sign3A_5 : i32 to vector<16xi32>
    %sign3A_7 = arith.cmpi slt, %iota3A, %sign3A_6 : vector<16xi32>
    %sign3A_8 = arith.extui %sign3A_7 : vector<16xi1> to vector<16xi32>
    %sign3A_9 = arith.subi %sign3A_4, %sign3A_8 : vector<16xi32>
    %sign3A_10 = arith.constant 0 : i32
    %sign3A_11 = arith.cmpi sgt, %jit3A, %sign3A_10 : i32
    %sign3A_12 = arith.extui %sign3A_11 : i1 to i32
    %sign3A_13 = arith.constant 0 : i32
    %sign3A_14 = arith.cmpi slt, %jit3A, %sign3A_13 : i32
    %sign3A_15 = arith.extui %sign3A_14 : i1 to i32
    %sign3A_16 = arith.subi %sign3A_12, %sign3A_15 : i32
    %ne3A = vector.broadcast %sign3A_16 : i32 to vector<16xi32>
    %ne3A_17 = arith.cmpi ne, %sign3A_9, %ne3A : vector<16xi32>
    %rem3A = vector.broadcast %jit3A : i32 to vector<16xi32>
    %rem3A_18 = arith.remsi %iota3A, %rem3A : vector<16xi32>
    %ne3A_19 = arith.constant 0 : i32
    %ne3A_20 = vector.broadcast %ne3A_19 : i32 to vector<16xi32>
    %ne3A_21 = arith.cmpi ne, %rem3A_18, %ne3A_20 : vector<16xi32>
    %and3A = arith.andi %ne3A_17, %ne3A_21 : vector<16xi1>
    %sub3A = arith.constant 1 : i32
    %sub3A_22 = vector.broadcast %sub3A : i32 to vector<16xi32>
    %sub3A_23 = arith.subi %div3A_1, %sub3A_22 : vector<16xi32>
    %select_n3A = arith.select %and3A, %sub3A_23, %div3A_1 : vector<16xi1>, vector<16xi32>
    %mul3A_24 = arith.constant 128 : i32
    %mul3A_25 = vector.broadcast %mul3A_24 : i32 to vector<16xi32>
    %mul3A_26 = arith.muli %select_n3A, %mul3A_25 : vector<16xi32>
    %jit3A_27 = arith.constant 8 : i32
    %eq3A = arith.constant 0 : i32
    %eq3A_28 = arith.cmpi eq, %jit3A_27, %eq3A : i32
    %jit3A_29 = arith.constant 1 : i32
    %select_n3A_30 = arith.select %eq3A_28, %jit3A_29, %jit3A_27 : i32
    %rem3A_31 = vector.broadcast %select_n3A_30 : i32 to vector<16xi32>
    %rem3A_32 = arith.remsi %iota3A, %rem3A_31 : vector<16xi32>
    %ne3A_33 = arith.constant 0 : i32
    %ne3A_34 = vector.broadcast %ne3A_33 : i32 to vector<16xi32>
    %ne3A_35 = arith.cmpi ne, %rem3A_32, %ne3A_34 : vector<16xi32>
    %lt3A = arith.constant 0 : i32
    %lt3A_36 = vector.broadcast %lt3A : i32 to vector<16xi32>
    %lt3A_37 = arith.cmpi slt, %rem3A_32, %lt3A_36 : vector<16xi32>
    %lt3A_38 = arith.constant 0 : i32
    %lt3A_39 = arith.cmpi slt, %select_n3A_30, %lt3A_38 : i32
    %ne3A_40 = vector.broadcast %lt3A_39 : i1 to vector<16xi1>
    %ne3A_41 = vector.broadcast %ne3A_40 : vector<16xi1> to vector<16xi1>
    %ne3A_42 = arith.xori %lt3A_37, %ne3A_41 : vector<16xi1>
    %and3A_43 = arith.andi %ne3A_42, %ne3A_35 : vector<16xi1>
    %add3A_44 = vector.broadcast %select_n3A_30 : i32 to vector<16xi32>
    %add3A_45 = arith.addi %rem3A_32, %add3A_44 : vector<16xi32>
    %select_n3A_46 = arith.select %and3A_43, %add3A_45, %rem3A_32 : vector<16xi1>, vector<16xi32>
    %mul3A_47 = arith.constant 16 : i32
    %mul3A_48 = vector.broadcast %mul3A_47 : i32 to vector<16xi32>
    %mul3A_49 = arith.muli %mul3A_48, %select_n3A_46 : vector<16xi32>
    %add3A_50 = arith.addi %mul3A_26, %mul3A_49 : vector<16xi32>
    %lt3A_51 = arith.constant 31 : i32
    %lt3A_52 = arith.cmpi slt, %add3A, %lt3A_51 : i32
    %convert_element_type3A = arith.extui %lt3A_52 : i1 to i32
    %cond3A = arith.constant 0 : i32
    %cond3A_53 = arith.cmpi ne, %convert_element_type3A, %cond3A : i32
    scf.if %cond3A_53 {
      %mul3A_59 = arith.constant 3200 : i32
      %mul3A_60 = arith.muli %add3A, %mul3A_59 : i32
      %multiple_of3A = tpu.assume_multiple %mul3A_60, 3200 : i32
      %add3A_61 = arith.constant 0 : i32
      %add3A_62 = arith.addi %multiple_of3A, %add3A_61 : i32
      %add3A_63 = arith.constant 640 : i32
      %add3A_64 = arith.addi %multiple_of3A, %add3A_63 : i32
      %add3A_65 = arith.constant 1280 : i32
      %add3A_66 = arith.addi %multiple_of3A, %add3A_65 : i32
      %add3A_67 = arith.constant 1920 : i32
      %add3A_68 = arith.addi %multiple_of3A, %add3A_67 : i32
      %add3A_69 = arith.constant 2560 : i32
      %add3A_70 = arith.addi %multiple_of3A, %add3A_69 : i32
      %add3A_71 = arith.constant 0 : i32
      %add3A_72 = arith.addi %multiple_of3A, %add3A_71 : i32
      %add3A_73 = arith.constant 640 : i32
      %add3A_74 = arith.addi %multiple_of3A, %add3A_73 : i32
      %add3A_75 = arith.constant 1280 : i32
      %add3A_76 = arith.addi %multiple_of3A, %add3A_75 : i32
      %add3A_77 = arith.constant 1920 : i32
      %add3A_78 = arith.addi %multiple_of3A, %add3A_77 : i32
      %add3A_79 = arith.constant 2560 : i32
      %add3A_80 = arith.addi %multiple_of3A, %add3A_79 : i32
      %multiple_of3A_81 = tpu.assume_multiple %add3A_62, 128 : i32
      %dma_start3A = arith.constant 0 : i32
      %dma_start3A_82 = arith.constant 0 : i32
      %dma_start3A_83 = tpu.memref_slice %arg6[%dma_start3A, %dma_start3A_82] : memref<16x640xf32, #tpu.memory_space<vmem>> -> memref<16x640xf32, #tpu.memory_space<vmem>>
      %dma_start3A_84 = arith.constant 0 : i32
      %dma_start3A_85 = tpu.memref_slice %arg2[%dma_start3A_84, %multiple_of3A_81] : memref<16x100000xf32, #tpu.memory_space<hbm>> -> memref<16x640xf32, #tpu.memory_space<hbm>>
      %dma_start3A_86 = arith.constant 0 : i32
      %dma_start3A_87 = arith.constant 0 : i32
      %dma_start3A_88 = tpu.memref_slice %arg6[%dma_start3A_86, %dma_start3A_87] : memref<16x640xf32, #tpu.memory_space<vmem>> -> memref<16x640xf32, #tpu.memory_space<vmem>>
      %dma_start3A_89 = arith.constant 0 : i32
      %dma_start3A_90 = tpu.memref_slice %arg2[%dma_start3A_89, %multiple_of3A_81] : memref<16x100000xf32, #tpu.memory_space<hbm>> -> memref<16x640xf32, #tpu.memory_space<hbm>>
      tpu.enqueue_dma source(%dma_start3A_90 : memref<16x640xf32, #tpu.memory_space<hbm>>) target(%dma_start3A_88 : memref<16x640xf32, #tpu.memory_space<vmem>>) target_semaphore(%arg12 : memref<!tpu.dma_semaphore, #tpu.memory_space<semaphore_mem>>)
      %multiple_of3A_91 = tpu.assume_multiple %add3A_64, 128 : i32
      %dma_start3A_92 = arith.constant 0 : i32
      %dma_start3A_93 = arith.constant 0 : i32
      %dma_start3A_94 = tpu.memref_slice %arg7[%dma_start3A_92, %dma_start3A_93] : memref<16x640xf32, #tpu.memory_space<vmem>> -> memref<16x640xf32, #tpu.memory_space<vmem>>
      %dma_start3A_95 = arith.constant 0 : i32
      %dma_start3A_96 = tpu.memref_slice %arg2[%dma_start3A_95, %multiple_of3A_91] : memref<16x100000xf32, #tpu.memory_space<hbm>> -> memref<16x640xf32, #tpu.memory_space<hbm>>
      %dma_start3A_97 = arith.constant 0 : i32
      %dma_start3A_98 = arith.constant 0 : i32
      %dma_start3A_99 = tpu.memref_slice %arg7[%dma_start3A_97, %dma_start3A_98] : memref<16x640xf32, #tpu.memory_space<vmem>> -> memref<16x640xf32, #tpu.memory_space<vmem>>
      %dma_start3A_100 = arith.constant 0 : i32
      %dma_start3A_101 = tpu.memref_slice %arg2[%dma_start3A_100, %multiple_of3A_91] : memref<16x100000xf32, #tpu.memory_space<hbm>> -> memref<16x640xf32, #tpu.memory_space<hbm>>
      tpu.enqueue_dma source(%dma_start3A_101 : memref<16x640xf32, #tpu.memory_space<hbm>>) target(%dma_start3A_99 : memref<16x640xf32, #tpu.memory_space<vmem>>) target_semaphore(%arg13 : memref<!tpu.dma_semaphore, #tpu.memory_space<semaphore_mem>>)
      %dma_wait3A = arith.constant 0 : i32
      %dma_wait3A_102 = arith.constant 0 : i32
      %dma_wait3A_103 = tpu.memref_slice %arg6[%dma_wait3A, %dma_wait3A_102] : memref<16x640xf32, #tpu.memory_space<vmem>> -> memref<16x640xf32, #tpu.memory_space<vmem>>
      %dma_wait3A_104 = arith.constant 0 : i32
      %dma_wait3A_105 = tpu.memref_slice %arg2[%dma_wait3A_104, %multiple_of3A_81] : memref<16x100000xf32, #tpu.memory_space<hbm>> -> memref<16x640xf32, #tpu.memory_space<hbm>>
      %dma_wait3A_106 = arith.constant 0 : i32
      %dma_wait3A_107 = arith.constant 0 : i32
      %dma_wait3A_108 = tpu.memref_slice %arg6[%dma_wait3A_106, %dma_wait3A_107] : memref<16x640xf32, #tpu.memory_space<vmem>> -> memref<16x640xf32, #tpu.memory_space<vmem>>
      %dma_wait3A_109 = arith.constant 0 : i32
      %dma_wait3A_110 = tpu.memref_slice %arg2[%dma_wait3A_109, %multiple_of3A_81] : memref<16x100000xf32, #tpu.memory_space<hbm>> -> memref<16x640xf32, #tpu.memory_space<hbm>>
      tpu.wait_dma2 semaphore(%arg12 : memref<!tpu.dma_semaphore, #tpu.memory_space<semaphore_mem>>) src(%dma_wait3A_110 : memref<16x640xf32, #tpu.memory_space<hbm>>) dst(%dma_wait3A_108 : memref<16x640xf32, #tpu.memory_space<vmem>>)
      %multiple_of3A_111 = tpu.assume_multiple %add3A_66, 128 : i32
      %dma_start3A_112 = arith.constant 0 : i32
      %dma_start3A_113 = arith.constant 0 : i32
      %dma_start3A_114 = tpu.memref_slice %arg8[%dma_start3A_112, %dma_start3A_113] : memref<16x640xf32, #tpu.memory_space<vmem>> -> memref<16x640xf32, #tpu.memory_space<vmem>>
      %dma_start3A_115 = arith.constant 0 : i32
      %dma_start3A_116 = tpu.memref_slice %arg2[%dma_start3A_115, %multiple_of3A_111] : memref<16x100000xf32, #tpu.memory_space<hbm>> -> memref<16x640xf32, #tpu.memory_space<hbm>>
      %dma_start3A_117 = arith.constant 0 : i32
      %dma_start3A_118 = arith.constant 0 : i32
      %dma_start3A_119 = tpu.memref_slice %arg8[%dma_start3A_117, %dma_start3A_118] : memref<16x640xf32, #tpu.memory_space<vmem>> -> memref<16x640xf32, #tpu.memory_space<vmem>>
      %dma_start3A_120 = arith.constant 0 : i32
      %dma_start3A_121 = tpu.memref_slice %arg2[%dma_start3A_120, %multiple_of3A_111] : memref<16x100000xf32, #tpu.memory_space<hbm>> -> memref<16x640xf32, #tpu.memory_space<hbm>>
      tpu.enqueue_dma source(%dma_start3A_121 : memref<16x640xf32, #tpu.memory_space<hbm>>) target(%dma_start3A_119 : memref<16x640xf32, #tpu.memory_space<vmem>>) target_semaphore(%arg14 : memref<!tpu.dma_semaphore, #tpu.memory_space<semaphore_mem>>)
      %scan3A = arith.constant 0 : i32
      %scan3A_122 = arith.constant 0 : i32
      %scan3A_123 = arith.constant 40 : i32
      %scan3A_124 = arith.addi %scan3A_122, %scan3A_123 : i32
      %scan3A_125 = arith.constant 1 : i32
      scf.for %scan3A_498 = %scan3A_122 to %scan3A_124 step %scan3A_125  : i32 {
        %mul3A_499 = arith.constant 256 : i32
        %mul3A_500 = arith.muli %mul3A_499, %scan3A_498 : i32
        %add3A_501 = vector.broadcast %mul3A_500 : i32 to vector<16xi32>
        %add3A_502 = arith.addi %add3A_501, %add3A_50 : vector<16xi32>
        %mul3A_503 = arith.constant 16 : i32
        %mul3A_504 = arith.muli %mul3A_503, %scan3A_498 : i32
        %get3A = arith.constant 0 : i32
        %get3A_505 = arith.index_cast %get3A : i32 to index
        %get3A_506 = arith.index_cast %mul3A_504 : i32 to index
        %get3A_507 = tpu.vector_load %arg6[%get3A_505, %get3A_506] {strides = array<i32>} : memref<16x640xf32, #tpu.memory_space<vmem>>, vector<16xf32>,
        %add3A_508 = arith.constant 0 : i32
        %add3A_509 = vector.broadcast %add3A_508 : i32 to vector<16xi32>
        %add3A_510 = arith.addi %add3A_502, %add3A_509 : vector<16xi32>
        tpu.vector_store_idx %arg9[%add3A_510], %get3A_507 : memref<10240xf32, #tpu.memory_space<vmem>>[vector<16xi32>], vector<16xf32>,
        %mul3A_511 = arith.constant 16 : i32
        %mul3A_512 = arith.muli %mul3A_511, %scan3A_498 : i32
        %get3A_513 = arith.constant 1 : i32
        %get3A_514 = arith.index_cast %get3A_513 : i32 to index
        %get3A_515 = arith.index_cast %mul3A_512 : i32 to index
        %get3A_516 = tpu.vector_load %arg6[%get3A_514, %get3A_515] {strides = array<i32>} : memref<16x640xf32, #tpu.memory_space<vmem>>, vector<16xf32>,
        %add3A_517 = arith.constant 1 : i32
        %add3A_518 = vector.broadcast %add3A_517 : i32 to vector<16xi32>
        %add3A_519 = arith.addi %add3A_502, %add3A_518 : vector<16xi32>
        tpu.vector_store_idx %arg9[%add3A_519], %get3A_516 : memref<10240xf32, #tpu.memory_space<vmem>>[vector<16xi32>], vector<16xf32>,
        %mul3A_520 = arith.constant 16 : i32
        %mul3A_521 = arith.muli %mul3A_520, %scan3A_498 : i32
        %get3A_522 = arith.constant 2 : i32
        %get3A_523 = arith.index_cast %get3A_522 : i32 to index
        %get3A_524 = arith.index_cast %mul3A_521 : i32 to index
        %get3A_525 = tpu.vector_load %arg6[%get3A_523, %get3A_524] {strides = array<i32>} : memref<16x640xf32, #tpu.memory_space<vmem>>, vector<16xf32>,
        %add3A_526 = arith.constant 2 : i32
        %add3A_527 = vector.broadcast %add3A_526 : i32 to vector<16xi32>
        %add3A_528 = arith.addi %add3A_502, %add3A_527 : vector<16xi32>
        tpu.vector_store_idx %arg9[%add3A_528], %get3A_525 : memref<10240xf32, #tpu.memory_space<vmem>>[vector<16xi32>], vector<16xf32>,
        %mul3A_529 = arith.constant 16 : i32
        %mul3A_530 = arith.muli %mul3A_529, %scan3A_498 : i32
        %get3A_531 = arith.constant 3 : i32
        %get3A_532 = arith.index_cast %get3A_531 : i32 to index
        %get3A_533 = arith.index_cast %mul3A_530 : i32 to index
        %get3A_534 = tpu.vector_load %arg6[%get3A_532, %get3A_533] {strides = array<i32>} : memref<16x640xf32, #tpu.memory_space<vmem>>, vector<16xf32>,
        %add3A_535 = arith.constant 3 : i32
        %add3A_536 = vector.broadcast %add3A_535 : i32 to vector<16xi32>
        %add3A_537 = arith.addi %add3A_502, %add3A_536 : vector<16xi32>
        tpu.vector_store_idx %arg9[%add3A_537], %get3A_534 : memref<10240xf32, #tpu.memory_space<vmem>>[vector<16xi32>], vector<16xf32>,
        %mul3A_538 = arith.constant 16 : i32
        %mul3A_539 = arith.muli %mul3A_538, %scan3A_498 : i32
        %get3A_540 = arith.constant 4 : i32
        %get3A_541 = arith.index_cast %get3A_540 : i32 to index
        %get3A_542 = arith.index_cast %mul3A_539 : i32 to index
        %get3A_543 = tpu.vector_load %arg6[%get3A_541, %get3A_542] {strides = array<i32>} : memref<16x640xf32, #tpu.memory_space<vmem>>, vector<16xf32>,
        %add3A_544 = arith.constant 4 : i32
        %add3A_545 = vector.broadcast %add3A_544 : i32 to vector<16xi32>
        %add3A_546 = arith.addi %add3A_502, %add3A_545 : vector<16xi32>
        tpu.vector_store_idx %arg9[%add3A_546], %get3A_543 : memref<10240xf32, #tpu.memory_space<vmem>>[vector<16xi32>], vector<16xf32>,
        %mul3A_547 = arith.constant 16 : i32
        %mul3A_548 = arith.muli %mul3A_547, %scan3A_498 : i32
        %get3A_549 = arith.constant 5 : i32
        %get3A_550 = arith.index_cast %get3A_549 : i32 to index
        %get3A_551 = arith.index_cast %mul3A_548 : i32 to index
        %get3A_552 = tpu.vector_load %arg6[%get3A_550, %get3A_551] {strides = array<i32>} : memref<16x640xf32, #tpu.memory_space<vmem>>, vector<16xf32>,
        %add3A_553 = arith.constant 5 : i32
        %add3A_554 = vector.broadcast %add3A_553 : i32 to vector<16xi32>
        %add3A_555 = arith.addi %add3A_502, %add3A_554 : vector<16xi32>
        tpu.vector_store_idx %arg9[%add3A_555], %get3A_552 : memref<10240xf32, #tpu.memory_space<vmem>>[vector<16xi32>], vector<16xf32>,
        %mul3A_556 = arith.constant 16 : i32
        %mul3A_557 = arith.muli %mul3A_556, %scan3A_498 : i32
        %get3A_558 = arith.constant 6 : i32
        %get3A_559 = arith.index_cast %get3A_558 : i32 to index
        %get3A_560 = arith.index_cast %mul3A_557 : i32 to index
        %get3A_561 = tpu.vector_load %arg6[%get3A_559, %get3A_560] {strides = array<i32>} : memref<16x640xf32, #tpu.memory_space<vmem>>, vector<16xf32>,
        %add3A_562 = arith.constant 6 : i32
        %add3A_563 = vector.broadcast %add3A_562 : i32 to vector<16xi32>
        %add3A_564 = arith.addi %add3A_502, %add3A_563 : vector<16xi32>
        tpu.vector_store_idx %arg9[%add3A_564], %get3A_561 : memref<10240xf32, #tpu.memory_space<vmem>>[vector<16xi32>], vector<16xf32>,
        %mul3A_565 = arith.constant 16 : i32
        %mul3A_566 = arith.muli %mul3A_565, %scan3A_498 : i32
        %get3A_567 = arith.constant 7 : i32
        %get3A_568 = arith.index_cast %get3A_567 : i32 to index
        %get3A_569 = arith.index_cast %mul3A_566 : i32 to index
        %get3A_570 = tpu.vector_load %arg6[%get3A_568, %get3A_569] {strides = array<i32>} : memref<16x640xf32, #tpu.memory_space<vmem>>, vector<16xf32>,
        %add3A_571 = arith.constant 7 : i32
        %add3A_572 = vector.broadcast %add3A_571 : i32 to vector<16xi32>
        %add3A_573 = arith.addi %add3A_502, %add3A_572 : vector<16xi32>
        tpu.vector_store_idx %arg9[%add3A_573], %get3A_570 : memref<10240xf32, #tpu.memory_space<vmem>>[vector<16xi32>], vector<16xf32>,
        %mul3A_574 = arith.constant 16 : i32
        %mul3A_575 = arith.muli %mul3A_574, %scan3A_498 : i32
        %get3A_576 = arith.constant 8 : i32
        %get3A_577 = arith.index_cast %get3A_576 : i32 to index
        %get3A_578 = arith.index_cast %mul3A_575 : i32 to index
        %get3A_579 = tpu.vector_load %arg6[%get3A_577, %get3A_578] {strides = array<i32>} : memref<16x640xf32, #tpu.memory_space<vmem>>, vector<16xf32>,
        %add3A_580 = arith.constant 8 : i32
        %add3A_581 = vector.broadcast %add3A_580 : i32 to vector<16xi32>
        %add3A_582 = arith.addi %add3A_502, %add3A_581 : vector<16xi32>
        tpu.vector_store_idx %arg9[%add3A_582], %get3A_579 : memref<10240xf32, #tpu.memory_space<vmem>>[vector<16xi32>], vector<16xf32>,
        %mul3A_583 = arith.constant 16 : i32
        %mul3A_584 = arith.muli %mul3A_583, %scan3A_498 : i32
        %get3A_585 = arith.constant 9 : i32
        %get3A_586 = arith.index_cast %get3A_585 : i32 to index
        %get3A_587 = arith.index_cast %mul3A_584 : i32 to index
        %get3A_588 = tpu.vector_load %arg6[%get3A_586, %get3A_587] {strides = array<i32>} : memref<16x640xf32, #tpu.memory_space<vmem>>, vector<16xf32>,
        %add3A_589 = arith.constant 9 : i32
        %add3A_590 = vector.broadcast %add3A_589 : i32 to vector<16xi32>
        %add3A_591 = arith.addi %add3A_502, %add3A_590 : vector<16xi32>
        tpu.vector_store_idx %arg9[%add3A_591], %get3A_588 : memref<10240xf32, #tpu.memory_space<vmem>>[vector<16xi32>], vector<16xf32>,
        %mul3A_592 = arith.constant 16 : i32
        %mul3A_593 = arith.muli %mul3A_592, %scan3A_498 : i32
        %get3A_594 = arith.constant 10 : i32
        %get3A_595 = arith.index_cast %get3A_594 : i32 to index
        %get3A_596 = arith.index_cast %mul3A_593 : i32 to index
        %get3A_597 = tpu.vector_load %arg6[%get3A_595, %get3A_596] {strides = array<i32>} : memref<16x640xf32, #tpu.memory_space<vmem>>, vector<16xf32>,
        %add3A_598 = arith.constant 10 : i32
        %add3A_599 = vector.broadcast %add3A_598 : i32 to vector<16xi32>
        %add3A_600 = arith.addi %add3A_502, %add3A_599 : vector<16xi32>
        tpu.vector_store_idx %arg9[%add3A_600], %get3A_597 : memref<10240xf32, #tpu.memory_space<vmem>>[vector<16xi32>], vector<16xf32>,
        %mul3A_601 = arith.constant 16 : i32
        %mul3A_602 = arith.muli %mul3A_601, %scan3A_498 : i32
        %get3A_603 = arith.constant 11 : i32
        %get3A_604 = arith.index_cast %get3A_603 : i32 to index
        %get3A_605 = arith.index_cast %mul3A_602 : i32 to index
        %get3A_606 = tpu.vector_load %arg6[%get3A_604, %get3A_605] {strides = array<i32>} : memref<16x640xf32, #tpu.memory_space<vmem>>, vector<16xf32>,
        %add3A_607 = arith.constant 11 : i32
        %add3A_608 = vector.broadcast %add3A_607 : i32 to vector<16xi32>
        %add3A_609 = arith.addi %add3A_502, %add3A_608 : vector<16xi32>
        tpu.vector_store_idx %arg9[%add3A_609], %get3A_606 : memref<10240xf32, #tpu.memory_space<vmem>>[vector<16xi32>], vector<16xf32>,
        %mul3A_610 = arith.constant 16 : i32
        %mul3A_611 = arith.muli %mul3A_610, %scan3A_498 : i32
        %get3A_612 = arith.constant 12 : i32
        %get3A_613 = arith.index_cast %get3A_612 : i32 to index
        %get3A_614 = arith.index_cast %mul3A_611 : i32 to index
        %get3A_615 = tpu.vector_load %arg6[%get3A_613, %get3A_614] {strides = array<i32>} : memref<16x640xf32, #tpu.memory_space<vmem>>, vector<16xf32>,
        %add3A_616 = arith.constant 12 : i32
        %add3A_617 = vector.broadcast %add3A_616 : i32 to vector<16xi32>
        %add3A_618 = arith.addi %add3A_502, %add3A_617 : vector<16xi32>
        tpu.vector_store_idx %arg9[%add3A_618], %get3A_615 : memref<10240xf32, #tpu.memory_space<vmem>>[vector<16xi32>], vector<16xf32>,
        %mul3A_619 = arith.constant 16 : i32
        %mul3A_620 = arith.muli %mul3A_619, %scan3A_498 : i32
        %get3A_621 = arith.constant 13 : i32
        %get3A_622 = arith.index_cast %get3A_621 : i32 to index
        %get3A_623 = arith.index_cast %mul3A_620 : i32 to index
        %get3A_624 = tpu.vector_load %arg6[%get3A_622, %get3A_623] {strides = array<i32>} : memref<16x640xf32, #tpu.memory_space<vmem>>, vector<16xf32>,
        %add3A_625 = arith.constant 13 : i32
        %add3A_626 = vector.broadcast %add3A_625 : i32 to vector<16xi32>
        %add3A_627 = arith.addi %add3A_502, %add3A_626 : vector<16xi32>
        tpu.vector_store_idx %arg9[%add3A_627], %get3A_624 : memref<10240xf32, #tpu.memory_space<vmem>>[vector<16xi32>], vector<16xf32>,
        %mul3A_628 = arith.constant 16 : i32
        %mul3A_629 = arith.muli %mul3A_628, %scan3A_498 : i32
        %get3A_630 = arith.constant 14 : i32
        %get3A_631 = arith.index_cast %get3A_630 : i32 to index
        %get3A_632 = arith.index_cast %mul3A_629 : i32 to index
        %get3A_633 = tpu.vector_load %arg6[%get3A_631, %get3A_632] {strides = array<i32>} : memref<16x640xf32, #tpu.memory_space<vmem>>, vector<16xf32>,
        %add3A_634 = arith.constant 14 : i32
        %add3A_635 = vector.broadcast %add3A_634 : i32 to vector<16xi32>
        %add3A_636 = arith.addi %add3A_502, %add3A_635 : vector<16xi32>
        tpu.vector_store_idx %arg9[%add3A_636], %get3A_633 : memref<10240xf32, #tpu.memory_space<vmem>>[vector<16xi32>], vector<16xf32>,
        %mul3A_637 = arith.constant 16 : i32
        %mul3A_638 = arith.muli %mul3A_637, %scan3A_498 : i32
        %get3A_639 = arith.constant 15 : i32
        %get3A_640 = arith.index_cast %get3A_639 : i32 to index
        %get3A_641 = arith.index_cast %mul3A_638 : i32 to index
        %get3A_642 = tpu.vector_load %arg6[%get3A_640, %get3A_641] {strides = array<i32>} : memref<16x640xf32, #tpu.memory_space<vmem>>, vector<16xf32>,
        %add3A_643 = arith.constant 15 : i32
        %add3A_644 = vector.broadcast %add3A_643 : i32 to vector<16xi32>
        %add3A_645 = arith.addi %add3A_502, %add3A_644 : vector<16xi32>
        tpu.vector_store_idx %arg9[%add3A_645], %get3A_642 : memref<10240xf32, #tpu.memory_space<vmem>>[vector<16xi32>], vector<16xf32>,
      }
      %scan3A_126 = arith.constant 40 : i32
      %mul3A_127 = arith.constant 16 : i32
      %mul3A_128 = arith.muli %add3A_62, %mul3A_127 : i32
      %multiple_of3A_129 = tpu.assume_multiple %mul3A_128, 2048 : i32
      %dma_start3A_130 = arith.constant 0 : i32
      %dma_start3A_131 = tpu.memref_slice %arg9[%dma_start3A_130] : memref<10240xf32, #tpu.memory_space<vmem>> -> memref<10240xf32, #tpu.memory_space<vmem>>
      %dma_start3A_132 = tpu.memref_slice %arg4[%multiple_of3A_129] : memref<1600000xf32, #tpu.memory_space<hbm>> -> memref<10240xf32, #tpu.memory_space<hbm>>
      %dma_start3A_133 = tpu.memref_slice %arg4[%multiple_of3A_129] : memref<1600000xf32, #tpu.memory_space<hbm>> -> memref<10240xf32, #tpu.memory_space<hbm>>
      %dma_start3A_134 = arith.constant 0 : i32
      %dma_start3A_135 = tpu.memref_slice %arg9[%dma_start3A_134] : memref<10240xf32, #tpu.memory_space<vmem>> -> memref<10240xf32, #tpu.memory_space<vmem>>
      tpu.enqueue_dma source(%dma_start3A_135 : memref<10240xf32, #tpu.memory_space<vmem>>) target(%dma_start3A_133 : memref<10240xf32, #tpu.memory_space<hbm>>) target_semaphore(%arg15 : memref<!tpu.dma_semaphore, #tpu.memory_space<semaphore_mem>>)
      %dma_wait3A_136 = arith.constant 0 : i32
      %dma_wait3A_137 = arith.constant 0 : i32
      %dma_wait3A_138 = tpu.memref_slice %arg7[%dma_wait3A_136, %dma_wait3A_137] : memref<16x640xf32, #tpu.memory_space<vmem>> -> memref<16x640xf32, #tpu.memory_space<vmem>>
      %dma_wait3A_139 = arith.constant 0 : i32
      %dma_wait3A_140 = tpu.memref_slice %arg2[%dma_wait3A_139, %multiple_of3A_91] : memref<16x100000xf32, #tpu.memory_space<hbm>> -> memref<16x640xf32, #tpu.memory_space<hbm>>
      %dma_wait3A_141 = arith.constant 0 : i32
      %dma_wait3A_142 = arith.constant 0 : i32
      %dma_wait3A_143 = tpu.memref_slice %arg7[%dma_wait3A_141, %dma_wait3A_142] : memref<16x640xf32, #tpu.memory_space<vmem>> -> memref<16x640xf32, #tpu.memory_space<vmem>>
      %dma_wait3A_144 = arith.constant 0 : i32
      %dma_wait3A_145 = tpu.memref_slice %arg2[%dma_wait3A_144, %multiple_of3A_91] : memref<16x100000xf32, #tpu.memory_space<hbm>> -> memref<16x640xf32, #tpu.memory_space<hbm>>
      tpu.wait_dma2 semaphore(%arg13 : memref<!tpu.dma_semaphore, #tpu.memory_space<semaphore_mem>>) src(%dma_wait3A_145 : memref<16x640xf32, #tpu.memory_space<hbm>>) dst(%dma_wait3A_143 : memref<16x640xf32, #tpu.memory_space<vmem>>)
      %multiple_of3A_146 = tpu.assume_multiple %add3A_68, 128 : i32
      %dma_start3A_147 = arith.constant 0 : i32
      %dma_start3A_148 = arith.constant 0 : i32
      %dma_start3A_149 = tpu.memref_slice %arg6[%dma_start3A_147, %dma_start3A_148] : memref<16x640xf32, #tpu.memory_space<vmem>> -> memref<16x640xf32, #tpu.memory_space<vmem>>
      %dma_start3A_150 = arith.constant 0 : i32
      %dma_start3A_151 = tpu.memref_slice %arg2[%dma_start3A_150, %multiple_of3A_146] : memref<16x100000xf32, #tpu.memory_space<hbm>> -> memref<16x640xf32, #tpu.memory_space<hbm>>
      %dma_start3A_152 = arith.constant 0 : i32
      %dma_start3A_153 = arith.constant 0 : i32
      %dma_start3A_154 = tpu.memref_slice %arg6[%dma_start3A_152, %dma_start3A_153] : memref<16x640xf32, #tpu.memory_space<vmem>> -> memref<16x640xf32, #tpu.memory_space<vmem>>
      %dma_start3A_155 = arith.constant 0 : i32
      %dma_start3A_156 = tpu.memref_slice %arg2[%dma_start3A_155, %multiple_of3A_146] : memref<16x100000xf32, #tpu.memory_space<hbm>> -> memref<16x640xf32, #tpu.memory_space<hbm>>
      tpu.enqueue_dma source(%dma_start3A_156 : memref<16x640xf32, #tpu.memory_space<hbm>>) target(%dma_start3A_154 : memref<16x640xf32, #tpu.memory_space<vmem>>) target_semaphore(%arg12 : memref<!tpu.dma_semaphore, #tpu.memory_space<semaphore_mem>>)
      %scan3A_157 = arith.constant 0 : i32
      %scan3A_158 = arith.constant 0 : i32
      %scan3A_159 = arith.constant 40 : i32
      %scan3A_160 = arith.addi %scan3A_158, %scan3A_159 : i32
      %scan3A_161 = arith.constant 1 : i32
      scf.for %scan3A_498 = %scan3A_158 to %scan3A_160 step %scan3A_161  : i32 {
        %mul3A_499 = arith.constant 256 : i32
        %mul3A_500 = arith.muli %mul3A_499, %scan3A_498 : i32
        %add3A_501 = vector.broadcast %mul3A_500 : i32 to vector<16xi32>
        %add3A_502 = arith.addi %add3A_501, %add3A_50 : vector<16xi32>
        %mul3A_503 = arith.constant 16 : i32
        %mul3A_504 = arith.muli %mul3A_503, %scan3A_498 : i32
        %get3A = arith.constant 0 : i32
        %get3A_505 = arith.index_cast %get3A : i32 to index
        %get3A_506 = arith.index_cast %mul3A_504 : i32 to index
        %get3A_507 = tpu.vector_load %arg7[%get3A_505, %get3A_506] {strides = array<i32>} : memref<16x640xf32, #tpu.memory_space<vmem>>, vector<16xf32>,
        %add3A_508 = arith.constant 0 : i32
        %add3A_509 = vector.broadcast %add3A_508 : i32 to vector<16xi32>
        %add3A_510 = arith.addi %add3A_502, %add3A_509 : vector<16xi32>
        tpu.vector_store_idx %arg10[%add3A_510], %get3A_507 : memref<10240xf32, #tpu.memory_space<vmem>>[vector<16xi32>], vector<16xf32>,
        %mul3A_511 = arith.constant 16 : i32
        %mul3A_512 = arith.muli %mul3A_511, %scan3A_498 : i32
        %get3A_513 = arith.constant 1 : i32
        %get3A_514 = arith.index_cast %get3A_513 : i32 to index
        %get3A_515 = arith.index_cast %mul3A_512 : i32 to index
        %get3A_516 = tpu.vector_load %arg7[%get3A_514, %get3A_515] {strides = array<i32>} : memref<16x640xf32, #tpu.memory_space<vmem>>, vector<16xf32>,
        %add3A_517 = arith.constant 1 : i32
        %add3A_518 = vector.broadcast %add3A_517 : i32 to vector<16xi32>
        %add3A_519 = arith.addi %add3A_502, %add3A_518 : vector<16xi32>
        tpu.vector_store_idx %arg10[%add3A_519], %get3A_516 : memref<10240xf32, #tpu.memory_space<vmem>>[vector<16xi32>], vector<16xf32>,
        %mul3A_520 = arith.constant 16 : i32
        %mul3A_521 = arith.muli %mul3A_520, %scan3A_498 : i32
        %get3A_522 = arith.constant 2 : i32
        %get3A_523 = arith.index_cast %get3A_522 : i32 to index
        %get3A_524 = arith.index_cast %mul3A_521 : i32 to index
        %get3A_525 = tpu.vector_load %arg7[%get3A_523, %get3A_524] {strides = array<i32>} : memref<16x640xf32, #tpu.memory_space<vmem>>, vector<16xf32>,
        %add3A_526 = arith.constant 2 : i32
        %add3A_527 = vector.broadcast %add3A_526 : i32 to vector<16xi32>
        %add3A_528 = arith.addi %add3A_502, %add3A_527 : vector<16xi32>
        tpu.vector_store_idx %arg10[%add3A_528], %get3A_525 : memref<10240xf32, #tpu.memory_space<vmem>>[vector<16xi32>], vector<16xf32>,
        %mul3A_529 = arith.constant 16 : i32
        %mul3A_530 = arith.muli %mul3A_529, %scan3A_498 : i32
        %get3A_531 = arith.constant 3 : i32
        %get3A_532 = arith.index_cast %get3A_531 : i32 to index
        %get3A_533 = arith.index_cast %mul3A_530 : i32 to index
        %get3A_534 = tpu.vector_load %arg7[%get3A_532, %get3A_533] {strides = array<i32>} : memref<16x640xf32, #tpu.memory_space<vmem>>, vector<16xf32>,
        %add3A_535 = arith.constant 3 : i32
        %add3A_536 = vector.broadcast %add3A_535 : i32 to vector<16xi32>
        %add3A_537 = arith.addi %add3A_502, %add3A_536 : vector<16xi32>
        tpu.vector_store_idx %arg10[%add3A_537], %get3A_534 : memref<10240xf32, #tpu.memory_space<vmem>>[vector<16xi32>], vector<16xf32>,
        %mul3A_538 = arith.constant 16 : i32
        %mul3A_539 = arith.muli %mul3A_538, %scan3A_498 : i32
        %get3A_540 = arith.constant 4 : i32
        %get3A_541 = arith.index_cast %get3A_540 : i32 to index
        %get3A_542 = arith.index_cast %mul3A_539 : i32 to index
        %get3A_543 = tpu.vector_load %arg7[%get3A_541, %get3A_542] {strides = array<i32>} : memref<16x640xf32, #tpu.memory_space<vmem>>, vector<16xf32>,
        %add3A_544 = arith.constant 4 : i32
        %add3A_545 = vector.broadcast %add3A_544 : i32 to vector<16xi32>
        %add3A_546 = arith.addi %add3A_502, %add3A_545 : vector<16xi32>
        tpu.vector_store_idx %arg10[%add3A_546], %get3A_543 : memref<10240xf32, #tpu.memory_space<vmem>>[vector<16xi32>], vector<16xf32>,
        %mul3A_547 = arith.constant 16 : i32
        %mul3A_548 = arith.muli %mul3A_547, %scan3A_498 : i32
        %get3A_549 = arith.constant 5 : i32
        %get3A_550 = arith.index_cast %get3A_549 : i32 to index
        %get3A_551 = arith.index_cast %mul3A_548 : i32 to index
        %get3A_552 = tpu.vector_load %arg7[%get3A_550, %get3A_551] {strides = array<i32>} : memref<16x640xf32, #tpu.memory_space<vmem>>, vector<16xf32>,
        %add3A_553 = arith.constant 5 : i32
        %add3A_554 = vector.broadcast %add3A_553 : i32 to vector<16xi32>
        %add3A_555 = arith.addi %add3A_502, %add3A_554 : vector<16xi32>
        tpu.vector_store_idx %arg10[%add3A_555], %get3A_552 : memref<10240xf32, #tpu.memory_space<vmem>>[vector<16xi32>], vector<16xf32>,
        %mul3A_556 = arith.constant 16 : i32
        %mul3A_557 = arith.muli %mul3A_556, %scan3A_498 : i32
        %get3A_558 = arith.constant 6 : i32
        %get3A_559 = arith.index_cast %get3A_558 : i32 to index
        %get3A_560 = arith.index_cast %mul3A_557 : i32 to index
        %get3A_561 = tpu.vector_load %arg7[%get3A_559, %get3A_560] {strides = array<i32>} : memref<16x640xf32, #tpu.memory_space<vmem>>, vector<16xf32>,
        %add3A_562 = arith.constant 6 : i32
        %add3A_563 = vector.broadcast %add3A_562 : i32 to vector<16xi32>
        %add3A_564 = arith.addi %add3A_502, %add3A_563 : vector<16xi32>
        tpu.vector_store_idx %arg10[%add3A_564], %get3A_561 : memref<10240xf32, #tpu.memory_space<vmem>>[vector<16xi32>], vector<16xf32>,
        %mul3A_565 = arith.constant 16 : i32
        %mul3A_566 = arith.muli %mul3A_565, %scan3A_498 : i32
        %get3A_567 = arith.constant 7 : i32
        %get3A_568 = arith.index_cast %get3A_567 : i32 to index
        %get3A_569 = arith.index_cast %mul3A_566 : i32 to index
        %get3A_570 = tpu.vector_load %arg7[%get3A_568, %get3A_569] {strides = array<i32>} : memref<16x640xf32, #tpu.memory_space<vmem>>, vector<16xf32>,
        %add3A_571 = arith.constant 7 : i32
        %add3A_572 = vector.broadcast %add3A_571 : i32 to vector<16xi32>
        %add3A_573 = arith.addi %add3A_502, %add3A_572 : vector<16xi32>
        tpu.vector_store_idx %arg10[%add3A_573], %get3A_570 : memref<10240xf32, #tpu.memory_space<vmem>>[vector<16xi32>], vector<16xf32>,
        %mul3A_574 = arith.constant 16 : i32
        %mul3A_575 = arith.muli %mul3A_574, %scan3A_498 : i32
        %get3A_576 = arith.constant 8 : i32
        %get3A_577 = arith.index_cast %get3A_576 : i32 to index
        %get3A_578 = arith.index_cast %mul3A_575 : i32 to index
        %get3A_579 = tpu.vector_load %arg7[%get3A_577, %get3A_578] {strides = array<i32>} : memref<16x640xf32, #tpu.memory_space<vmem>>, vector<16xf32>,
        %add3A_580 = arith.constant 8 : i32
        %add3A_581 = vector.broadcast %add3A_580 : i32 to vector<16xi32>
        %add3A_582 = arith.addi %add3A_502, %add3A_581 : vector<16xi32>
        tpu.vector_store_idx %arg10[%add3A_582], %get3A_579 : memref<10240xf32, #tpu.memory_space<vmem>>[vector<16xi32>], vector<16xf32>,
        %mul3A_583 = arith.constant 16 : i32
        %mul3A_584 = arith.muli %mul3A_583, %scan3A_498 : i32
        %get3A_585 = arith.constant 9 : i32
        %get3A_586 = arith.index_cast %get3A_585 : i32 to index
        %get3A_587 = arith.index_cast %mul3A_584 : i32 to index
        %get3A_588 = tpu.vector_load %arg7[%get3A_586, %get3A_587] {strides = array<i32>} : memref<16x640xf32, #tpu.memory_space<vmem>>, vector<16xf32>,
        %add3A_589 = arith.constant 9 : i32
        %add3A_590 = vector.broadcast %add3A_589 : i32 to vector<16xi32>
        %add3A_591 = arith.addi %add3A_502, %add3A_590 : vector<16xi32>
        tpu.vector_store_idx %arg10[%add3A_591], %get3A_588 : memref<10240xf32, #tpu.memory_space<vmem>>[vector<16xi32>], vector<16xf32>,
        %mul3A_592 = arith.constant 16 : i32
        %mul3A_593 = arith.muli %mul3A_592, %scan3A_498 : i32
        %get3A_594 = arith.constant 10 : i32
        %get3A_595 = arith.index_cast %get3A_594 : i32 to index
        %get3A_596 = arith.index_cast %mul3A_593 : i32 to index
        %get3A_597 = tpu.vector_load %arg7[%get3A_595, %get3A_596] {strides = array<i32>} : memref<16x640xf32, #tpu.memory_space<vmem>>, vector<16xf32>,
        %add3A_598 = arith.constant 10 : i32
        %add3A_599 = vector.broadcast %add3A_598 : i32 to vector<16xi32>
        %add3A_600 = arith.addi %add3A_502, %add3A_599 : vector<16xi32>
        tpu.vector_store_idx %arg10[%add3A_600], %get3A_597 : memref<10240xf32, #tpu.memory_space<vmem>>[vector<16xi32>], vector<16xf32>,
        %mul3A_601 = arith.constant 16 : i32
        %mul3A_602 = arith.muli %mul3A_601, %scan3A_498 : i32
        %get3A_603 = arith.constant 11 : i32
        %get3A_604 = arith.index_cast %get3A_603 : i32 to index
        %get3A_605 = arith.index_cast %mul3A_602 : i32 to index
        %get3A_606 = tpu.vector_load %arg7[%get3A_604, %get3A_605] {strides = array<i32>} : memref<16x640xf32, #tpu.memory_space<vmem>>, vector<16xf32>,
        %add3A_607 = arith.constant 11 : i32
        %add3A_608 = vector.broadcast %add3A_607 : i32 to vector<16xi32>
        %add3A_609 = arith.addi %add3A_502, %add3A_608 : vector<16xi32>
        tpu.vector_store_idx %arg10[%add3A_609], %get3A_606 : memref<10240xf32, #tpu.memory_space<vmem>>[vector<16xi32>], vector<16xf32>,
        %mul3A_610 = arith.constant 16 : i32
        %mul3A_611 = arith.muli %mul3A_610, %scan3A_498 : i32
        %get3A_612 = arith.constant 12 : i32
        %get3A_613 = arith.index_cast %get3A_612 : i32 to index
        %get3A_614 = arith.index_cast %mul3A_611 : i32 to index
        %get3A_615 = tpu.vector_load %arg7[%get3A_613, %get3A_614] {strides = array<i32>} : memref<16x640xf32, #tpu.memory_space<vmem>>, vector<16xf32>,
        %add3A_616 = arith.constant 12 : i32
        %add3A_617 = vector.broadcast %add3A_616 : i32 to vector<16xi32>
        %add3A_618 = arith.addi %add3A_502, %add3A_617 : vector<16xi32>
        tpu.vector_store_idx %arg10[%add3A_618], %get3A_615 : memref<10240xf32, #tpu.memory_space<vmem>>[vector<16xi32>], vector<16xf32>,
        %mul3A_619 = arith.constant 16 : i32
        %mul3A_620 = arith.muli %mul3A_619, %scan3A_498 : i32
        %get3A_621 = arith.constant 13 : i32
        %get3A_622 = arith.index_cast %get3A_621 : i32 to index
        %get3A_623 = arith.index_cast %mul3A_620 : i32 to index
        %get3A_624 = tpu.vector_load %arg7[%get3A_622, %get3A_623] {strides = array<i32>} : memref<16x640xf32, #tpu.memory_space<vmem>>, vector<16xf32>,
        %add3A_625 = arith.constant 13 : i32
        %add3A_626 = vector.broadcast %add3A_625 : i32 to vector<16xi32>
        %add3A_627 = arith.addi %add3A_502, %add3A_626 : vector<16xi32>
        tpu.vector_store_idx %arg10[%add3A_627], %get3A_624 : memref<10240xf32, #tpu.memory_space<vmem>>[vector<16xi32>], vector<16xf32>,
        %mul3A_628 = arith.constant 16 : i32
        %mul3A_629 = arith.muli %mul3A_628, %scan3A_498 : i32
        %get3A_630 = arith.constant 14 : i32
        %get3A_631 = arith.index_cast %get3A_630 : i32 to index
        %get3A_632 = arith.index_cast %mul3A_629 : i32 to index
        %get3A_633 = tpu.vector_load %arg7[%get3A_631, %get3A_632] {strides = array<i32>} : memref<16x640xf32, #tpu.memory_space<vmem>>, vector<16xf32>,
        %add3A_634 = arith.constant 14 : i32
        %add3A_635 = vector.broadcast %add3A_634 : i32 to vector<16xi32>
        %add3A_636 = arith.addi %add3A_502, %add3A_635 : vector<16xi32>
        tpu.vector_store_idx %arg10[%add3A_636], %get3A_633 : memref<10240xf32, #tpu.memory_space<vmem>>[vector<16xi32>], vector<16xf32>,
        %mul3A_637 = arith.constant 16 : i32
        %mul3A_638 = arith.muli %mul3A_637, %scan3A_498 : i32
        %get3A_639 = arith.constant 15 : i32
        %get3A_640 = arith.index_cast %get3A_639 : i32 to index
        %get3A_641 = arith.index_cast %mul3A_638 : i32 to index
        %get3A_642 = tpu.vector_load %arg7[%get3A_640, %get3A_641] {strides = array<i32>} : memref<16x640xf32, #tpu.memory_space<vmem>>, vector<16xf32>,
        %add3A_643 = arith.constant 15 : i32
        %add3A_644 = vector.broadcast %add3A_643 : i32 to vector<16xi32>
        %add3A_645 = arith.addi %add3A_502, %add3A_644 : vector<16xi32>
        tpu.vector_store_idx %arg10[%add3A_645], %get3A_642 : memref<10240xf32, #tpu.memory_space<vmem>>[vector<16xi32>], vector<16xf32>,
      }
      %scan3A_162 = arith.constant 40 : i32
      %mul3A_163 = arith.constant 16 : i32
      %mul3A_164 = arith.muli %add3A_64, %mul3A_163 : i32
      %multiple_of3A_165 = tpu.assume_multiple %mul3A_164, 2048 : i32
      %dma_start3A_166 = arith.constant 0 : i32
      %dma_start3A_167 = tpu.memref_slice %arg10[%dma_start3A_166] : memref<10240xf32, #tpu.memory_space<vmem>> -> memref<10240xf32, #tpu.memory_space<vmem>>
      %dma_start3A_168 = tpu.memref_slice %arg4[%multiple_of3A_165] : memref<1600000xf32, #tpu.memory_space<hbm>> -> memref<10240xf32, #tpu.memory_space<hbm>>
      %dma_start3A_169 = tpu.memref_slice %arg4[%multiple_of3A_165] : memref<1600000xf32, #tpu.memory_space<hbm>> -> memref<10240xf32, #tpu.memory_space<hbm>>
      %dma_start3A_170 = arith.constant 0 : i32
      %dma_start3A_171 = tpu.memref_slice %arg10[%dma_start3A_170] : memref<10240xf32, #tpu.memory_space<vmem>> -> memref<10240xf32, #tpu.memory_space<vmem>>
      tpu.enqueue_dma source(%dma_start3A_171 : memref<10240xf32, #tpu.memory_space<vmem>>) target(%dma_start3A_169 : memref<10240xf32, #tpu.memory_space<hbm>>) target_semaphore(%arg16 : memref<!tpu.dma_semaphore, #tpu.memory_space<semaphore_mem>>)
      %dma_wait3A_172 = arith.constant 0 : i32
      %dma_wait3A_173 = arith.constant 0 : i32
      %dma_wait3A_174 = tpu.memref_slice %arg8[%dma_wait3A_172, %dma_wait3A_173] : memref<16x640xf32, #tpu.memory_space<vmem>> -> memref<16x640xf32, #tpu.memory_space<vmem>>
      %dma_wait3A_175 = arith.constant 0 : i32
      %dma_wait3A_176 = tpu.memref_slice %arg2[%dma_wait3A_175, %multiple_of3A_111] : memref<16x100000xf32, #tpu.memory_space<hbm>> -> memref<16x640xf32, #tpu.memory_space<hbm>>
      %dma_wait3A_177 = arith.constant 0 : i32
      %dma_wait3A_178 = arith.constant 0 : i32
      %dma_wait3A_179 = tpu.memref_slice %arg8[%dma_wait3A_177, %dma_wait3A_178] : memref<16x640xf32, #tpu.memory_space<vmem>> -> memref<16x640xf32, #tpu.memory_space<vmem>>
      %dma_wait3A_180 = arith.constant 0 : i32
      %dma_wait3A_181 = tpu.memref_slice %arg2[%dma_wait3A_180, %multiple_of3A_111] : memref<16x100000xf32, #tpu.memory_space<hbm>> -> memref<16x640xf32, #tpu.memory_space<hbm>>
      tpu.wait_dma2 semaphore(%arg14 : memref<!tpu.dma_semaphore, #tpu.memory_space<semaphore_mem>>) src(%dma_wait3A_181 : memref<16x640xf32, #tpu.memory_space<hbm>>) dst(%dma_wait3A_179 : memref<16x640xf32, #tpu.memory_space<vmem>>)
      %multiple_of3A_182 = tpu.assume_multiple %add3A_70, 128 : i32
      %dma_start3A_183 = arith.constant 0 : i32
      %dma_start3A_184 = arith.constant 0 : i32
      %dma_start3A_185 = tpu.memref_slice %arg7[%dma_start3A_183, %dma_start3A_184] : memref<16x640xf32, #tpu.memory_space<vmem>> -> memref<16x640xf32, #tpu.memory_space<vmem>>
      %dma_start3A_186 = arith.constant 0 : i32
      %dma_start3A_187 = tpu.memref_slice %arg2[%dma_start3A_186, %multiple_of3A_182] : memref<16x100000xf32, #tpu.memory_space<hbm>> -> memref<16x640xf32, #tpu.memory_space<hbm>>
      %dma_start3A_188 = arith.constant 0 : i32
      %dma_start3A_189 = arith.constant 0 : i32
      %dma_start3A_190 = tpu.memref_slice %arg7[%dma_start3A_188, %dma_start3A_189] : memref<16x640xf32, #tpu.memory_space<vmem>> -> memref<16x640xf32, #tpu.memory_space<vmem>>
      %dma_start3A_191 = arith.constant 0 : i32
      %dma_start3A_192 = tpu.memref_slice %arg2[%dma_start3A_191, %multiple_of3A_182] : memref<16x100000xf32, #tpu.memory_space<hbm>> -> memref<16x640xf32, #tpu.memory_space<hbm>>
      tpu.enqueue_dma source(%dma_start3A_192 : memref<16x640xf32, #tpu.memory_space<hbm>>) target(%dma_start3A_190 : memref<16x640xf32, #tpu.memory_space<vmem>>) target_semaphore(%arg13 : memref<!tpu.dma_semaphore, #tpu.memory_space<semaphore_mem>>)
      %scan3A_193 = arith.constant 0 : i32
      %scan3A_194 = arith.constant 0 : i32
      %scan3A_195 = arith.constant 40 : i32
      %scan3A_196 = arith.addi %scan3A_194, %scan3A_195 : i32
      %scan3A_197 = arith.constant 1 : i32
      scf.for %scan3A_498 = %scan3A_194 to %scan3A_196 step %scan3A_197  : i32 {
        %mul3A_499 = arith.constant 256 : i32
        %mul3A_500 = arith.muli %mul3A_499, %scan3A_498 : i32
        %add3A_501 = vector.broadcast %mul3A_500 : i32 to vector<16xi32>
        %add3A_502 = arith.addi %add3A_501, %add3A_50 : vector<16xi32>
        %mul3A_503 = arith.constant 16 : i32
        %mul3A_504 = arith.muli %mul3A_503, %scan3A_498 : i32
        %get3A = arith.constant 0 : i32
        %get3A_505 = arith.index_cast %get3A : i32 to index
        %get3A_506 = arith.index_cast %mul3A_504 : i32 to index
        %get3A_507 = tpu.vector_load %arg8[%get3A_505, %get3A_506] {strides = array<i32>} : memref<16x640xf32, #tpu.memory_space<vmem>>, vector<16xf32>,
        %add3A_508 = arith.constant 0 : i32
        %add3A_509 = vector.broadcast %add3A_508 : i32 to vector<16xi32>
        %add3A_510 = arith.addi %add3A_502, %add3A_509 : vector<16xi32>
        tpu.vector_store_idx %arg11[%add3A_510], %get3A_507 : memref<10240xf32, #tpu.memory_space<vmem>>[vector<16xi32>], vector<16xf32>,
        %mul3A_511 = arith.constant 16 : i32
        %mul3A_512 = arith.muli %mul3A_511, %scan3A_498 : i32
        %get3A_513 = arith.constant 1 : i32
        %get3A_514 = arith.index_cast %get3A_513 : i32 to index
        %get3A_515 = arith.index_cast %mul3A_512 : i32 to index
        %get3A_516 = tpu.vector_load %arg8[%get3A_514, %get3A_515] {strides = array<i32>} : memref<16x640xf32, #tpu.memory_space<vmem>>, vector<16xf32>,
        %add3A_517 = arith.constant 1 : i32
        %add3A_518 = vector.broadcast %add3A_517 : i32 to vector<16xi32>
        %add3A_519 = arith.addi %add3A_502, %add3A_518 : vector<16xi32>
        tpu.vector_store_idx %arg11[%add3A_519], %get3A_516 : memref<10240xf32, #tpu.memory_space<vmem>>[vector<16xi32>], vector<16xf32>,
        %mul3A_520 = arith.constant 16 : i32
        %mul3A_521 = arith.muli %mul3A_520, %scan3A_498 : i32
        %get3A_522 = arith.constant 2 : i32
        %get3A_523 = arith.index_cast %get3A_522 : i32 to index
        %get3A_524 = arith.index_cast %mul3A_521 : i32 to index
        %get3A_525 = tpu.vector_load %arg8[%get3A_523, %get3A_524] {strides = array<i32>} : memref<16x640xf32, #tpu.memory_space<vmem>>, vector<16xf32>,
        %add3A_526 = arith.constant 2 : i32
        %add3A_527 = vector.broadcast %add3A_526 : i32 to vector<16xi32>
        %add3A_528 = arith.addi %add3A_502, %add3A_527 : vector<16xi32>
        tpu.vector_store_idx %arg11[%add3A_528], %get3A_525 : memref<10240xf32, #tpu.memory_space<vmem>>[vector<16xi32>], vector<16xf32>,
        %mul3A_529 = arith.constant 16 : i32
        %mul3A_530 = arith.muli %mul3A_529, %scan3A_498 : i32
        %get3A_531 = arith.constant 3 : i32
        %get3A_532 = arith.index_cast %get3A_531 : i32 to index
        %get3A_533 = arith.index_cast %mul3A_530 : i32 to index
        %get3A_534 = tpu.vector_load %arg8[%get3A_532, %get3A_533] {strides = array<i32>} : memref<16x640xf32, #tpu.memory_space<vmem>>, vector<16xf32>,
        %add3A_535 = arith.constant 3 : i32
        %add3A_536 = vector.broadcast %add3A_535 : i32 to vector<16xi32>
        %add3A_537 = arith.addi %add3A_502, %add3A_536 : vector<16xi32>
        tpu.vector_store_idx %arg11[%add3A_537], %get3A_534 : memref<10240xf32, #tpu.memory_space<vmem>>[vector<16xi32>], vector<16xf32>,
        %mul3A_538 = arith.constant 16 : i32
        %mul3A_539 = arith.muli %mul3A_538, %scan3A_498 : i32
        %get3A_540 = arith.constant 4 : i32
        %get3A_541 = arith.index_cast %get3A_540 : i32 to index
        %get3A_542 = arith.index_cast %mul3A_539 : i32 to index
        %get3A_543 = tpu.vector_load %arg8[%get3A_541, %get3A_542] {strides = array<i32>} : memref<16x640xf32, #tpu.memory_space<vmem>>, vector<16xf32>,
        %add3A_544 = arith.constant 4 : i32
        %add3A_545 = vector.broadcast %add3A_544 : i32 to vector<16xi32>
        %add3A_546 = arith.addi %add3A_502, %add3A_545 : vector<16xi32>
        tpu.vector_store_idx %arg11[%add3A_546], %get3A_543 : memref<10240xf32, #tpu.memory_space<vmem>>[vector<16xi32>], vector<16xf32>,
        %mul3A_547 = arith.constant 16 : i32
        %mul3A_548 = arith.muli %mul3A_547, %scan3A_498 : i32
        %get3A_549 = arith.constant 5 : i32
        %get3A_550 = arith.index_cast %get3A_549 : i32 to index
        %get3A_551 = arith.index_cast %mul3A_548 : i32 to index
        %get3A_552 = tpu.vector_load %arg8[%get3A_550, %get3A_551] {strides = array<i32>} : memref<16x640xf32, #tpu.memory_space<vmem>>, vector<16xf32>,
        %add3A_553 = arith.constant 5 : i32
        %add3A_554 = vector.broadcast %add3A_553 : i32 to vector<16xi32>
        %add3A_555 = arith.addi %add3A_502, %add3A_554 : vector<16xi32>
        tpu.vector_store_idx %arg11[%add3A_555], %get3A_552 : memref<10240xf32, #tpu.memory_space<vmem>>[vector<16xi32>], vector<16xf32>,
        %mul3A_556 = arith.constant 16 : i32
        %mul3A_557 = arith.muli %mul3A_556, %scan3A_498 : i32
        %get3A_558 = arith.constant 6 : i32
        %get3A_559 = arith.index_cast %get3A_558 : i32 to index
        %get3A_560 = arith.index_cast %mul3A_557 : i32 to index
        %get3A_561 = tpu.vector_load %arg8[%get3A_559, %get3A_560] {strides = array<i32>} : memref<16x640xf32, #tpu.memory_space<vmem>>, vector<16xf32>,
        %add3A_562 = arith.constant 6 : i32
        %add3A_563 = vector.broadcast %add3A_562 : i32 to vector<16xi32>
        %add3A_564 = arith.addi %add3A_502, %add3A_563 : vector<16xi32>
        tpu.vector_store_idx %arg11[%add3A_564], %get3A_561 : memref<10240xf32, #tpu.memory_space<vmem>>[vector<16xi32>], vector<16xf32>,
        %mul3A_565 = arith.constant 16 : i32
        %mul3A_566 = arith.muli %mul3A_565, %scan3A_498 : i32
        %get3A_567 = arith.constant 7 : i32
        %get3A_568 = arith.index_cast %get3A_567 : i32 to index
        %get3A_569 = arith.index_cast %mul3A_566 : i32 to index
        %get3A_570 = tpu.vector_load %arg8[%get3A_568, %get3A_569] {strides = array<i32>} : memref<16x640xf32, #tpu.memory_space<vmem>>, vector<16xf32>,
        %add3A_571 = arith.constant 7 : i32
        %add3A_572 = vector.broadcast %add3A_571 : i32 to vector<16xi32>
        %add3A_573 = arith.addi %add3A_502, %add3A_572 : vector<16xi32>
        tpu.vector_store_idx %arg11[%add3A_573], %get3A_570 : memref<10240xf32, #tpu.memory_space<vmem>>[vector<16xi32>], vector<16xf32>,
        %mul3A_574 = arith.constant 16 : i32
        %mul3A_575 = arith.muli %mul3A_574, %scan3A_498 : i32
        %get3A_576 = arith.constant 8 : i32
        %get3A_577 = arith.index_cast %get3A_576 : i32 to index
        %get3A_578 = arith.index_cast %mul3A_575 : i32 to index
        %get3A_579 = tpu.vector_load %arg8[%get3A_577, %get3A_578] {strides = array<i32>} : memref<16x640xf32, #tpu.memory_space<vmem>>, vector<16xf32>,
        %add3A_580 = arith.constant 8 : i32
        %add3A_581 = vector.broadcast %add3A_580 : i32 to vector<16xi32>
        %add3A_582 = arith.addi %add3A_502, %add3A_581 : vector<16xi32>
        tpu.vector_store_idx %arg11[%add3A_582], %get3A_579 : memref<10240xf32, #tpu.memory_space<vmem>>[vector<16xi32>], vector<16xf32>,
        %mul3A_583 = arith.constant 16 : i32
        %mul3A_584 = arith.muli %mul3A_583, %scan3A_498 : i32
        %get3A_585 = arith.constant 9 : i32
        %get3A_586 = arith.index_cast %get3A_585 : i32 to index
        %get3A_587 = arith.index_cast %mul3A_584 : i32 to index
        %get3A_588 = tpu.vector_load %arg8[%get3A_586, %get3A_587] {strides = array<i32>} : memref<16x640xf32, #tpu.memory_space<vmem>>, vector<16xf32>,
        %add3A_589 = arith.constant 9 : i32
        %add3A_590 = vector.broadcast %add3A_589 : i32 to vector<16xi32>
        %add3A_591 = arith.addi %add3A_502, %add3A_590 : vector<16xi32>
        tpu.vector_store_idx %arg11[%add3A_591], %get3A_588 : memref<10240xf32, #tpu.memory_space<vmem>>[vector<16xi32>], vector<16xf32>,
        %mul3A_592 = arith.constant 16 : i32
        %mul3A_593 = arith.muli %mul3A_592, %scan3A_498 : i32
        %get3A_594 = arith.constant 10 : i32
        %get3A_595 = arith.index_cast %get3A_594 : i32 to index
        %get3A_596 = arith.index_cast %mul3A_593 : i32 to index
        %get3A_597 = tpu.vector_load %arg8[%get3A_595, %get3A_596] {strides = array<i32>} : memref<16x640xf32, #tpu.memory_space<vmem>>, vector<16xf32>,
        %add3A_598 = arith.constant 10 : i32
        %add3A_599 = vector.broadcast %add3A_598 : i32 to vector<16xi32>
        %add3A_600 = arith.addi %add3A_502, %add3A_599 : vector<16xi32>
        tpu.vector_store_idx %arg11[%add3A_600], %get3A_597 : memref<10240xf32, #tpu.memory_space<vmem>>[vector<16xi32>], vector<16xf32>,
        %mul3A_601 = arith.constant 16 : i32
        %mul3A_602 = arith.muli %mul3A_601, %scan3A_498 : i32
        %get3A_603 = arith.constant 11 : i32
        %get3A_604 = arith.index_cast %get3A_603 : i32 to index
        %get3A_605 = arith.index_cast %mul3A_602 : i32 to index
        %get3A_606 = tpu.vector_load %arg8[%get3A_604, %get3A_605] {strides = array<i32>} : memref<16x640xf32, #tpu.memory_space<vmem>>, vector<16xf32>,
        %add3A_607 = arith.constant 11 : i32
        %add3A_608 = vector.broadcast %add3A_607 : i32 to vector<16xi32>
        %add3A_609 = arith.addi %add3A_502, %add3A_608 : vector<16xi32>
        tpu.vector_store_idx %arg11[%add3A_609], %get3A_606 : memref<10240xf32, #tpu.memory_space<vmem>>[vector<16xi32>], vector<16xf32>,
        %mul3A_610 = arith.constant 16 : i32
        %mul3A_611 = arith.muli %mul3A_610, %scan3A_498 : i32
        %get3A_612 = arith.constant 12 : i32
        %get3A_613 = arith.index_cast %get3A_612 : i32 to index
        %get3A_614 = arith.index_cast %mul3A_611 : i32 to index
        %get3A_615 = tpu.vector_load %arg8[%get3A_613, %get3A_614] {strides = array<i32>} : memref<16x640xf32, #tpu.memory_space<vmem>>, vector<16xf32>,
        %add3A_616 = arith.constant 12 : i32
        %add3A_617 = vector.broadcast %add3A_616 : i32 to vector<16xi32>
        %add3A_618 = arith.addi %add3A_502, %add3A_617 : vector<16xi32>
        tpu.vector_store_idx %arg11[%add3A_618], %get3A_615 : memref<10240xf32, #tpu.memory_space<vmem>>[vector<16xi32>], vector<16xf32>,
        %mul3A_619 = arith.constant 16 : i32
        %mul3A_620 = arith.muli %mul3A_619, %scan3A_498 : i32
        %get3A_621 = arith.constant 13 : i32
        %get3A_622 = arith.index_cast %get3A_621 : i32 to index
        %get3A_623 = arith.index_cast %mul3A_620 : i32 to index
        %get3A_624 = tpu.vector_load %arg8[%get3A_622, %get3A_623] {strides = array<i32>} : memref<16x640xf32, #tpu.memory_space<vmem>>, vector<16xf32>,
        %add3A_625 = arith.constant 13 : i32
        %add3A_626 = vector.broadcast %add3A_625 : i32 to vector<16xi32>
        %add3A_627 = arith.addi %add3A_502, %add3A_626 : vector<16xi32>
        tpu.vector_store_idx %arg11[%add3A_627], %get3A_624 : memref<10240xf32, #tpu.memory_space<vmem>>[vector<16xi32>], vector<16xf32>,
        %mul3A_628 = arith.constant 16 : i32
        %mul3A_629 = arith.muli %mul3A_628, %scan3A_498 : i32
        %get3A_630 = arith.constant 14 : i32
        %get3A_631 = arith.index_cast %get3A_630 : i32 to index
        %get3A_632 = arith.index_cast %mul3A_629 : i32 to index
        %get3A_633 = tpu.vector_load %arg8[%get3A_631, %get3A_632] {strides = array<i32>} : memref<16x640xf32, #tpu.memory_space<vmem>>, vector<16xf32>,
        %add3A_634 = arith.constant 14 : i32
        %add3A_635 = vector.broadcast %add3A_634 : i32 to vector<16xi32>
        %add3A_636 = arith.addi %add3A_502, %add3A_635 : vector<16xi32>
        tpu.vector_store_idx %arg11[%add3A_636], %get3A_633 : memref<10240xf32, #tpu.memory_space<vmem>>[vector<16xi32>], vector<16xf32>,
        %mul3A_637 = arith.constant 16 : i32
        %mul3A_638 = arith.muli %mul3A_637, %scan3A_498 : i32
        %get3A_639 = arith.constant 15 : i32
        %get3A_640 = arith.index_cast %get3A_639 : i32 to index
        %get3A_641 = arith.index_cast %mul3A_638 : i32 to index
        %get3A_642 = tpu.vector_load %arg8[%get3A_640, %get3A_641] {strides = array<i32>} : memref<16x640xf32, #tpu.memory_space<vmem>>, vector<16xf32>,
        %add3A_643 = arith.constant 15 : i32
        %add3A_644 = vector.broadcast %add3A_643 : i32 to vector<16xi32>
        %add3A_645 = arith.addi %add3A_502, %add3A_644 : vector<16xi32>
        tpu.vector_store_idx %arg11[%add3A_645], %get3A_642 : memref<10240xf32, #tpu.memory_space<vmem>>[vector<16xi32>], vector<16xf32>,
      }
      %scan3A_198 = arith.constant 40 : i32
      %mul3A_199 = arith.constant 16 : i32
      %mul3A_200 = arith.muli %add3A_66, %mul3A_199 : i32
      %multiple_of3A_201 = tpu.assume_multiple %mul3A_200, 2048 : i32
      %dma_start3A_202 = arith.constant 0 : i32
      %dma_start3A_203 = tpu.memref_slice %arg11[%dma_start3A_202] : memref<10240xf32, #tpu.memory_space<vmem>> -> memref<10240xf32, #tpu.memory_space<vmem>>
      %dma_start3A_204 = tpu.memref_slice %arg4[%multiple_of3A_201] : memref<1600000xf32, #tpu.memory_space<hbm>> -> memref<10240xf32, #tpu.memory_space<hbm>>
      %dma_start3A_205 = tpu.memref_slice %arg4[%multiple_of3A_201] : memref<1600000xf32, #tpu.memory_space<hbm>> -> memref<10240xf32, #tpu.memory_space<hbm>>
      %dma_start3A_206 = arith.constant 0 : i32
      %dma_start3A_207 = tpu.memref_slice %arg11[%dma_start3A_206] : memref<10240xf32, #tpu.memory_space<vmem>> -> memref<10240xf32, #tpu.memory_space<vmem>>
      tpu.enqueue_dma source(%dma_start3A_207 : memref<10240xf32, #tpu.memory_space<vmem>>) target(%dma_start3A_205 : memref<10240xf32, #tpu.memory_space<hbm>>) target_semaphore(%arg17 : memref<!tpu.dma_semaphore, #tpu.memory_space<semaphore_mem>>)
      %dma_wait3A_208 = arith.constant 0 : i32
      %dma_wait3A_209 = arith.constant 0 : i32
      %dma_wait3A_210 = tpu.memref_slice %arg6[%dma_wait3A_208, %dma_wait3A_209] : memref<16x640xf32, #tpu.memory_space<vmem>> -> memref<16x640xf32, #tpu.memory_space<vmem>>
      %dma_wait3A_211 = arith.constant 0 : i32
      %dma_wait3A_212 = tpu.memref_slice %arg2[%dma_wait3A_211, %multiple_of3A_146] : memref<16x100000xf32, #tpu.memory_space<hbm>> -> memref<16x640xf32, #tpu.memory_space<hbm>>
      %dma_wait3A_213 = arith.constant 0 : i32
      %dma_wait3A_214 = arith.constant 0 : i32
      %dma_wait3A_215 = tpu.memref_slice %arg6[%dma_wait3A_213, %dma_wait3A_214] : memref<16x640xf32, #tpu.memory_space<vmem>> -> memref<16x640xf32, #tpu.memory_space<vmem>>
      %dma_wait3A_216 = arith.constant 0 : i32
      %dma_wait3A_217 = tpu.memref_slice %arg2[%dma_wait3A_216, %multiple_of3A_146] : memref<16x100000xf32, #tpu.memory_space<hbm>> -> memref<16x640xf32, #tpu.memory_space<hbm>>
      tpu.wait_dma2 semaphore(%arg12 : memref<!tpu.dma_semaphore, #tpu.memory_space<semaphore_mem>>) src(%dma_wait3A_217 : memref<16x640xf32, #tpu.memory_space<hbm>>) dst(%dma_wait3A_215 : memref<16x640xf32, #tpu.memory_space<vmem>>)
      %multiple_of3A_218 = tpu.assume_multiple %add3A_72, 128 : i32
      %dma_start3A_219 = arith.constant 0 : i32
      %dma_start3A_220 = arith.constant 0 : i32
      %dma_start3A_221 = tpu.memref_slice %arg8[%dma_start3A_219, %dma_start3A_220] : memref<16x640xf32, #tpu.memory_space<vmem>> -> memref<16x640xf32, #tpu.memory_space<vmem>>
      %dma_start3A_222 = arith.constant 0 : i32
      %dma_start3A_223 = tpu.memref_slice %arg3[%dma_start3A_222, %multiple_of3A_218] : memref<16x100000xf32, #tpu.memory_space<hbm>> -> memref<16x640xf32, #tpu.memory_space<hbm>>
      %dma_start3A_224 = arith.constant 0 : i32
      %dma_start3A_225 = arith.constant 0 : i32
      %dma_start3A_226 = tpu.memref_slice %arg8[%dma_start3A_224, %dma_start3A_225] : memref<16x640xf32, #tpu.memory_space<vmem>> -> memref<16x640xf32, #tpu.memory_space<vmem>>
      %dma_start3A_227 = arith.constant 0 : i32
      %dma_start3A_228 = tpu.memref_slice %arg3[%dma_start3A_227, %multiple_of3A_218] : memref<16x100000xf32, #tpu.memory_space<hbm>> -> memref<16x640xf32, #tpu.memory_space<hbm>>
      tpu.enqueue_dma source(%dma_start3A_228 : memref<16x640xf32, #tpu.memory_space<hbm>>) target(%dma_start3A_226 : memref<16x640xf32, #tpu.memory_space<vmem>>) target_semaphore(%arg14 : memref<!tpu.dma_semaphore, #tpu.memory_space<semaphore_mem>>)
      %dma_wait3A_229 = arith.constant 0 : i32
      %dma_wait3A_230 = tpu.memref_slice %arg9[%dma_wait3A_229] : memref<10240xf32, #tpu.memory_space<vmem>> -> memref<10240xf32, #tpu.memory_space<vmem>>
      %dma_wait3A_231 = tpu.memref_slice %arg4[%multiple_of3A_129] : memref<1600000xf32, #tpu.memory_space<hbm>> -> memref<10240xf32, #tpu.memory_space<hbm>>
      %dma_wait3A_232 = tpu.memref_slice %arg4[%multiple_of3A_129] : memref<1600000xf32, #tpu.memory_space<hbm>> -> memref<10240xf32, #tpu.memory_space<hbm>>
      %dma_wait3A_233 = arith.constant 0 : i32
      %dma_wait3A_234 = tpu.memref_slice %arg9[%dma_wait3A_233] : memref<10240xf32, #tpu.memory_space<vmem>> -> memref<10240xf32, #tpu.memory_space<vmem>>
      tpu.wait_dma2 semaphore(%arg15 : memref<!tpu.dma_semaphore, #tpu.memory_space<semaphore_mem>>) src(%dma_wait3A_234 : memref<10240xf32, #tpu.memory_space<vmem>>) dst(%dma_wait3A_232 : memref<10240xf32, #tpu.memory_space<hbm>>)
      %scan3A_235 = arith.constant 0 : i32
      %scan3A_236 = arith.constant 0 : i32
      %scan3A_237 = arith.constant 40 : i32
      %scan3A_238 = arith.addi %scan3A_236, %scan3A_237 : i32
      %scan3A_239 = arith.constant 1 : i32
      scf.for %scan3A_498 = %scan3A_236 to %scan3A_238 step %scan3A_239  : i32 {
        %mul3A_499 = arith.constant 256 : i32
        %mul3A_500 = arith.muli %mul3A_499, %scan3A_498 : i32
        %add3A_501 = vector.broadcast %mul3A_500 : i32 to vector<16xi32>
        %add3A_502 = arith.addi %add3A_501, %add3A_50 : vector<16xi32>
        %mul3A_503 = arith.constant 16 : i32
        %mul3A_504 = arith.muli %mul3A_503, %scan3A_498 : i32
        %get3A = arith.constant 0 : i32
        %get3A_505 = arith.index_cast %get3A : i32 to index
        %get3A_506 = arith.index_cast %mul3A_504 : i32 to index
        %get3A_507 = tpu.vector_load %arg6[%get3A_505, %get3A_506] {strides = array<i32>} : memref<16x640xf32, #tpu.memory_space<vmem>>, vector<16xf32>,
        %add3A_508 = arith.constant 0 : i32
        %add3A_509 = vector.broadcast %add3A_508 : i32 to vector<16xi32>
        %add3A_510 = arith.addi %add3A_502, %add3A_509 : vector<16xi32>
        tpu.vector_store_idx %arg9[%add3A_510], %get3A_507 : memref<10240xf32, #tpu.memory_space<vmem>>[vector<16xi32>], vector<16xf32>,
        %mul3A_511 = arith.constant 16 : i32
        %mul3A_512 = arith.muli %mul3A_511, %scan3A_498 : i32
        %get3A_513 = arith.constant 1 : i32
        %get3A_514 = arith.index_cast %get3A_513 : i32 to index
        %get3A_515 = arith.index_cast %mul3A_512 : i32 to index
        %get3A_516 = tpu.vector_load %arg6[%get3A_514, %get3A_515] {strides = array<i32>} : memref<16x640xf32, #tpu.memory_space<vmem>>, vector<16xf32>,
        %add3A_517 = arith.constant 1 : i32
        %add3A_518 = vector.broadcast %add3A_517 : i32 to vector<16xi32>
        %add3A_519 = arith.addi %add3A_502, %add3A_518 : vector<16xi32>
        tpu.vector_store_idx %arg9[%add3A_519], %get3A_516 : memref<10240xf32, #tpu.memory_space<vmem>>[vector<16xi32>], vector<16xf32>,
        %mul3A_520 = arith.constant 16 : i32
        %mul3A_521 = arith.muli %mul3A_520, %scan3A_498 : i32
        %get3A_522 = arith.constant 2 : i32
        %get3A_523 = arith.index_cast %get3A_522 : i32 to index
        %get3A_524 = arith.index_cast %mul3A_521 : i32 to index
        %get3A_525 = tpu.vector_load %arg6[%get3A_523, %get3A_524] {strides = array<i32>} : memref<16x640xf32, #tpu.memory_space<vmem>>, vector<16xf32>,
        %add3A_526 = arith.constant 2 : i32
        %add3A_527 = vector.broadcast %add3A_526 : i32 to vector<16xi32>
        %add3A_528 = arith.addi %add3A_502, %add3A_527 : vector<16xi32>
        tpu.vector_store_idx %arg9[%add3A_528], %get3A_525 : memref<10240xf32, #tpu.memory_space<vmem>>[vector<16xi32>], vector<16xf32>,
        %mul3A_529 = arith.constant 16 : i32
        %mul3A_530 = arith.muli %mul3A_529, %scan3A_498 : i32
        %get3A_531 = arith.constant 3 : i32
        %get3A_532 = arith.index_cast %get3A_531 : i32 to index
        %get3A_533 = arith.index_cast %mul3A_530 : i32 to index
        %get3A_534 = tpu.vector_load %arg6[%get3A_532, %get3A_533] {strides = array<i32>} : memref<16x640xf32, #tpu.memory_space<vmem>>, vector<16xf32>,
        %add3A_535 = arith.constant 3 : i32
        %add3A_536 = vector.broadcast %add3A_535 : i32 to vector<16xi32>
        %add3A_537 = arith.addi %add3A_502, %add3A_536 : vector<16xi32>
        tpu.vector_store_idx %arg9[%add3A_537], %get3A_534 : memref<10240xf32, #tpu.memory_space<vmem>>[vector<16xi32>], vector<16xf32>,
        %mul3A_538 = arith.constant 16 : i32
        %mul3A_539 = arith.muli %mul3A_538, %scan3A_498 : i32
        %get3A_540 = arith.constant 4 : i32
        %get3A_541 = arith.index_cast %get3A_540 : i32 to index
        %get3A_542 = arith.index_cast %mul3A_539 : i32 to index
        %get3A_543 = tpu.vector_load %arg6[%get3A_541, %get3A_542] {strides = array<i32>} : memref<16x640xf32, #tpu.memory_space<vmem>>, vector<16xf32>,
        %add3A_544 = arith.constant 4 : i32
        %add3A_545 = vector.broadcast %add3A_544 : i32 to vector<16xi32>
        %add3A_546 = arith.addi %add3A_502, %add3A_545 : vector<16xi32>
        tpu.vector_store_idx %arg9[%add3A_546], %get3A_543 : memref<10240xf32, #tpu.memory_space<vmem>>[vector<16xi32>], vector<16xf32>,
        %mul3A_547 = arith.constant 16 : i32
        %mul3A_548 = arith.muli %mul3A_547, %scan3A_498 : i32
        %get3A_549 = arith.constant 5 : i32
        %get3A_550 = arith.index_cast %get3A_549 : i32 to index
        %get3A_551 = arith.index_cast %mul3A_548 : i32 to index
        %get3A_552 = tpu.vector_load %arg6[%get3A_550, %get3A_551] {strides = array<i32>} : memref<16x640xf32, #tpu.memory_space<vmem>>, vector<16xf32>,
        %add3A_553 = arith.constant 5 : i32
        %add3A_554 = vector.broadcast %add3A_553 : i32 to vector<16xi32>
        %add3A_555 = arith.addi %add3A_502, %add3A_554 : vector<16xi32>
        tpu.vector_store_idx %arg9[%add3A_555], %get3A_552 : memref<10240xf32, #tpu.memory_space<vmem>>[vector<16xi32>], vector<16xf32>,
        %mul3A_556 = arith.constant 16 : i32
        %mul3A_557 = arith.muli %mul3A_556, %scan3A_498 : i32
        %get3A_558 = arith.constant 6 : i32
        %get3A_559 = arith.index_cast %get3A_558 : i32 to index
        %get3A_560 = arith.index_cast %mul3A_557 : i32 to index
        %get3A_561 = tpu.vector_load %arg6[%get3A_559, %get3A_560] {strides = array<i32>} : memref<16x640xf32, #tpu.memory_space<vmem>>, vector<16xf32>,
        %add3A_562 = arith.constant 6 : i32
        %add3A_563 = vector.broadcast %add3A_562 : i32 to vector<16xi32>
        %add3A_564 = arith.addi %add3A_502, %add3A_563 : vector<16xi32>
        tpu.vector_store_idx %arg9[%add3A_564], %get3A_561 : memref<10240xf32, #tpu.memory_space<vmem>>[vector<16xi32>], vector<16xf32>,
        %mul3A_565 = arith.constant 16 : i32
        %mul3A_566 = arith.muli %mul3A_565, %scan3A_498 : i32
        %get3A_567 = arith.constant 7 : i32
        %get3A_568 = arith.index_cast %get3A_567 : i32 to index
        %get3A_569 = arith.index_cast %mul3A_566 : i32 to index
        %get3A_570 = tpu.vector_load %arg6[%get3A_568, %get3A_569] {strides = array<i32>} : memref<16x640xf32, #tpu.memory_space<vmem>>, vector<16xf32>,
        %add3A_571 = arith.constant 7 : i32
        %add3A_572 = vector.broadcast %add3A_571 : i32 to vector<16xi32>
        %add3A_573 = arith.addi %add3A_502, %add3A_572 : vector<16xi32>
        tpu.vector_store_idx %arg9[%add3A_573], %get3A_570 : memref<10240xf32, #tpu.memory_space<vmem>>[vector<16xi32>], vector<16xf32>,
        %mul3A_574 = arith.constant 16 : i32
        %mul3A_575 = arith.muli %mul3A_574, %scan3A_498 : i32
        %get3A_576 = arith.constant 8 : i32
        %get3A_577 = arith.index_cast %get3A_576 : i32 to index
        %get3A_578 = arith.index_cast %mul3A_575 : i32 to index
        %get3A_579 = tpu.vector_load %arg6[%get3A_577, %get3A_578] {strides = array<i32>} : memref<16x640xf32, #tpu.memory_space<vmem>>, vector<16xf32>,
        %add3A_580 = arith.constant 8 : i32
        %add3A_581 = vector.broadcast %add3A_580 : i32 to vector<16xi32>
        %add3A_582 = arith.addi %add3A_502, %add3A_581 : vector<16xi32>
        tpu.vector_store_idx %arg9[%add3A_582], %get3A_579 : memref<10240xf32, #tpu.memory_space<vmem>>[vector<16xi32>], vector<16xf32>,
        %mul3A_583 = arith.constant 16 : i32
        %mul3A_584 = arith.muli %mul3A_583, %scan3A_498 : i32
        %get3A_585 = arith.constant 9 : i32
        %get3A_586 = arith.index_cast %get3A_585 : i32 to index
        %get3A_587 = arith.index_cast %mul3A_584 : i32 to index
        %get3A_588 = tpu.vector_load %arg6[%get3A_586, %get3A_587] {strides = array<i32>} : memref<16x640xf32, #tpu.memory_space<vmem>>, vector<16xf32>,
        %add3A_589 = arith.constant 9 : i32
        %add3A_590 = vector.broadcast %add3A_589 : i32 to vector<16xi32>
        %add3A_591 = arith.addi %add3A_502, %add3A_590 : vector<16xi32>
        tpu.vector_store_idx %arg9[%add3A_591], %get3A_588 : memref<10240xf32, #tpu.memory_space<vmem>>[vector<16xi32>], vector<16xf32>,
        %mul3A_592 = arith.constant 16 : i32
        %mul3A_593 = arith.muli %mul3A_592, %scan3A_498 : i32
        %get3A_594 = arith.constant 10 : i32
        %get3A_595 = arith.index_cast %get3A_594 : i32 to index
        %get3A_596 = arith.index_cast %mul3A_593 : i32 to index
        %get3A_597 = tpu.vector_load %arg6[%get3A_595, %get3A_596] {strides = array<i32>} : memref<16x640xf32, #tpu.memory_space<vmem>>, vector<16xf32>,
        %add3A_598 = arith.constant 10 : i32
        %add3A_599 = vector.broadcast %add3A_598 : i32 to vector<16xi32>
        %add3A_600 = arith.addi %add3A_502, %add3A_599 : vector<16xi32>
        tpu.vector_store_idx %arg9[%add3A_600], %get3A_597 : memref<10240xf32, #tpu.memory_space<vmem>>[vector<16xi32>], vector<16xf32>,
        %mul3A_601 = arith.constant 16 : i32
        %mul3A_602 = arith.muli %mul3A_601, %scan3A_498 : i32
        %get3A_603 = arith.constant 11 : i32
        %get3A_604 = arith.index_cast %get3A_603 : i32 to index
        %get3A_605 = arith.index_cast %mul3A_602 : i32 to index
        %get3A_606 = tpu.vector_load %arg6[%get3A_604, %get3A_605] {strides = array<i32>} : memref<16x640xf32, #tpu.memory_space<vmem>>, vector<16xf32>,
        %add3A_607 = arith.constant 11 : i32
        %add3A_608 = vector.broadcast %add3A_607 : i32 to vector<16xi32>
        %add3A_609 = arith.addi %add3A_502, %add3A_608 : vector<16xi32>
        tpu.vector_store_idx %arg9[%add3A_609], %get3A_606 : memref<10240xf32, #tpu.memory_space<vmem>>[vector<16xi32>], vector<16xf32>,
        %mul3A_610 = arith.constant 16 : i32
        %mul3A_611 = arith.muli %mul3A_610, %scan3A_498 : i32
        %get3A_612 = arith.constant 12 : i32
        %get3A_613 = arith.index_cast %get3A_612 : i32 to index
        %get3A_614 = arith.index_cast %mul3A_611 : i32 to index
        %get3A_615 = tpu.vector_load %arg6[%get3A_613, %get3A_614] {strides = array<i32>} : memref<16x640xf32, #tpu.memory_space<vmem>>, vector<16xf32>,
        %add3A_616 = arith.constant 12 : i32
        %add3A_617 = vector.broadcast %add3A_616 : i32 to vector<16xi32>
        %add3A_618 = arith.addi %add3A_502, %add3A_617 : vector<16xi32>
        tpu.vector_store_idx %arg9[%add3A_618], %get3A_615 : memref<10240xf32, #tpu.memory_space<vmem>>[vector<16xi32>], vector<16xf32>,
        %mul3A_619 = arith.constant 16 : i32
        %mul3A_620 = arith.muli %mul3A_619, %scan3A_498 : i32
        %get3A_621 = arith.constant 13 : i32
        %get3A_622 = arith.index_cast %get3A_621 : i32 to index
        %get3A_623 = arith.index_cast %mul3A_620 : i32 to index
        %get3A_624 = tpu.vector_load %arg6[%get3A_622, %get3A_623] {strides = array<i32>} : memref<16x640xf32, #tpu.memory_space<vmem>>, vector<16xf32>,
        %add3A_625 = arith.constant 13 : i32
        %add3A_626 = vector.broadcast %add3A_625 : i32 to vector<16xi32>
        %add3A_627 = arith.addi %add3A_502, %add3A_626 : vector<16xi32>
        tpu.vector_store_idx %arg9[%add3A_627], %get3A_624 : memref<10240xf32, #tpu.memory_space<vmem>>[vector<16xi32>], vector<16xf32>,
        %mul3A_628 = arith.constant 16 : i32
        %mul3A_629 = arith.muli %mul3A_628, %scan3A_498 : i32
        %get3A_630 = arith.constant 14 : i32
        %get3A_631 = arith.index_cast %get3A_630 : i32 to index
        %get3A_632 = arith.index_cast %mul3A_629 : i32 to index
        %get3A_633 = tpu.vector_load %arg6[%get3A_631, %get3A_632] {strides = array<i32>} : memref<16x640xf32, #tpu.memory_space<vmem>>, vector<16xf32>,
        %add3A_634 = arith.constant 14 : i32
        %add3A_635 = vector.broadcast %add3A_634 : i32 to vector<16xi32>
        %add3A_636 = arith.addi %add3A_502, %add3A_635 : vector<16xi32>
        tpu.vector_store_idx %arg9[%add3A_636], %get3A_633 : memref<10240xf32, #tpu.memory_space<vmem>>[vector<16xi32>], vector<16xf32>,
        %mul3A_637 = arith.constant 16 : i32
        %mul3A_638 = arith.muli %mul3A_637, %scan3A_498 : i32
        %get3A_639 = arith.constant 15 : i32
        %get3A_640 = arith.index_cast %get3A_639 : i32 to index
        %get3A_641 = arith.index_cast %mul3A_638 : i32 to index
        %get3A_642 = tpu.vector_load %arg6[%get3A_640, %get3A_641] {strides = array<i32>} : memref<16x640xf32, #tpu.memory_space<vmem>>, vector<16xf32>,
        %add3A_643 = arith.constant 15 : i32
        %add3A_644 = vector.broadcast %add3A_643 : i32 to vector<16xi32>
        %add3A_645 = arith.addi %add3A_502, %add3A_644 : vector<16xi32>
        tpu.vector_store_idx %arg9[%add3A_645], %get3A_642 : memref<10240xf32, #tpu.memory_space<vmem>>[vector<16xi32>], vector<16xf32>,
      }
      %scan3A_240 = arith.constant 40 : i32
      %mul3A_241 = arith.constant 16 : i32
      %mul3A_242 = arith.muli %add3A_68, %mul3A_241 : i32
      %multiple_of3A_243 = tpu.assume_multiple %mul3A_242, 2048 : i32
      %dma_start3A_244 = arith.constant 0 : i32
      %dma_start3A_245 = tpu.memref_slice %arg9[%dma_start3A_244] : memref<10240xf32, #tpu.memory_space<vmem>> -> memref<10240xf32, #tpu.memory_space<vmem>>
      %dma_start3A_246 = tpu.memref_slice %arg4[%multiple_of3A_243] : memref<1600000xf32, #tpu.memory_space<hbm>> -> memref<10240xf32, #tpu.memory_space<hbm>>
      %dma_start3A_247 = tpu.memref_slice %arg4[%multiple_of3A_243] : memref<1600000xf32, #tpu.memory_space<hbm>> -> memref<10240xf32, #tpu.memory_space<hbm>>
      %dma_start3A_248 = arith.constant 0 : i32
      %dma_start3A_249 = tpu.memref_slice %arg9[%dma_start3A_248] : memref<10240xf32, #tpu.memory_space<vmem>> -> memref<10240xf32, #tpu.memory_space<vmem>>
      tpu.enqueue_dma source(%dma_start3A_249 : memref<10240xf32, #tpu.memory_space<vmem>>) target(%dma_start3A_247 : memref<10240xf32, #tpu.memory_space<hbm>>) target_semaphore(%arg15 : memref<!tpu.dma_semaphore, #tpu.memory_space<semaphore_mem>>)
      %dma_wait3A_250 = arith.constant 0 : i32
      %dma_wait3A_251 = arith.constant 0 : i32
      %dma_wait3A_252 = tpu.memref_slice %arg7[%dma_wait3A_250, %dma_wait3A_251] : memref<16x640xf32, #tpu.memory_space<vmem>> -> memref<16x640xf32, #tpu.memory_space<vmem>>
      %dma_wait3A_253 = arith.constant 0 : i32
      %dma_wait3A_254 = tpu.memref_slice %arg2[%dma_wait3A_253, %multiple_of3A_182] : memref<16x100000xf32, #tpu.memory_space<hbm>> -> memref<16x640xf32, #tpu.memory_space<hbm>>
      %dma_wait3A_255 = arith.constant 0 : i32
      %dma_wait3A_256 = arith.constant 0 : i32
      %dma_wait3A_257 = tpu.memref_slice %arg7[%dma_wait3A_255, %dma_wait3A_256] : memref<16x640xf32, #tpu.memory_space<vmem>> -> memref<16x640xf32, #tpu.memory_space<vmem>>
      %dma_wait3A_258 = arith.constant 0 : i32
      %dma_wait3A_259 = tpu.memref_slice %arg2[%dma_wait3A_258, %multiple_of3A_182] : memref<16x100000xf32, #tpu.memory_space<hbm>> -> memref<16x640xf32, #tpu.memory_space<hbm>>
      tpu.wait_dma2 semaphore(%arg13 : memref<!tpu.dma_semaphore, #tpu.memory_space<semaphore_mem>>) src(%dma_wait3A_259 : memref<16x640xf32, #tpu.memory_space<hbm>>) dst(%dma_wait3A_257 : memref<16x640xf32, #tpu.memory_space<vmem>>)
      %multiple_of3A_260 = tpu.assume_multiple %add3A_74, 128 : i32
      %dma_start3A_261 = arith.constant 0 : i32
      %dma_start3A_262 = arith.constant 0 : i32
      %dma_start3A_263 = tpu.memref_slice %arg6[%dma_start3A_261, %dma_start3A_262] : memref<16x640xf32, #tpu.memory_space<vmem>> -> memref<16x640xf32, #tpu.memory_space<vmem>>
      %dma_start3A_264 = arith.constant 0 : i32
      %dma_start3A_265 = tpu.memref_slice %arg3[%dma_start3A_264, %multiple_of3A_260] : memref<16x100000xf32, #tpu.memory_space<hbm>> -> memref<16x640xf32, #tpu.memory_space<hbm>>
      %dma_start3A_266 = arith.constant 0 : i32
      %dma_start3A_267 = arith.constant 0 : i32
      %dma_start3A_268 = tpu.memref_slice %arg6[%dma_start3A_266, %dma_start3A_267] : memref<16x640xf32, #tpu.memory_space<vmem>> -> memref<16x640xf32, #tpu.memory_space<vmem>>
      %dma_start3A_269 = arith.constant 0 : i32
      %dma_start3A_270 = tpu.memref_slice %arg3[%dma_start3A_269, %multiple_of3A_260] : memref<16x100000xf32, #tpu.memory_space<hbm>> -> memref<16x640xf32, #tpu.memory_space<hbm>>
      tpu.enqueue_dma source(%dma_start3A_270 : memref<16x640xf32, #tpu.memory_space<hbm>>) target(%dma_start3A_268 : memref<16x640xf32, #tpu.memory_space<vmem>>) target_semaphore(%arg12 : memref<!tpu.dma_semaphore, #tpu.memory_space<semaphore_mem>>)
      %dma_wait3A_271 = arith.constant 0 : i32
      %dma_wait3A_272 = tpu.memref_slice %arg10[%dma_wait3A_271] : memref<10240xf32, #tpu.memory_space<vmem>> -> memref<10240xf32, #tpu.memory_space<vmem>>
      %dma_wait3A_273 = tpu.memref_slice %arg4[%multiple_of3A_165] : memref<1600000xf32, #tpu.memory_space<hbm>> -> memref<10240xf32, #tpu.memory_space<hbm>>
      %dma_wait3A_274 = tpu.memref_slice %arg4[%multiple_of3A_165] : memref<1600000xf32, #tpu.memory_space<hbm>> -> memref<10240xf32, #tpu.memory_space<hbm>>
      %dma_wait3A_275 = arith.constant 0 : i32
      %dma_wait3A_276 = tpu.memref_slice %arg10[%dma_wait3A_275] : memref<10240xf32, #tpu.memory_space<vmem>> -> memref<10240xf32, #tpu.memory_space<vmem>>
      tpu.wait_dma2 semaphore(%arg16 : memref<!tpu.dma_semaphore, #tpu.memory_space<semaphore_mem>>) src(%dma_wait3A_276 : memref<10240xf32, #tpu.memory_space<vmem>>) dst(%dma_wait3A_274 : memref<10240xf32, #tpu.memory_space<hbm>>)
      %scan3A_277 = arith.constant 0 : i32
      %scan3A_278 = arith.constant 0 : i32
      %scan3A_279 = arith.constant 40 : i32
      %scan3A_280 = arith.addi %scan3A_278, %scan3A_279 : i32
      %scan3A_281 = arith.constant 1 : i32
      scf.for %scan3A_498 = %scan3A_278 to %scan3A_280 step %scan3A_281  : i32 {
        %mul3A_499 = arith.constant 256 : i32
        %mul3A_500 = arith.muli %mul3A_499, %scan3A_498 : i32
        %add3A_501 = vector.broadcast %mul3A_500 : i32 to vector<16xi32>
        %add3A_502 = arith.addi %add3A_501, %add3A_50 : vector<16xi32>
        %mul3A_503 = arith.constant 16 : i32
        %mul3A_504 = arith.muli %mul3A_503, %scan3A_498 : i32
        %get3A = arith.constant 0 : i32
        %get3A_505 = arith.index_cast %get3A : i32 to index
        %get3A_506 = arith.index_cast %mul3A_504 : i32 to index
        %get3A_507 = tpu.vector_load %arg7[%get3A_505, %get3A_506] {strides = array<i32>} : memref<16x640xf32, #tpu.memory_space<vmem>>, vector<16xf32>,
        %add3A_508 = arith.constant 0 : i32
        %add3A_509 = vector.broadcast %add3A_508 : i32 to vector<16xi32>
        %add3A_510 = arith.addi %add3A_502, %add3A_509 : vector<16xi32>
        tpu.vector_store_idx %arg10[%add3A_510], %get3A_507 : memref<10240xf32, #tpu.memory_space<vmem>>[vector<16xi32>], vector<16xf32>,
        %mul3A_511 = arith.constant 16 : i32
        %mul3A_512 = arith.muli %mul3A_511, %scan3A_498 : i32
        %get3A_513 = arith.constant 1 : i32
        %get3A_514 = arith.index_cast %get3A_513 : i32 to index
        %get3A_515 = arith.index_cast %mul3A_512 : i32 to index
        %get3A_516 = tpu.vector_load %arg7[%get3A_514, %get3A_515] {strides = array<i32>} : memref<16x640xf32, #tpu.memory_space<vmem>>, vector<16xf32>,
        %add3A_517 = arith.constant 1 : i32
        %add3A_518 = vector.broadcast %add3A_517 : i32 to vector<16xi32>
        %add3A_519 = arith.addi %add3A_502, %add3A_518 : vector<16xi32>
        tpu.vector_store_idx %arg10[%add3A_519], %get3A_516 : memref<10240xf32, #tpu.memory_space<vmem>>[vector<16xi32>], vector<16xf32>,
        %mul3A_520 = arith.constant 16 : i32
        %mul3A_521 = arith.muli %mul3A_520, %scan3A_498 : i32
        %get3A_522 = arith.constant 2 : i32
        %get3A_523 = arith.index_cast %get3A_522 : i32 to index
        %get3A_524 = arith.index_cast %mul3A_521 : i32 to index
        %get3A_525 = tpu.vector_load %arg7[%get3A_523, %get3A_524] {strides = array<i32>} : memref<16x640xf32, #tpu.memory_space<vmem>>, vector<16xf32>,
        %add3A_526 = arith.constant 2 : i32
        %add3A_527 = vector.broadcast %add3A_526 : i32 to vector<16xi32>
        %add3A_528 = arith.addi %add3A_502, %add3A_527 : vector<16xi32>
        tpu.vector_store_idx %arg10[%add3A_528], %get3A_525 : memref<10240xf32, #tpu.memory_space<vmem>>[vector<16xi32>], vector<16xf32>,
        %mul3A_529 = arith.constant 16 : i32
        %mul3A_530 = arith.muli %mul3A_529, %scan3A_498 : i32
        %get3A_531 = arith.constant 3 : i32
        %get3A_532 = arith.index_cast %get3A_531 : i32 to index
        %get3A_533 = arith.index_cast %mul3A_530 : i32 to index
        %get3A_534 = tpu.vector_load %arg7[%get3A_532, %get3A_533] {strides = array<i32>} : memref<16x640xf32, #tpu.memory_space<vmem>>, vector<16xf32>,
        %add3A_535 = arith.constant 3 : i32
        %add3A_536 = vector.broadcast %add3A_535 : i32 to vector<16xi32>
        %add3A_537 = arith.addi %add3A_502, %add3A_536 : vector<16xi32>
        tpu.vector_store_idx %arg10[%add3A_537], %get3A_534 : memref<10240xf32, #tpu.memory_space<vmem>>[vector<16xi32>], vector<16xf32>,
        %mul3A_538 = arith.constant 16 : i32
        %mul3A_539 = arith.muli %mul3A_538, %scan3A_498 : i32
        %get3A_540 = arith.constant 4 : i32
        %get3A_541 = arith.index_cast %get3A_540 : i32 to index
        %get3A_542 = arith.index_cast %mul3A_539 : i32 to index
        %get3A_543 = tpu.vector_load %arg7[%get3A_541, %get3A_542] {strides = array<i32>} : memref<16x640xf32, #tpu.memory_space<vmem>>, vector<16xf32>,
        %add3A_544 = arith.constant 4 : i32
        %add3A_545 = vector.broadcast %add3A_544 : i32 to vector<16xi32>
        %add3A_546 = arith.addi %add3A_502, %add3A_545 : vector<16xi32>
        tpu.vector_store_idx %arg10[%add3A_546], %get3A_543 : memref<10240xf32, #tpu.memory_space<vmem>>[vector<16xi32>], vector<16xf32>,
        %mul3A_547 = arith.constant 16 : i32
        %mul3A_548 = arith.muli %mul3A_547, %scan3A_498 : i32
        %get3A_549 = arith.constant 5 : i32
        %get3A_550 = arith.index_cast %get3A_549 : i32 to index
        %get3A_551 = arith.index_cast %mul3A_548 : i32 to index
        %get3A_552 = tpu.vector_load %arg7[%get3A_550, %get3A_551] {strides = array<i32>} : memref<16x640xf32, #tpu.memory_space<vmem>>, vector<16xf32>,
        %add3A_553 = arith.constant 5 : i32
        %add3A_554 = vector.broadcast %add3A_553 : i32 to vector<16xi32>
        %add3A_555 = arith.addi %add3A_502, %add3A_554 : vector<16xi32>
        tpu.vector_store_idx %arg10[%add3A_555], %get3A_552 : memref<10240xf32, #tpu.memory_space<vmem>>[vector<16xi32>], vector<16xf32>,
        %mul3A_556 = arith.constant 16 : i32
        %mul3A_557 = arith.muli %mul3A_556, %scan3A_498 : i32
        %get3A_558 = arith.constant 6 : i32
        %get3A_559 = arith.index_cast %get3A_558 : i32 to index
        %get3A_560 = arith.index_cast %mul3A_557 : i32 to index
        %get3A_561 = tpu.vector_load %arg7[%get3A_559, %get3A_560] {strides = array<i32>} : memref<16x640xf32, #tpu.memory_space<vmem>>, vector<16xf32>,
        %add3A_562 = arith.constant 6 : i32
        %add3A_563 = vector.broadcast %add3A_562 : i32 to vector<16xi32>
        %add3A_564 = arith.addi %add3A_502, %add3A_563 : vector<16xi32>
        tpu.vector_store_idx %arg10[%add3A_564], %get3A_561 : memref<10240xf32, #tpu.memory_space<vmem>>[vector<16xi32>], vector<16xf32>,
        %mul3A_565 = arith.constant 16 : i32
        %mul3A_566 = arith.muli %mul3A_565, %scan3A_498 : i32
        %get3A_567 = arith.constant 7 : i32
        %get3A_568 = arith.index_cast %get3A_567 : i32 to index
        %get3A_569 = arith.index_cast %mul3A_566 : i32 to index
        %get3A_570 = tpu.vector_load %arg7[%get3A_568, %get3A_569] {strides = array<i32>} : memref<16x640xf32, #tpu.memory_space<vmem>>, vector<16xf32>,
        %add3A_571 = arith.constant 7 : i32
        %add3A_572 = vector.broadcast %add3A_571 : i32 to vector<16xi32>
        %add3A_573 = arith.addi %add3A_502, %add3A_572 : vector<16xi32>
        tpu.vector_store_idx %arg10[%add3A_573], %get3A_570 : memref<10240xf32, #tpu.memory_space<vmem>>[vector<16xi32>], vector<16xf32>,
        %mul3A_574 = arith.constant 16 : i32
        %mul3A_575 = arith.muli %mul3A_574, %scan3A_498 : i32
        %get3A_576 = arith.constant 8 : i32
        %get3A_577 = arith.index_cast %get3A_576 : i32 to index
        %get3A_578 = arith.index_cast %mul3A_575 : i32 to index
        %get3A_579 = tpu.vector_load %arg7[%get3A_577, %get3A_578] {strides = array<i32>} : memref<16x640xf32, #tpu.memory_space<vmem>>, vector<16xf32>,
        %add3A_580 = arith.constant 8 : i32
        %add3A_581 = vector.broadcast %add3A_580 : i32 to vector<16xi32>
        %add3A_582 = arith.addi %add3A_502, %add3A_581 : vector<16xi32>
        tpu.vector_store_idx %arg10[%add3A_582], %get3A_579 : memref<10240xf32, #tpu.memory_space<vmem>>[vector<16xi32>], vector<16xf32>,
        %mul3A_583 = arith.constant 16 : i32
        %mul3A_584 = arith.muli %mul3A_583, %scan3A_498 : i32
        %get3A_585 = arith.constant 9 : i32
        %get3A_586 = arith.index_cast %get3A_585 : i32 to index
        %get3A_587 = arith.index_cast %mul3A_584 : i32 to index
        %get3A_588 = tpu.vector_load %arg7[%get3A_586, %get3A_587] {strides = array<i32>} : memref<16x640xf32, #tpu.memory_space<vmem>>, vector<16xf32>,
        %add3A_589 = arith.constant 9 : i32
        %add3A_590 = vector.broadcast %add3A_589 : i32 to vector<16xi32>
        %add3A_591 = arith.addi %add3A_502, %add3A_590 : vector<16xi32>
        tpu.vector_store_idx %arg10[%add3A_591], %get3A_588 : memref<10240xf32, #tpu.memory_space<vmem>>[vector<16xi32>], vector<16xf32>,
        %mul3A_592 = arith.constant 16 : i32
        %mul3A_593 = arith.muli %mul3A_592, %scan3A_498 : i32
        %get3A_594 = arith.constant 10 : i32
        %get3A_595 = arith.index_cast %get3A_594 : i32 to index
        %get3A_596 = arith.index_cast %mul3A_593 : i32 to index
        %get3A_597 = tpu.vector_load %arg7[%get3A_595, %get3A_596] {strides = array<i32>} : memref<16x640xf32, #tpu.memory_space<vmem>>, vector<16xf32>,
        %add3A_598 = arith.constant 10 : i32
        %add3A_599 = vector.broadcast %add3A_598 : i32 to vector<16xi32>
        %add3A_600 = arith.addi %add3A_502, %add3A_599 : vector<16xi32>
        tpu.vector_store_idx %arg10[%add3A_600], %get3A_597 : memref<10240xf32, #tpu.memory_space<vmem>>[vector<16xi32>], vector<16xf32>,
        %mul3A_601 = arith.constant 16 : i32
        %mul3A_602 = arith.muli %mul3A_601, %scan3A_498 : i32
        %get3A_603 = arith.constant 11 : i32
        %get3A_604 = arith.index_cast %get3A_603 : i32 to index
        %get3A_605 = arith.index_cast %mul3A_602 : i32 to index
        %get3A_606 = tpu.vector_load %arg7[%get3A_604, %get3A_605] {strides = array<i32>} : memref<16x640xf32, #tpu.memory_space<vmem>>, vector<16xf32>,
        %add3A_607 = arith.constant 11 : i32
        %add3A_608 = vector.broadcast %add3A_607 : i32 to vector<16xi32>
        %add3A_609 = arith.addi %add3A_502, %add3A_608 : vector<16xi32>
        tpu.vector_store_idx %arg10[%add3A_609], %get3A_606 : memref<10240xf32, #tpu.memory_space<vmem>>[vector<16xi32>], vector<16xf32>,
        %mul3A_610 = arith.constant 16 : i32
        %mul3A_611 = arith.muli %mul3A_610, %scan3A_498 : i32
        %get3A_612 = arith.constant 12 : i32
        %get3A_613 = arith.index_cast %get3A_612 : i32 to index
        %get3A_614 = arith.index_cast %mul3A_611 : i32 to index
        %get3A_615 = tpu.vector_load %arg7[%get3A_613, %get3A_614] {strides = array<i32>} : memref<16x640xf32, #tpu.memory_space<vmem>>, vector<16xf32>,
        %add3A_616 = arith.constant 12 : i32
        %add3A_617 = vector.broadcast %add3A_616 : i32 to vector<16xi32>
        %add3A_618 = arith.addi %add3A_502, %add3A_617 : vector<16xi32>
        tpu.vector_store_idx %arg10[%add3A_618], %get3A_615 : memref<10240xf32, #tpu.memory_space<vmem>>[vector<16xi32>], vector<16xf32>,
        %mul3A_619 = arith.constant 16 : i32
        %mul3A_620 = arith.muli %mul3A_619, %scan3A_498 : i32
        %get3A_621 = arith.constant 13 : i32
        %get3A_622 = arith.index_cast %get3A_621 : i32 to index
        %get3A_623 = arith.index_cast %mul3A_620 : i32 to index
        %get3A_624 = tpu.vector_load %arg7[%get3A_622, %get3A_623] {strides = array<i32>} : memref<16x640xf32, #tpu.memory_space<vmem>>, vector<16xf32>,
        %add3A_625 = arith.constant 13 : i32
        %add3A_626 = vector.broadcast %add3A_625 : i32 to vector<16xi32>
        %add3A_627 = arith.addi %add3A_502, %add3A_626 : vector<16xi32>
        tpu.vector_store_idx %arg10[%add3A_627], %get3A_624 : memref<10240xf32, #tpu.memory_space<vmem>>[vector<16xi32>], vector<16xf32>,
        %mul3A_628 = arith.constant 16 : i32
        %mul3A_629 = arith.muli %mul3A_628, %scan3A_498 : i32
        %get3A_630 = arith.constant 14 : i32
        %get3A_631 = arith.index_cast %get3A_630 : i32 to index
        %get3A_632 = arith.index_cast %mul3A_629 : i32 to index
        %get3A_633 = tpu.vector_load %arg7[%get3A_631, %get3A_632] {strides = array<i32>} : memref<16x640xf32, #tpu.memory_space<vmem>>, vector<16xf32>,
        %add3A_634 = arith.constant 14 : i32
        %add3A_635 = vector.broadcast %add3A_634 : i32 to vector<16xi32>
        %add3A_636 = arith.addi %add3A_502, %add3A_635 : vector<16xi32>
        tpu.vector_store_idx %arg10[%add3A_636], %get3A_633 : memref<10240xf32, #tpu.memory_space<vmem>>[vector<16xi32>], vector<16xf32>,
        %mul3A_637 = arith.constant 16 : i32
        %mul3A_638 = arith.muli %mul3A_637, %scan3A_498 : i32
        %get3A_639 = arith.constant 15 : i32
        %get3A_640 = arith.index_cast %get3A_639 : i32 to index
        %get3A_641 = arith.index_cast %mul3A_638 : i32 to index
        %get3A_642 = tpu.vector_load %arg7[%get3A_640, %get3A_641] {strides = array<i32>} : memref<16x640xf32, #tpu.memory_space<vmem>>, vector<16xf32>,
        %add3A_643 = arith.constant 15 : i32
        %add3A_644 = vector.broadcast %add3A_643 : i32 to vector<16xi32>
        %add3A_645 = arith.addi %add3A_502, %add3A_644 : vector<16xi32>
        tpu.vector_store_idx %arg10[%add3A_645], %get3A_642 : memref<10240xf32, #tpu.memory_space<vmem>>[vector<16xi32>], vector<16xf32>,
      }
      %scan3A_282 = arith.constant 40 : i32
      %mul3A_283 = arith.constant 16 : i32
      %mul3A_284 = arith.muli %add3A_70, %mul3A_283 : i32
      %multiple_of3A_285 = tpu.assume_multiple %mul3A_284, 2048 : i32
      %dma_start3A_286 = arith.constant 0 : i32
      %dma_start3A_287 = tpu.memref_slice %arg10[%dma_start3A_286] : memref<10240xf32, #tpu.memory_space<vmem>> -> memref<10240xf32, #tpu.memory_space<vmem>>
      %dma_start3A_288 = tpu.memref_slice %arg4[%multiple_of3A_285] : memref<1600000xf32, #tpu.memory_space<hbm>> -> memref<10240xf32, #tpu.memory_space<hbm>>
      %dma_start3A_289 = tpu.memref_slice %arg4[%multiple_of3A_285] : memref<1600000xf32, #tpu.memory_space<hbm>> -> memref<10240xf32, #tpu.memory_space<hbm>>
      %dma_start3A_290 = arith.constant 0 : i32
      %dma_start3A_291 = tpu.memref_slice %arg10[%dma_start3A_290] : memref<10240xf32, #tpu.memory_space<vmem>> -> memref<10240xf32, #tpu.memory_space<vmem>>
      tpu.enqueue_dma source(%dma_start3A_291 : memref<10240xf32, #tpu.memory_space<vmem>>) target(%dma_start3A_289 : memref<10240xf32, #tpu.memory_space<hbm>>) target_semaphore(%arg16 : memref<!tpu.dma_semaphore, #tpu.memory_space<semaphore_mem>>)
      %dma_wait3A_292 = arith.constant 0 : i32
      %dma_wait3A_293 = arith.constant 0 : i32
      %dma_wait3A_294 = tpu.memref_slice %arg8[%dma_wait3A_292, %dma_wait3A_293] : memref<16x640xf32, #tpu.memory_space<vmem>> -> memref<16x640xf32, #tpu.memory_space<vmem>>
      %dma_wait3A_295 = arith.constant 0 : i32
      %dma_wait3A_296 = tpu.memref_slice %arg3[%dma_wait3A_295, %multiple_of3A_218] : memref<16x100000xf32, #tpu.memory_space<hbm>> -> memref<16x640xf32, #tpu.memory_space<hbm>>
      %dma_wait3A_297 = arith.constant 0 : i32
      %dma_wait3A_298 = arith.constant 0 : i32
      %dma_wait3A_299 = tpu.memref_slice %arg8[%dma_wait3A_297, %dma_wait3A_298] : memref<16x640xf32, #tpu.memory_space<vmem>> -> memref<16x640xf32, #tpu.memory_space<vmem>>
      %dma_wait3A_300 = arith.constant 0 : i32
      %dma_wait3A_301 = tpu.memref_slice %arg3[%dma_wait3A_300, %multiple_of3A_218] : memref<16x100000xf32, #tpu.memory_space<hbm>> -> memref<16x640xf32, #tpu.memory_space<hbm>>
      tpu.wait_dma2 semaphore(%arg14 : memref<!tpu.dma_semaphore, #tpu.memory_space<semaphore_mem>>) src(%dma_wait3A_301 : memref<16x640xf32, #tpu.memory_space<hbm>>) dst(%dma_wait3A_299 : memref<16x640xf32, #tpu.memory_space<vmem>>)
      %multiple_of3A_302 = tpu.assume_multiple %add3A_76, 128 : i32
      %dma_start3A_303 = arith.constant 0 : i32
      %dma_start3A_304 = arith.constant 0 : i32
      %dma_start3A_305 = tpu.memref_slice %arg7[%dma_start3A_303, %dma_start3A_304] : memref<16x640xf32, #tpu.memory_space<vmem>> -> memref<16x640xf32, #tpu.memory_space<vmem>>
      %dma_start3A_306 = arith.constant 0 : i32
      %dma_start3A_307 = tpu.memref_slice %arg3[%dma_start3A_306, %multiple_of3A_302] : memref<16x100000xf32, #tpu.memory_space<hbm>> -> memref<16x640xf32, #tpu.memory_space<hbm>>
      %dma_start3A_308 = arith.constant 0 : i32
      %dma_start3A_309 = arith.constant 0 : i32
      %dma_start3A_310 = tpu.memref_slice %arg7[%dma_start3A_308, %dma_start3A_309] : memref<16x640xf32, #tpu.memory_space<vmem>> -> memref<16x640xf32, #tpu.memory_space<vmem>>
      %dma_start3A_311 = arith.constant 0 : i32
      %dma_start3A_312 = tpu.memref_slice %arg3[%dma_start3A_311, %multiple_of3A_302] : memref<16x100000xf32, #tpu.memory_space<hbm>> -> memref<16x640xf32, #tpu.memory_space<hbm>>
      tpu.enqueue_dma source(%dma_start3A_312 : memref<16x640xf32, #tpu.memory_space<hbm>>) target(%dma_start3A_310 : memref<16x640xf32, #tpu.memory_space<vmem>>) target_semaphore(%arg13 : memref<!tpu.dma_semaphore, #tpu.memory_space<semaphore_mem>>)
      %dma_wait3A_313 = arith.constant 0 : i32
      %dma_wait3A_314 = tpu.memref_slice %arg11[%dma_wait3A_313] : memref<10240xf32, #tpu.memory_space<vmem>> -> memref<10240xf32, #tpu.memory_space<vmem>>
      %dma_wait3A_315 = tpu.memref_slice %arg4[%multiple_of3A_201] : memref<1600000xf32, #tpu.memory_space<hbm>> -> memref<10240xf32, #tpu.memory_space<hbm>>
      %dma_wait3A_316 = tpu.memref_slice %arg4[%multiple_of3A_201] : memref<1600000xf32, #tpu.memory_space<hbm>> -> memref<10240xf32, #tpu.memory_space<hbm>>
      %dma_wait3A_317 = arith.constant 0 : i32
      %dma_wait3A_318 = tpu.memref_slice %arg11[%dma_wait3A_317] : memref<10240xf32, #tpu.memory_space<vmem>> -> memref<10240xf32, #tpu.memory_space<vmem>>
      tpu.wait_dma2 semaphore(%arg17 : memref<!tpu.dma_semaphore, #tpu.memory_space<semaphore_mem>>) src(%dma_wait3A_318 : memref<10240xf32, #tpu.memory_space<vmem>>) dst(%dma_wait3A_316 : memref<10240xf32, #tpu.memory_space<hbm>>)
      %scan3A_319 = arith.constant 0 : i32
      %scan3A_320 = arith.constant 0 : i32
      %scan3A_321 = arith.constant 40 : i32
      %scan3A_322 = arith.addi %scan3A_320, %scan3A_321 : i32
      %scan3A_323 = arith.constant 1 : i32
      scf.for %scan3A_498 = %scan3A_320 to %scan3A_322 step %scan3A_323  : i32 {
        %mul3A_499 = arith.constant 256 : i32
        %mul3A_500 = arith.muli %mul3A_499, %scan3A_498 : i32
        %add3A_501 = vector.broadcast %mul3A_500 : i32 to vector<16xi32>
        %add3A_502 = arith.addi %add3A_501, %add3A_50 : vector<16xi32>
        %mul3A_503 = arith.constant 16 : i32
        %mul3A_504 = arith.muli %mul3A_503, %scan3A_498 : i32
        %get3A = arith.constant 0 : i32
        %get3A_505 = arith.index_cast %get3A : i32 to index
        %get3A_506 = arith.index_cast %mul3A_504 : i32 to index
        %get3A_507 = tpu.vector_load %arg8[%get3A_505, %get3A_506] {strides = array<i32>} : memref<16x640xf32, #tpu.memory_space<vmem>>, vector<16xf32>,
        %add3A_508 = arith.constant 0 : i32
        %add3A_509 = vector.broadcast %add3A_508 : i32 to vector<16xi32>
        %add3A_510 = arith.addi %add3A_502, %add3A_509 : vector<16xi32>
        tpu.vector_store_idx %arg11[%add3A_510], %get3A_507 : memref<10240xf32, #tpu.memory_space<vmem>>[vector<16xi32>], vector<16xf32>,
        %mul3A_511 = arith.constant 16 : i32
        %mul3A_512 = arith.muli %mul3A_511, %scan3A_498 : i32
        %get3A_513 = arith.constant 1 : i32
        %get3A_514 = arith.index_cast %get3A_513 : i32 to index
        %get3A_515 = arith.index_cast %mul3A_512 : i32 to index
        %get3A_516 = tpu.vector_load %arg8[%get3A_514, %get3A_515] {strides = array<i32>} : memref<16x640xf32, #tpu.memory_space<vmem>>, vector<16xf32>,
        %add3A_517 = arith.constant 1 : i32
        %add3A_518 = vector.broadcast %add3A_517 : i32 to vector<16xi32>
        %add3A_519 = arith.addi %add3A_502, %add3A_518 : vector<16xi32>
        tpu.vector_store_idx %arg11[%add3A_519], %get3A_516 : memref<10240xf32, #tpu.memory_space<vmem>>[vector<16xi32>], vector<16xf32>,
        %mul3A_520 = arith.constant 16 : i32
        %mul3A_521 = arith.muli %mul3A_520, %scan3A_498 : i32
        %get3A_522 = arith.constant 2 : i32
        %get3A_523 = arith.index_cast %get3A_522 : i32 to index
        %get3A_524 = arith.index_cast %mul3A_521 : i32 to index
        %get3A_525 = tpu.vector_load %arg8[%get3A_523, %get3A_524] {strides = array<i32>} : memref<16x640xf32, #tpu.memory_space<vmem>>, vector<16xf32>,
        %add3A_526 = arith.constant 2 : i32
        %add3A_527 = vector.broadcast %add3A_526 : i32 to vector<16xi32>
        %add3A_528 = arith.addi %add3A_502, %add3A_527 : vector<16xi32>
        tpu.vector_store_idx %arg11[%add3A_528], %get3A_525 : memref<10240xf32, #tpu.memory_space<vmem>>[vector<16xi32>], vector<16xf32>,
        %mul3A_529 = arith.constant 16 : i32
        %mul3A_530 = arith.muli %mul3A_529, %scan3A_498 : i32
        %get3A_531 = arith.constant 3 : i32
        %get3A_532 = arith.index_cast %get3A_531 : i32 to index
        %get3A_533 = arith.index_cast %mul3A_530 : i32 to index
        %get3A_534 = tpu.vector_load %arg8[%get3A_532, %get3A_533] {strides = array<i32>} : memref<16x640xf32, #tpu.memory_space<vmem>>, vector<16xf32>,
        %add3A_535 = arith.constant 3 : i32
        %add3A_536 = vector.broadcast %add3A_535 : i32 to vector<16xi32>
        %add3A_537 = arith.addi %add3A_502, %add3A_536 : vector<16xi32>
        tpu.vector_store_idx %arg11[%add3A_537], %get3A_534 : memref<10240xf32, #tpu.memory_space<vmem>>[vector<16xi32>], vector<16xf32>,
        %mul3A_538 = arith.constant 16 : i32
        %mul3A_539 = arith.muli %mul3A_538, %scan3A_498 : i32
        %get3A_540 = arith.constant 4 : i32
        %get3A_541 = arith.index_cast %get3A_540 : i32 to index
        %get3A_542 = arith.index_cast %mul3A_539 : i32 to index
        %get3A_543 = tpu.vector_load %arg8[%get3A_541, %get3A_542] {strides = array<i32>} : memref<16x640xf32, #tpu.memory_space<vmem>>, vector<16xf32>,
        %add3A_544 = arith.constant 4 : i32
        %add3A_545 = vector.broadcast %add3A_544 : i32 to vector<16xi32>
        %add3A_546 = arith.addi %add3A_502, %add3A_545 : vector<16xi32>
        tpu.vector_store_idx %arg11[%add3A_546], %get3A_543 : memref<10240xf32, #tpu.memory_space<vmem>>[vector<16xi32>], vector<16xf32>,
        %mul3A_547 = arith.constant 16 : i32
        %mul3A_548 = arith.muli %mul3A_547, %scan3A_498 : i32
        %get3A_549 = arith.constant 5 : i32
        %get3A_550 = arith.index_cast %get3A_549 : i32 to index
        %get3A_551 = arith.index_cast %mul3A_548 : i32 to index
        %get3A_552 = tpu.vector_load %arg8[%get3A_550, %get3A_551] {strides = array<i32>} : memref<16x640xf32, #tpu.memory_space<vmem>>, vector<16xf32>,
        %add3A_553 = arith.constant 5 : i32
        %add3A_554 = vector.broadcast %add3A_553 : i32 to vector<16xi32>
        %add3A_555 = arith.addi %add3A_502, %add3A_554 : vector<16xi32>
        tpu.vector_store_idx %arg11[%add3A_555], %get3A_552 : memref<10240xf32, #tpu.memory_space<vmem>>[vector<16xi32>], vector<16xf32>,
        %mul3A_556 = arith.constant 16 : i32
        %mul3A_557 = arith.muli %mul3A_556, %scan3A_498 : i32
        %get3A_558 = arith.constant 6 : i32
        %get3A_559 = arith.index_cast %get3A_558 : i32 to index
        %get3A_560 = arith.index_cast %mul3A_557 : i32 to index
        %get3A_561 = tpu.vector_load %arg8[%get3A_559, %get3A_560] {strides = array<i32>} : memref<16x640xf32, #tpu.memory_space<vmem>>, vector<16xf32>,
        %add3A_562 = arith.constant 6 : i32
        %add3A_563 = vector.broadcast %add3A_562 : i32 to vector<16xi32>
        %add3A_564 = arith.addi %add3A_502, %add3A_563 : vector<16xi32>
        tpu.vector_store_idx %arg11[%add3A_564], %get3A_561 : memref<10240xf32, #tpu.memory_space<vmem>>[vector<16xi32>], vector<16xf32>,
        %mul3A_565 = arith.constant 16 : i32
        %mul3A_566 = arith.muli %mul3A_565, %scan3A_498 : i32
        %get3A_567 = arith.constant 7 : i32
        %get3A_568 = arith.index_cast %get3A_567 : i32 to index
        %get3A_569 = arith.index_cast %mul3A_566 : i32 to index
        %get3A_570 = tpu.vector_load %arg8[%get3A_568, %get3A_569] {strides = array<i32>} : memref<16x640xf32, #tpu.memory_space<vmem>>, vector<16xf32>,
        %add3A_571 = arith.constant 7 : i32
        %add3A_572 = vector.broadcast %add3A_571 : i32 to vector<16xi32>
        %add3A_573 = arith.addi %add3A_502, %add3A_572 : vector<16xi32>
        tpu.vector_store_idx %arg11[%add3A_573], %get3A_570 : memref<10240xf32, #tpu.memory_space<vmem>>[vector<16xi32>], vector<16xf32>,
        %mul3A_574 = arith.constant 16 : i32
        %mul3A_575 = arith.muli %mul3A_574, %scan3A_498 : i32
        %get3A_576 = arith.constant 8 : i32
        %get3A_577 = arith.index_cast %get3A_576 : i32 to index
        %get3A_578 = arith.index_cast %mul3A_575 : i32 to index
        %get3A_579 = tpu.vector_load %arg8[%get3A_577, %get3A_578] {strides = array<i32>} : memref<16x640xf32, #tpu.memory_space<vmem>>, vector<16xf32>,
        %add3A_580 = arith.constant 8 : i32
        %add3A_581 = vector.broadcast %add3A_580 : i32 to vector<16xi32>
        %add3A_582 = arith.addi %add3A_502, %add3A_581 : vector<16xi32>
        tpu.vector_store_idx %arg11[%add3A_582], %get3A_579 : memref<10240xf32, #tpu.memory_space<vmem>>[vector<16xi32>], vector<16xf32>,
        %mul3A_583 = arith.constant 16 : i32
        %mul3A_584 = arith.muli %mul3A_583, %scan3A_498 : i32
        %get3A_585 = arith.constant 9 : i32
        %get3A_586 = arith.index_cast %get3A_585 : i32 to index
        %get3A_587 = arith.index_cast %mul3A_584 : i32 to index
        %get3A_588 = tpu.vector_load %arg8[%get3A_586, %get3A_587] {strides = array<i32>} : memref<16x640xf32, #tpu.memory_space<vmem>>, vector<16xf32>,
        %add3A_589 = arith.constant 9 : i32
        %add3A_590 = vector.broadcast %add3A_589 : i32 to vector<16xi32>
        %add3A_591 = arith.addi %add3A_502, %add3A_590 : vector<16xi32>
        tpu.vector_store_idx %arg11[%add3A_591], %get3A_588 : memref<10240xf32, #tpu.memory_space<vmem>>[vector<16xi32>], vector<16xf32>,
        %mul3A_592 = arith.constant 16 : i32
        %mul3A_593 = arith.muli %mul3A_592, %scan3A_498 : i32
        %get3A_594 = arith.constant 10 : i32
        %get3A_595 = arith.index_cast %get3A_594 : i32 to index
        %get3A_596 = arith.index_cast %mul3A_593 : i32 to index
        %get3A_597 = tpu.vector_load %arg8[%get3A_595, %get3A_596] {strides = array<i32>} : memref<16x640xf32, #tpu.memory_space<vmem>>, vector<16xf32>,
        %add3A_598 = arith.constant 10 : i32
        %add3A_599 = vector.broadcast %add3A_598 : i32 to vector<16xi32>
        %add3A_600 = arith.addi %add3A_502, %add3A_599 : vector<16xi32>
        tpu.vector_store_idx %arg11[%add3A_600], %get3A_597 : memref<10240xf32, #tpu.memory_space<vmem>>[vector<16xi32>], vector<16xf32>,
        %mul3A_601 = arith.constant 16 : i32
        %mul3A_602 = arith.muli %mul3A_601, %scan3A_498 : i32
        %get3A_603 = arith.constant 11 : i32
        %get3A_604 = arith.index_cast %get3A_603 : i32 to index
        %get3A_605 = arith.index_cast %mul3A_602 : i32 to index
        %get3A_606 = tpu.vector_load %arg8[%get3A_604, %get3A_605] {strides = array<i32>} : memref<16x640xf32, #tpu.memory_space<vmem>>, vector<16xf32>,
        %add3A_607 = arith.constant 11 : i32
        %add3A_608 = vector.broadcast %add3A_607 : i32 to vector<16xi32>
        %add3A_609 = arith.addi %add3A_502, %add3A_608 : vector<16xi32>
        tpu.vector_store_idx %arg11[%add3A_609], %get3A_606 : memref<10240xf32, #tpu.memory_space<vmem>>[vector<16xi32>], vector<16xf32>,
        %mul3A_610 = arith.constant 16 : i32
        %mul3A_611 = arith.muli %mul3A_610, %scan3A_498 : i32
        %get3A_612 = arith.constant 12 : i32
        %get3A_613 = arith.index_cast %get3A_612 : i32 to index
        %get3A_614 = arith.index_cast %mul3A_611 : i32 to index
        %get3A_615 = tpu.vector_load %arg8[%get3A_613, %get3A_614] {strides = array<i32>} : memref<16x640xf32, #tpu.memory_space<vmem>>, vector<16xf32>,
        %add3A_616 = arith.constant 12 : i32
        %add3A_617 = vector.broadcast %add3A_616 : i32 to vector<16xi32>
        %add3A_618 = arith.addi %add3A_502, %add3A_617 : vector<16xi32>
        tpu.vector_store_idx %arg11[%add3A_618], %get3A_615 : memref<10240xf32, #tpu.memory_space<vmem>>[vector<16xi32>], vector<16xf32>,
        %mul3A_619 = arith.constant 16 : i32
        %mul3A_620 = arith.muli %mul3A_619, %scan3A_498 : i32
        %get3A_621 = arith.constant 13 : i32
        %get3A_622 = arith.index_cast %get3A_621 : i32 to index
        %get3A_623 = arith.index_cast %mul3A_620 : i32 to index
        %get3A_624 = tpu.vector_load %arg8[%get3A_622, %get3A_623] {strides = array<i32>} : memref<16x640xf32, #tpu.memory_space<vmem>>, vector<16xf32>,
        %add3A_625 = arith.constant 13 : i32
        %add3A_626 = vector.broadcast %add3A_625 : i32 to vector<16xi32>
        %add3A_627 = arith.addi %add3A_502, %add3A_626 : vector<16xi32>
        tpu.vector_store_idx %arg11[%add3A_627], %get3A_624 : memref<10240xf32, #tpu.memory_space<vmem>>[vector<16xi32>], vector<16xf32>,
        %mul3A_628 = arith.constant 16 : i32
        %mul3A_629 = arith.muli %mul3A_628, %scan3A_498 : i32
        %get3A_630 = arith.constant 14 : i32
        %get3A_631 = arith.index_cast %get3A_630 : i32 to index
        %get3A_632 = arith.index_cast %mul3A_629 : i32 to index
        %get3A_633 = tpu.vector_load %arg8[%get3A_631, %get3A_632] {strides = array<i32>} : memref<16x640xf32, #tpu.memory_space<vmem>>, vector<16xf32>,
        %add3A_634 = arith.constant 14 : i32
        %add3A_635 = vector.broadcast %add3A_634 : i32 to vector<16xi32>
        %add3A_636 = arith.addi %add3A_502, %add3A_635 : vector<16xi32>
        tpu.vector_store_idx %arg11[%add3A_636], %get3A_633 : memref<10240xf32, #tpu.memory_space<vmem>>[vector<16xi32>], vector<16xf32>,
        %mul3A_637 = arith.constant 16 : i32
        %mul3A_638 = arith.muli %mul3A_637, %scan3A_498 : i32
        %get3A_639 = arith.constant 15 : i32
        %get3A_640 = arith.index_cast %get3A_639 : i32 to index
        %get3A_641 = arith.index_cast %mul3A_638 : i32 to index
        %get3A_642 = tpu.vector_load %arg8[%get3A_640, %get3A_641] {strides = array<i32>} : memref<16x640xf32, #tpu.memory_space<vmem>>, vector<16xf32>,
        %add3A_643 = arith.constant 15 : i32
        %add3A_644 = vector.broadcast %add3A_643 : i32 to vector<16xi32>
        %add3A_645 = arith.addi %add3A_502, %add3A_644 : vector<16xi32>
        tpu.vector_store_idx %arg11[%add3A_645], %get3A_642 : memref<10240xf32, #tpu.memory_space<vmem>>[vector<16xi32>], vector<16xf32>,
      }
      %scan3A_324 = arith.constant 40 : i32
      %mul3A_325 = arith.constant 16 : i32
      %mul3A_326 = arith.muli %add3A_72, %mul3A_325 : i32
      %multiple_of3A_327 = tpu.assume_multiple %mul3A_326, 2048 : i32
      %dma_start3A_328 = arith.constant 0 : i32
      %dma_start3A_329 = tpu.memref_slice %arg11[%dma_start3A_328] : memref<10240xf32, #tpu.memory_space<vmem>> -> memref<10240xf32, #tpu.memory_space<vmem>>
      %dma_start3A_330 = tpu.memref_slice %arg5[%multiple_of3A_327] : memref<1600000xf32, #tpu.memory_space<hbm>> -> memref<10240xf32, #tpu.memory_space<hbm>>
      %dma_start3A_331 = tpu.memref_slice %arg5[%multiple_of3A_327] : memref<1600000xf32, #tpu.memory_space<hbm>> -> memref<10240xf32, #tpu.memory_space<hbm>>
      %dma_start3A_332 = arith.constant 0 : i32
      %dma_start3A_333 = tpu.memref_slice %arg11[%dma_start3A_332] : memref<10240xf32, #tpu.memory_space<vmem>> -> memref<10240xf32, #tpu.memory_space<vmem>>
      tpu.enqueue_dma source(%dma_start3A_333 : memref<10240xf32, #tpu.memory_space<vmem>>) target(%dma_start3A_331 : memref<10240xf32, #tpu.memory_space<hbm>>) target_semaphore(%arg17 : memref<!tpu.dma_semaphore, #tpu.memory_space<semaphore_mem>>)
      %dma_wait3A_334 = arith.constant 0 : i32
      %dma_wait3A_335 = arith.constant 0 : i32
      %dma_wait3A_336 = tpu.memref_slice %arg6[%dma_wait3A_334, %dma_wait3A_335] : memref<16x640xf32, #tpu.memory_space<vmem>> -> memref<16x640xf32, #tpu.memory_space<vmem>>
      %dma_wait3A_337 = arith.constant 0 : i32
      %dma_wait3A_338 = tpu.memref_slice %arg3[%dma_wait3A_337, %multiple_of3A_260] : memref<16x100000xf32, #tpu.memory_space<hbm>> -> memref<16x640xf32, #tpu.memory_space<hbm>>
      %dma_wait3A_339 = arith.constant 0 : i32
      %dma_wait3A_340 = arith.constant 0 : i32
      %dma_wait3A_341 = tpu.memref_slice %arg6[%dma_wait3A_339, %dma_wait3A_340] : memref<16x640xf32, #tpu.memory_space<vmem>> -> memref<16x640xf32, #tpu.memory_space<vmem>>
      %dma_wait3A_342 = arith.constant 0 : i32
      %dma_wait3A_343 = tpu.memref_slice %arg3[%dma_wait3A_342, %multiple_of3A_260] : memref<16x100000xf32, #tpu.memory_space<hbm>> -> memref<16x640xf32, #tpu.memory_space<hbm>>
      tpu.wait_dma2 semaphore(%arg12 : memref<!tpu.dma_semaphore, #tpu.memory_space<semaphore_mem>>) src(%dma_wait3A_343 : memref<16x640xf32, #tpu.memory_space<hbm>>) dst(%dma_wait3A_341 : memref<16x640xf32, #tpu.memory_space<vmem>>)
      %multiple_of3A_344 = tpu.assume_multiple %add3A_78, 128 : i32
      %dma_start3A_345 = arith.constant 0 : i32
      %dma_start3A_346 = arith.constant 0 : i32
      %dma_start3A_347 = tpu.memref_slice %arg8[%dma_start3A_345, %dma_start3A_346] : memref<16x640xf32, #tpu.memory_space<vmem>> -> memref<16x640xf32, #tpu.memory_space<vmem>>
      %dma_start3A_348 = arith.constant 0 : i32
      %dma_start3A_349 = tpu.memref_slice %arg3[%dma_start3A_348, %multiple_of3A_344] : memref<16x100000xf32, #tpu.memory_space<hbm>> -> memref<16x640xf32, #tpu.memory_space<hbm>>
      %dma_start3A_350 = arith.constant 0 : i32
      %dma_start3A_351 = arith.constant 0 : i32
      %dma_start3A_352 = tpu.memref_slice %arg8[%dma_start3A_350, %dma_start3A_351] : memref<16x640xf32, #tpu.memory_space<vmem>> -> memref<16x640xf32, #tpu.memory_space<vmem>>
      %dma_start3A_353 = arith.constant 0 : i32
      %dma_start3A_354 = tpu.memref_slice %arg3[%dma_start3A_353, %multiple_of3A_344] : memref<16x100000xf32, #tpu.memory_space<hbm>> -> memref<16x640xf32, #tpu.memory_space<hbm>>
      tpu.enqueue_dma source(%dma_start3A_354 : memref<16x640xf32, #tpu.memory_space<hbm>>) target(%dma_start3A_352 : memref<16x640xf32, #tpu.memory_space<vmem>>) target_semaphore(%arg14 : memref<!tpu.dma_semaphore, #tpu.memory_space<semaphore_mem>>)
      %dma_wait3A_355 = arith.constant 0 : i32
      %dma_wait3A_356 = tpu.memref_slice %arg9[%dma_wait3A_355] : memref<10240xf32, #tpu.memory_space<vmem>> -> memref<10240xf32, #tpu.memory_space<vmem>>
      %dma_wait3A_357 = tpu.memref_slice %arg4[%multiple_of3A_243] : memref<1600000xf32, #tpu.memory_space<hbm>> -> memref<10240xf32, #tpu.memory_space<hbm>>
      %dma_wait3A_358 = tpu.memref_slice %arg4[%multiple_of3A_243] : memref<1600000xf32, #tpu.memory_space<hbm>> -> memref<10240xf32, #tpu.memory_space<hbm>>
      %dma_wait3A_359 = arith.constant 0 : i32
      %dma_wait3A_360 = tpu.memref_slice %arg9[%dma_wait3A_359] : memref<10240xf32, #tpu.memory_space<vmem>> -> memref<10240xf32, #tpu.memory_space<vmem>>
      tpu.wait_dma2 semaphore(%arg15 : memref<!tpu.dma_semaphore, #tpu.memory_space<semaphore_mem>>) src(%dma_wait3A_360 : memref<10240xf32, #tpu.memory_space<vmem>>) dst(%dma_wait3A_358 : memref<10240xf32, #tpu.memory_space<hbm>>)
      %scan3A_361 = arith.constant 0 : i32
      %scan3A_362 = arith.constant 0 : i32
      %scan3A_363 = arith.constant 40 : i32
      %scan3A_364 = arith.addi %scan3A_362, %scan3A_363 : i32
      %scan3A_365 = arith.constant 1 : i32
      scf.for %scan3A_498 = %scan3A_362 to %scan3A_364 step %scan3A_365  : i32 {
        %mul3A_499 = arith.constant 256 : i32
        %mul3A_500 = arith.muli %mul3A_499, %scan3A_498 : i32
        %add3A_501 = vector.broadcast %mul3A_500 : i32 to vector<16xi32>
        %add3A_502 = arith.addi %add3A_501, %add3A_50 : vector<16xi32>
        %mul3A_503 = arith.constant 16 : i32
        %mul3A_504 = arith.muli %mul3A_503, %scan3A_498 : i32
        %get3A = arith.constant 0 : i32
        %get3A_505 = arith.index_cast %get3A : i32 to index
        %get3A_506 = arith.index_cast %mul3A_504 : i32 to index
        %get3A_507 = tpu.vector_load %arg6[%get3A_505, %get3A_506] {strides = array<i32>} : memref<16x640xf32, #tpu.memory_space<vmem>>, vector<16xf32>,
        %add3A_508 = arith.constant 0 : i32
        %add3A_509 = vector.broadcast %add3A_508 : i32 to vector<16xi32>
        %add3A_510 = arith.addi %add3A_502, %add3A_509 : vector<16xi32>
        tpu.vector_store_idx %arg9[%add3A_510], %get3A_507 : memref<10240xf32, #tpu.memory_space<vmem>>[vector<16xi32>], vector<16xf32>,
        %mul3A_511 = arith.constant 16 : i32
        %mul3A_512 = arith.muli %mul3A_511, %scan3A_498 : i32
        %get3A_513 = arith.constant 1 : i32
        %get3A_514 = arith.index_cast %get3A_513 : i32 to index
        %get3A_515 = arith.index_cast %mul3A_512 : i32 to index
        %get3A_516 = tpu.vector_load %arg6[%get3A_514, %get3A_515] {strides = array<i32>} : memref<16x640xf32, #tpu.memory_space<vmem>>, vector<16xf32>,
        %add3A_517 = arith.constant 1 : i32
        %add3A_518 = vector.broadcast %add3A_517 : i32 to vector<16xi32>
        %add3A_519 = arith.addi %add3A_502, %add3A_518 : vector<16xi32>
        tpu.vector_store_idx %arg9[%add3A_519], %get3A_516 : memref<10240xf32, #tpu.memory_space<vmem>>[vector<16xi32>], vector<16xf32>,
        %mul3A_520 = arith.constant 16 : i32
        %mul3A_521 = arith.muli %mul3A_520, %scan3A_498 : i32
        %get3A_522 = arith.constant 2 : i32
        %get3A_523 = arith.index_cast %get3A_522 : i32 to index
        %get3A_524 = arith.index_cast %mul3A_521 : i32 to index
        %get3A_525 = tpu.vector_load %arg6[%get3A_523, %get3A_524] {strides = array<i32>} : memref<16x640xf32, #tpu.memory_space<vmem>>, vector<16xf32>,
        %add3A_526 = arith.constant 2 : i32
        %add3A_527 = vector.broadcast %add3A_526 : i32 to vector<16xi32>
        %add3A_528 = arith.addi %add3A_502, %add3A_527 : vector<16xi32>
        tpu.vector_store_idx %arg9[%add3A_528], %get3A_525 : memref<10240xf32, #tpu.memory_space<vmem>>[vector<16xi32>], vector<16xf32>,
        %mul3A_529 = arith.constant 16 : i32
        %mul3A_530 = arith.muli %mul3A_529, %scan3A_498 : i32
        %get3A_531 = arith.constant 3 : i32
        %get3A_532 = arith.index_cast %get3A_531 : i32 to index
        %get3A_533 = arith.index_cast %mul3A_530 : i32 to index
        %get3A_534 = tpu.vector_load %arg6[%get3A_532, %get3A_533] {strides = array<i32>} : memref<16x640xf32, #tpu.memory_space<vmem>>, vector<16xf32>,
        %add3A_535 = arith.constant 3 : i32
        %add3A_536 = vector.broadcast %add3A_535 : i32 to vector<16xi32>
        %add3A_537 = arith.addi %add3A_502, %add3A_536 : vector<16xi32>
        tpu.vector_store_idx %arg9[%add3A_537], %get3A_534 : memref<10240xf32, #tpu.memory_space<vmem>>[vector<16xi32>], vector<16xf32>,
        %mul3A_538 = arith.constant 16 : i32
        %mul3A_539 = arith.muli %mul3A_538, %scan3A_498 : i32
        %get3A_540 = arith.constant 4 : i32
        %get3A_541 = arith.index_cast %get3A_540 : i32 to index
        %get3A_542 = arith.index_cast %mul3A_539 : i32 to index
        %get3A_543 = tpu.vector_load %arg6[%get3A_541, %get3A_542] {strides = array<i32>} : memref<16x640xf32, #tpu.memory_space<vmem>>, vector<16xf32>,
        %add3A_544 = arith.constant 4 : i32
        %add3A_545 = vector.broadcast %add3A_544 : i32 to vector<16xi32>
        %add3A_546 = arith.addi %add3A_502, %add3A_545 : vector<16xi32>
        tpu.vector_store_idx %arg9[%add3A_546], %get3A_543 : memref<10240xf32, #tpu.memory_space<vmem>>[vector<16xi32>], vector<16xf32>,
        %mul3A_547 = arith.constant 16 : i32
        %mul3A_548 = arith.muli %mul3A_547, %scan3A_498 : i32
        %get3A_549 = arith.constant 5 : i32
        %get3A_550 = arith.index_cast %get3A_549 : i32 to index
        %get3A_551 = arith.index_cast %mul3A_548 : i32 to index
        %get3A_552 = tpu.vector_load %arg6[%get3A_550, %get3A_551] {strides = array<i32>} : memref<16x640xf32, #tpu.memory_space<vmem>>, vector<16xf32>,
        %add3A_553 = arith.constant 5 : i32
        %add3A_554 = vector.broadcast %add3A_553 : i32 to vector<16xi32>
        %add3A_555 = arith.addi %add3A_502, %add3A_554 : vector<16xi32>
        tpu.vector_store_idx %arg9[%add3A_555], %get3A_552 : memref<10240xf32, #tpu.memory_space<vmem>>[vector<16xi32>], vector<16xf32>,
        %mul3A_556 = arith.constant 16 : i32
        %mul3A_557 = arith.muli %mul3A_556, %scan3A_498 : i32
        %get3A_558 = arith.constant 6 : i32
        %get3A_559 = arith.index_cast %get3A_558 : i32 to index
        %get3A_560 = arith.index_cast %mul3A_557 : i32 to index
        %get3A_561 = tpu.vector_load %arg6[%get3A_559, %get3A_560] {strides = array<i32>} : memref<16x640xf32, #tpu.memory_space<vmem>>, vector<16xf32>,
        %add3A_562 = arith.constant 6 : i32
        %add3A_563 = vector.broadcast %add3A_562 : i32 to vector<16xi32>
        %add3A_564 = arith.addi %add3A_502, %add3A_563 : vector<16xi32>
        tpu.vector_store_idx %arg9[%add3A_564], %get3A_561 : memref<10240xf32, #tpu.memory_space<vmem>>[vector<16xi32>], vector<16xf32>,
        %mul3A_565 = arith.constant 16 : i32
        %mul3A_566 = arith.muli %mul3A_565, %scan3A_498 : i32
        %get3A_567 = arith.constant 7 : i32
        %get3A_568 = arith.index_cast %get3A_567 : i32 to index
        %get3A_569 = arith.index_cast %mul3A_566 : i32 to index
        %get3A_570 = tpu.vector_load %arg6[%get3A_568, %get3A_569] {strides = array<i32>} : memref<16x640xf32, #tpu.memory_space<vmem>>, vector<16xf32>,
        %add3A_571 = arith.constant 7 : i32
        %add3A_572 = vector.broadcast %add3A_571 : i32 to vector<16xi32>
        %add3A_573 = arith.addi %add3A_502, %add3A_572 : vector<16xi32>
        tpu.vector_store_idx %arg9[%add3A_573], %get3A_570 : memref<10240xf32, #tpu.memory_space<vmem>>[vector<16xi32>], vector<16xf32>,
        %mul3A_574 = arith.constant 16 : i32
        %mul3A_575 = arith.muli %mul3A_574, %scan3A_498 : i32
        %get3A_576 = arith.constant 8 : i32
        %get3A_577 = arith.index_cast %get3A_576 : i32 to index
        %get3A_578 = arith.index_cast %mul3A_575 : i32 to index
        %get3A_579 = tpu.vector_load %arg6[%get3A_577, %get3A_578] {strides = array<i32>} : memref<16x640xf32, #tpu.memory_space<vmem>>, vector<16xf32>,
        %add3A_580 = arith.constant 8 : i32
        %add3A_581 = vector.broadcast %add3A_580 : i32 to vector<16xi32>
        %add3A_582 = arith.addi %add3A_502, %add3A_581 : vector<16xi32>
        tpu.vector_store_idx %arg9[%add3A_582], %get3A_579 : memref<10240xf32, #tpu.memory_space<vmem>>[vector<16xi32>], vector<16xf32>,
        %mul3A_583 = arith.constant 16 : i32
        %mul3A_584 = arith.muli %mul3A_583, %scan3A_498 : i32
        %get3A_585 = arith.constant 9 : i32
        %get3A_586 = arith.index_cast %get3A_585 : i32 to index
        %get3A_587 = arith.index_cast %mul3A_584 : i32 to index
        %get3A_588 = tpu.vector_load %arg6[%get3A_586, %get3A_587] {strides = array<i32>} : memref<16x640xf32, #tpu.memory_space<vmem>>, vector<16xf32>,
        %add3A_589 = arith.constant 9 : i32
        %add3A_590 = vector.broadcast %add3A_589 : i32 to vector<16xi32>
        %add3A_591 = arith.addi %add3A_502, %add3A_590 : vector<16xi32>
        tpu.vector_store_idx %arg9[%add3A_591], %get3A_588 : memref<10240xf32, #tpu.memory_space<vmem>>[vector<16xi32>], vector<16xf32>,
        %mul3A_592 = arith.constant 16 : i32
        %mul3A_593 = arith.muli %mul3A_592, %scan3A_498 : i32
        %get3A_594 = arith.constant 10 : i32
        %get3A_595 = arith.index_cast %get3A_594 : i32 to index
        %get3A_596 = arith.index_cast %mul3A_593 : i32 to index
        %get3A_597 = tpu.vector_load %arg6[%get3A_595, %get3A_596] {strides = array<i32>} : memref<16x640xf32, #tpu.memory_space<vmem>>, vector<16xf32>,
        %add3A_598 = arith.constant 10 : i32
        %add3A_599 = vector.broadcast %add3A_598 : i32 to vector<16xi32>
        %add3A_600 = arith.addi %add3A_502, %add3A_599 : vector<16xi32>
        tpu.vector_store_idx %arg9[%add3A_600], %get3A_597 : memref<10240xf32, #tpu.memory_space<vmem>>[vector<16xi32>], vector<16xf32>,
        %mul3A_601 = arith.constant 16 : i32
        %mul3A_602 = arith.muli %mul3A_601, %scan3A_498 : i32
        %get3A_603 = arith.constant 11 : i32
        %get3A_604 = arith.index_cast %get3A_603 : i32 to index
        %get3A_605 = arith.index_cast %mul3A_602 : i32 to index
        %get3A_606 = tpu.vector_load %arg6[%get3A_604, %get3A_605] {strides = array<i32>} : memref<16x640xf32, #tpu.memory_space<vmem>>, vector<16xf32>,
        %add3A_607 = arith.constant 11 : i32
        %add3A_608 = vector.broadcast %add3A_607 : i32 to vector<16xi32>
        %add3A_609 = arith.addi %add3A_502, %add3A_608 : vector<16xi32>
        tpu.vector_store_idx %arg9[%add3A_609], %get3A_606 : memref<10240xf32, #tpu.memory_space<vmem>>[vector<16xi32>], vector<16xf32>,
        %mul3A_610 = arith.constant 16 : i32
        %mul3A_611 = arith.muli %mul3A_610, %scan3A_498 : i32
        %get3A_612 = arith.constant 12 : i32
        %get3A_613 = arith.index_cast %get3A_612 : i32 to index
        %get3A_614 = arith.index_cast %mul3A_611 : i32 to index
        %get3A_615 = tpu.vector_load %arg6[%get3A_613, %get3A_614] {strides = array<i32>} : memref<16x640xf32, #tpu.memory_space<vmem>>, vector<16xf32>,
        %add3A_616 = arith.constant 12 : i32
        %add3A_617 = vector.broadcast %add3A_616 : i32 to vector<16xi32>
        %add3A_618 = arith.addi %add3A_502, %add3A_617 : vector<16xi32>
        tpu.vector_store_idx %arg9[%add3A_618], %get3A_615 : memref<10240xf32, #tpu.memory_space<vmem>>[vector<16xi32>], vector<16xf32>,
        %mul3A_619 = arith.constant 16 : i32
        %mul3A_620 = arith.muli %mul3A_619, %scan3A_498 : i32
        %get3A_621 = arith.constant 13 : i32
        %get3A_622 = arith.index_cast %get3A_621 : i32 to index
        %get3A_623 = arith.index_cast %mul3A_620 : i32 to index
        %get3A_624 = tpu.vector_load %arg6[%get3A_622, %get3A_623] {strides = array<i32>} : memref<16x640xf32, #tpu.memory_space<vmem>>, vector<16xf32>,
        %add3A_625 = arith.constant 13 : i32
        %add3A_626 = vector.broadcast %add3A_625 : i32 to vector<16xi32>
        %add3A_627 = arith.addi %add3A_502, %add3A_626 : vector<16xi32>
        tpu.vector_store_idx %arg9[%add3A_627], %get3A_624 : memref<10240xf32, #tpu.memory_space<vmem>>[vector<16xi32>], vector<16xf32>,
        %mul3A_628 = arith.constant 16 : i32
        %mul3A_629 = arith.muli %mul3A_628, %scan3A_498 : i32
        %get3A_630 = arith.constant 14 : i32
        %get3A_631 = arith.index_cast %get3A_630 : i32 to index
        %get3A_632 = arith.index_cast %mul3A_629 : i32 to index
        %get3A_633 = tpu.vector_load %arg6[%get3A_631, %get3A_632] {strides = array<i32>} : memref<16x640xf32, #tpu.memory_space<vmem>>, vector<16xf32>,
        %add3A_634 = arith.constant 14 : i32
        %add3A_635 = vector.broadcast %add3A_634 : i32 to vector<16xi32>
        %add3A_636 = arith.addi %add3A_502, %add3A_635 : vector<16xi32>
        tpu.vector_store_idx %arg9[%add3A_636], %get3A_633 : memref<10240xf32, #tpu.memory_space<vmem>>[vector<16xi32>], vector<16xf32>,
        %mul3A_637 = arith.constant 16 : i32
        %mul3A_638 = arith.muli %mul3A_637, %scan3A_498 : i32
        %get3A_639 = arith.constant 15 : i32
        %get3A_640 = arith.index_cast %get3A_639 : i32 to index
        %get3A_641 = arith.index_cast %mul3A_638 : i32 to index
        %get3A_642 = tpu.vector_load %arg6[%get3A_640, %get3A_641] {strides = array<i32>} : memref<16x640xf32, #tpu.memory_space<vmem>>, vector<16xf32>,
        %add3A_643 = arith.constant 15 : i32
        %add3A_644 = vector.broadcast %add3A_643 : i32 to vector<16xi32>
        %add3A_645 = arith.addi %add3A_502, %add3A_644 : vector<16xi32>
        tpu.vector_store_idx %arg9[%add3A_645], %get3A_642 : memref<10240xf32, #tpu.memory_space<vmem>>[vector<16xi32>], vector<16xf32>,
      }
      %scan3A_366 = arith.constant 40 : i32
      %mul3A_367 = arith.constant 16 : i32
      %mul3A_368 = arith.muli %add3A_74, %mul3A_367 : i32
      %multiple_of3A_369 = tpu.assume_multiple %mul3A_368, 2048 : i32
      %dma_start3A_370 = arith.constant 0 : i32
      %dma_start3A_371 = tpu.memref_slice %arg9[%dma_start3A_370] : memref<10240xf32, #tpu.memory_space<vmem>> -> memref<10240xf32, #tpu.memory_space<vmem>>
      %dma_start3A_372 = tpu.memref_slice %arg5[%multiple_of3A_369] : memref<1600000xf32, #tpu.memory_space<hbm>> -> memref<10240xf32, #tpu.memory_space<hbm>>
      %dma_start3A_373 = tpu.memref_slice %arg5[%multiple_of3A_369] : memref<1600000xf32, #tpu.memory_space<hbm>> -> memref<10240xf32, #tpu.memory_space<hbm>>
      %dma_start3A_374 = arith.constant 0 : i32
      %dma_start3A_375 = tpu.memref_slice %arg9[%dma_start3A_374] : memref<10240xf32, #tpu.memory_space<vmem>> -> memref<10240xf32, #tpu.memory_space<vmem>>
      tpu.enqueue_dma source(%dma_start3A_375 : memref<10240xf32, #tpu.memory_space<vmem>>) target(%dma_start3A_373 : memref<10240xf32, #tpu.memory_space<hbm>>) target_semaphore(%arg15 : memref<!tpu.dma_semaphore, #tpu.memory_space<semaphore_mem>>)
      %dma_wait3A_376 = arith.constant 0 : i32
      %dma_wait3A_377 = arith.constant 0 : i32
      %dma_wait3A_378 = tpu.memref_slice %arg7[%dma_wait3A_376, %dma_wait3A_377] : memref<16x640xf32, #tpu.memory_space<vmem>> -> memref<16x640xf32, #tpu.memory_space<vmem>>
      %dma_wait3A_379 = arith.constant 0 : i32
      %dma_wait3A_380 = tpu.memref_slice %arg3[%dma_wait3A_379, %multiple_of3A_302] : memref<16x100000xf32, #tpu.memory_space<hbm>> -> memref<16x640xf32, #tpu.memory_space<hbm>>
      %dma_wait3A_381 = arith.constant 0 : i32
      %dma_wait3A_382 = arith.constant 0 : i32
      %dma_wait3A_383 = tpu.memref_slice %arg7[%dma_wait3A_381, %dma_wait3A_382] : memref<16x640xf32, #tpu.memory_space<vmem>> -> memref<16x640xf32, #tpu.memory_space<vmem>>
      %dma_wait3A_384 = arith.constant 0 : i32
      %dma_wait3A_385 = tpu.memref_slice %arg3[%dma_wait3A_384, %multiple_of3A_302] : memref<16x100000xf32, #tpu.memory_space<hbm>> -> memref<16x640xf32, #tpu.memory_space<hbm>>
      tpu.wait_dma2 semaphore(%arg13 : memref<!tpu.dma_semaphore, #tpu.memory_space<semaphore_mem>>) src(%dma_wait3A_385 : memref<16x640xf32, #tpu.memory_space<hbm>>) dst(%dma_wait3A_383 : memref<16x640xf32, #tpu.memory_space<vmem>>)
      %multiple_of3A_386 = tpu.assume_multiple %add3A_80, 128 : i32
      %dma_start3A_387 = arith.constant 0 : i32
      %dma_start3A_388 = arith.constant 0 : i32
      %dma_start3A_389 = tpu.memref_slice %arg6[%dma_start3A_387, %dma_start3A_388] : memref<16x640xf32, #tpu.memory_space<vmem>> -> memref<16x640xf32, #tpu.memory_space<vmem>>
      %dma_start3A_390 = arith.constant 0 : i32
      %dma_start3A_391 = tpu.memref_slice %arg3[%dma_start3A_390, %multiple_of3A_386] : memref<16x100000xf32, #tpu.memory_space<hbm>> -> memref<16x640xf32, #tpu.memory_space<hbm>>
      %dma_start3A_392 = arith.constant 0 : i32
      %dma_start3A_393 = arith.constant 0 : i32
      %dma_start3A_394 = tpu.memref_slice %arg6[%dma_start3A_392, %dma_start3A_393] : memref<16x640xf32, #tpu.memory_space<vmem>> -> memref<16x640xf32, #tpu.memory_space<vmem>>
      %dma_start3A_395 = arith.constant 0 : i32
      %dma_start3A_396 = tpu.memref_slice %arg3[%dma_start3A_395, %multiple_of3A_386] : memref<16x100000xf32, #tpu.memory_space<hbm>> -> memref<16x640xf32, #tpu.memory_space<hbm>>
      tpu.enqueue_dma source(%dma_start3A_396 : memref<16x640xf32, #tpu.memory_space<hbm>>) target(%dma_start3A_394 : memref<16x640xf32, #tpu.memory_space<vmem>>) target_semaphore(%arg12 : memref<!tpu.dma_semaphore, #tpu.memory_space<semaphore_mem>>)
      %dma_wait3A_397 = arith.constant 0 : i32
      %dma_wait3A_398 = tpu.memref_slice %arg10[%dma_wait3A_397] : memref<10240xf32, #tpu.memory_space<vmem>> -> memref<10240xf32, #tpu.memory_space<vmem>>
      %dma_wait3A_399 = tpu.memref_slice %arg4[%multiple_of3A_285] : memref<1600000xf32, #tpu.memory_space<hbm>> -> memref<10240xf32, #tpu.memory_space<hbm>>
      %dma_wait3A_400 = tpu.memref_slice %arg4[%multiple_of3A_285] : memref<1600000xf32, #tpu.memory_space<hbm>> -> memref<10240xf32, #tpu.memory_space<hbm>>
      %dma_wait3A_401 = arith.constant 0 : i32
      %dma_wait3A_402 = tpu.memref_slice %arg10[%dma_wait3A_401] : memref<10240xf32, #tpu.memory_space<vmem>> -> memref<10240xf32, #tpu.memory_space<vmem>>
      tpu.wait_dma2 semaphore(%arg16 : memref<!tpu.dma_semaphore, #tpu.memory_space<semaphore_mem>>) src(%dma_wait3A_402 : memref<10240xf32, #tpu.memory_space<vmem>>) dst(%dma_wait3A_400 : memref<10240xf32, #tpu.memory_space<hbm>>)
      %scan3A_403 = arith.constant 0 : i32
      %scan3A_404 = arith.constant 0 : i32
      %scan3A_405 = arith.constant 40 : i32
      %scan3A_406 = arith.addi %scan3A_404, %scan3A_405 : i32
      %scan3A_407 = arith.constant 1 : i32
      scf.for %scan3A_498 = %scan3A_404 to %scan3A_406 step %scan3A_407  : i32 {
        %mul3A_499 = arith.constant 256 : i32
        %mul3A_500 = arith.muli %mul3A_499, %scan3A_498 : i32
        %add3A_501 = vector.broadcast %mul3A_500 : i32 to vector<16xi32>
        %add3A_502 = arith.addi %add3A_501, %add3A_50 : vector<16xi32>
        %mul3A_503 = arith.constant 16 : i32
        %mul3A_504 = arith.muli %mul3A_503, %scan3A_498 : i32
        %get3A = arith.constant 0 : i32
        %get3A_505 = arith.index_cast %get3A : i32 to index
        %get3A_506 = arith.index_cast %mul3A_504 : i32 to index
        %get3A_507 = tpu.vector_load %arg7[%get3A_505, %get3A_506] {strides = array<i32>} : memref<16x640xf32, #tpu.memory_space<vmem>>, vector<16xf32>,
        %add3A_508 = arith.constant 0 : i32
        %add3A_509 = vector.broadcast %add3A_508 : i32 to vector<16xi32>
        %add3A_510 = arith.addi %add3A_502, %add3A_509 : vector<16xi32>
        tpu.vector_store_idx %arg10[%add3A_510], %get3A_507 : memref<10240xf32, #tpu.memory_space<vmem>>[vector<16xi32>], vector<16xf32>,
        %mul3A_511 = arith.constant 16 : i32
        %mul3A_512 = arith.muli %mul3A_511, %scan3A_498 : i32
        %get3A_513 = arith.constant 1 : i32
        %get3A_514 = arith.index_cast %get3A_513 : i32 to index
        %get3A_515 = arith.index_cast %mul3A_512 : i32 to index
        %get3A_516 = tpu.vector_load %arg7[%get3A_514, %get3A_515] {strides = array<i32>} : memref<16x640xf32, #tpu.memory_space<vmem>>, vector<16xf32>,
        %add3A_517 = arith.constant 1 : i32
        %add3A_518 = vector.broadcast %add3A_517 : i32 to vector<16xi32>
        %add3A_519 = arith.addi %add3A_502, %add3A_518 : vector<16xi32>
        tpu.vector_store_idx %arg10[%add3A_519], %get3A_516 : memref<10240xf32, #tpu.memory_space<vmem>>[vector<16xi32>], vector<16xf32>,
        %mul3A_520 = arith.constant 16 : i32
        %mul3A_521 = arith.muli %mul3A_520, %scan3A_498 : i32
        %get3A_522 = arith.constant 2 : i32
        %get3A_523 = arith.index_cast %get3A_522 : i32 to index
        %get3A_524 = arith.index_cast %mul3A_521 : i32 to index
        %get3A_525 = tpu.vector_load %arg7[%get3A_523, %get3A_524] {strides = array<i32>} : memref<16x640xf32, #tpu.memory_space<vmem>>, vector<16xf32>,
        %add3A_526 = arith.constant 2 : i32
        %add3A_527 = vector.broadcast %add3A_526 : i32 to vector<16xi32>
        %add3A_528 = arith.addi %add3A_502, %add3A_527 : vector<16xi32>
        tpu.vector_store_idx %arg10[%add3A_528], %get3A_525 : memref<10240xf32, #tpu.memory_space<vmem>>[vector<16xi32>], vector<16xf32>,
        %mul3A_529 = arith.constant 16 : i32
        %mul3A_530 = arith.muli %mul3A_529, %scan3A_498 : i32
        %get3A_531 = arith.constant 3 : i32
        %get3A_532 = arith.index_cast %get3A_531 : i32 to index
        %get3A_533 = arith.index_cast %mul3A_530 : i32 to index
        %get3A_534 = tpu.vector_load %arg7[%get3A_532, %get3A_533] {strides = array<i32>} : memref<16x640xf32, #tpu.memory_space<vmem>>, vector<16xf32>,
        %add3A_535 = arith.constant 3 : i32
        %add3A_536 = vector.broadcast %add3A_535 : i32 to vector<16xi32>
        %add3A_537 = arith.addi %add3A_502, %add3A_536 : vector<16xi32>
        tpu.vector_store_idx %arg10[%add3A_537], %get3A_534 : memref<10240xf32, #tpu.memory_space<vmem>>[vector<16xi32>], vector<16xf32>,
        %mul3A_538 = arith.constant 16 : i32
        %mul3A_539 = arith.muli %mul3A_538, %scan3A_498 : i32
        %get3A_540 = arith.constant 4 : i32
        %get3A_541 = arith.index_cast %get3A_540 : i32 to index
        %get3A_542 = arith.index_cast %mul3A_539 : i32 to index
        %get3A_543 = tpu.vector_load %arg7[%get3A_541, %get3A_542] {strides = array<i32>} : memref<16x640xf32, #tpu.memory_space<vmem>>, vector<16xf32>,
        %add3A_544 = arith.constant 4 : i32
        %add3A_545 = vector.broadcast %add3A_544 : i32 to vector<16xi32>
        %add3A_546 = arith.addi %add3A_502, %add3A_545 : vector<16xi32>
        tpu.vector_store_idx %arg10[%add3A_546], %get3A_543 : memref<10240xf32, #tpu.memory_space<vmem>>[vector<16xi32>], vector<16xf32>,
        %mul3A_547 = arith.constant 16 : i32
        %mul3A_548 = arith.muli %mul3A_547, %scan3A_498 : i32
        %get3A_549 = arith.constant 5 : i32
        %get3A_550 = arith.index_cast %get3A_549 : i32 to index
        %get3A_551 = arith.index_cast %mul3A_548 : i32 to index
        %get3A_552 = tpu.vector_load %arg7[%get3A_550, %get3A_551] {strides = array<i32>} : memref<16x640xf32, #tpu.memory_space<vmem>>, vector<16xf32>,
        %add3A_553 = arith.constant 5 : i32
        %add3A_554 = vector.broadcast %add3A_553 : i32 to vector<16xi32>
        %add3A_555 = arith.addi %add3A_502, %add3A_554 : vector<16xi32>
        tpu.vector_store_idx %arg10[%add3A_555], %get3A_552 : memref<10240xf32, #tpu.memory_space<vmem>>[vector<16xi32>], vector<16xf32>,
        %mul3A_556 = arith.constant 16 : i32
        %mul3A_557 = arith.muli %mul3A_556, %scan3A_498 : i32
        %get3A_558 = arith.constant 6 : i32
        %get3A_559 = arith.index_cast %get3A_558 : i32 to index
        %get3A_560 = arith.index_cast %mul3A_557 : i32 to index
        %get3A_561 = tpu.vector_load %arg7[%get3A_559, %get3A_560] {strides = array<i32>} : memref<16x640xf32, #tpu.memory_space<vmem>>, vector<16xf32>,
        %add3A_562 = arith.constant 6 : i32
        %add3A_563 = vector.broadcast %add3A_562 : i32 to vector<16xi32>
        %add3A_564 = arith.addi %add3A_502, %add3A_563 : vector<16xi32>
        tpu.vector_store_idx %arg10[%add3A_564], %get3A_561 : memref<10240xf32, #tpu.memory_space<vmem>>[vector<16xi32>], vector<16xf32>,
        %mul3A_565 = arith.constant 16 : i32
        %mul3A_566 = arith.muli %mul3A_565, %scan3A_498 : i32
        %get3A_567 = arith.constant 7 : i32
        %get3A_568 = arith.index_cast %get3A_567 : i32 to index
        %get3A_569 = arith.index_cast %mul3A_566 : i32 to index
        %get3A_570 = tpu.vector_load %arg7[%get3A_568, %get3A_569] {strides = array<i32>} : memref<16x640xf32, #tpu.memory_space<vmem>>, vector<16xf32>,
        %add3A_571 = arith.constant 7 : i32
        %add3A_572 = vector.broadcast %add3A_571 : i32 to vector<16xi32>
        %add3A_573 = arith.addi %add3A_502, %add3A_572 : vector<16xi32>
        tpu.vector_store_idx %arg10[%add3A_573], %get3A_570 : memref<10240xf32, #tpu.memory_space<vmem>>[vector<16xi32>], vector<16xf32>,
        %mul3A_574 = arith.constant 16 : i32
        %mul3A_575 = arith.muli %mul3A_574, %scan3A_498 : i32
        %get3A_576 = arith.constant 8 : i32
        %get3A_577 = arith.index_cast %get3A_576 : i32 to index
        %get3A_578 = arith.index_cast %mul3A_575 : i32 to index
        %get3A_579 = tpu.vector_load %arg7[%get3A_577, %get3A_578] {strides = array<i32>} : memref<16x640xf32, #tpu.memory_space<vmem>>, vector<16xf32>,
        %add3A_580 = arith.constant 8 : i32
        %add3A_581 = vector.broadcast %add3A_580 : i32 to vector<16xi32>
        %add3A_582 = arith.addi %add3A_502, %add3A_581 : vector<16xi32>
        tpu.vector_store_idx %arg10[%add3A_582], %get3A_579 : memref<10240xf32, #tpu.memory_space<vmem>>[vector<16xi32>], vector<16xf32>,
        %mul3A_583 = arith.constant 16 : i32
        %mul3A_584 = arith.muli %mul3A_583, %scan3A_498 : i32
        %get3A_585 = arith.constant 9 : i32
        %get3A_586 = arith.index_cast %get3A_585 : i32 to index
        %get3A_587 = arith.index_cast %mul3A_584 : i32 to index
        %get3A_588 = tpu.vector_load %arg7[%get3A_586, %get3A_587] {strides = array<i32>} : memref<16x640xf32, #tpu.memory_space<vmem>>, vector<16xf32>,
        %add3A_589 = arith.constant 9 : i32
        %add3A_590 = vector.broadcast %add3A_589 : i32 to vector<16xi32>
        %add3A_591 = arith.addi %add3A_502, %add3A_590 : vector<16xi32>
        tpu.vector_store_idx %arg10[%add3A_591], %get3A_588 : memref<10240xf32, #tpu.memory_space<vmem>>[vector<16xi32>], vector<16xf32>,
        %mul3A_592 = arith.constant 16 : i32
        %mul3A_593 = arith.muli %mul3A_592, %scan3A_498 : i32
        %get3A_594 = arith.constant 10 : i32
        %get3A_595 = arith.index_cast %get3A_594 : i32 to index
        %get3A_596 = arith.index_cast %mul3A_593 : i32 to index
        %get3A_597 = tpu.vector_load %arg7[%get3A_595, %get3A_596] {strides = array<i32>} : memref<16x640xf32, #tpu.memory_space<vmem>>, vector<16xf32>,
        %add3A_598 = arith.constant 10 : i32
        %add3A_599 = vector.broadcast %add3A_598 : i32 to vector<16xi32>
        %add3A_600 = arith.addi %add3A_502, %add3A_599 : vector<16xi32>
        tpu.vector_store_idx %arg10[%add3A_600], %get3A_597 : memref<10240xf32, #tpu.memory_space<vmem>>[vector<16xi32>], vector<16xf32>,
        %mul3A_601 = arith.constant 16 : i32
        %mul3A_602 = arith.muli %mul3A_601, %scan3A_498 : i32
        %get3A_603 = arith.constant 11 : i32
        %get3A_604 = arith.index_cast %get3A_603 : i32 to index
        %get3A_605 = arith.index_cast %mul3A_602 : i32 to index
        %get3A_606 = tpu.vector_load %arg7[%get3A_604, %get3A_605] {strides = array<i32>} : memref<16x640xf32, #tpu.memory_space<vmem>>, vector<16xf32>,
        %add3A_607 = arith.constant 11 : i32
        %add3A_608 = vector.broadcast %add3A_607 : i32 to vector<16xi32>
        %add3A_609 = arith.addi %add3A_502, %add3A_608 : vector<16xi32>
        tpu.vector_store_idx %arg10[%add3A_609], %get3A_606 : memref<10240xf32, #tpu.memory_space<vmem>>[vector<16xi32>], vector<16xf32>,
        %mul3A_610 = arith.constant 16 : i32
        %mul3A_611 = arith.muli %mul3A_610, %scan3A_498 : i32
        %get3A_612 = arith.constant 12 : i32
        %get3A_613 = arith.index_cast %get3A_612 : i32 to index
        %get3A_614 = arith.index_cast %mul3A_611 : i32 to index
        %get3A_615 = tpu.vector_load %arg7[%get3A_613, %get3A_614] {strides = array<i32>} : memref<16x640xf32, #tpu.memory_space<vmem>>, vector<16xf32>,
        %add3A_616 = arith.constant 12 : i32
        %add3A_617 = vector.broadcast %add3A_616 : i32 to vector<16xi32>
        %add3A_618 = arith.addi %add3A_502, %add3A_617 : vector<16xi32>
        tpu.vector_store_idx %arg10[%add3A_618], %get3A_615 : memref<10240xf32, #tpu.memory_space<vmem>>[vector<16xi32>], vector<16xf32>,
        %mul3A_619 = arith.constant 16 : i32
        %mul3A_620 = arith.muli %mul3A_619, %scan3A_498 : i32
        %get3A_621 = arith.constant 13 : i32
        %get3A_622 = arith.index_cast %get3A_621 : i32 to index
        %get3A_623 = arith.index_cast %mul3A_620 : i32 to index
        %get3A_624 = tpu.vector_load %arg7[%get3A_622, %get3A_623] {strides = array<i32>} : memref<16x640xf32, #tpu.memory_space<vmem>>, vector<16xf32>,
        %add3A_625 = arith.constant 13 : i32
        %add3A_626 = vector.broadcast %add3A_625 : i32 to vector<16xi32>
        %add3A_627 = arith.addi %add3A_502, %add3A_626 : vector<16xi32>
        tpu.vector_store_idx %arg10[%add3A_627], %get3A_624 : memref<10240xf32, #tpu.memory_space<vmem>>[vector<16xi32>], vector<16xf32>,
        %mul3A_628 = arith.constant 16 : i32
        %mul3A_629 = arith.muli %mul3A_628, %scan3A_498 : i32
        %get3A_630 = arith.constant 14 : i32
        %get3A_631 = arith.index_cast %get3A_630 : i32 to index
        %get3A_632 = arith.index_cast %mul3A_629 : i32 to index
        %get3A_633 = tpu.vector_load %arg7[%get3A_631, %get3A_632] {strides = array<i32>} : memref<16x640xf32, #tpu.memory_space<vmem>>, vector<16xf32>,
        %add3A_634 = arith.constant 14 : i32
        %add3A_635 = vector.broadcast %add3A_634 : i32 to vector<16xi32>
        %add3A_636 = arith.addi %add3A_502, %add3A_635 : vector<16xi32>
        tpu.vector_store_idx %arg10[%add3A_636], %get3A_633 : memref<10240xf32, #tpu.memory_space<vmem>>[vector<16xi32>], vector<16xf32>,
        %mul3A_637 = arith.constant 16 : i32
        %mul3A_638 = arith.muli %mul3A_637, %scan3A_498 : i32
        %get3A_639 = arith.constant 15 : i32
        %get3A_640 = arith.index_cast %get3A_639 : i32 to index
        %get3A_641 = arith.index_cast %mul3A_638 : i32 to index
        %get3A_642 = tpu.vector_load %arg7[%get3A_640, %get3A_641] {strides = array<i32>} : memref<16x640xf32, #tpu.memory_space<vmem>>, vector<16xf32>,
        %add3A_643 = arith.constant 15 : i32
        %add3A_644 = vector.broadcast %add3A_643 : i32 to vector<16xi32>
        %add3A_645 = arith.addi %add3A_502, %add3A_644 : vector<16xi32>
        tpu.vector_store_idx %arg10[%add3A_645], %get3A_642 : memref<10240xf32, #tpu.memory_space<vmem>>[vector<16xi32>], vector<16xf32>,
      }
      %scan3A_408 = arith.constant 40 : i32
      %mul3A_409 = arith.constant 16 : i32
      %mul3A_410 = arith.muli %add3A_76, %mul3A_409 : i32
      %multiple_of3A_411 = tpu.assume_multiple %mul3A_410, 2048 : i32
      %dma_start3A_412 = arith.constant 0 : i32
      %dma_start3A_413 = tpu.memref_slice %arg10[%dma_start3A_412] : memref<10240xf32, #tpu.memory_space<vmem>> -> memref<10240xf32, #tpu.memory_space<vmem>>
      %dma_start3A_414 = tpu.memref_slice %arg5[%multiple_of3A_411] : memref<1600000xf32, #tpu.memory_space<hbm>> -> memref<10240xf32, #tpu.memory_space<hbm>>
      %dma_start3A_415 = tpu.memref_slice %arg5[%multiple_of3A_411] : memref<1600000xf32, #tpu.memory_space<hbm>> -> memref<10240xf32, #tpu.memory_space<hbm>>
      %dma_start3A_416 = arith.constant 0 : i32
      %dma_start3A_417 = tpu.memref_slice %arg10[%dma_start3A_416] : memref<10240xf32, #tpu.memory_space<vmem>> -> memref<10240xf32, #tpu.memory_space<vmem>>
      tpu.enqueue_dma source(%dma_start3A_417 : memref<10240xf32, #tpu.memory_space<vmem>>) target(%dma_start3A_415 : memref<10240xf32, #tpu.memory_space<hbm>>) target_semaphore(%arg16 : memref<!tpu.dma_semaphore, #tpu.memory_space<semaphore_mem>>)
      %dma_wait3A_418 = arith.constant 0 : i32
      %dma_wait3A_419 = arith.constant 0 : i32
      %dma_wait3A_420 = tpu.memref_slice %arg8[%dma_wait3A_418, %dma_wait3A_419] : memref<16x640xf32, #tpu.memory_space<vmem>> -> memref<16x640xf32, #tpu.memory_space<vmem>>
      %dma_wait3A_421 = arith.constant 0 : i32
      %dma_wait3A_422 = tpu.memref_slice %arg3[%dma_wait3A_421, %multiple_of3A_344] : memref<16x100000xf32, #tpu.memory_space<hbm>> -> memref<16x640xf32, #tpu.memory_space<hbm>>
      %dma_wait3A_423 = arith.constant 0 : i32
      %dma_wait3A_424 = arith.constant 0 : i32
      %dma_wait3A_425 = tpu.memref_slice %arg8[%dma_wait3A_423, %dma_wait3A_424] : memref<16x640xf32, #tpu.memory_space<vmem>> -> memref<16x640xf32, #tpu.memory_space<vmem>>
      %dma_wait3A_426 = arith.constant 0 : i32
      %dma_wait3A_427 = tpu.memref_slice %arg3[%dma_wait3A_426, %multiple_of3A_344] : memref<16x100000xf32, #tpu.memory_space<hbm>> -> memref<16x640xf32, #tpu.memory_space<hbm>>
      tpu.wait_dma2 semaphore(%arg14 : memref<!tpu.dma_semaphore, #tpu.memory_space<semaphore_mem>>) src(%dma_wait3A_427 : memref<16x640xf32, #tpu.memory_space<hbm>>) dst(%dma_wait3A_425 : memref<16x640xf32, #tpu.memory_space<vmem>>)
      %dma_wait3A_428 = arith.constant 0 : i32
      %dma_wait3A_429 = tpu.memref_slice %arg11[%dma_wait3A_428] : memref<10240xf32, #tpu.memory_space<vmem>> -> memref<10240xf32, #tpu.memory_space<vmem>>
      %dma_wait3A_430 = tpu.memref_slice %arg5[%multiple_of3A_327] : memref<1600000xf32, #tpu.memory_space<hbm>> -> memref<10240xf32, #tpu.memory_space<hbm>>
      %dma_wait3A_431 = tpu.memref_slice %arg5[%multiple_of3A_327] : memref<1600000xf32, #tpu.memory_space<hbm>> -> memref<10240xf32, #tpu.memory_space<hbm>>
      %dma_wait3A_432 = arith.constant 0 : i32
      %dma_wait3A_433 = tpu.memref_slice %arg11[%dma_wait3A_432] : memref<10240xf32, #tpu.memory_space<vmem>> -> memref<10240xf32, #tpu.memory_space<vmem>>
      tpu.wait_dma2 semaphore(%arg17 : memref<!tpu.dma_semaphore, #tpu.memory_space<semaphore_mem>>) src(%dma_wait3A_433 : memref<10240xf32, #tpu.memory_space<vmem>>) dst(%dma_wait3A_431 : memref<10240xf32, #tpu.memory_space<hbm>>)
      %scan3A_434 = arith.constant 0 : i32
      %scan3A_435 = arith.constant 0 : i32
      %scan3A_436 = arith.constant 40 : i32
      %scan3A_437 = arith.addi %scan3A_435, %scan3A_436 : i32
      %scan3A_438 = arith.constant 1 : i32
      scf.for %scan3A_498 = %scan3A_435 to %scan3A_437 step %scan3A_438  : i32 {
        %mul3A_499 = arith.constant 256 : i32
        %mul3A_500 = arith.muli %mul3A_499, %scan3A_498 : i32
        %add3A_501 = vector.broadcast %mul3A_500 : i32 to vector<16xi32>
        %add3A_502 = arith.addi %add3A_501, %add3A_50 : vector<16xi32>
        %mul3A_503 = arith.constant 16 : i32
        %mul3A_504 = arith.muli %mul3A_503, %scan3A_498 : i32
        %get3A = arith.constant 0 : i32
        %get3A_505 = arith.index_cast %get3A : i32 to index
        %get3A_506 = arith.index_cast %mul3A_504 : i32 to index
        %get3A_507 = tpu.vector_load %arg8[%get3A_505, %get3A_506] {strides = array<i32>} : memref<16x640xf32, #tpu.memory_space<vmem>>, vector<16xf32>,
        %add3A_508 = arith.constant 0 : i32
        %add3A_509 = vector.broadcast %add3A_508 : i32 to vector<16xi32>
        %add3A_510 = arith.addi %add3A_502, %add3A_509 : vector<16xi32>
        tpu.vector_store_idx %arg11[%add3A_510], %get3A_507 : memref<10240xf32, #tpu.memory_space<vmem>>[vector<16xi32>], vector<16xf32>,
        %mul3A_511 = arith.constant 16 : i32
        %mul3A_512 = arith.muli %mul3A_511, %scan3A_498 : i32
        %get3A_513 = arith.constant 1 : i32
        %get3A_514 = arith.index_cast %get3A_513 : i32 to index
        %get3A_515 = arith.index_cast %mul3A_512 : i32 to index
        %get3A_516 = tpu.vector_load %arg8[%get3A_514, %get3A_515] {strides = array<i32>} : memref<16x640xf32, #tpu.memory_space<vmem>>, vector<16xf32>,
        %add3A_517 = arith.constant 1 : i32
        %add3A_518 = vector.broadcast %add3A_517 : i32 to vector<16xi32>
        %add3A_519 = arith.addi %add3A_502, %add3A_518 : vector<16xi32>
        tpu.vector_store_idx %arg11[%add3A_519], %get3A_516 : memref<10240xf32, #tpu.memory_space<vmem>>[vector<16xi32>], vector<16xf32>,
        %mul3A_520 = arith.constant 16 : i32
        %mul3A_521 = arith.muli %mul3A_520, %scan3A_498 : i32
        %get3A_522 = arith.constant 2 : i32
        %get3A_523 = arith.index_cast %get3A_522 : i32 to index
        %get3A_524 = arith.index_cast %mul3A_521 : i32 to index
        %get3A_525 = tpu.vector_load %arg8[%get3A_523, %get3A_524] {strides = array<i32>} : memref<16x640xf32, #tpu.memory_space<vmem>>, vector<16xf32>,
        %add3A_526 = arith.constant 2 : i32
        %add3A_527 = vector.broadcast %add3A_526 : i32 to vector<16xi32>
        %add3A_528 = arith.addi %add3A_502, %add3A_527 : vector<16xi32>
        tpu.vector_store_idx %arg11[%add3A_528], %get3A_525 : memref<10240xf32, #tpu.memory_space<vmem>>[vector<16xi32>], vector<16xf32>,
        %mul3A_529 = arith.constant 16 : i32
        %mul3A_530 = arith.muli %mul3A_529, %scan3A_498 : i32
        %get3A_531 = arith.constant 3 : i32
        %get3A_532 = arith.index_cast %get3A_531 : i32 to index
        %get3A_533 = arith.index_cast %mul3A_530 : i32 to index
        %get3A_534 = tpu.vector_load %arg8[%get3A_532, %get3A_533] {strides = array<i32>} : memref<16x640xf32, #tpu.memory_space<vmem>>, vector<16xf32>,
        %add3A_535 = arith.constant 3 : i32
        %add3A_536 = vector.broadcast %add3A_535 : i32 to vector<16xi32>
        %add3A_537 = arith.addi %add3A_502, %add3A_536 : vector<16xi32>
        tpu.vector_store_idx %arg11[%add3A_537], %get3A_534 : memref<10240xf32, #tpu.memory_space<vmem>>[vector<16xi32>], vector<16xf32>,
        %mul3A_538 = arith.constant 16 : i32
        %mul3A_539 = arith.muli %mul3A_538, %scan3A_498 : i32
        %get3A_540 = arith.constant 4 : i32
        %get3A_541 = arith.index_cast %get3A_540 : i32 to index
        %get3A_542 = arith.index_cast %mul3A_539 : i32 to index
        %get3A_543 = tpu.vector_load %arg8[%get3A_541, %get3A_542] {strides = array<i32>} : memref<16x640xf32, #tpu.memory_space<vmem>>, vector<16xf32>,
        %add3A_544 = arith.constant 4 : i32
        %add3A_545 = vector.broadcast %add3A_544 : i32 to vector<16xi32>
        %add3A_546 = arith.addi %add3A_502, %add3A_545 : vector<16xi32>
        tpu.vector_store_idx %arg11[%add3A_546], %get3A_543 : memref<10240xf32, #tpu.memory_space<vmem>>[vector<16xi32>], vector<16xf32>,
        %mul3A_547 = arith.constant 16 : i32
        %mul3A_548 = arith.muli %mul3A_547, %scan3A_498 : i32
        %get3A_549 = arith.constant 5 : i32
        %get3A_550 = arith.index_cast %get3A_549 : i32 to index
        %get3A_551 = arith.index_cast %mul3A_548 : i32 to index
        %get3A_552 = tpu.vector_load %arg8[%get3A_550, %get3A_551] {strides = array<i32>} : memref<16x640xf32, #tpu.memory_space<vmem>>, vector<16xf32>,
        %add3A_553 = arith.constant 5 : i32
        %add3A_554 = vector.broadcast %add3A_553 : i32 to vector<16xi32>
        %add3A_555 = arith.addi %add3A_502, %add3A_554 : vector<16xi32>
        tpu.vector_store_idx %arg11[%add3A_555], %get3A_552 : memref<10240xf32, #tpu.memory_space<vmem>>[vector<16xi32>], vector<16xf32>,
        %mul3A_556 = arith.constant 16 : i32
        %mul3A_557 = arith.muli %mul3A_556, %scan3A_498 : i32
        %get3A_558 = arith.constant 6 : i32
        %get3A_559 = arith.index_cast %get3A_558 : i32 to index
        %get3A_560 = arith.index_cast %mul3A_557 : i32 to index
        %get3A_561 = tpu.vector_load %arg8[%get3A_559, %get3A_560] {strides = array<i32>} : memref<16x640xf32, #tpu.memory_space<vmem>>, vector<16xf32>,
        %add3A_562 = arith.constant 6 : i32
        %add3A_563 = vector.broadcast %add3A_562 : i32 to vector<16xi32>
        %add3A_564 = arith.addi %add3A_502, %add3A_563 : vector<16xi32>
        tpu.vector_store_idx %arg11[%add3A_564], %get3A_561 : memref<10240xf32, #tpu.memory_space<vmem>>[vector<16xi32>], vector<16xf32>,
        %mul3A_565 = arith.constant 16 : i32
        %mul3A_566 = arith.muli %mul3A_565, %scan3A_498 : i32
        %get3A_567 = arith.constant 7 : i32
        %get3A_568 = arith.index_cast %get3A_567 : i32 to index
        %get3A_569 = arith.index_cast %mul3A_566 : i32 to index
        %get3A_570 = tpu.vector_load %arg8[%get3A_568, %get3A_569] {strides = array<i32>} : memref<16x640xf32, #tpu.memory_space<vmem>>, vector<16xf32>,
        %add3A_571 = arith.constant 7 : i32
        %add3A_572 = vector.broadcast %add3A_571 : i32 to vector<16xi32>
        %add3A_573 = arith.addi %add3A_502, %add3A_572 : vector<16xi32>
        tpu.vector_store_idx %arg11[%add3A_573], %get3A_570 : memref<10240xf32, #tpu.memory_space<vmem>>[vector<16xi32>], vector<16xf32>,
        %mul3A_574 = arith.constant 16 : i32
        %mul3A_575 = arith.muli %mul3A_574, %scan3A_498 : i32
        %get3A_576 = arith.constant 8 : i32
        %get3A_577 = arith.index_cast %get3A_576 : i32 to index
        %get3A_578 = arith.index_cast %mul3A_575 : i32 to index
        %get3A_579 = tpu.vector_load %arg8[%get3A_577, %get3A_578] {strides = array<i32>} : memref<16x640xf32, #tpu.memory_space<vmem>>, vector<16xf32>,
        %add3A_580 = arith.constant 8 : i32
        %add3A_581 = vector.broadcast %add3A_580 : i32 to vector<16xi32>
        %add3A_582 = arith.addi %add3A_502, %add3A_581 : vector<16xi32>
        tpu.vector_store_idx %arg11[%add3A_582], %get3A_579 : memref<10240xf32, #tpu.memory_space<vmem>>[vector<16xi32>], vector<16xf32>,
        %mul3A_583 = arith.constant 16 : i32
        %mul3A_584 = arith.muli %mul3A_583, %scan3A_498 : i32
        %get3A_585 = arith.constant 9 : i32
        %get3A_586 = arith.index_cast %get3A_585 : i32 to index
        %get3A_587 = arith.index_cast %mul3A_584 : i32 to index
        %get3A_588 = tpu.vector_load %arg8[%get3A_586, %get3A_587] {strides = array<i32>} : memref<16x640xf32, #tpu.memory_space<vmem>>, vector<16xf32>,
        %add3A_589 = arith.constant 9 : i32
        %add3A_590 = vector.broadcast %add3A_589 : i32 to vector<16xi32>
        %add3A_591 = arith.addi %add3A_502, %add3A_590 : vector<16xi32>
        tpu.vector_store_idx %arg11[%add3A_591], %get3A_588 : memref<10240xf32, #tpu.memory_space<vmem>>[vector<16xi32>], vector<16xf32>,
        %mul3A_592 = arith.constant 16 : i32
        %mul3A_593 = arith.muli %mul3A_592, %scan3A_498 : i32
        %get3A_594 = arith.constant 10 : i32
        %get3A_595 = arith.index_cast %get3A_594 : i32 to index
        %get3A_596 = arith.index_cast %mul3A_593 : i32 to index
        %get3A_597 = tpu.vector_load %arg8[%get3A_595, %get3A_596] {strides = array<i32>} : memref<16x640xf32, #tpu.memory_space<vmem>>, vector<16xf32>,
        %add3A_598 = arith.constant 10 : i32
        %add3A_599 = vector.broadcast %add3A_598 : i32 to vector<16xi32>
        %add3A_600 = arith.addi %add3A_502, %add3A_599 : vector<16xi32>
        tpu.vector_store_idx %arg11[%add3A_600], %get3A_597 : memref<10240xf32, #tpu.memory_space<vmem>>[vector<16xi32>], vector<16xf32>,
        %mul3A_601 = arith.constant 16 : i32
        %mul3A_602 = arith.muli %mul3A_601, %scan3A_498 : i32
        %get3A_603 = arith.constant 11 : i32
        %get3A_604 = arith.index_cast %get3A_603 : i32 to index
        %get3A_605 = arith.index_cast %mul3A_602 : i32 to index
        %get3A_606 = tpu.vector_load %arg8[%get3A_604, %get3A_605] {strides = array<i32>} : memref<16x640xf32, #tpu.memory_space<vmem>>, vector<16xf32>,
        %add3A_607 = arith.constant 11 : i32
        %add3A_608 = vector.broadcast %add3A_607 : i32 to vector<16xi32>
        %add3A_609 = arith.addi %add3A_502, %add3A_608 : vector<16xi32>
        tpu.vector_store_idx %arg11[%add3A_609], %get3A_606 : memref<10240xf32, #tpu.memory_space<vmem>>[vector<16xi32>], vector<16xf32>,
        %mul3A_610 = arith.constant 16 : i32
        %mul3A_611 = arith.muli %mul3A_610, %scan3A_498 : i32
        %get3A_612 = arith.constant 12 : i32
        %get3A_613 = arith.index_cast %get3A_612 : i32 to index
        %get3A_614 = arith.index_cast %mul3A_611 : i32 to index
        %get3A_615 = tpu.vector_load %arg8[%get3A_613, %get3A_614] {strides = array<i32>} : memref<16x640xf32, #tpu.memory_space<vmem>>, vector<16xf32>,
        %add3A_616 = arith.constant 12 : i32
        %add3A_617 = vector.broadcast %add3A_616 : i32 to vector<16xi32>
        %add3A_618 = arith.addi %add3A_502, %add3A_617 : vector<16xi32>
        tpu.vector_store_idx %arg11[%add3A_618], %get3A_615 : memref<10240xf32, #tpu.memory_space<vmem>>[vector<16xi32>], vector<16xf32>,
        %mul3A_619 = arith.constant 16 : i32
        %mul3A_620 = arith.muli %mul3A_619, %scan3A_498 : i32
        %get3A_621 = arith.constant 13 : i32
        %get3A_622 = arith.index_cast %get3A_621 : i32 to index
        %get3A_623 = arith.index_cast %mul3A_620 : i32 to index
        %get3A_624 = tpu.vector_load %arg8[%get3A_622, %get3A_623] {strides = array<i32>} : memref<16x640xf32, #tpu.memory_space<vmem>>, vector<16xf32>,
        %add3A_625 = arith.constant 13 : i32
        %add3A_626 = vector.broadcast %add3A_625 : i32 to vector<16xi32>
        %add3A_627 = arith.addi %add3A_502, %add3A_626 : vector<16xi32>
        tpu.vector_store_idx %arg11[%add3A_627], %get3A_624 : memref<10240xf32, #tpu.memory_space<vmem>>[vector<16xi32>], vector<16xf32>,
        %mul3A_628 = arith.constant 16 : i32
        %mul3A_629 = arith.muli %mul3A_628, %scan3A_498 : i32
        %get3A_630 = arith.constant 14 : i32
        %get3A_631 = arith.index_cast %get3A_630 : i32 to index
        %get3A_632 = arith.index_cast %mul3A_629 : i32 to index
        %get3A_633 = tpu.vector_load %arg8[%get3A_631, %get3A_632] {strides = array<i32>} : memref<16x640xf32, #tpu.memory_space<vmem>>, vector<16xf32>,
        %add3A_634 = arith.constant 14 : i32
        %add3A_635 = vector.broadcast %add3A_634 : i32 to vector<16xi32>
        %add3A_636 = arith.addi %add3A_502, %add3A_635 : vector<16xi32>
        tpu.vector_store_idx %arg11[%add3A_636], %get3A_633 : memref<10240xf32, #tpu.memory_space<vmem>>[vector<16xi32>], vector<16xf32>,
        %mul3A_637 = arith.constant 16 : i32
        %mul3A_638 = arith.muli %mul3A_637, %scan3A_498 : i32
        %get3A_639 = arith.constant 15 : i32
        %get3A_640 = arith.index_cast %get3A_639 : i32 to index
        %get3A_641 = arith.index_cast %mul3A_638 : i32 to index
        %get3A_642 = tpu.vector_load %arg8[%get3A_640, %get3A_641] {strides = array<i32>} : memref<16x640xf32, #tpu.memory_space<vmem>>, vector<16xf32>,
        %add3A_643 = arith.constant 15 : i32
        %add3A_644 = vector.broadcast %add3A_643 : i32 to vector<16xi32>
        %add3A_645 = arith.addi %add3A_502, %add3A_644 : vector<16xi32>
        tpu.vector_store_idx %arg11[%add3A_645], %get3A_642 : memref<10240xf32, #tpu.memory_space<vmem>>[vector<16xi32>], vector<16xf32>,
      }
      %scan3A_439 = arith.constant 40 : i32
      %mul3A_440 = arith.constant 16 : i32
      %mul3A_441 = arith.muli %add3A_78, %mul3A_440 : i32
      %multiple_of3A_442 = tpu.assume_multiple %mul3A_441, 2048 : i32
      %dma_start3A_443 = arith.constant 0 : i32
      %dma_start3A_444 = tpu.memref_slice %arg11[%dma_start3A_443] : memref<10240xf32, #tpu.memory_space<vmem>> -> memref<10240xf32, #tpu.memory_space<vmem>>
      %dma_start3A_445 = tpu.memref_slice %arg5[%multiple_of3A_442] : memref<1600000xf32, #tpu.memory_space<hbm>> -> memref<10240xf32, #tpu.memory_space<hbm>>
      %dma_start3A_446 = tpu.memref_slice %arg5[%multiple_of3A_442] : memref<1600000xf32, #tpu.memory_space<hbm>> -> memref<10240xf32, #tpu.memory_space<hbm>>
      %dma_start3A_447 = arith.constant 0 : i32
      %dma_start3A_448 = tpu.memref_slice %arg11[%dma_start3A_447] : memref<10240xf32, #tpu.memory_space<vmem>> -> memref<10240xf32, #tpu.memory_space<vmem>>
      tpu.enqueue_dma source(%dma_start3A_448 : memref<10240xf32, #tpu.memory_space<vmem>>) target(%dma_start3A_446 : memref<10240xf32, #tpu.memory_space<hbm>>) target_semaphore(%arg17 : memref<!tpu.dma_semaphore, #tpu.memory_space<semaphore_mem>>)
      %dma_wait3A_449 = arith.constant 0 : i32
      %dma_wait3A_450 = arith.constant 0 : i32
      %dma_wait3A_451 = tpu.memref_slice %arg6[%dma_wait3A_449, %dma_wait3A_450] : memref<16x640xf32, #tpu.memory_space<vmem>> -> memref<16x640xf32, #tpu.memory_space<vmem>>
      %dma_wait3A_452 = arith.constant 0 : i32
      %dma_wait3A_453 = tpu.memref_slice %arg3[%dma_wait3A_452, %multiple_of3A_386] : memref<16x100000xf32, #tpu.memory_space<hbm>> -> memref<16x640xf32, #tpu.memory_space<hbm>>
      %dma_wait3A_454 = arith.constant 0 : i32
      %dma_wait3A_455 = arith.constant 0 : i32
      %dma_wait3A_456 = tpu.memref_slice %arg6[%dma_wait3A_454, %dma_wait3A_455] : memref<16x640xf32, #tpu.memory_space<vmem>> -> memref<16x640xf32, #tpu.memory_space<vmem>>
      %dma_wait3A_457 = arith.constant 0 : i32
      %dma_wait3A_458 = tpu.memref_slice %arg3[%dma_wait3A_457, %multiple_of3A_386] : memref<16x100000xf32, #tpu.memory_space<hbm>> -> memref<16x640xf32, #tpu.memory_space<hbm>>
      tpu.wait_dma2 semaphore(%arg12 : memref<!tpu.dma_semaphore, #tpu.memory_space<semaphore_mem>>) src(%dma_wait3A_458 : memref<16x640xf32, #tpu.memory_space<hbm>>) dst(%dma_wait3A_456 : memref<16x640xf32, #tpu.memory_space<vmem>>)
      %dma_wait3A_459 = arith.constant 0 : i32
      %dma_wait3A_460 = tpu.memref_slice %arg9[%dma_wait3A_459] : memref<10240xf32, #tpu.memory_space<vmem>> -> memref<10240xf32, #tpu.memory_space<vmem>>
      %dma_wait3A_461 = tpu.memref_slice %arg5[%multiple_of3A_369] : memref<1600000xf32, #tpu.memory_space<hbm>> -> memref<10240xf32, #tpu.memory_space<hbm>>
      %dma_wait3A_462 = tpu.memref_slice %arg5[%multiple_of3A_369] : memref<1600000xf32, #tpu.memory_space<hbm>> -> memref<10240xf32, #tpu.memory_space<hbm>>
      %dma_wait3A_463 = arith.constant 0 : i32
      %dma_wait3A_464 = tpu.memref_slice %arg9[%dma_wait3A_463] : memref<10240xf32, #tpu.memory_space<vmem>> -> memref<10240xf32, #tpu.memory_space<vmem>>
      tpu.wait_dma2 semaphore(%arg15 : memref<!tpu.dma_semaphore, #tpu.memory_space<semaphore_mem>>) src(%dma_wait3A_464 : memref<10240xf32, #tpu.memory_space<vmem>>) dst(%dma_wait3A_462 : memref<10240xf32, #tpu.memory_space<hbm>>)
      %scan3A_465 = arith.constant 0 : i32
      %scan3A_466 = arith.constant 0 : i32
      %scan3A_467 = arith.constant 40 : i32
      %scan3A_468 = arith.addi %scan3A_466, %scan3A_467 : i32
      %scan3A_469 = arith.constant 1 : i32
      scf.for %scan3A_498 = %scan3A_466 to %scan3A_468 step %scan3A_469  : i32 {
        %mul3A_499 = arith.constant 256 : i32
        %mul3A_500 = arith.muli %mul3A_499, %scan3A_498 : i32
        %add3A_501 = vector.broadcast %mul3A_500 : i32 to vector<16xi32>
        %add3A_502 = arith.addi %add3A_501, %add3A_50 : vector<16xi32>
        %mul3A_503 = arith.constant 16 : i32
        %mul3A_504 = arith.muli %mul3A_503, %scan3A_498 : i32
        %get3A = arith.constant 0 : i32
        %get3A_505 = arith.index_cast %get3A : i32 to index
        %get3A_506 = arith.index_cast %mul3A_504 : i32 to index
        %get3A_507 = tpu.vector_load %arg6[%get3A_505, %get3A_506] {strides = array<i32>} : memref<16x640xf32, #tpu.memory_space<vmem>>, vector<16xf32>,
        %add3A_508 = arith.constant 0 : i32
        %add3A_509 = vector.broadcast %add3A_508 : i32 to vector<16xi32>
        %add3A_510 = arith.addi %add3A_502, %add3A_509 : vector<16xi32>
        tpu.vector_store_idx %arg9[%add3A_510], %get3A_507 : memref<10240xf32, #tpu.memory_space<vmem>>[vector<16xi32>], vector<16xf32>,
        %mul3A_511 = arith.constant 16 : i32
        %mul3A_512 = arith.muli %mul3A_511, %scan3A_498 : i32
        %get3A_513 = arith.constant 1 : i32
        %get3A_514 = arith.index_cast %get3A_513 : i32 to index
        %get3A_515 = arith.index_cast %mul3A_512 : i32 to index
        %get3A_516 = tpu.vector_load %arg6[%get3A_514, %get3A_515] {strides = array<i32>} : memref<16x640xf32, #tpu.memory_space<vmem>>, vector<16xf32>,
        %add3A_517 = arith.constant 1 : i32
        %add3A_518 = vector.broadcast %add3A_517 : i32 to vector<16xi32>
        %add3A_519 = arith.addi %add3A_502, %add3A_518 : vector<16xi32>
        tpu.vector_store_idx %arg9[%add3A_519], %get3A_516 : memref<10240xf32, #tpu.memory_space<vmem>>[vector<16xi32>], vector<16xf32>,
        %mul3A_520 = arith.constant 16 : i32
        %mul3A_521 = arith.muli %mul3A_520, %scan3A_498 : i32
        %get3A_522 = arith.constant 2 : i32
        %get3A_523 = arith.index_cast %get3A_522 : i32 to index
        %get3A_524 = arith.index_cast %mul3A_521 : i32 to index
        %get3A_525 = tpu.vector_load %arg6[%get3A_523, %get3A_524] {strides = array<i32>} : memref<16x640xf32, #tpu.memory_space<vmem>>, vector<16xf32>,
        %add3A_526 = arith.constant 2 : i32
        %add3A_527 = vector.broadcast %add3A_526 : i32 to vector<16xi32>
        %add3A_528 = arith.addi %add3A_502, %add3A_527 : vector<16xi32>
        tpu.vector_store_idx %arg9[%add3A_528], %get3A_525 : memref<10240xf32, #tpu.memory_space<vmem>>[vector<16xi32>], vector<16xf32>,
        %mul3A_529 = arith.constant 16 : i32
        %mul3A_530 = arith.muli %mul3A_529, %scan3A_498 : i32
        %get3A_531 = arith.constant 3 : i32
        %get3A_532 = arith.index_cast %get3A_531 : i32 to index
        %get3A_533 = arith.index_cast %mul3A_530 : i32 to index
        %get3A_534 = tpu.vector_load %arg6[%get3A_532, %get3A_533] {strides = array<i32>} : memref<16x640xf32, #tpu.memory_space<vmem>>, vector<16xf32>,
        %add3A_535 = arith.constant 3 : i32
        %add3A_536 = vector.broadcast %add3A_535 : i32 to vector<16xi32>
        %add3A_537 = arith.addi %add3A_502, %add3A_536 : vector<16xi32>
        tpu.vector_store_idx %arg9[%add3A_537], %get3A_534 : memref<10240xf32, #tpu.memory_space<vmem>>[vector<16xi32>], vector<16xf32>,
        %mul3A_538 = arith.constant 16 : i32
        %mul3A_539 = arith.muli %mul3A_538, %scan3A_498 : i32
        %get3A_540 = arith.constant 4 : i32
        %get3A_541 = arith.index_cast %get3A_540 : i32 to index
        %get3A_542 = arith.index_cast %mul3A_539 : i32 to index
        %get3A_543 = tpu.vector_load %arg6[%get3A_541, %get3A_542] {strides = array<i32>} : memref<16x640xf32, #tpu.memory_space<vmem>>, vector<16xf32>,
        %add3A_544 = arith.constant 4 : i32
        %add3A_545 = vector.broadcast %add3A_544 : i32 to vector<16xi32>
        %add3A_546 = arith.addi %add3A_502, %add3A_545 : vector<16xi32>
        tpu.vector_store_idx %arg9[%add3A_546], %get3A_543 : memref<10240xf32, #tpu.memory_space<vmem>>[vector<16xi32>], vector<16xf32>,
        %mul3A_547 = arith.constant 16 : i32
        %mul3A_548 = arith.muli %mul3A_547, %scan3A_498 : i32
        %get3A_549 = arith.constant 5 : i32
        %get3A_550 = arith.index_cast %get3A_549 : i32 to index
        %get3A_551 = arith.index_cast %mul3A_548 : i32 to index
        %get3A_552 = tpu.vector_load %arg6[%get3A_550, %get3A_551] {strides = array<i32>} : memref<16x640xf32, #tpu.memory_space<vmem>>, vector<16xf32>,
        %add3A_553 = arith.constant 5 : i32
        %add3A_554 = vector.broadcast %add3A_553 : i32 to vector<16xi32>
        %add3A_555 = arith.addi %add3A_502, %add3A_554 : vector<16xi32>
        tpu.vector_store_idx %arg9[%add3A_555], %get3A_552 : memref<10240xf32, #tpu.memory_space<vmem>>[vector<16xi32>], vector<16xf32>,
        %mul3A_556 = arith.constant 16 : i32
        %mul3A_557 = arith.muli %mul3A_556, %scan3A_498 : i32
        %get3A_558 = arith.constant 6 : i32
        %get3A_559 = arith.index_cast %get3A_558 : i32 to index
        %get3A_560 = arith.index_cast %mul3A_557 : i32 to index
        %get3A_561 = tpu.vector_load %arg6[%get3A_559, %get3A_560] {strides = array<i32>} : memref<16x640xf32, #tpu.memory_space<vmem>>, vector<16xf32>,
        %add3A_562 = arith.constant 6 : i32
        %add3A_563 = vector.broadcast %add3A_562 : i32 to vector<16xi32>
        %add3A_564 = arith.addi %add3A_502, %add3A_563 : vector<16xi32>
        tpu.vector_store_idx %arg9[%add3A_564], %get3A_561 : memref<10240xf32, #tpu.memory_space<vmem>>[vector<16xi32>], vector<16xf32>,
        %mul3A_565 = arith.constant 16 : i32
        %mul3A_566 = arith.muli %mul3A_565, %scan3A_498 : i32
        %get3A_567 = arith.constant 7 : i32
        %get3A_568 = arith.index_cast %get3A_567 : i32 to index
        %get3A_569 = arith.index_cast %mul3A_566 : i32 to index
        %get3A_570 = tpu.vector_load %arg6[%get3A_568, %get3A_569] {strides = array<i32>} : memref<16x640xf32, #tpu.memory_space<vmem>>, vector<16xf32>,
        %add3A_571 = arith.constant 7 : i32
        %add3A_572 = vector.broadcast %add3A_571 : i32 to vector<16xi32>
        %add3A_573 = arith.addi %add3A_502, %add3A_572 : vector<16xi32>
        tpu.vector_store_idx %arg9[%add3A_573], %get3A_570 : memref<10240xf32, #tpu.memory_space<vmem>>[vector<16xi32>], vector<16xf32>,
        %mul3A_574 = arith.constant 16 : i32
        %mul3A_575 = arith.muli %mul3A_574, %scan3A_498 : i32
        %get3A_576 = arith.constant 8 : i32
        %get3A_577 = arith.index_cast %get3A_576 : i32 to index
        %get3A_578 = arith.index_cast %mul3A_575 : i32 to index
        %get3A_579 = tpu.vector_load %arg6[%get3A_577, %get3A_578] {strides = array<i32>} : memref<16x640xf32, #tpu.memory_space<vmem>>, vector<16xf32>,
        %add3A_580 = arith.constant 8 : i32
        %add3A_581 = vector.broadcast %add3A_580 : i32 to vector<16xi32>
        %add3A_582 = arith.addi %add3A_502, %add3A_581 : vector<16xi32>
        tpu.vector_store_idx %arg9[%add3A_582], %get3A_579 : memref<10240xf32, #tpu.memory_space<vmem>>[vector<16xi32>], vector<16xf32>,
        %mul3A_583 = arith.constant 16 : i32
        %mul3A_584 = arith.muli %mul3A_583, %scan3A_498 : i32
        %get3A_585 = arith.constant 9 : i32
        %get3A_586 = arith.index_cast %get3A_585 : i32 to index
        %get3A_587 = arith.index_cast %mul3A_584 : i32 to index
        %get3A_588 = tpu.vector_load %arg6[%get3A_586, %get3A_587] {strides = array<i32>} : memref<16x640xf32, #tpu.memory_space<vmem>>, vector<16xf32>,
        %add3A_589 = arith.constant 9 : i32
        %add3A_590 = vector.broadcast %add3A_589 : i32 to vector<16xi32>
        %add3A_591 = arith.addi %add3A_502, %add3A_590 : vector<16xi32>
        tpu.vector_store_idx %arg9[%add3A_591], %get3A_588 : memref<10240xf32, #tpu.memory_space<vmem>>[vector<16xi32>], vector<16xf32>,
        %mul3A_592 = arith.constant 16 : i32
        %mul3A_593 = arith.muli %mul3A_592, %scan3A_498 : i32
        %get3A_594 = arith.constant 10 : i32
        %get3A_595 = arith.index_cast %get3A_594 : i32 to index
        %get3A_596 = arith.index_cast %mul3A_593 : i32 to index
        %get3A_597 = tpu.vector_load %arg6[%get3A_595, %get3A_596] {strides = array<i32>} : memref<16x640xf32, #tpu.memory_space<vmem>>, vector<16xf32>,
        %add3A_598 = arith.constant 10 : i32
        %add3A_599 = vector.broadcast %add3A_598 : i32 to vector<16xi32>
        %add3A_600 = arith.addi %add3A_502, %add3A_599 : vector<16xi32>
        tpu.vector_store_idx %arg9[%add3A_600], %get3A_597 : memref<10240xf32, #tpu.memory_space<vmem>>[vector<16xi32>], vector<16xf32>,
        %mul3A_601 = arith.constant 16 : i32
        %mul3A_602 = arith.muli %mul3A_601, %scan3A_498 : i32
        %get3A_603 = arith.constant 11 : i32
        %get3A_604 = arith.index_cast %get3A_603 : i32 to index
        %get3A_605 = arith.index_cast %mul3A_602 : i32 to index
        %get3A_606 = tpu.vector_load %arg6[%get3A_604, %get3A_605] {strides = array<i32>} : memref<16x640xf32, #tpu.memory_space<vmem>>, vector<16xf32>,
        %add3A_607 = arith.constant 11 : i32
        %add3A_608 = vector.broadcast %add3A_607 : i32 to vector<16xi32>
        %add3A_609 = arith.addi %add3A_502, %add3A_608 : vector<16xi32>
        tpu.vector_store_idx %arg9[%add3A_609], %get3A_606 : memref<10240xf32, #tpu.memory_space<vmem>>[vector<16xi32>], vector<16xf32>,
        %mul3A_610 = arith.constant 16 : i32
        %mul3A_611 = arith.muli %mul3A_610, %scan3A_498 : i32
        %get3A_612 = arith.constant 12 : i32
        %get3A_613 = arith.index_cast %get3A_612 : i32 to index
        %get3A_614 = arith.index_cast %mul3A_611 : i32 to index
        %get3A_615 = tpu.vector_load %arg6[%get3A_613, %get3A_614] {strides = array<i32>} : memref<16x640xf32, #tpu.memory_space<vmem>>, vector<16xf32>,
        %add3A_616 = arith.constant 12 : i32
        %add3A_617 = vector.broadcast %add3A_616 : i32 to vector<16xi32>
        %add3A_618 = arith.addi %add3A_502, %add3A_617 : vector<16xi32>
        tpu.vector_store_idx %arg9[%add3A_618], %get3A_615 : memref<10240xf32, #tpu.memory_space<vmem>>[vector<16xi32>], vector<16xf32>,
        %mul3A_619 = arith.constant 16 : i32
        %mul3A_620 = arith.muli %mul3A_619, %scan3A_498 : i32
        %get3A_621 = arith.constant 13 : i32
        %get3A_622 = arith.index_cast %get3A_621 : i32 to index
        %get3A_623 = arith.index_cast %mul3A_620 : i32 to index
        %get3A_624 = tpu.vector_load %arg6[%get3A_622, %get3A_623] {strides = array<i32>} : memref<16x640xf32, #tpu.memory_space<vmem>>, vector<16xf32>,
        %add3A_625 = arith.constant 13 : i32
        %add3A_626 = vector.broadcast %add3A_625 : i32 to vector<16xi32>
        %add3A_627 = arith.addi %add3A_502, %add3A_626 : vector<16xi32>
        tpu.vector_store_idx %arg9[%add3A_627], %get3A_624 : memref<10240xf32, #tpu.memory_space<vmem>>[vector<16xi32>], vector<16xf32>,
        %mul3A_628 = arith.constant 16 : i32
        %mul3A_629 = arith.muli %mul3A_628, %scan3A_498 : i32
        %get3A_630 = arith.constant 14 : i32
        %get3A_631 = arith.index_cast %get3A_630 : i32 to index
        %get3A_632 = arith.index_cast %mul3A_629 : i32 to index
        %get3A_633 = tpu.vector_load %arg6[%get3A_631, %get3A_632] {strides = array<i32>} : memref<16x640xf32, #tpu.memory_space<vmem>>, vector<16xf32>,
        %add3A_634 = arith.constant 14 : i32
        %add3A_635 = vector.broadcast %add3A_634 : i32 to vector<16xi32>
        %add3A_636 = arith.addi %add3A_502, %add3A_635 : vector<16xi32>
        tpu.vector_store_idx %arg9[%add3A_636], %get3A_633 : memref<10240xf32, #tpu.memory_space<vmem>>[vector<16xi32>], vector<16xf32>,
        %mul3A_637 = arith.constant 16 : i32
        %mul3A_638 = arith.muli %mul3A_637, %scan3A_498 : i32
        %get3A_639 = arith.constant 15 : i32
        %get3A_640 = arith.index_cast %get3A_639 : i32 to index
        %get3A_641 = arith.index_cast %mul3A_638 : i32 to index
        %get3A_642 = tpu.vector_load %arg6[%get3A_640, %get3A_641] {strides = array<i32>} : memref<16x640xf32, #tpu.memory_space<vmem>>, vector<16xf32>,
        %add3A_643 = arith.constant 15 : i32
        %add3A_644 = vector.broadcast %add3A_643 : i32 to vector<16xi32>
        %add3A_645 = arith.addi %add3A_502, %add3A_644 : vector<16xi32>
        tpu.vector_store_idx %arg9[%add3A_645], %get3A_642 : memref<10240xf32, #tpu.memory_space<vmem>>[vector<16xi32>], vector<16xf32>,
      }
      %scan3A_470 = arith.constant 40 : i32
      %mul3A_471 = arith.constant 16 : i32
      %mul3A_472 = arith.muli %add3A_80, %mul3A_471 : i32
      %multiple_of3A_473 = tpu.assume_multiple %mul3A_472, 2048 : i32
      %dma_start3A_474 = arith.constant 0 : i32
      %dma_start3A_475 = tpu.memref_slice %arg9[%dma_start3A_474] : memref<10240xf32, #tpu.memory_space<vmem>> -> memref<10240xf32, #tpu.memory_space<vmem>>
      %dma_start3A_476 = tpu.memref_slice %arg5[%multiple_of3A_473] : memref<1600000xf32, #tpu.memory_space<hbm>> -> memref<10240xf32, #tpu.memory_space<hbm>>
      %dma_start3A_477 = tpu.memref_slice %arg5[%multiple_of3A_473] : memref<1600000xf32, #tpu.memory_space<hbm>> -> memref<10240xf32, #tpu.memory_space<hbm>>
      %dma_start3A_478 = arith.constant 0 : i32
      %dma_start3A_479 = tpu.memref_slice %arg9[%dma_start3A_478] : memref<10240xf32, #tpu.memory_space<vmem>> -> memref<10240xf32, #tpu.memory_space<vmem>>
      tpu.enqueue_dma source(%dma_start3A_479 : memref<10240xf32, #tpu.memory_space<vmem>>) target(%dma_start3A_477 : memref<10240xf32, #tpu.memory_space<hbm>>) target_semaphore(%arg15 : memref<!tpu.dma_semaphore, #tpu.memory_space<semaphore_mem>>)
      %dma_wait3A_480 = arith.constant 0 : i32
      %dma_wait3A_481 = tpu.memref_slice %arg9[%dma_wait3A_480] : memref<10240xf32, #tpu.memory_space<vmem>> -> memref<10240xf32, #tpu.memory_space<vmem>>
      %dma_wait3A_482 = tpu.memref_slice %arg5[%multiple_of3A_473] : memref<1600000xf32, #tpu.memory_space<hbm>> -> memref<10240xf32, #tpu.memory_space<hbm>>
      %dma_wait3A_483 = tpu.memref_slice %arg5[%multiple_of3A_473] : memref<1600000xf32, #tpu.memory_space<hbm>> -> memref<10240xf32, #tpu.memory_space<hbm>>
      %dma_wait3A_484 = arith.constant 0 : i32
      %dma_wait3A_485 = tpu.memref_slice %arg9[%dma_wait3A_484] : memref<10240xf32, #tpu.memory_space<vmem>> -> memref<10240xf32, #tpu.memory_space<vmem>>
      tpu.wait_dma2 semaphore(%arg15 : memref<!tpu.dma_semaphore, #tpu.memory_space<semaphore_mem>>) src(%dma_wait3A_485 : memref<10240xf32, #tpu.memory_space<vmem>>) dst(%dma_wait3A_483 : memref<10240xf32, #tpu.memory_space<hbm>>)
      %dma_wait3A_486 = arith.constant 0 : i32
      %dma_wait3A_487 = tpu.memref_slice %arg10[%dma_wait3A_486] : memref<10240xf32, #tpu.memory_space<vmem>> -> memref<10240xf32, #tpu.memory_space<vmem>>
      %dma_wait3A_488 = tpu.memref_slice %arg5[%multiple_of3A_411] : memref<1600000xf32, #tpu.memory_space<hbm>> -> memref<10240xf32, #tpu.memory_space<hbm>>
      %dma_wait3A_489 = tpu.memref_slice %arg5[%multiple_of3A_411] : memref<1600000xf32, #tpu.memory_space<hbm>> -> memref<10240xf32, #tpu.memory_space<hbm>>
      %dma_wait3A_490 = arith.constant 0 : i32
      %dma_wait3A_491 = tpu.memref_slice %arg10[%dma_wait3A_490] : memref<10240xf32, #tpu.memory_space<vmem>> -> memref<10240xf32, #tpu.memory_space<vmem>>
      tpu.wait_dma2 semaphore(%arg16 : memref<!tpu.dma_semaphore, #tpu.memory_space<semaphore_mem>>) src(%dma_wait3A_491 : memref<10240xf32, #tpu.memory_space<vmem>>) dst(%dma_wait3A_489 : memref<10240xf32, #tpu.memory_space<hbm>>)
      %dma_wait3A_492 = arith.constant 0 : i32
      %dma_wait3A_493 = tpu.memref_slice %arg11[%dma_wait3A_492] : memref<10240xf32, #tpu.memory_space<vmem>> -> memref<10240xf32, #tpu.memory_space<vmem>>
      %dma_wait3A_494 = tpu.memref_slice %arg5[%multiple_of3A_442] : memref<1600000xf32, #tpu.memory_space<hbm>> -> memref<10240xf32, #tpu.memory_space<hbm>>
      %dma_wait3A_495 = tpu.memref_slice %arg5[%multiple_of3A_442] : memref<1600000xf32, #tpu.memory_space<hbm>> -> memref<10240xf32, #tpu.memory_space<hbm>>
      %dma_wait3A_496 = arith.constant 0 : i32
      %dma_wait3A_497 = tpu.memref_slice %arg11[%dma_wait3A_496] : memref<10240xf32, #tpu.memory_space<vmem>> -> memref<10240xf32, #tpu.memory_space<vmem>>
      tpu.wait_dma2 semaphore(%arg17 : memref<!tpu.dma_semaphore, #tpu.memory_space<semaphore_mem>>) src(%dma_wait3A_497 : memref<10240xf32, #tpu.memory_space<vmem>>) dst(%dma_wait3A_495 : memref<10240xf32, #tpu.memory_space<hbm>>)
    } else {
    }
    %eq3A_54 = arith.constant 31 : i32
    %eq3A_55 = arith.cmpi eq, %add3A, %eq3A_54 : i32
    %convert_element_type3A_56 = arith.extui %eq3A_55 : i1 to i32
    %cond3A_57 = arith.constant 0 : i32
    %cond3A_58 = arith.cmpi ne, %convert_element_type3A_56, %cond3A_57 : i32
    scf.if %cond3A_58 {
      %multiple_of3A = arith.constant 99200 : i32
      %multiple_of3A_59 = tpu.assume_multiple %multiple_of3A, 128 : i32
      %dma_start3A = arith.constant 0 : i32
      %dma_start3A_60 = arith.constant 0 : i32
      %dma_start3A_61 = tpu.memref_slice %arg6[%dma_start3A, %dma_start3A_60] : memref<16x640xf32, #tpu.memory_space<vmem>> -> memref<16x384xf32, #tpu.memory_space<vmem>>
      %dma_start3A_62 = arith.constant 0 : i32
      %dma_start3A_63 = tpu.memref_slice %arg2[%dma_start3A_62, %multiple_of3A_59] : memref<16x100000xf32, #tpu.memory_space<hbm>> -> memref<16x384xf32, #tpu.memory_space<hbm>>
      %dma_start3A_64 = arith.constant 0 : i32
      %dma_start3A_65 = arith.constant 0 : i32
      %dma_start3A_66 = tpu.memref_slice %arg6[%dma_start3A_64, %dma_start3A_65] : memref<16x640xf32, #tpu.memory_space<vmem>> -> memref<16x384xf32, #tpu.memory_space<vmem>>
      %dma_start3A_67 = arith.constant 0 : i32
      %dma_start3A_68 = tpu.memref_slice %arg2[%dma_start3A_67, %multiple_of3A_59] : memref<16x100000xf32, #tpu.memory_space<hbm>> -> memref<16x384xf32, #tpu.memory_space<hbm>>
      tpu.enqueue_dma source(%dma_start3A_68 : memref<16x384xf32, #tpu.memory_space<hbm>>) target(%dma_start3A_66 : memref<16x384xf32, #tpu.memory_space<vmem>>) target_semaphore(%arg12 : memref<!tpu.dma_semaphore, #tpu.memory_space<semaphore_mem>>)
      %multiple_of3A_69 = arith.constant 99584 : i32
      %multiple_of3A_70 = tpu.assume_multiple %multiple_of3A_69, 128 : i32
      %dma_start3A_71 = arith.constant 0 : i32
      %dma_start3A_72 = arith.constant 0 : i32
      %dma_start3A_73 = tpu.memref_slice %arg7[%dma_start3A_71, %dma_start3A_72] : memref<16x640xf32, #tpu.memory_space<vmem>> -> memref<16x384xf32, #tpu.memory_space<vmem>>
      %dma_start3A_74 = arith.constant 0 : i32
      %dma_start3A_75 = tpu.memref_slice %arg2[%dma_start3A_74, %multiple_of3A_70] : memref<16x100000xf32, #tpu.memory_space<hbm>> -> memref<16x384xf32, #tpu.memory_space<hbm>>
      %dma_start3A_76 = arith.constant 0 : i32
      %dma_start3A_77 = arith.constant 0 : i32
      %dma_start3A_78 = tpu.memref_slice %arg7[%dma_start3A_76, %dma_start3A_77] : memref<16x640xf32, #tpu.memory_space<vmem>> -> memref<16x384xf32, #tpu.memory_space<vmem>>
      %dma_start3A_79 = arith.constant 0 : i32
      %dma_start3A_80 = tpu.memref_slice %arg2[%dma_start3A_79, %multiple_of3A_70] : memref<16x100000xf32, #tpu.memory_space<hbm>> -> memref<16x384xf32, #tpu.memory_space<hbm>>
      tpu.enqueue_dma source(%dma_start3A_80 : memref<16x384xf32, #tpu.memory_space<hbm>>) target(%dma_start3A_78 : memref<16x384xf32, #tpu.memory_space<vmem>>) target_semaphore(%arg13 : memref<!tpu.dma_semaphore, #tpu.memory_space<semaphore_mem>>)
      %dma_wait3A = arith.constant 0 : i32
      %dma_wait3A_81 = arith.constant 0 : i32
      %dma_wait3A_82 = tpu.memref_slice %arg6[%dma_wait3A, %dma_wait3A_81] : memref<16x640xf32, #tpu.memory_space<vmem>> -> memref<16x384xf32, #tpu.memory_space<vmem>>
      %dma_wait3A_83 = arith.constant 0 : i32
      %dma_wait3A_84 = tpu.memref_slice %arg2[%dma_wait3A_83, %multiple_of3A_59] : memref<16x100000xf32, #tpu.memory_space<hbm>> -> memref<16x384xf32, #tpu.memory_space<hbm>>
      %dma_wait3A_85 = arith.constant 0 : i32
      %dma_wait3A_86 = arith.constant 0 : i32
      %dma_wait3A_87 = tpu.memref_slice %arg6[%dma_wait3A_85, %dma_wait3A_86] : memref<16x640xf32, #tpu.memory_space<vmem>> -> memref<16x384xf32, #tpu.memory_space<vmem>>
      %dma_wait3A_88 = arith.constant 0 : i32
      %dma_wait3A_89 = tpu.memref_slice %arg2[%dma_wait3A_88, %multiple_of3A_59] : memref<16x100000xf32, #tpu.memory_space<hbm>> -> memref<16x384xf32, #tpu.memory_space<hbm>>
      tpu.wait_dma2 semaphore(%arg12 : memref<!tpu.dma_semaphore, #tpu.memory_space<semaphore_mem>>) src(%dma_wait3A_89 : memref<16x384xf32, #tpu.memory_space<hbm>>) dst(%dma_wait3A_87 : memref<16x384xf32, #tpu.memory_space<vmem>>)
      %multiple_of3A_90 = arith.constant 99200 : i32
      %multiple_of3A_91 = tpu.assume_multiple %multiple_of3A_90, 128 : i32
      %dma_start3A_92 = arith.constant 0 : i32
      %dma_start3A_93 = arith.constant 0 : i32
      %dma_start3A_94 = tpu.memref_slice %arg8[%dma_start3A_92, %dma_start3A_93] : memref<16x640xf32, #tpu.memory_space<vmem>> -> memref<16x384xf32, #tpu.memory_space<vmem>>
      %dma_start3A_95 = arith.constant 0 : i32
      %dma_start3A_96 = tpu.memref_slice %arg3[%dma_start3A_95, %multiple_of3A_91] : memref<16x100000xf32, #tpu.memory_space<hbm>> -> memref<16x384xf32, #tpu.memory_space<hbm>>
      %dma_start3A_97 = arith.constant 0 : i32
      %dma_start3A_98 = arith.constant 0 : i32
      %dma_start3A_99 = tpu.memref_slice %arg8[%dma_start3A_97, %dma_start3A_98] : memref<16x640xf32, #tpu.memory_space<vmem>> -> memref<16x384xf32, #tpu.memory_space<vmem>>
      %dma_start3A_100 = arith.constant 0 : i32
      %dma_start3A_101 = tpu.memref_slice %arg3[%dma_start3A_100, %multiple_of3A_91] : memref<16x100000xf32, #tpu.memory_space<hbm>> -> memref<16x384xf32, #tpu.memory_space<hbm>>
      tpu.enqueue_dma source(%dma_start3A_101 : memref<16x384xf32, #tpu.memory_space<hbm>>) target(%dma_start3A_99 : memref<16x384xf32, #tpu.memory_space<vmem>>) target_semaphore(%arg14 : memref<!tpu.dma_semaphore, #tpu.memory_space<semaphore_mem>>)
      %scan3A = arith.constant 0 : i32
      %scan3A_102 = arith.constant 0 : i32
      %scan3A_103 = arith.constant 24 : i32
      %scan3A_104 = arith.addi %scan3A_102, %scan3A_103 : i32
      %scan3A_105 = arith.constant 1 : i32
      scf.for %scan3A_223 = %scan3A_102 to %scan3A_104 step %scan3A_105  : i32 {
        %mul3A_224 = arith.constant 256 : i32
        %mul3A_225 = arith.muli %mul3A_224, %scan3A_223 : i32
        %add3A_226 = vector.broadcast %mul3A_225 : i32 to vector<16xi32>
        %add3A_227 = arith.addi %add3A_226, %add3A_50 : vector<16xi32>
        %mul3A_228 = arith.constant 16 : i32
        %mul3A_229 = arith.muli %mul3A_228, %scan3A_223 : i32
        %get3A = arith.constant 0 : i32
        %get3A_230 = arith.index_cast %get3A : i32 to index
        %get3A_231 = arith.index_cast %mul3A_229 : i32 to index
        %get3A_232 = tpu.vector_load %arg6[%get3A_230, %get3A_231] {strides = array<i32>} : memref<16x640xf32, #tpu.memory_space<vmem>>, vector<16xf32>,
        %add3A_233 = arith.constant 0 : i32
        %add3A_234 = vector.broadcast %add3A_233 : i32 to vector<16xi32>
        %add3A_235 = arith.addi %add3A_227, %add3A_234 : vector<16xi32>
        tpu.vector_store_idx %arg9[%add3A_235], %get3A_232 : memref<10240xf32, #tpu.memory_space<vmem>>[vector<16xi32>], vector<16xf32>,
        %mul3A_236 = arith.constant 16 : i32
        %mul3A_237 = arith.muli %mul3A_236, %scan3A_223 : i32
        %get3A_238 = arith.constant 1 : i32
        %get3A_239 = arith.index_cast %get3A_238 : i32 to index
        %get3A_240 = arith.index_cast %mul3A_237 : i32 to index
        %get3A_241 = tpu.vector_load %arg6[%get3A_239, %get3A_240] {strides = array<i32>} : memref<16x640xf32, #tpu.memory_space<vmem>>, vector<16xf32>,
        %add3A_242 = arith.constant 1 : i32
        %add3A_243 = vector.broadcast %add3A_242 : i32 to vector<16xi32>
        %add3A_244 = arith.addi %add3A_227, %add3A_243 : vector<16xi32>
        tpu.vector_store_idx %arg9[%add3A_244], %get3A_241 : memref<10240xf32, #tpu.memory_space<vmem>>[vector<16xi32>], vector<16xf32>,
        %mul3A_245 = arith.constant 16 : i32
        %mul3A_246 = arith.muli %mul3A_245, %scan3A_223 : i32
        %get3A_247 = arith.constant 2 : i32
        %get3A_248 = arith.index_cast %get3A_247 : i32 to index
        %get3A_249 = arith.index_cast %mul3A_246 : i32 to index
        %get3A_250 = tpu.vector_load %arg6[%get3A_248, %get3A_249] {strides = array<i32>} : memref<16x640xf32, #tpu.memory_space<vmem>>, vector<16xf32>,
        %add3A_251 = arith.constant 2 : i32
        %add3A_252 = vector.broadcast %add3A_251 : i32 to vector<16xi32>
        %add3A_253 = arith.addi %add3A_227, %add3A_252 : vector<16xi32>
        tpu.vector_store_idx %arg9[%add3A_253], %get3A_250 : memref<10240xf32, #tpu.memory_space<vmem>>[vector<16xi32>], vector<16xf32>,
        %mul3A_254 = arith.constant 16 : i32
        %mul3A_255 = arith.muli %mul3A_254, %scan3A_223 : i32
        %get3A_256 = arith.constant 3 : i32
        %get3A_257 = arith.index_cast %get3A_256 : i32 to index
        %get3A_258 = arith.index_cast %mul3A_255 : i32 to index
        %get3A_259 = tpu.vector_load %arg6[%get3A_257, %get3A_258] {strides = array<i32>} : memref<16x640xf32, #tpu.memory_space<vmem>>, vector<16xf32>,
        %add3A_260 = arith.constant 3 : i32
        %add3A_261 = vector.broadcast %add3A_260 : i32 to vector<16xi32>
        %add3A_262 = arith.addi %add3A_227, %add3A_261 : vector<16xi32>
        tpu.vector_store_idx %arg9[%add3A_262], %get3A_259 : memref<10240xf32, #tpu.memory_space<vmem>>[vector<16xi32>], vector<16xf32>,
        %mul3A_263 = arith.constant 16 : i32
        %mul3A_264 = arith.muli %mul3A_263, %scan3A_223 : i32
        %get3A_265 = arith.constant 4 : i32
        %get3A_266 = arith.index_cast %get3A_265 : i32 to index
        %get3A_267 = arith.index_cast %mul3A_264 : i32 to index
        %get3A_268 = tpu.vector_load %arg6[%get3A_266, %get3A_267] {strides = array<i32>} : memref<16x640xf32, #tpu.memory_space<vmem>>, vector<16xf32>,
        %add3A_269 = arith.constant 4 : i32
        %add3A_270 = vector.broadcast %add3A_269 : i32 to vector<16xi32>
        %add3A_271 = arith.addi %add3A_227, %add3A_270 : vector<16xi32>
        tpu.vector_store_idx %arg9[%add3A_271], %get3A_268 : memref<10240xf32, #tpu.memory_space<vmem>>[vector<16xi32>], vector<16xf32>,
        %mul3A_272 = arith.constant 16 : i32
        %mul3A_273 = arith.muli %mul3A_272, %scan3A_223 : i32
        %get3A_274 = arith.constant 5 : i32
        %get3A_275 = arith.index_cast %get3A_274 : i32 to index
        %get3A_276 = arith.index_cast %mul3A_273 : i32 to index
        %get3A_277 = tpu.vector_load %arg6[%get3A_275, %get3A_276] {strides = array<i32>} : memref<16x640xf32, #tpu.memory_space<vmem>>, vector<16xf32>,
        %add3A_278 = arith.constant 5 : i32
        %add3A_279 = vector.broadcast %add3A_278 : i32 to vector<16xi32>
        %add3A_280 = arith.addi %add3A_227, %add3A_279 : vector<16xi32>
        tpu.vector_store_idx %arg9[%add3A_280], %get3A_277 : memref<10240xf32, #tpu.memory_space<vmem>>[vector<16xi32>], vector<16xf32>,
        %mul3A_281 = arith.constant 16 : i32
        %mul3A_282 = arith.muli %mul3A_281, %scan3A_223 : i32
        %get3A_283 = arith.constant 6 : i32
        %get3A_284 = arith.index_cast %get3A_283 : i32 to index
        %get3A_285 = arith.index_cast %mul3A_282 : i32 to index
        %get3A_286 = tpu.vector_load %arg6[%get3A_284, %get3A_285] {strides = array<i32>} : memref<16x640xf32, #tpu.memory_space<vmem>>, vector<16xf32>,
        %add3A_287 = arith.constant 6 : i32
        %add3A_288 = vector.broadcast %add3A_287 : i32 to vector<16xi32>
        %add3A_289 = arith.addi %add3A_227, %add3A_288 : vector<16xi32>
        tpu.vector_store_idx %arg9[%add3A_289], %get3A_286 : memref<10240xf32, #tpu.memory_space<vmem>>[vector<16xi32>], vector<16xf32>,
        %mul3A_290 = arith.constant 16 : i32
        %mul3A_291 = arith.muli %mul3A_290, %scan3A_223 : i32
        %get3A_292 = arith.constant 7 : i32
        %get3A_293 = arith.index_cast %get3A_292 : i32 to index
        %get3A_294 = arith.index_cast %mul3A_291 : i32 to index
        %get3A_295 = tpu.vector_load %arg6[%get3A_293, %get3A_294] {strides = array<i32>} : memref<16x640xf32, #tpu.memory_space<vmem>>, vector<16xf32>,
        %add3A_296 = arith.constant 7 : i32
        %add3A_297 = vector.broadcast %add3A_296 : i32 to vector<16xi32>
        %add3A_298 = arith.addi %add3A_227, %add3A_297 : vector<16xi32>
        tpu.vector_store_idx %arg9[%add3A_298], %get3A_295 : memref<10240xf32, #tpu.memory_space<vmem>>[vector<16xi32>], vector<16xf32>,
        %mul3A_299 = arith.constant 16 : i32
        %mul3A_300 = arith.muli %mul3A_299, %scan3A_223 : i32
        %get3A_301 = arith.constant 8 : i32
        %get3A_302 = arith.index_cast %get3A_301 : i32 to index
        %get3A_303 = arith.index_cast %mul3A_300 : i32 to index
        %get3A_304 = tpu.vector_load %arg6[%get3A_302, %get3A_303] {strides = array<i32>} : memref<16x640xf32, #tpu.memory_space<vmem>>, vector<16xf32>,
        %add3A_305 = arith.constant 8 : i32
        %add3A_306 = vector.broadcast %add3A_305 : i32 to vector<16xi32>
        %add3A_307 = arith.addi %add3A_227, %add3A_306 : vector<16xi32>
        tpu.vector_store_idx %arg9[%add3A_307], %get3A_304 : memref<10240xf32, #tpu.memory_space<vmem>>[vector<16xi32>], vector<16xf32>,
        %mul3A_308 = arith.constant 16 : i32
        %mul3A_309 = arith.muli %mul3A_308, %scan3A_223 : i32
        %get3A_310 = arith.constant 9 : i32
        %get3A_311 = arith.index_cast %get3A_310 : i32 to index
        %get3A_312 = arith.index_cast %mul3A_309 : i32 to index
        %get3A_313 = tpu.vector_load %arg6[%get3A_311, %get3A_312] {strides = array<i32>} : memref<16x640xf32, #tpu.memory_space<vmem>>, vector<16xf32>,
        %add3A_314 = arith.constant 9 : i32
        %add3A_315 = vector.broadcast %add3A_314 : i32 to vector<16xi32>
        %add3A_316 = arith.addi %add3A_227, %add3A_315 : vector<16xi32>
        tpu.vector_store_idx %arg9[%add3A_316], %get3A_313 : memref<10240xf32, #tpu.memory_space<vmem>>[vector<16xi32>], vector<16xf32>,
        %mul3A_317 = arith.constant 16 : i32
        %mul3A_318 = arith.muli %mul3A_317, %scan3A_223 : i32
        %get3A_319 = arith.constant 10 : i32
        %get3A_320 = arith.index_cast %get3A_319 : i32 to index
        %get3A_321 = arith.index_cast %mul3A_318 : i32 to index
        %get3A_322 = tpu.vector_load %arg6[%get3A_320, %get3A_321] {strides = array<i32>} : memref<16x640xf32, #tpu.memory_space<vmem>>, vector<16xf32>,
        %add3A_323 = arith.constant 10 : i32
        %add3A_324 = vector.broadcast %add3A_323 : i32 to vector<16xi32>
        %add3A_325 = arith.addi %add3A_227, %add3A_324 : vector<16xi32>
        tpu.vector_store_idx %arg9[%add3A_325], %get3A_322 : memref<10240xf32, #tpu.memory_space<vmem>>[vector<16xi32>], vector<16xf32>,
        %mul3A_326 = arith.constant 16 : i32
        %mul3A_327 = arith.muli %mul3A_326, %scan3A_223 : i32
        %get3A_328 = arith.constant 11 : i32
        %get3A_329 = arith.index_cast %get3A_328 : i32 to index
        %get3A_330 = arith.index_cast %mul3A_327 : i32 to index
        %get3A_331 = tpu.vector_load %arg6[%get3A_329, %get3A_330] {strides = array<i32>} : memref<16x640xf32, #tpu.memory_space<vmem>>, vector<16xf32>,
        %add3A_332 = arith.constant 11 : i32
        %add3A_333 = vector.broadcast %add3A_332 : i32 to vector<16xi32>
        %add3A_334 = arith.addi %add3A_227, %add3A_333 : vector<16xi32>
        tpu.vector_store_idx %arg9[%add3A_334], %get3A_331 : memref<10240xf32, #tpu.memory_space<vmem>>[vector<16xi32>], vector<16xf32>,
        %mul3A_335 = arith.constant 16 : i32
        %mul3A_336 = arith.muli %mul3A_335, %scan3A_223 : i32
        %get3A_337 = arith.constant 12 : i32
        %get3A_338 = arith.index_cast %get3A_337 : i32 to index
        %get3A_339 = arith.index_cast %mul3A_336 : i32 to index
        %get3A_340 = tpu.vector_load %arg6[%get3A_338, %get3A_339] {strides = array<i32>} : memref<16x640xf32, #tpu.memory_space<vmem>>, vector<16xf32>,
        %add3A_341 = arith.constant 12 : i32
        %add3A_342 = vector.broadcast %add3A_341 : i32 to vector<16xi32>
        %add3A_343 = arith.addi %add3A_227, %add3A_342 : vector<16xi32>
        tpu.vector_store_idx %arg9[%add3A_343], %get3A_340 : memref<10240xf32, #tpu.memory_space<vmem>>[vector<16xi32>], vector<16xf32>,
        %mul3A_344 = arith.constant 16 : i32
        %mul3A_345 = arith.muli %mul3A_344, %scan3A_223 : i32
        %get3A_346 = arith.constant 13 : i32
        %get3A_347 = arith.index_cast %get3A_346 : i32 to index
        %get3A_348 = arith.index_cast %mul3A_345 : i32 to index
        %get3A_349 = tpu.vector_load %arg6[%get3A_347, %get3A_348] {strides = array<i32>} : memref<16x640xf32, #tpu.memory_space<vmem>>, vector<16xf32>,
        %add3A_350 = arith.constant 13 : i32
        %add3A_351 = vector.broadcast %add3A_350 : i32 to vector<16xi32>
        %add3A_352 = arith.addi %add3A_227, %add3A_351 : vector<16xi32>
        tpu.vector_store_idx %arg9[%add3A_352], %get3A_349 : memref<10240xf32, #tpu.memory_space<vmem>>[vector<16xi32>], vector<16xf32>,
        %mul3A_353 = arith.constant 16 : i32
        %mul3A_354 = arith.muli %mul3A_353, %scan3A_223 : i32
        %get3A_355 = arith.constant 14 : i32
        %get3A_356 = arith.index_cast %get3A_355 : i32 to index
        %get3A_357 = arith.index_cast %mul3A_354 : i32 to index
        %get3A_358 = tpu.vector_load %arg6[%get3A_356, %get3A_357] {strides = array<i32>} : memref<16x640xf32, #tpu.memory_space<vmem>>, vector<16xf32>,
        %add3A_359 = arith.constant 14 : i32
        %add3A_360 = vector.broadcast %add3A_359 : i32 to vector<16xi32>
        %add3A_361 = arith.addi %add3A_227, %add3A_360 : vector<16xi32>
        tpu.vector_store_idx %arg9[%add3A_361], %get3A_358 : memref<10240xf32, #tpu.memory_space<vmem>>[vector<16xi32>], vector<16xf32>,
        %mul3A_362 = arith.constant 16 : i32
        %mul3A_363 = arith.muli %mul3A_362, %scan3A_223 : i32
        %get3A_364 = arith.constant 15 : i32
        %get3A_365 = arith.index_cast %get3A_364 : i32 to index
        %get3A_366 = arith.index_cast %mul3A_363 : i32 to index
        %get3A_367 = tpu.vector_load %arg6[%get3A_365, %get3A_366] {strides = array<i32>} : memref<16x640xf32, #tpu.memory_space<vmem>>, vector<16xf32>,
        %add3A_368 = arith.constant 15 : i32
        %add3A_369 = vector.broadcast %add3A_368 : i32 to vector<16xi32>
        %add3A_370 = arith.addi %add3A_227, %add3A_369 : vector<16xi32>
        tpu.vector_store_idx %arg9[%add3A_370], %get3A_367 : memref<10240xf32, #tpu.memory_space<vmem>>[vector<16xi32>], vector<16xf32>,
      }
      %scan3A_106 = arith.constant 24 : i32
      %multiple_of3A_107 = arith.constant 1587200 : i32
      %multiple_of3A_108 = tpu.assume_multiple %multiple_of3A_107, 2048 : i32
      %dma_start3A_109 = arith.constant 0 : i32
      %dma_start3A_110 = tpu.memref_slice %arg9[%dma_start3A_109] : memref<10240xf32, #tpu.memory_space<vmem>> -> memref<6144xf32, #tpu.memory_space<vmem>>
      %dma_start3A_111 = tpu.memref_slice %arg4[%multiple_of3A_108] : memref<1600000xf32, #tpu.memory_space<hbm>> -> memref<6144xf32, #tpu.memory_space<hbm>>
      %dma_start3A_112 = tpu.memref_slice %arg4[%multiple_of3A_108] : memref<1600000xf32, #tpu.memory_space<hbm>> -> memref<6144xf32, #tpu.memory_space<hbm>>
      %dma_start3A_113 = arith.constant 0 : i32
      %dma_start3A_114 = tpu.memref_slice %arg9[%dma_start3A_113] : memref<10240xf32, #tpu.memory_space<vmem>> -> memref<6144xf32, #tpu.memory_space<vmem>>
      tpu.enqueue_dma source(%dma_start3A_114 : memref<6144xf32, #tpu.memory_space<vmem>>) target(%dma_start3A_112 : memref<6144xf32, #tpu.memory_space<hbm>>) target_semaphore(%arg15 : memref<!tpu.dma_semaphore, #tpu.memory_space<semaphore_mem>>)
      %dma_wait3A_115 = arith.constant 0 : i32
      %dma_wait3A_116 = arith.constant 0 : i32
      %dma_wait3A_117 = tpu.memref_slice %arg7[%dma_wait3A_115, %dma_wait3A_116] : memref<16x640xf32, #tpu.memory_space<vmem>> -> memref<16x384xf32, #tpu.memory_space<vmem>>
      %dma_wait3A_118 = arith.constant 0 : i32
      %dma_wait3A_119 = tpu.memref_slice %arg2[%dma_wait3A_118, %multiple_of3A_70] : memref<16x100000xf32, #tpu.memory_space<hbm>> -> memref<16x384xf32, #tpu.memory_space<hbm>>
      %dma_wait3A_120 = arith.constant 0 : i32
      %dma_wait3A_121 = arith.constant 0 : i32
      %dma_wait3A_122 = tpu.memref_slice %arg7[%dma_wait3A_120, %dma_wait3A_121] : memref<16x640xf32, #tpu.memory_space<vmem>> -> memref<16x384xf32, #tpu.memory_space<vmem>>
      %dma_wait3A_123 = arith.constant 0 : i32
      %dma_wait3A_124 = tpu.memref_slice %arg2[%dma_wait3A_123, %multiple_of3A_70] : memref<16x100000xf32, #tpu.memory_space<hbm>> -> memref<16x384xf32, #tpu.memory_space<hbm>>
      tpu.wait_dma2 semaphore(%arg13 : memref<!tpu.dma_semaphore, #tpu.memory_space<semaphore_mem>>) src(%dma_wait3A_124 : memref<16x384xf32, #tpu.memory_space<hbm>>) dst(%dma_wait3A_122 : memref<16x384xf32, #tpu.memory_space<vmem>>)
      %multiple_of3A_125 = arith.constant 99584 : i32
      %multiple_of3A_126 = tpu.assume_multiple %multiple_of3A_125, 128 : i32
      %dma_start3A_127 = arith.constant 0 : i32
      %dma_start3A_128 = arith.constant 0 : i32
      %dma_start3A_129 = tpu.memref_slice %arg6[%dma_start3A_127, %dma_start3A_128] : memref<16x640xf32, #tpu.memory_space<vmem>> -> memref<16x384xf32, #tpu.memory_space<vmem>>
      %dma_start3A_130 = arith.constant 0 : i32
      %dma_start3A_131 = tpu.memref_slice %arg3[%dma_start3A_130, %multiple_of3A_126] : memref<16x100000xf32, #tpu.memory_space<hbm>> -> memref<16x384xf32, #tpu.memory_space<hbm>>
      %dma_start3A_132 = arith.constant 0 : i32
      %dma_start3A_133 = arith.constant 0 : i32
      %dma_start3A_134 = tpu.memref_slice %arg6[%dma_start3A_132, %dma_start3A_133] : memref<16x640xf32, #tpu.memory_space<vmem>> -> memref<16x384xf32, #tpu.memory_space<vmem>>
      %dma_start3A_135 = arith.constant 0 : i32
      %dma_start3A_136 = tpu.memref_slice %arg3[%dma_start3A_135, %multiple_of3A_126] : memref<16x100000xf32, #tpu.memory_space<hbm>> -> memref<16x384xf32, #tpu.memory_space<hbm>>
      tpu.enqueue_dma source(%dma_start3A_136 : memref<16x384xf32, #tpu.memory_space<hbm>>) target(%dma_start3A_134 : memref<16x384xf32, #tpu.memory_space<vmem>>) target_semaphore(%arg12 : memref<!tpu.dma_semaphore, #tpu.memory_space<semaphore_mem>>)
      %scan3A_137 = arith.constant 0 : i32
      %scan3A_138 = arith.constant 0 : i32
      %scan3A_139 = arith.constant 24 : i32
      %scan3A_140 = arith.addi %scan3A_138, %scan3A_139 : i32
      %scan3A_141 = arith.constant 1 : i32
      scf.for %scan3A_223 = %scan3A_138 to %scan3A_140 step %scan3A_141  : i32 {
        %mul3A_224 = arith.constant 256 : i32
        %mul3A_225 = arith.muli %mul3A_224, %scan3A_223 : i32
        %add3A_226 = vector.broadcast %mul3A_225 : i32 to vector<16xi32>
        %add3A_227 = arith.addi %add3A_226, %add3A_50 : vector<16xi32>
        %mul3A_228 = arith.constant 16 : i32
        %mul3A_229 = arith.muli %mul3A_228, %scan3A_223 : i32
        %get3A = arith.constant 0 : i32
        %get3A_230 = arith.index_cast %get3A : i32 to index
        %get3A_231 = arith.index_cast %mul3A_229 : i32 to index
        %get3A_232 = tpu.vector_load %arg7[%get3A_230, %get3A_231] {strides = array<i32>} : memref<16x640xf32, #tpu.memory_space<vmem>>, vector<16xf32>,
        %add3A_233 = arith.constant 0 : i32
        %add3A_234 = vector.broadcast %add3A_233 : i32 to vector<16xi32>
        %add3A_235 = arith.addi %add3A_227, %add3A_234 : vector<16xi32>
        tpu.vector_store_idx %arg10[%add3A_235], %get3A_232 : memref<10240xf32, #tpu.memory_space<vmem>>[vector<16xi32>], vector<16xf32>,
        %mul3A_236 = arith.constant 16 : i32
        %mul3A_237 = arith.muli %mul3A_236, %scan3A_223 : i32
        %get3A_238 = arith.constant 1 : i32
        %get3A_239 = arith.index_cast %get3A_238 : i32 to index
        %get3A_240 = arith.index_cast %mul3A_237 : i32 to index
        %get3A_241 = tpu.vector_load %arg7[%get3A_239, %get3A_240] {strides = array<i32>} : memref<16x640xf32, #tpu.memory_space<vmem>>, vector<16xf32>,
        %add3A_242 = arith.constant 1 : i32
        %add3A_243 = vector.broadcast %add3A_242 : i32 to vector<16xi32>
        %add3A_244 = arith.addi %add3A_227, %add3A_243 : vector<16xi32>
        tpu.vector_store_idx %arg10[%add3A_244], %get3A_241 : memref<10240xf32, #tpu.memory_space<vmem>>[vector<16xi32>], vector<16xf32>,
        %mul3A_245 = arith.constant 16 : i32
        %mul3A_246 = arith.muli %mul3A_245, %scan3A_223 : i32
        %get3A_247 = arith.constant 2 : i32
        %get3A_248 = arith.index_cast %get3A_247 : i32 to index
        %get3A_249 = arith.index_cast %mul3A_246 : i32 to index
        %get3A_250 = tpu.vector_load %arg7[%get3A_248, %get3A_249] {strides = array<i32>} : memref<16x640xf32, #tpu.memory_space<vmem>>, vector<16xf32>,
        %add3A_251 = arith.constant 2 : i32
        %add3A_252 = vector.broadcast %add3A_251 : i32 to vector<16xi32>
        %add3A_253 = arith.addi %add3A_227, %add3A_252 : vector<16xi32>
        tpu.vector_store_idx %arg10[%add3A_253], %get3A_250 : memref<10240xf32, #tpu.memory_space<vmem>>[vector<16xi32>], vector<16xf32>,
        %mul3A_254 = arith.constant 16 : i32
        %mul3A_255 = arith.muli %mul3A_254, %scan3A_223 : i32
        %get3A_256 = arith.constant 3 : i32
        %get3A_257 = arith.index_cast %get3A_256 : i32 to index
        %get3A_258 = arith.index_cast %mul3A_255 : i32 to index
        %get3A_259 = tpu.vector_load %arg7[%get3A_257, %get3A_258] {strides = array<i32>} : memref<16x640xf32, #tpu.memory_space<vmem>>, vector<16xf32>,
        %add3A_260 = arith.constant 3 : i32
        %add3A_261 = vector.broadcast %add3A_260 : i32 to vector<16xi32>
        %add3A_262 = arith.addi %add3A_227, %add3A_261 : vector<16xi32>
        tpu.vector_store_idx %arg10[%add3A_262], %get3A_259 : memref<10240xf32, #tpu.memory_space<vmem>>[vector<16xi32>], vector<16xf32>,
        %mul3A_263 = arith.constant 16 : i32
        %mul3A_264 = arith.muli %mul3A_263, %scan3A_223 : i32
        %get3A_265 = arith.constant 4 : i32
        %get3A_266 = arith.index_cast %get3A_265 : i32 to index
        %get3A_267 = arith.index_cast %mul3A_264 : i32 to index
        %get3A_268 = tpu.vector_load %arg7[%get3A_266, %get3A_267] {strides = array<i32>} : memref<16x640xf32, #tpu.memory_space<vmem>>, vector<16xf32>,
        %add3A_269 = arith.constant 4 : i32
        %add3A_270 = vector.broadcast %add3A_269 : i32 to vector<16xi32>
        %add3A_271 = arith.addi %add3A_227, %add3A_270 : vector<16xi32>
        tpu.vector_store_idx %arg10[%add3A_271], %get3A_268 : memref<10240xf32, #tpu.memory_space<vmem>>[vector<16xi32>], vector<16xf32>,
        %mul3A_272 = arith.constant 16 : i32
        %mul3A_273 = arith.muli %mul3A_272, %scan3A_223 : i32
        %get3A_274 = arith.constant 5 : i32
        %get3A_275 = arith.index_cast %get3A_274 : i32 to index
        %get3A_276 = arith.index_cast %mul3A_273 : i32 to index
        %get3A_277 = tpu.vector_load %arg7[%get3A_275, %get3A_276] {strides = array<i32>} : memref<16x640xf32, #tpu.memory_space<vmem>>, vector<16xf32>,
        %add3A_278 = arith.constant 5 : i32
        %add3A_279 = vector.broadcast %add3A_278 : i32 to vector<16xi32>
        %add3A_280 = arith.addi %add3A_227, %add3A_279 : vector<16xi32>
        tpu.vector_store_idx %arg10[%add3A_280], %get3A_277 : memref<10240xf32, #tpu.memory_space<vmem>>[vector<16xi32>], vector<16xf32>,
        %mul3A_281 = arith.constant 16 : i32
        %mul3A_282 = arith.muli %mul3A_281, %scan3A_223 : i32
        %get3A_283 = arith.constant 6 : i32
        %get3A_284 = arith.index_cast %get3A_283 : i32 to index
        %get3A_285 = arith.index_cast %mul3A_282 : i32 to index
        %get3A_286 = tpu.vector_load %arg7[%get3A_284, %get3A_285] {strides = array<i32>} : memref<16x640xf32, #tpu.memory_space<vmem>>, vector<16xf32>,
        %add3A_287 = arith.constant 6 : i32
        %add3A_288 = vector.broadcast %add3A_287 : i32 to vector<16xi32>
        %add3A_289 = arith.addi %add3A_227, %add3A_288 : vector<16xi32>
        tpu.vector_store_idx %arg10[%add3A_289], %get3A_286 : memref<10240xf32, #tpu.memory_space<vmem>>[vector<16xi32>], vector<16xf32>,
        %mul3A_290 = arith.constant 16 : i32
        %mul3A_291 = arith.muli %mul3A_290, %scan3A_223 : i32
        %get3A_292 = arith.constant 7 : i32
        %get3A_293 = arith.index_cast %get3A_292 : i32 to index
        %get3A_294 = arith.index_cast %mul3A_291 : i32 to index
        %get3A_295 = tpu.vector_load %arg7[%get3A_293, %get3A_294] {strides = array<i32>} : memref<16x640xf32, #tpu.memory_space<vmem>>, vector<16xf32>,
        %add3A_296 = arith.constant 7 : i32
        %add3A_297 = vector.broadcast %add3A_296 : i32 to vector<16xi32>
        %add3A_298 = arith.addi %add3A_227, %add3A_297 : vector<16xi32>
        tpu.vector_store_idx %arg10[%add3A_298], %get3A_295 : memref<10240xf32, #tpu.memory_space<vmem>>[vector<16xi32>], vector<16xf32>,
        %mul3A_299 = arith.constant 16 : i32
        %mul3A_300 = arith.muli %mul3A_299, %scan3A_223 : i32
        %get3A_301 = arith.constant 8 : i32
        %get3A_302 = arith.index_cast %get3A_301 : i32 to index
        %get3A_303 = arith.index_cast %mul3A_300 : i32 to index
        %get3A_304 = tpu.vector_load %arg7[%get3A_302, %get3A_303] {strides = array<i32>} : memref<16x640xf32, #tpu.memory_space<vmem>>, vector<16xf32>,
        %add3A_305 = arith.constant 8 : i32
        %add3A_306 = vector.broadcast %add3A_305 : i32 to vector<16xi32>
        %add3A_307 = arith.addi %add3A_227, %add3A_306 : vector<16xi32>
        tpu.vector_store_idx %arg10[%add3A_307], %get3A_304 : memref<10240xf32, #tpu.memory_space<vmem>>[vector<16xi32>], vector<16xf32>,
        %mul3A_308 = arith.constant 16 : i32
        %mul3A_309 = arith.muli %mul3A_308, %scan3A_223 : i32
        %get3A_310 = arith.constant 9 : i32
        %get3A_311 = arith.index_cast %get3A_310 : i32 to index
        %get3A_312 = arith.index_cast %mul3A_309 : i32 to index
        %get3A_313 = tpu.vector_load %arg7[%get3A_311, %get3A_312] {strides = array<i32>} : memref<16x640xf32, #tpu.memory_space<vmem>>, vector<16xf32>,
        %add3A_314 = arith.constant 9 : i32
        %add3A_315 = vector.broadcast %add3A_314 : i32 to vector<16xi32>
        %add3A_316 = arith.addi %add3A_227, %add3A_315 : vector<16xi32>
        tpu.vector_store_idx %arg10[%add3A_316], %get3A_313 : memref<10240xf32, #tpu.memory_space<vmem>>[vector<16xi32>], vector<16xf32>,
        %mul3A_317 = arith.constant 16 : i32
        %mul3A_318 = arith.muli %mul3A_317, %scan3A_223 : i32
        %get3A_319 = arith.constant 10 : i32
        %get3A_320 = arith.index_cast %get3A_319 : i32 to index
        %get3A_321 = arith.index_cast %mul3A_318 : i32 to index
        %get3A_322 = tpu.vector_load %arg7[%get3A_320, %get3A_321] {strides = array<i32>} : memref<16x640xf32, #tpu.memory_space<vmem>>, vector<16xf32>,
        %add3A_323 = arith.constant 10 : i32
        %add3A_324 = vector.broadcast %add3A_323 : i32 to vector<16xi32>
        %add3A_325 = arith.addi %add3A_227, %add3A_324 : vector<16xi32>
        tpu.vector_store_idx %arg10[%add3A_325], %get3A_322 : memref<10240xf32, #tpu.memory_space<vmem>>[vector<16xi32>], vector<16xf32>,
        %mul3A_326 = arith.constant 16 : i32
        %mul3A_327 = arith.muli %mul3A_326, %scan3A_223 : i32
        %get3A_328 = arith.constant 11 : i32
        %get3A_329 = arith.index_cast %get3A_328 : i32 to index
        %get3A_330 = arith.index_cast %mul3A_327 : i32 to index
        %get3A_331 = tpu.vector_load %arg7[%get3A_329, %get3A_330] {strides = array<i32>} : memref<16x640xf32, #tpu.memory_space<vmem>>, vector<16xf32>,
        %add3A_332 = arith.constant 11 : i32
        %add3A_333 = vector.broadcast %add3A_332 : i32 to vector<16xi32>
        %add3A_334 = arith.addi %add3A_227, %add3A_333 : vector<16xi32>
        tpu.vector_store_idx %arg10[%add3A_334], %get3A_331 : memref<10240xf32, #tpu.memory_space<vmem>>[vector<16xi32>], vector<16xf32>,
        %mul3A_335 = arith.constant 16 : i32
        %mul3A_336 = arith.muli %mul3A_335, %scan3A_223 : i32
        %get3A_337 = arith.constant 12 : i32
        %get3A_338 = arith.index_cast %get3A_337 : i32 to index
        %get3A_339 = arith.index_cast %mul3A_336 : i32 to index
        %get3A_340 = tpu.vector_load %arg7[%get3A_338, %get3A_339] {strides = array<i32>} : memref<16x640xf32, #tpu.memory_space<vmem>>, vector<16xf32>,
        %add3A_341 = arith.constant 12 : i32
        %add3A_342 = vector.broadcast %add3A_341 : i32 to vector<16xi32>
        %add3A_343 = arith.addi %add3A_227, %add3A_342 : vector<16xi32>
        tpu.vector_store_idx %arg10[%add3A_343], %get3A_340 : memref<10240xf32, #tpu.memory_space<vmem>>[vector<16xi32>], vector<16xf32>,
        %mul3A_344 = arith.constant 16 : i32
        %mul3A_345 = arith.muli %mul3A_344, %scan3A_223 : i32
        %get3A_346 = arith.constant 13 : i32
        %get3A_347 = arith.index_cast %get3A_346 : i32 to index
        %get3A_348 = arith.index_cast %mul3A_345 : i32 to index
        %get3A_349 = tpu.vector_load %arg7[%get3A_347, %get3A_348] {strides = array<i32>} : memref<16x640xf32, #tpu.memory_space<vmem>>, vector<16xf32>,
        %add3A_350 = arith.constant 13 : i32
        %add3A_351 = vector.broadcast %add3A_350 : i32 to vector<16xi32>
        %add3A_352 = arith.addi %add3A_227, %add3A_351 : vector<16xi32>
        tpu.vector_store_idx %arg10[%add3A_352], %get3A_349 : memref<10240xf32, #tpu.memory_space<vmem>>[vector<16xi32>], vector<16xf32>,
        %mul3A_353 = arith.constant 16 : i32
        %mul3A_354 = arith.muli %mul3A_353, %scan3A_223 : i32
        %get3A_355 = arith.constant 14 : i32
        %get3A_356 = arith.index_cast %get3A_355 : i32 to index
        %get3A_357 = arith.index_cast %mul3A_354 : i32 to index
        %get3A_358 = tpu.vector_load %arg7[%get3A_356, %get3A_357] {strides = array<i32>} : memref<16x640xf32, #tpu.memory_space<vmem>>, vector<16xf32>,
        %add3A_359 = arith.constant 14 : i32
        %add3A_360 = vector.broadcast %add3A_359 : i32 to vector<16xi32>
        %add3A_361 = arith.addi %add3A_227, %add3A_360 : vector<16xi32>
        tpu.vector_store_idx %arg10[%add3A_361], %get3A_358 : memref<10240xf32, #tpu.memory_space<vmem>>[vector<16xi32>], vector<16xf32>,
        %mul3A_362 = arith.constant 16 : i32
        %mul3A_363 = arith.muli %mul3A_362, %scan3A_223 : i32
        %get3A_364 = arith.constant 15 : i32
        %get3A_365 = arith.index_cast %get3A_364 : i32 to index
        %get3A_366 = arith.index_cast %mul3A_363 : i32 to index
        %get3A_367 = tpu.vector_load %arg7[%get3A_365, %get3A_366] {strides = array<i32>} : memref<16x640xf32, #tpu.memory_space<vmem>>, vector<16xf32>,
        %add3A_368 = arith.constant 15 : i32
        %add3A_369 = vector.broadcast %add3A_368 : i32 to vector<16xi32>
        %add3A_370 = arith.addi %add3A_227, %add3A_369 : vector<16xi32>
        tpu.vector_store_idx %arg10[%add3A_370], %get3A_367 : memref<10240xf32, #tpu.memory_space<vmem>>[vector<16xi32>], vector<16xf32>,
      }
      %scan3A_142 = arith.constant 24 : i32
      %multiple_of3A_143 = arith.constant 1593344 : i32
      %multiple_of3A_144 = tpu.assume_multiple %multiple_of3A_143, 2048 : i32
      %dma_start3A_145 = arith.constant 0 : i32
      %dma_start3A_146 = tpu.memref_slice %arg10[%dma_start3A_145] : memref<10240xf32, #tpu.memory_space<vmem>> -> memref<6144xf32, #tpu.memory_space<vmem>>
      %dma_start3A_147 = tpu.memref_slice %arg4[%multiple_of3A_144] : memref<1600000xf32, #tpu.memory_space<hbm>> -> memref<6144xf32, #tpu.memory_space<hbm>>
      %dma_start3A_148 = tpu.memref_slice %arg4[%multiple_of3A_144] : memref<1600000xf32, #tpu.memory_space<hbm>> -> memref<6144xf32, #tpu.memory_space<hbm>>
      %dma_start3A_149 = arith.constant 0 : i32
      %dma_start3A_150 = tpu.memref_slice %arg10[%dma_start3A_149] : memref<10240xf32, #tpu.memory_space<vmem>> -> memref<6144xf32, #tpu.memory_space<vmem>>
      tpu.enqueue_dma source(%dma_start3A_150 : memref<6144xf32, #tpu.memory_space<vmem>>) target(%dma_start3A_148 : memref<6144xf32, #tpu.memory_space<hbm>>) target_semaphore(%arg16 : memref<!tpu.dma_semaphore, #tpu.memory_space<semaphore_mem>>)
      %dma_wait3A_151 = arith.constant 0 : i32
      %dma_wait3A_152 = arith.constant 0 : i32
      %dma_wait3A_153 = tpu.memref_slice %arg8[%dma_wait3A_151, %dma_wait3A_152] : memref<16x640xf32, #tpu.memory_space<vmem>> -> memref<16x384xf32, #tpu.memory_space<vmem>>
      %dma_wait3A_154 = arith.constant 0 : i32
      %dma_wait3A_155 = tpu.memref_slice %arg3[%dma_wait3A_154, %multiple_of3A_91] : memref<16x100000xf32, #tpu.memory_space<hbm>> -> memref<16x384xf32, #tpu.memory_space<hbm>>
      %dma_wait3A_156 = arith.constant 0 : i32
      %dma_wait3A_157 = arith.constant 0 : i32
      %dma_wait3A_158 = tpu.memref_slice %arg8[%dma_wait3A_156, %dma_wait3A_157] : memref<16x640xf32, #tpu.memory_space<vmem>> -> memref<16x384xf32, #tpu.memory_space<vmem>>
      %dma_wait3A_159 = arith.constant 0 : i32
      %dma_wait3A_160 = tpu.memref_slice %arg3[%dma_wait3A_159, %multiple_of3A_91] : memref<16x100000xf32, #tpu.memory_space<hbm>> -> memref<16x384xf32, #tpu.memory_space<hbm>>
      tpu.wait_dma2 semaphore(%arg14 : memref<!tpu.dma_semaphore, #tpu.memory_space<semaphore_mem>>) src(%dma_wait3A_160 : memref<16x384xf32, #tpu.memory_space<hbm>>) dst(%dma_wait3A_158 : memref<16x384xf32, #tpu.memory_space<vmem>>)
      %scan3A_161 = arith.constant 0 : i32
      %scan3A_162 = arith.constant 0 : i32
      %scan3A_163 = arith.constant 24 : i32
      %scan3A_164 = arith.addi %scan3A_162, %scan3A_163 : i32
      %scan3A_165 = arith.constant 1 : i32
      scf.for %scan3A_223 = %scan3A_162 to %scan3A_164 step %scan3A_165  : i32 {
        %mul3A_224 = arith.constant 256 : i32
        %mul3A_225 = arith.muli %mul3A_224, %scan3A_223 : i32
        %add3A_226 = vector.broadcast %mul3A_225 : i32 to vector<16xi32>
        %add3A_227 = arith.addi %add3A_226, %add3A_50 : vector<16xi32>
        %mul3A_228 = arith.constant 16 : i32
        %mul3A_229 = arith.muli %mul3A_228, %scan3A_223 : i32
        %get3A = arith.constant 0 : i32
        %get3A_230 = arith.index_cast %get3A : i32 to index
        %get3A_231 = arith.index_cast %mul3A_229 : i32 to index
        %get3A_232 = tpu.vector_load %arg8[%get3A_230, %get3A_231] {strides = array<i32>} : memref<16x640xf32, #tpu.memory_space<vmem>>, vector<16xf32>,
        %add3A_233 = arith.constant 0 : i32
        %add3A_234 = vector.broadcast %add3A_233 : i32 to vector<16xi32>
        %add3A_235 = arith.addi %add3A_227, %add3A_234 : vector<16xi32>
        tpu.vector_store_idx %arg11[%add3A_235], %get3A_232 : memref<10240xf32, #tpu.memory_space<vmem>>[vector<16xi32>], vector<16xf32>,
        %mul3A_236 = arith.constant 16 : i32
        %mul3A_237 = arith.muli %mul3A_236, %scan3A_223 : i32
        %get3A_238 = arith.constant 1 : i32
        %get3A_239 = arith.index_cast %get3A_238 : i32 to index
        %get3A_240 = arith.index_cast %mul3A_237 : i32 to index
        %get3A_241 = tpu.vector_load %arg8[%get3A_239, %get3A_240] {strides = array<i32>} : memref<16x640xf32, #tpu.memory_space<vmem>>, vector<16xf32>,
        %add3A_242 = arith.constant 1 : i32
        %add3A_243 = vector.broadcast %add3A_242 : i32 to vector<16xi32>
        %add3A_244 = arith.addi %add3A_227, %add3A_243 : vector<16xi32>
        tpu.vector_store_idx %arg11[%add3A_244], %get3A_241 : memref<10240xf32, #tpu.memory_space<vmem>>[vector<16xi32>], vector<16xf32>,
        %mul3A_245 = arith.constant 16 : i32
        %mul3A_246 = arith.muli %mul3A_245, %scan3A_223 : i32
        %get3A_247 = arith.constant 2 : i32
        %get3A_248 = arith.index_cast %get3A_247 : i32 to index
        %get3A_249 = arith.index_cast %mul3A_246 : i32 to index
        %get3A_250 = tpu.vector_load %arg8[%get3A_248, %get3A_249] {strides = array<i32>} : memref<16x640xf32, #tpu.memory_space<vmem>>, vector<16xf32>,
        %add3A_251 = arith.constant 2 : i32
        %add3A_252 = vector.broadcast %add3A_251 : i32 to vector<16xi32>
        %add3A_253 = arith.addi %add3A_227, %add3A_252 : vector<16xi32>
        tpu.vector_store_idx %arg11[%add3A_253], %get3A_250 : memref<10240xf32, #tpu.memory_space<vmem>>[vector<16xi32>], vector<16xf32>,
        %mul3A_254 = arith.constant 16 : i32
        %mul3A_255 = arith.muli %mul3A_254, %scan3A_223 : i32
        %get3A_256 = arith.constant 3 : i32
        %get3A_257 = arith.index_cast %get3A_256 : i32 to index
        %get3A_258 = arith.index_cast %mul3A_255 : i32 to index
        %get3A_259 = tpu.vector_load %arg8[%get3A_257, %get3A_258] {strides = array<i32>} : memref<16x640xf32, #tpu.memory_space<vmem>>, vector<16xf32>,
        %add3A_260 = arith.constant 3 : i32
        %add3A_261 = vector.broadcast %add3A_260 : i32 to vector<16xi32>
        %add3A_262 = arith.addi %add3A_227, %add3A_261 : vector<16xi32>
        tpu.vector_store_idx %arg11[%add3A_262], %get3A_259 : memref<10240xf32, #tpu.memory_space<vmem>>[vector<16xi32>], vector<16xf32>,
        %mul3A_263 = arith.constant 16 : i32
        %mul3A_264 = arith.muli %mul3A_263, %scan3A_223 : i32
        %get3A_265 = arith.constant 4 : i32
        %get3A_266 = arith.index_cast %get3A_265 : i32 to index
        %get3A_267 = arith.index_cast %mul3A_264 : i32 to index
        %get3A_268 = tpu.vector_load %arg8[%get3A_266, %get3A_267] {strides = array<i32>} : memref<16x640xf32, #tpu.memory_space<vmem>>, vector<16xf32>,
        %add3A_269 = arith.constant 4 : i32
        %add3A_270 = vector.broadcast %add3A_269 : i32 to vector<16xi32>
        %add3A_271 = arith.addi %add3A_227, %add3A_270 : vector<16xi32>
        tpu.vector_store_idx %arg11[%add3A_271], %get3A_268 : memref<10240xf32, #tpu.memory_space<vmem>>[vector<16xi32>], vector<16xf32>,
        %mul3A_272 = arith.constant 16 : i32
        %mul3A_273 = arith.muli %mul3A_272, %scan3A_223 : i32
        %get3A_274 = arith.constant 5 : i32
        %get3A_275 = arith.index_cast %get3A_274 : i32 to index
        %get3A_276 = arith.index_cast %mul3A_273 : i32 to index
        %get3A_277 = tpu.vector_load %arg8[%get3A_275, %get3A_276] {strides = array<i32>} : memref<16x640xf32, #tpu.memory_space<vmem>>, vector<16xf32>,
        %add3A_278 = arith.constant 5 : i32
        %add3A_279 = vector.broadcast %add3A_278 : i32 to vector<16xi32>
        %add3A_280 = arith.addi %add3A_227, %add3A_279 : vector<16xi32>
        tpu.vector_store_idx %arg11[%add3A_280], %get3A_277 : memref<10240xf32, #tpu.memory_space<vmem>>[vector<16xi32>], vector<16xf32>,
        %mul3A_281 = arith.constant 16 : i32
        %mul3A_282 = arith.muli %mul3A_281, %scan3A_223 : i32
        %get3A_283 = arith.constant 6 : i32
        %get3A_284 = arith.index_cast %get3A_283 : i32 to index
        %get3A_285 = arith.index_cast %mul3A_282 : i32 to index
        %get3A_286 = tpu.vector_load %arg8[%get3A_284, %get3A_285] {strides = array<i32>} : memref<16x640xf32, #tpu.memory_space<vmem>>, vector<16xf32>,
        %add3A_287 = arith.constant 6 : i32
        %add3A_288 = vector.broadcast %add3A_287 : i32 to vector<16xi32>
        %add3A_289 = arith.addi %add3A_227, %add3A_288 : vector<16xi32>
        tpu.vector_store_idx %arg11[%add3A_289], %get3A_286 : memref<10240xf32, #tpu.memory_space<vmem>>[vector<16xi32>], vector<16xf32>,
        %mul3A_290 = arith.constant 16 : i32
        %mul3A_291 = arith.muli %mul3A_290, %scan3A_223 : i32
        %get3A_292 = arith.constant 7 : i32
        %get3A_293 = arith.index_cast %get3A_292 : i32 to index
        %get3A_294 = arith.index_cast %mul3A_291 : i32 to index
        %get3A_295 = tpu.vector_load %arg8[%get3A_293, %get3A_294] {strides = array<i32>} : memref<16x640xf32, #tpu.memory_space<vmem>>, vector<16xf32>,
        %add3A_296 = arith.constant 7 : i32
        %add3A_297 = vector.broadcast %add3A_296 : i32 to vector<16xi32>
        %add3A_298 = arith.addi %add3A_227, %add3A_297 : vector<16xi32>
        tpu.vector_store_idx %arg11[%add3A_298], %get3A_295 : memref<10240xf32, #tpu.memory_space<vmem>>[vector<16xi32>], vector<16xf32>,
        %mul3A_299 = arith.constant 16 : i32
        %mul3A_300 = arith.muli %mul3A_299, %scan3A_223 : i32
        %get3A_301 = arith.constant 8 : i32
        %get3A_302 = arith.index_cast %get3A_301 : i32 to index
        %get3A_303 = arith.index_cast %mul3A_300 : i32 to index
        %get3A_304 = tpu.vector_load %arg8[%get3A_302, %get3A_303] {strides = array<i32>} : memref<16x640xf32, #tpu.memory_space<vmem>>, vector<16xf32>,
        %add3A_305 = arith.constant 8 : i32
        %add3A_306 = vector.broadcast %add3A_305 : i32 to vector<16xi32>
        %add3A_307 = arith.addi %add3A_227, %add3A_306 : vector<16xi32>
        tpu.vector_store_idx %arg11[%add3A_307], %get3A_304 : memref<10240xf32, #tpu.memory_space<vmem>>[vector<16xi32>], vector<16xf32>,
        %mul3A_308 = arith.constant 16 : i32
        %mul3A_309 = arith.muli %mul3A_308, %scan3A_223 : i32
        %get3A_310 = arith.constant 9 : i32
        %get3A_311 = arith.index_cast %get3A_310 : i32 to index
        %get3A_312 = arith.index_cast %mul3A_309 : i32 to index
        %get3A_313 = tpu.vector_load %arg8[%get3A_311, %get3A_312] {strides = array<i32>} : memref<16x640xf32, #tpu.memory_space<vmem>>, vector<16xf32>,
        %add3A_314 = arith.constant 9 : i32
        %add3A_315 = vector.broadcast %add3A_314 : i32 to vector<16xi32>
        %add3A_316 = arith.addi %add3A_227, %add3A_315 : vector<16xi32>
        tpu.vector_store_idx %arg11[%add3A_316], %get3A_313 : memref<10240xf32, #tpu.memory_space<vmem>>[vector<16xi32>], vector<16xf32>,
        %mul3A_317 = arith.constant 16 : i32
        %mul3A_318 = arith.muli %mul3A_317, %scan3A_223 : i32
        %get3A_319 = arith.constant 10 : i32
        %get3A_320 = arith.index_cast %get3A_319 : i32 to index
        %get3A_321 = arith.index_cast %mul3A_318 : i32 to index
        %get3A_322 = tpu.vector_load %arg8[%get3A_320, %get3A_321] {strides = array<i32>} : memref<16x640xf32, #tpu.memory_space<vmem>>, vector<16xf32>,
        %add3A_323 = arith.constant 10 : i32
        %add3A_324 = vector.broadcast %add3A_323 : i32 to vector<16xi32>
        %add3A_325 = arith.addi %add3A_227, %add3A_324 : vector<16xi32>
        tpu.vector_store_idx %arg11[%add3A_325], %get3A_322 : memref<10240xf32, #tpu.memory_space<vmem>>[vector<16xi32>], vector<16xf32>,
        %mul3A_326 = arith.constant 16 : i32
        %mul3A_327 = arith.muli %mul3A_326, %scan3A_223 : i32
        %get3A_328 = arith.constant 11 : i32
        %get3A_329 = arith.index_cast %get3A_328 : i32 to index
        %get3A_330 = arith.index_cast %mul3A_327 : i32 to index
        %get3A_331 = tpu.vector_load %arg8[%get3A_329, %get3A_330] {strides = array<i32>} : memref<16x640xf32, #tpu.memory_space<vmem>>, vector<16xf32>,
        %add3A_332 = arith.constant 11 : i32
        %add3A_333 = vector.broadcast %add3A_332 : i32 to vector<16xi32>
        %add3A_334 = arith.addi %add3A_227, %add3A_333 : vector<16xi32>
        tpu.vector_store_idx %arg11[%add3A_334], %get3A_331 : memref<10240xf32, #tpu.memory_space<vmem>>[vector<16xi32>], vector<16xf32>,
        %mul3A_335 = arith.constant 16 : i32
        %mul3A_336 = arith.muli %mul3A_335, %scan3A_223 : i32
        %get3A_337 = arith.constant 12 : i32
        %get3A_338 = arith.index_cast %get3A_337 : i32 to index
        %get3A_339 = arith.index_cast %mul3A_336 : i32 to index
        %get3A_340 = tpu.vector_load %arg8[%get3A_338, %get3A_339] {strides = array<i32>} : memref<16x640xf32, #tpu.memory_space<vmem>>, vector<16xf32>,
        %add3A_341 = arith.constant 12 : i32
        %add3A_342 = vector.broadcast %add3A_341 : i32 to vector<16xi32>
        %add3A_343 = arith.addi %add3A_227, %add3A_342 : vector<16xi32>
        tpu.vector_store_idx %arg11[%add3A_343], %get3A_340 : memref<10240xf32, #tpu.memory_space<vmem>>[vector<16xi32>], vector<16xf32>,
        %mul3A_344 = arith.constant 16 : i32
        %mul3A_345 = arith.muli %mul3A_344, %scan3A_223 : i32
        %get3A_346 = arith.constant 13 : i32
        %get3A_347 = arith.index_cast %get3A_346 : i32 to index
        %get3A_348 = arith.index_cast %mul3A_345 : i32 to index
        %get3A_349 = tpu.vector_load %arg8[%get3A_347, %get3A_348] {strides = array<i32>} : memref<16x640xf32, #tpu.memory_space<vmem>>, vector<16xf32>,
        %add3A_350 = arith.constant 13 : i32
        %add3A_351 = vector.broadcast %add3A_350 : i32 to vector<16xi32>
        %add3A_352 = arith.addi %add3A_227, %add3A_351 : vector<16xi32>
        tpu.vector_store_idx %arg11[%add3A_352], %get3A_349 : memref<10240xf32, #tpu.memory_space<vmem>>[vector<16xi32>], vector<16xf32>,
        %mul3A_353 = arith.constant 16 : i32
        %mul3A_354 = arith.muli %mul3A_353, %scan3A_223 : i32
        %get3A_355 = arith.constant 14 : i32
        %get3A_356 = arith.index_cast %get3A_355 : i32 to index
        %get3A_357 = arith.index_cast %mul3A_354 : i32 to index
        %get3A_358 = tpu.vector_load %arg8[%get3A_356, %get3A_357] {strides = array<i32>} : memref<16x640xf32, #tpu.memory_space<vmem>>, vector<16xf32>,
        %add3A_359 = arith.constant 14 : i32
        %add3A_360 = vector.broadcast %add3A_359 : i32 to vector<16xi32>
        %add3A_361 = arith.addi %add3A_227, %add3A_360 : vector<16xi32>
        tpu.vector_store_idx %arg11[%add3A_361], %get3A_358 : memref<10240xf32, #tpu.memory_space<vmem>>[vector<16xi32>], vector<16xf32>,
        %mul3A_362 = arith.constant 16 : i32
        %mul3A_363 = arith.muli %mul3A_362, %scan3A_223 : i32
        %get3A_364 = arith.constant 15 : i32
        %get3A_365 = arith.index_cast %get3A_364 : i32 to index
        %get3A_366 = arith.index_cast %mul3A_363 : i32 to index
        %get3A_367 = tpu.vector_load %arg8[%get3A_365, %get3A_366] {strides = array<i32>} : memref<16x640xf32, #tpu.memory_space<vmem>>, vector<16xf32>,
        %add3A_368 = arith.constant 15 : i32
        %add3A_369 = vector.broadcast %add3A_368 : i32 to vector<16xi32>
        %add3A_370 = arith.addi %add3A_227, %add3A_369 : vector<16xi32>
        tpu.vector_store_idx %arg11[%add3A_370], %get3A_367 : memref<10240xf32, #tpu.memory_space<vmem>>[vector<16xi32>], vector<16xf32>,
      }
      %scan3A_166 = arith.constant 24 : i32
      %multiple_of3A_167 = arith.constant 1587200 : i32
      %multiple_of3A_168 = tpu.assume_multiple %multiple_of3A_167, 2048 : i32
      %dma_start3A_169 = arith.constant 0 : i32
      %dma_start3A_170 = tpu.memref_slice %arg11[%dma_start3A_169] : memref<10240xf32, #tpu.memory_space<vmem>> -> memref<6144xf32, #tpu.memory_space<vmem>>
      %dma_start3A_171 = tpu.memref_slice %arg5[%multiple_of3A_168] : memref<1600000xf32, #tpu.memory_space<hbm>> -> memref<6144xf32, #tpu.memory_space<hbm>>
      %dma_start3A_172 = tpu.memref_slice %arg5[%multiple_of3A_168] : memref<1600000xf32, #tpu.memory_space<hbm>> -> memref<6144xf32, #tpu.memory_space<hbm>>
      %dma_start3A_173 = arith.constant 0 : i32
      %dma_start3A_174 = tpu.memref_slice %arg11[%dma_start3A_173] : memref<10240xf32, #tpu.memory_space<vmem>> -> memref<6144xf32, #tpu.memory_space<vmem>>
      tpu.enqueue_dma source(%dma_start3A_174 : memref<6144xf32, #tpu.memory_space<vmem>>) target(%dma_start3A_172 : memref<6144xf32, #tpu.memory_space<hbm>>) target_semaphore(%arg17 : memref<!tpu.dma_semaphore, #tpu.memory_space<semaphore_mem>>)
      %dma_wait3A_175 = arith.constant 0 : i32
      %dma_wait3A_176 = arith.constant 0 : i32
      %dma_wait3A_177 = tpu.memref_slice %arg6[%dma_wait3A_175, %dma_wait3A_176] : memref<16x640xf32, #tpu.memory_space<vmem>> -> memref<16x384xf32, #tpu.memory_space<vmem>>
      %dma_wait3A_178 = arith.constant 0 : i32
      %dma_wait3A_179 = tpu.memref_slice %arg3[%dma_wait3A_178, %multiple_of3A_126] : memref<16x100000xf32, #tpu.memory_space<hbm>> -> memref<16x384xf32, #tpu.memory_space<hbm>>
      %dma_wait3A_180 = arith.constant 0 : i32
      %dma_wait3A_181 = arith.constant 0 : i32
      %dma_wait3A_182 = tpu.memref_slice %arg6[%dma_wait3A_180, %dma_wait3A_181] : memref<16x640xf32, #tpu.memory_space<vmem>> -> memref<16x384xf32, #tpu.memory_space<vmem>>
      %dma_wait3A_183 = arith.constant 0 : i32
      %dma_wait3A_184 = tpu.memref_slice %arg3[%dma_wait3A_183, %multiple_of3A_126] : memref<16x100000xf32, #tpu.memory_space<hbm>> -> memref<16x384xf32, #tpu.memory_space<hbm>>
      tpu.wait_dma2 semaphore(%arg12 : memref<!tpu.dma_semaphore, #tpu.memory_space<semaphore_mem>>) src(%dma_wait3A_184 : memref<16x384xf32, #tpu.memory_space<hbm>>) dst(%dma_wait3A_182 : memref<16x384xf32, #tpu.memory_space<vmem>>)
      %dma_wait3A_185 = arith.constant 0 : i32
      %dma_wait3A_186 = tpu.memref_slice %arg9[%dma_wait3A_185] : memref<10240xf32, #tpu.memory_space<vmem>> -> memref<6144xf32, #tpu.memory_space<vmem>>
      %dma_wait3A_187 = tpu.memref_slice %arg4[%multiple_of3A_108] : memref<1600000xf32, #tpu.memory_space<hbm>> -> memref<6144xf32, #tpu.memory_space<hbm>>
      %dma_wait3A_188 = tpu.memref_slice %arg4[%multiple_of3A_108] : memref<1600000xf32, #tpu.memory_space<hbm>> -> memref<6144xf32, #tpu.memory_space<hbm>>
      %dma_wait3A_189 = arith.constant 0 : i32
      %dma_wait3A_190 = tpu.memref_slice %arg9[%dma_wait3A_189] : memref<10240xf32, #tpu.memory_space<vmem>> -> memref<6144xf32, #tpu.memory_space<vmem>>
      tpu.wait_dma2 semaphore(%arg15 : memref<!tpu.dma_semaphore, #tpu.memory_space<semaphore_mem>>) src(%dma_wait3A_190 : memref<6144xf32, #tpu.memory_space<vmem>>) dst(%dma_wait3A_188 : memref<6144xf32, #tpu.memory_space<hbm>>)
      %scan3A_191 = arith.constant 0 : i32
      %scan3A_192 = arith.constant 0 : i32
      %scan3A_193 = arith.constant 24 : i32
      %scan3A_194 = arith.addi %scan3A_192, %scan3A_193 : i32
      %scan3A_195 = arith.constant 1 : i32
      scf.for %scan3A_223 = %scan3A_192 to %scan3A_194 step %scan3A_195  : i32 {
        %mul3A_224 = arith.constant 256 : i32
        %mul3A_225 = arith.muli %mul3A_224, %scan3A_223 : i32
        %add3A_226 = vector.broadcast %mul3A_225 : i32 to vector<16xi32>
        %add3A_227 = arith.addi %add3A_226, %add3A_50 : vector<16xi32>
        %mul3A_228 = arith.constant 16 : i32
        %mul3A_229 = arith.muli %mul3A_228, %scan3A_223 : i32
        %get3A = arith.constant 0 : i32
        %get3A_230 = arith.index_cast %get3A : i32 to index
        %get3A_231 = arith.index_cast %mul3A_229 : i32 to index
        %get3A_232 = tpu.vector_load %arg6[%get3A_230, %get3A_231] {strides = array<i32>} : memref<16x640xf32, #tpu.memory_space<vmem>>, vector<16xf32>,
        %add3A_233 = arith.constant 0 : i32
        %add3A_234 = vector.broadcast %add3A_233 : i32 to vector<16xi32>
        %add3A_235 = arith.addi %add3A_227, %add3A_234 : vector<16xi32>
        tpu.vector_store_idx %arg9[%add3A_235], %get3A_232 : memref<10240xf32, #tpu.memory_space<vmem>>[vector<16xi32>], vector<16xf32>,
        %mul3A_236 = arith.constant 16 : i32
        %mul3A_237 = arith.muli %mul3A_236, %scan3A_223 : i32
        %get3A_238 = arith.constant 1 : i32
        %get3A_239 = arith.index_cast %get3A_238 : i32 to index
        %get3A_240 = arith.index_cast %mul3A_237 : i32 to index
        %get3A_241 = tpu.vector_load %arg6[%get3A_239, %get3A_240] {strides = array<i32>} : memref<16x640xf32, #tpu.memory_space<vmem>>, vector<16xf32>,
        %add3A_242 = arith.constant 1 : i32
        %add3A_243 = vector.broadcast %add3A_242 : i32 to vector<16xi32>
        %add3A_244 = arith.addi %add3A_227, %add3A_243 : vector<16xi32>
        tpu.vector_store_idx %arg9[%add3A_244], %get3A_241 : memref<10240xf32, #tpu.memory_space<vmem>>[vector<16xi32>], vector<16xf32>,
        %mul3A_245 = arith.constant 16 : i32
        %mul3A_246 = arith.muli %mul3A_245, %scan3A_223 : i32
        %get3A_247 = arith.constant 2 : i32
        %get3A_248 = arith.index_cast %get3A_247 : i32 to index
        %get3A_249 = arith.index_cast %mul3A_246 : i32 to index
        %get3A_250 = tpu.vector_load %arg6[%get3A_248, %get3A_249] {strides = array<i32>} : memref<16x640xf32, #tpu.memory_space<vmem>>, vector<16xf32>,
        %add3A_251 = arith.constant 2 : i32
        %add3A_252 = vector.broadcast %add3A_251 : i32 to vector<16xi32>
        %add3A_253 = arith.addi %add3A_227, %add3A_252 : vector<16xi32>
        tpu.vector_store_idx %arg9[%add3A_253], %get3A_250 : memref<10240xf32, #tpu.memory_space<vmem>>[vector<16xi32>], vector<16xf32>,
        %mul3A_254 = arith.constant 16 : i32
        %mul3A_255 = arith.muli %mul3A_254, %scan3A_223 : i32
        %get3A_256 = arith.constant 3 : i32
        %get3A_257 = arith.index_cast %get3A_256 : i32 to index
        %get3A_258 = arith.index_cast %mul3A_255 : i32 to index
        %get3A_259 = tpu.vector_load %arg6[%get3A_257, %get3A_258] {strides = array<i32>} : memref<16x640xf32, #tpu.memory_space<vmem>>, vector<16xf32>,
        %add3A_260 = arith.constant 3 : i32
        %add3A_261 = vector.broadcast %add3A_260 : i32 to vector<16xi32>
        %add3A_262 = arith.addi %add3A_227, %add3A_261 : vector<16xi32>
        tpu.vector_store_idx %arg9[%add3A_262], %get3A_259 : memref<10240xf32, #tpu.memory_space<vmem>>[vector<16xi32>], vector<16xf32>,
        %mul3A_263 = arith.constant 16 : i32
        %mul3A_264 = arith.muli %mul3A_263, %scan3A_223 : i32
        %get3A_265 = arith.constant 4 : i32
        %get3A_266 = arith.index_cast %get3A_265 : i32 to index
        %get3A_267 = arith.index_cast %mul3A_264 : i32 to index
        %get3A_268 = tpu.vector_load %arg6[%get3A_266, %get3A_267] {strides = array<i32>} : memref<16x640xf32, #tpu.memory_space<vmem>>, vector<16xf32>,
        %add3A_269 = arith.constant 4 : i32
        %add3A_270 = vector.broadcast %add3A_269 : i32 to vector<16xi32>
        %add3A_271 = arith.addi %add3A_227, %add3A_270 : vector<16xi32>
        tpu.vector_store_idx %arg9[%add3A_271], %get3A_268 : memref<10240xf32, #tpu.memory_space<vmem>>[vector<16xi32>], vector<16xf32>,
        %mul3A_272 = arith.constant 16 : i32
        %mul3A_273 = arith.muli %mul3A_272, %scan3A_223 : i32
        %get3A_274 = arith.constant 5 : i32
        %get3A_275 = arith.index_cast %get3A_274 : i32 to index
        %get3A_276 = arith.index_cast %mul3A_273 : i32 to index
        %get3A_277 = tpu.vector_load %arg6[%get3A_275, %get3A_276] {strides = array<i32>} : memref<16x640xf32, #tpu.memory_space<vmem>>, vector<16xf32>,
        %add3A_278 = arith.constant 5 : i32
        %add3A_279 = vector.broadcast %add3A_278 : i32 to vector<16xi32>
        %add3A_280 = arith.addi %add3A_227, %add3A_279 : vector<16xi32>
        tpu.vector_store_idx %arg9[%add3A_280], %get3A_277 : memref<10240xf32, #tpu.memory_space<vmem>>[vector<16xi32>], vector<16xf32>,
        %mul3A_281 = arith.constant 16 : i32
        %mul3A_282 = arith.muli %mul3A_281, %scan3A_223 : i32
        %get3A_283 = arith.constant 6 : i32
        %get3A_284 = arith.index_cast %get3A_283 : i32 to index
        %get3A_285 = arith.index_cast %mul3A_282 : i32 to index
        %get3A_286 = tpu.vector_load %arg6[%get3A_284, %get3A_285] {strides = array<i32>} : memref<16x640xf32, #tpu.memory_space<vmem>>, vector<16xf32>,
        %add3A_287 = arith.constant 6 : i32
        %add3A_288 = vector.broadcast %add3A_287 : i32 to vector<16xi32>
        %add3A_289 = arith.addi %add3A_227, %add3A_288 : vector<16xi32>
        tpu.vector_store_idx %arg9[%add3A_289], %get3A_286 : memref<10240xf32, #tpu.memory_space<vmem>>[vector<16xi32>], vector<16xf32>,
        %mul3A_290 = arith.constant 16 : i32
        %mul3A_291 = arith.muli %mul3A_290, %scan3A_223 : i32
        %get3A_292 = arith.constant 7 : i32
        %get3A_293 = arith.index_cast %get3A_292 : i32 to index
        %get3A_294 = arith.index_cast %mul3A_291 : i32 to index
        %get3A_295 = tpu.vector_load %arg6[%get3A_293, %get3A_294] {strides = array<i32>} : memref<16x640xf32, #tpu.memory_space<vmem>>, vector<16xf32>,
        %add3A_296 = arith.constant 7 : i32
        %add3A_297 = vector.broadcast %add3A_296 : i32 to vector<16xi32>
        %add3A_298 = arith.addi %add3A_227, %add3A_297 : vector<16xi32>
        tpu.vector_store_idx %arg9[%add3A_298], %get3A_295 : memref<10240xf32, #tpu.memory_space<vmem>>[vector<16xi32>], vector<16xf32>,
        %mul3A_299 = arith.constant 16 : i32
        %mul3A_300 = arith.muli %mul3A_299, %scan3A_223 : i32
        %get3A_301 = arith.constant 8 : i32
        %get3A_302 = arith.index_cast %get3A_301 : i32 to index
        %get3A_303 = arith.index_cast %mul3A_300 : i32 to index
        %get3A_304 = tpu.vector_load %arg6[%get3A_302, %get3A_303] {strides = array<i32>} : memref<16x640xf32, #tpu.memory_space<vmem>>, vector<16xf32>,
        %add3A_305 = arith.constant 8 : i32
        %add3A_306 = vector.broadcast %add3A_305 : i32 to vector<16xi32>
        %add3A_307 = arith.addi %add3A_227, %add3A_306 : vector<16xi32>
        tpu.vector_store_idx %arg9[%add3A_307], %get3A_304 : memref<10240xf32, #tpu.memory_space<vmem>>[vector<16xi32>], vector<16xf32>,
        %mul3A_308 = arith.constant 16 : i32
        %mul3A_309 = arith.muli %mul3A_308, %scan3A_223 : i32
        %get3A_310 = arith.constant 9 : i32
        %get3A_311 = arith.index_cast %get3A_310 : i32 to index
        %get3A_312 = arith.index_cast %mul3A_309 : i32 to index
        %get3A_313 = tpu.vector_load %arg6[%get3A_311, %get3A_312] {strides = array<i32>} : memref<16x640xf32, #tpu.memory_space<vmem>>, vector<16xf32>,
        %add3A_314 = arith.constant 9 : i32
        %add3A_315 = vector.broadcast %add3A_314 : i32 to vector<16xi32>
        %add3A_316 = arith.addi %add3A_227, %add3A_315 : vector<16xi32>
        tpu.vector_store_idx %arg9[%add3A_316], %get3A_313 : memref<10240xf32, #tpu.memory_space<vmem>>[vector<16xi32>], vector<16xf32>,
        %mul3A_317 = arith.constant 16 : i32
        %mul3A_318 = arith.muli %mul3A_317, %scan3A_223 : i32
        %get3A_319 = arith.constant 10 : i32
        %get3A_320 = arith.index_cast %get3A_319 : i32 to index
        %get3A_321 = arith.index_cast %mul3A_318 : i32 to index
        %get3A_322 = tpu.vector_load %arg6[%get3A_320, %get3A_321] {strides = array<i32>} : memref<16x640xf32, #tpu.memory_space<vmem>>, vector<16xf32>,
        %add3A_323 = arith.constant 10 : i32
        %add3A_324 = vector.broadcast %add3A_323 : i32 to vector<16xi32>
        %add3A_325 = arith.addi %add3A_227, %add3A_324 : vector<16xi32>
        tpu.vector_store_idx %arg9[%add3A_325], %get3A_322 : memref<10240xf32, #tpu.memory_space<vmem>>[vector<16xi32>], vector<16xf32>,
        %mul3A_326 = arith.constant 16 : i32
        %mul3A_327 = arith.muli %mul3A_326, %scan3A_223 : i32
        %get3A_328 = arith.constant 11 : i32
        %get3A_329 = arith.index_cast %get3A_328 : i32 to index
        %get3A_330 = arith.index_cast %mul3A_327 : i32 to index
        %get3A_331 = tpu.vector_load %arg6[%get3A_329, %get3A_330] {strides = array<i32>} : memref<16x640xf32, #tpu.memory_space<vmem>>, vector<16xf32>,
        %add3A_332 = arith.constant 11 : i32
        %add3A_333 = vector.broadcast %add3A_332 : i32 to vector<16xi32>
        %add3A_334 = arith.addi %add3A_227, %add3A_333 : vector<16xi32>
        tpu.vector_store_idx %arg9[%add3A_334], %get3A_331 : memref<10240xf32, #tpu.memory_space<vmem>>[vector<16xi32>], vector<16xf32>,
        %mul3A_335 = arith.constant 16 : i32
        %mul3A_336 = arith.muli %mul3A_335, %scan3A_223 : i32
        %get3A_337 = arith.constant 12 : i32
        %get3A_338 = arith.index_cast %get3A_337 : i32 to index
        %get3A_339 = arith.index_cast %mul3A_336 : i32 to index
        %get3A_340 = tpu.vector_load %arg6[%get3A_338, %get3A_339] {strides = array<i32>} : memref<16x640xf32, #tpu.memory_space<vmem>>, vector<16xf32>,
        %add3A_341 = arith.constant 12 : i32
        %add3A_342 = vector.broadcast %add3A_341 : i32 to vector<16xi32>
        %add3A_343 = arith.addi %add3A_227, %add3A_342 : vector<16xi32>
        tpu.vector_store_idx %arg9[%add3A_343], %get3A_340 : memref<10240xf32, #tpu.memory_space<vmem>>[vector<16xi32>], vector<16xf32>,
        %mul3A_344 = arith.constant 16 : i32
        %mul3A_345 = arith.muli %mul3A_344, %scan3A_223 : i32
        %get3A_346 = arith.constant 13 : i32
        %get3A_347 = arith.index_cast %get3A_346 : i32 to index
        %get3A_348 = arith.index_cast %mul3A_345 : i32 to index
        %get3A_349 = tpu.vector_load %arg6[%get3A_347, %get3A_348] {strides = array<i32>} : memref<16x640xf32, #tpu.memory_space<vmem>>, vector<16xf32>,
        %add3A_350 = arith.constant 13 : i32
        %add3A_351 = vector.broadcast %add3A_350 : i32 to vector<16xi32>
        %add3A_352 = arith.addi %add3A_227, %add3A_351 : vector<16xi32>
        tpu.vector_store_idx %arg9[%add3A_352], %get3A_349 : memref<10240xf32, #tpu.memory_space<vmem>>[vector<16xi32>], vector<16xf32>,
        %mul3A_353 = arith.constant 16 : i32
        %mul3A_354 = arith.muli %mul3A_353, %scan3A_223 : i32
        %get3A_355 = arith.constant 14 : i32
        %get3A_356 = arith.index_cast %get3A_355 : i32 to index
        %get3A_357 = arith.index_cast %mul3A_354 : i32 to index
        %get3A_358 = tpu.vector_load %arg6[%get3A_356, %get3A_357] {strides = array<i32>} : memref<16x640xf32, #tpu.memory_space<vmem>>, vector<16xf32>,
        %add3A_359 = arith.constant 14 : i32
        %add3A_360 = vector.broadcast %add3A_359 : i32 to vector<16xi32>
        %add3A_361 = arith.addi %add3A_227, %add3A_360 : vector<16xi32>
        tpu.vector_store_idx %arg9[%add3A_361], %get3A_358 : memref<10240xf32, #tpu.memory_space<vmem>>[vector<16xi32>], vector<16xf32>,
        %mul3A_362 = arith.constant 16 : i32
        %mul3A_363 = arith.muli %mul3A_362, %scan3A_223 : i32
        %get3A_364 = arith.constant 15 : i32
        %get3A_365 = arith.index_cast %get3A_364 : i32 to index
        %get3A_366 = arith.index_cast %mul3A_363 : i32 to index
        %get3A_367 = tpu.vector_load %arg6[%get3A_365, %get3A_366] {strides = array<i32>} : memref<16x640xf32, #tpu.memory_space<vmem>>, vector<16xf32>,
        %add3A_368 = arith.constant 15 : i32
        %add3A_369 = vector.broadcast %add3A_368 : i32 to vector<16xi32>
        %add3A_370 = arith.addi %add3A_227, %add3A_369 : vector<16xi32>
        tpu.vector_store_idx %arg9[%add3A_370], %get3A_367 : memref<10240xf32, #tpu.memory_space<vmem>>[vector<16xi32>], vector<16xf32>,
      }
      %scan3A_196 = arith.constant 24 : i32
      %multiple_of3A_197 = arith.constant 1593344 : i32
      %multiple_of3A_198 = tpu.assume_multiple %multiple_of3A_197, 2048 : i32
      %dma_start3A_199 = arith.constant 0 : i32
      %dma_start3A_200 = tpu.memref_slice %arg9[%dma_start3A_199] : memref<10240xf32, #tpu.memory_space<vmem>> -> memref<6144xf32, #tpu.memory_space<vmem>>
      %dma_start3A_201 = tpu.memref_slice %arg5[%multiple_of3A_198] : memref<1600000xf32, #tpu.memory_space<hbm>> -> memref<6144xf32, #tpu.memory_space<hbm>>
      %dma_start3A_202 = tpu.memref_slice %arg5[%multiple_of3A_198] : memref<1600000xf32, #tpu.memory_space<hbm>> -> memref<6144xf32, #tpu.memory_space<hbm>>
      %dma_start3A_203 = arith.constant 0 : i32
      %dma_start3A_204 = tpu.memref_slice %arg9[%dma_start3A_203] : memref<10240xf32, #tpu.memory_space<vmem>> -> memref<6144xf32, #tpu.memory_space<vmem>>
      tpu.enqueue_dma source(%dma_start3A_204 : memref<6144xf32, #tpu.memory_space<vmem>>) target(%dma_start3A_202 : memref<6144xf32, #tpu.memory_space<hbm>>) target_semaphore(%arg15 : memref<!tpu.dma_semaphore, #tpu.memory_space<semaphore_mem>>)
      %dma_wait3A_205 = arith.constant 0 : i32
      %dma_wait3A_206 = tpu.memref_slice %arg9[%dma_wait3A_205] : memref<10240xf32, #tpu.memory_space<vmem>> -> memref<6144xf32, #tpu.memory_space<vmem>>
      %dma_wait3A_207 = tpu.memref_slice %arg5[%multiple_of3A_198] : memref<1600000xf32, #tpu.memory_space<hbm>> -> memref<6144xf32, #tpu.memory_space<hbm>>
      %dma_wait3A_208 = tpu.memref_slice %arg5[%multiple_of3A_198] : memref<1600000xf32, #tpu.memory_space<hbm>> -> memref<6144xf32, #tpu.memory_space<hbm>>
      %dma_wait3A_209 = arith.constant 0 : i32
      %dma_wait3A_210 = tpu.memref_slice %arg9[%dma_wait3A_209] : memref<10240xf32, #tpu.memory_space<vmem>> -> memref<6144xf32, #tpu.memory_space<vmem>>
      tpu.wait_dma2 semaphore(%arg15 : memref<!tpu.dma_semaphore, #tpu.memory_space<semaphore_mem>>) src(%dma_wait3A_210 : memref<6144xf32, #tpu.memory_space<vmem>>) dst(%dma_wait3A_208 : memref<6144xf32, #tpu.memory_space<hbm>>)
      %dma_wait3A_211 = arith.constant 0 : i32
      %dma_wait3A_212 = tpu.memref_slice %arg10[%dma_wait3A_211] : memref<10240xf32, #tpu.memory_space<vmem>> -> memref<6144xf32, #tpu.memory_space<vmem>>
      %dma_wait3A_213 = tpu.memref_slice %arg4[%multiple_of3A_144] : memref<1600000xf32, #tpu.memory_space<hbm>> -> memref<6144xf32, #tpu.memory_space<hbm>>
      %dma_wait3A_214 = tpu.memref_slice %arg4[%multiple_of3A_144] : memref<1600000xf32, #tpu.memory_space<hbm>> -> memref<6144xf32, #tpu.memory_space<hbm>>
      %dma_wait3A_215 = arith.constant 0 : i32
      %dma_wait3A_216 = tpu.memref_slice %arg10[%dma_wait3A_215] : memref<10240xf32, #tpu.memory_space<vmem>> -> memref<6144xf32, #tpu.memory_space<vmem>>
      tpu.wait_dma2 semaphore(%arg16 : memref<!tpu.dma_semaphore, #tpu.memory_space<semaphore_mem>>) src(%dma_wait3A_216 : memref<6144xf32, #tpu.memory_space<vmem>>) dst(%dma_wait3A_214 : memref<6144xf32, #tpu.memory_space<hbm>>)
      %dma_wait3A_217 = arith.constant 0 : i32
      %dma_wait3A_218 = tpu.memref_slice %arg11[%dma_wait3A_217] : memref<10240xf32, #tpu.memory_space<vmem>> -> memref<6144xf32, #tpu.memory_space<vmem>>
      %dma_wait3A_219 = tpu.memref_slice %arg5[%multiple_of3A_168] : memref<1600000xf32, #tpu.memory_space<hbm>> -> memref<6144xf32, #tpu.memory_space<hbm>>
      %dma_wait3A_220 = tpu.memref_slice %arg5[%multiple_of3A_168] : memref<1600000xf32, #tpu.memory_space<hbm>> -> memref<6144xf32, #tpu.memory_space<hbm>>
      %dma_wait3A_221 = arith.constant 0 : i32
      %dma_wait3A_222 = tpu.memref_slice %arg11[%dma_wait3A_221] : memref<10240xf32, #tpu.memory_space<vmem>> -> memref<6144xf32, #tpu.memory_space<vmem>>
      tpu.wait_dma2 semaphore(%arg17 : memref<!tpu.dma_semaphore, #tpu.memory_space<semaphore_mem>>) src(%dma_wait3A_222 : memref<6144xf32, #tpu.memory_space<vmem>>) dst(%dma_wait3A_220 : memref<6144xf32, #tpu.memory_space<hbm>>)
    } else {
    }
    return
  }
}

#map = affine_map<(d0, d1) -> (0)>
#map1 = affine_map<(d0, d1) -> (0, 0)>
module attributes {stable_mosaic.version = 14 : i64} {
  func.func @gather2(%arg0: i32, %arg1: i32, %arg2: memref<16384xi32, #tpu.memory_space<hbm>>, %arg3: memref<16384xi32, #tpu.memory_space<hbm>>, %arg4: memref<100000x16xf32, #tpu.memory_space<hbm>>, %arg5: memref<100000x16xf32, #tpu.memory_space<hbm>>, %arg6: memref<16384x128xf32, #tpu.memory_space<hbm>>, %arg7: memref<512xi32, #tpu.memory_space<vmem>>, %arg8: memref<512xi32, #tpu.memory_space<vmem>>, %arg9: memref<512x16xf32, #tpu.memory_space<vmem>>, %arg10: memref<512x16xf32, #tpu.memory_space<vmem>>, %arg11: memref<!tpu.dma_semaphore, #tpu.memory_space<semaphore_mem>>, %arg12: memref<!tpu.dma_semaphore, #tpu.memory_space<semaphore_mem>>) attributes {dimension_semantics = [#tpu.dimension_semantics<core_parallel>, #tpu.dimension_semantics<subcore_parallel>], iteration_bounds = array<i64: 2, 16>, scalar_prefetch = 0 : i64, scratch_operands = 6 : i64, tpu.core_type = #tpu.core_type<sc_vector_subcore>, window_params = [{transform_indices = #map}, {transform_indices = #map}, {transform_indices = #map1}, {transform_indices = #map1}, {transform_indices = #map1}]} {
    %mul3A = arith.constant 2 : i32
    %mul3A_0 = arith.muli %arg1, %mul3A : i32
    %add3A = arith.addi %mul3A_0, %arg0 : i32
    %mul3A_1 = arith.constant 512 : i32
    %mul3A_2 = arith.muli %add3A, %mul3A_1 : i32
    %multiple_of3A = tpu.assume_multiple %mul3A_2, 512 : i32
    %dma_start3A = tpu.memref_slice %arg2[%multiple_of3A] : memref<16384xi32, #tpu.memory_space<hbm>> -> memref<512xi32, #tpu.memory_space<hbm>>
    %dma_start3A_3 = tpu.memref_slice %arg2[%multiple_of3A] : memref<16384xi32, #tpu.memory_space<hbm>> -> memref<512xi32, #tpu.memory_space<hbm>>
    tpu.enqueue_dma source(%dma_start3A_3 : memref<512xi32, #tpu.memory_space<hbm>>) target(%arg7 : memref<512xi32, #tpu.memory_space<vmem>>) target_semaphore(%arg11 : memref<!tpu.dma_semaphore, #tpu.memory_space<semaphore_mem>>)
    %dma_start3A_4 = tpu.memref_slice %arg3[%multiple_of3A] : memref<16384xi32, #tpu.memory_space<hbm>> -> memref<512xi32, #tpu.memory_space<hbm>>
    %dma_start3A_5 = tpu.memref_slice %arg3[%multiple_of3A] : memref<16384xi32, #tpu.memory_space<hbm>> -> memref<512xi32, #tpu.memory_space<hbm>>
    tpu.enqueue_dma source(%dma_start3A_5 : memref<512xi32, #tpu.memory_space<hbm>>) target(%arg8 : memref<512xi32, #tpu.memory_space<vmem>>) target_semaphore(%arg12 : memref<!tpu.dma_semaphore, #tpu.memory_space<semaphore_mem>>)
    %dma_wait3A = tpu.memref_slice %arg2[%multiple_of3A] : memref<16384xi32, #tpu.memory_space<hbm>> -> memref<512xi32, #tpu.memory_space<hbm>>
    %dma_wait3A_6 = tpu.memref_slice %arg2[%multiple_of3A] : memref<16384xi32, #tpu.memory_space<hbm>> -> memref<512xi32, #tpu.memory_space<hbm>>
    tpu.wait_dma2 semaphore(%arg11 : memref<!tpu.dma_semaphore, #tpu.memory_space<semaphore_mem>>) src(%dma_wait3A_6 : memref<512xi32, #tpu.memory_space<hbm>>) dst(%arg7 : memref<512xi32, #tpu.memory_space<vmem>>)
    %dma_wait3A_7 = tpu.memref_slice %arg3[%multiple_of3A] : memref<16384xi32, #tpu.memory_space<hbm>> -> memref<512xi32, #tpu.memory_space<hbm>>
    %dma_wait3A_8 = tpu.memref_slice %arg3[%multiple_of3A] : memref<16384xi32, #tpu.memory_space<hbm>> -> memref<512xi32, #tpu.memory_space<hbm>>
    tpu.wait_dma2 semaphore(%arg12 : memref<!tpu.dma_semaphore, #tpu.memory_space<semaphore_mem>>) src(%dma_wait3A_8 : memref<512xi32, #tpu.memory_space<hbm>>) dst(%arg8 : memref<512xi32, #tpu.memory_space<vmem>>)
    %dma_start3A_9 = arith.constant 0 : i32
    %dma_start3A_10 = arith.constant 0 : i32
    %dma_start3A_11 = tpu.memref_slice %arg9[%dma_start3A_9, %dma_start3A_10] : memref<512x16xf32, #tpu.memory_space<vmem>> -> memref<128x16xf32, #tpu.memory_space<vmem>>
    %dma_start3A_12 = arith.constant 0 : i32
    %dma_start3A_13 = tpu.memref_slice %arg7[%dma_start3A_12] : memref<512xi32, #tpu.memory_space<vmem>> -> memref<128xi32, #tpu.memory_space<vmem>>
    %dma_start3A_14 = arith.constant 0 : i32
    %dma_start3A_15 = arith.constant 0 : i32
    %dma_start3A_16 = tpu.memref_slice %arg4[%dma_start3A_14, %dma_start3A_15] : memref<100000x16xf32, #tpu.memory_space<hbm>> -> memref<100000x16xf32, #tpu.memory_space<hbm>>
    tpu.enqueue_indirect_dma source(%dma_start3A_16 : memref<100000x16xf32, #tpu.memory_space<hbm>>) target(%dma_start3A_11 : memref<128x16xf32, #tpu.memory_space<vmem>>) offsets(%dma_start3A_13 : memref<128xi32, #tpu.memory_space<vmem>>) semaphore(%arg11 : memref<!tpu.dma_semaphore, #tpu.memory_space<semaphore_mem>>)
    %dma_start3A_17 = arith.constant 0 : i32
    %dma_start3A_18 = arith.constant 0 : i32
    %dma_start3A_19 = tpu.memref_slice %arg10[%dma_start3A_17, %dma_start3A_18] : memref<512x16xf32, #tpu.memory_space<vmem>> -> memref<128x16xf32, #tpu.memory_space<vmem>>
    %dma_start3A_20 = arith.constant 0 : i32
    %dma_start3A_21 = tpu.memref_slice %arg8[%dma_start3A_20] : memref<512xi32, #tpu.memory_space<vmem>> -> memref<128xi32, #tpu.memory_space<vmem>>
    %dma_start3A_22 = arith.constant 0 : i32
    %dma_start3A_23 = arith.constant 0 : i32
    %dma_start3A_24 = tpu.memref_slice %arg5[%dma_start3A_22, %dma_start3A_23] : memref<100000x16xf32, #tpu.memory_space<hbm>> -> memref<100000x16xf32, #tpu.memory_space<hbm>>
    tpu.enqueue_indirect_dma source(%dma_start3A_24 : memref<100000x16xf32, #tpu.memory_space<hbm>>) target(%dma_start3A_19 : memref<128x16xf32, #tpu.memory_space<vmem>>) offsets(%dma_start3A_21 : memref<128xi32, #tpu.memory_space<vmem>>) semaphore(%arg12 : memref<!tpu.dma_semaphore, #tpu.memory_space<semaphore_mem>>)
    %dma_start3A_25 = arith.constant 128 : i32
    %dma_start3A_26 = arith.constant 0 : i32
    %dma_start3A_27 = tpu.memref_slice %arg9[%dma_start3A_25, %dma_start3A_26] : memref<512x16xf32, #tpu.memory_space<vmem>> -> memref<128x16xf32, #tpu.memory_space<vmem>>
    %dma_start3A_28 = arith.constant 128 : i32
    %dma_start3A_29 = tpu.memref_slice %arg7[%dma_start3A_28] : memref<512xi32, #tpu.memory_space<vmem>> -> memref<128xi32, #tpu.memory_space<vmem>>
    %dma_start3A_30 = arith.constant 0 : i32
    %dma_start3A_31 = arith.constant 0 : i32
    %dma_start3A_32 = tpu.memref_slice %arg4[%dma_start3A_30, %dma_start3A_31] : memref<100000x16xf32, #tpu.memory_space<hbm>> -> memref<100000x16xf32, #tpu.memory_space<hbm>>
    tpu.enqueue_indirect_dma source(%dma_start3A_32 : memref<100000x16xf32, #tpu.memory_space<hbm>>) target(%dma_start3A_27 : memref<128x16xf32, #tpu.memory_space<vmem>>) offsets(%dma_start3A_29 : memref<128xi32, #tpu.memory_space<vmem>>) semaphore(%arg11 : memref<!tpu.dma_semaphore, #tpu.memory_space<semaphore_mem>>)
    %dma_start3A_33 = arith.constant 128 : i32
    %dma_start3A_34 = arith.constant 0 : i32
    %dma_start3A_35 = tpu.memref_slice %arg10[%dma_start3A_33, %dma_start3A_34] : memref<512x16xf32, #tpu.memory_space<vmem>> -> memref<128x16xf32, #tpu.memory_space<vmem>>
    %dma_start3A_36 = arith.constant 128 : i32
    %dma_start3A_37 = tpu.memref_slice %arg8[%dma_start3A_36] : memref<512xi32, #tpu.memory_space<vmem>> -> memref<128xi32, #tpu.memory_space<vmem>>
    %dma_start3A_38 = arith.constant 0 : i32
    %dma_start3A_39 = arith.constant 0 : i32
    %dma_start3A_40 = tpu.memref_slice %arg5[%dma_start3A_38, %dma_start3A_39] : memref<100000x16xf32, #tpu.memory_space<hbm>> -> memref<100000x16xf32, #tpu.memory_space<hbm>>
    tpu.enqueue_indirect_dma source(%dma_start3A_40 : memref<100000x16xf32, #tpu.memory_space<hbm>>) target(%dma_start3A_35 : memref<128x16xf32, #tpu.memory_space<vmem>>) offsets(%dma_start3A_37 : memref<128xi32, #tpu.memory_space<vmem>>) semaphore(%arg12 : memref<!tpu.dma_semaphore, #tpu.memory_space<semaphore_mem>>)
    %dma_start3A_41 = arith.constant 256 : i32
    %dma_start3A_42 = arith.constant 0 : i32
    %dma_start3A_43 = tpu.memref_slice %arg9[%dma_start3A_41, %dma_start3A_42] : memref<512x16xf32, #tpu.memory_space<vmem>> -> memref<128x16xf32, #tpu.memory_space<vmem>>
    %dma_start3A_44 = arith.constant 256 : i32
    %dma_start3A_45 = tpu.memref_slice %arg7[%dma_start3A_44] : memref<512xi32, #tpu.memory_space<vmem>> -> memref<128xi32, #tpu.memory_space<vmem>>
    %dma_start3A_46 = arith.constant 0 : i32
    %dma_start3A_47 = arith.constant 0 : i32
    %dma_start3A_48 = tpu.memref_slice %arg4[%dma_start3A_46, %dma_start3A_47] : memref<100000x16xf32, #tpu.memory_space<hbm>> -> memref<100000x16xf32, #tpu.memory_space<hbm>>
    tpu.enqueue_indirect_dma source(%dma_start3A_48 : memref<100000x16xf32, #tpu.memory_space<hbm>>) target(%dma_start3A_43 : memref<128x16xf32, #tpu.memory_space<vmem>>) offsets(%dma_start3A_45 : memref<128xi32, #tpu.memory_space<vmem>>) semaphore(%arg11 : memref<!tpu.dma_semaphore, #tpu.memory_space<semaphore_mem>>)
    %dma_start3A_49 = arith.constant 256 : i32
    %dma_start3A_50 = arith.constant 0 : i32
    %dma_start3A_51 = tpu.memref_slice %arg10[%dma_start3A_49, %dma_start3A_50] : memref<512x16xf32, #tpu.memory_space<vmem>> -> memref<128x16xf32, #tpu.memory_space<vmem>>
    %dma_start3A_52 = arith.constant 256 : i32
    %dma_start3A_53 = tpu.memref_slice %arg8[%dma_start3A_52] : memref<512xi32, #tpu.memory_space<vmem>> -> memref<128xi32, #tpu.memory_space<vmem>>
    %dma_start3A_54 = arith.constant 0 : i32
    %dma_start3A_55 = arith.constant 0 : i32
    %dma_start3A_56 = tpu.memref_slice %arg5[%dma_start3A_54, %dma_start3A_55] : memref<100000x16xf32, #tpu.memory_space<hbm>> -> memref<100000x16xf32, #tpu.memory_space<hbm>>
    tpu.enqueue_indirect_dma source(%dma_start3A_56 : memref<100000x16xf32, #tpu.memory_space<hbm>>) target(%dma_start3A_51 : memref<128x16xf32, #tpu.memory_space<vmem>>) offsets(%dma_start3A_53 : memref<128xi32, #tpu.memory_space<vmem>>) semaphore(%arg12 : memref<!tpu.dma_semaphore, #tpu.memory_space<semaphore_mem>>)
    %dma_start3A_57 = arith.constant 384 : i32
    %dma_start3A_58 = arith.constant 0 : i32
    %dma_start3A_59 = tpu.memref_slice %arg9[%dma_start3A_57, %dma_start3A_58] : memref<512x16xf32, #tpu.memory_space<vmem>> -> memref<128x16xf32, #tpu.memory_space<vmem>>
    %dma_start3A_60 = arith.constant 384 : i32
    %dma_start3A_61 = tpu.memref_slice %arg7[%dma_start3A_60] : memref<512xi32, #tpu.memory_space<vmem>> -> memref<128xi32, #tpu.memory_space<vmem>>
    %dma_start3A_62 = arith.constant 0 : i32
    %dma_start3A_63 = arith.constant 0 : i32
    %dma_start3A_64 = tpu.memref_slice %arg4[%dma_start3A_62, %dma_start3A_63] : memref<100000x16xf32, #tpu.memory_space<hbm>> -> memref<100000x16xf32, #tpu.memory_space<hbm>>
    tpu.enqueue_indirect_dma source(%dma_start3A_64 : memref<100000x16xf32, #tpu.memory_space<hbm>>) target(%dma_start3A_59 : memref<128x16xf32, #tpu.memory_space<vmem>>) offsets(%dma_start3A_61 : memref<128xi32, #tpu.memory_space<vmem>>) semaphore(%arg11 : memref<!tpu.dma_semaphore, #tpu.memory_space<semaphore_mem>>)
    %dma_start3A_65 = arith.constant 384 : i32
    %dma_start3A_66 = arith.constant 0 : i32
    %dma_start3A_67 = tpu.memref_slice %arg10[%dma_start3A_65, %dma_start3A_66] : memref<512x16xf32, #tpu.memory_space<vmem>> -> memref<128x16xf32, #tpu.memory_space<vmem>>
    %dma_start3A_68 = arith.constant 384 : i32
    %dma_start3A_69 = tpu.memref_slice %arg8[%dma_start3A_68] : memref<512xi32, #tpu.memory_space<vmem>> -> memref<128xi32, #tpu.memory_space<vmem>>
    %dma_start3A_70 = arith.constant 0 : i32
    %dma_start3A_71 = arith.constant 0 : i32
    %dma_start3A_72 = tpu.memref_slice %arg5[%dma_start3A_70, %dma_start3A_71] : memref<100000x16xf32, #tpu.memory_space<hbm>> -> memref<100000x16xf32, #tpu.memory_space<hbm>>
    tpu.enqueue_indirect_dma source(%dma_start3A_72 : memref<100000x16xf32, #tpu.memory_space<hbm>>) target(%dma_start3A_67 : memref<128x16xf32, #tpu.memory_space<vmem>>) offsets(%dma_start3A_69 : memref<128xi32, #tpu.memory_space<vmem>>) semaphore(%arg12 : memref<!tpu.dma_semaphore, #tpu.memory_space<semaphore_mem>>)
    %dma_wait3A_73 = arith.constant 0 : i32
    %dma_wait3A_74 = arith.constant 0 : i32
    %dma_wait3A_75 = tpu.memref_slice %arg9[%dma_wait3A_73, %dma_wait3A_74] : memref<512x16xf32, #tpu.memory_space<vmem>> -> memref<128x16xf32, #tpu.memory_space<vmem>>
    %dma_wait3A_76 = arith.constant 0 : i32
    %dma_wait3A_77 = tpu.memref_slice %arg7[%dma_wait3A_76] : memref<512xi32, #tpu.memory_space<vmem>> -> memref<128xi32, #tpu.memory_space<vmem>>
    %dma_wait3A_78 = arith.constant 0 : i32
    %dma_wait3A_79 = arith.constant 0 : i32
    %dma_wait3A_80 = tpu.memref_slice %arg4[%dma_wait3A_78, %dma_wait3A_79] : memref<100000x16xf32, #tpu.memory_space<hbm>> -> memref<100000x16xf32, #tpu.memory_space<hbm>>
    tpu.wait_indirect_dma semaphore(%arg11 : memref<!tpu.dma_semaphore, #tpu.memory_space<semaphore_mem>>) src(%dma_wait3A_80 : memref<100000x16xf32, #tpu.memory_space<hbm>>) dst(%dma_wait3A_75 : memref<128x16xf32, #tpu.memory_space<vmem>>)
    %dma_wait3A_81 = arith.constant 0 : i32
    %dma_wait3A_82 = arith.constant 0 : i32
    %dma_wait3A_83 = tpu.memref_slice %arg10[%dma_wait3A_81, %dma_wait3A_82] : memref<512x16xf32, #tpu.memory_space<vmem>> -> memref<128x16xf32, #tpu.memory_space<vmem>>
    %dma_wait3A_84 = arith.constant 0 : i32
    %dma_wait3A_85 = tpu.memref_slice %arg8[%dma_wait3A_84] : memref<512xi32, #tpu.memory_space<vmem>> -> memref<128xi32, #tpu.memory_space<vmem>>
    %dma_wait3A_86 = arith.constant 0 : i32
    %dma_wait3A_87 = arith.constant 0 : i32
    %dma_wait3A_88 = tpu.memref_slice %arg5[%dma_wait3A_86, %dma_wait3A_87] : memref<100000x16xf32, #tpu.memory_space<hbm>> -> memref<100000x16xf32, #tpu.memory_space<hbm>>
    tpu.wait_indirect_dma semaphore(%arg12 : memref<!tpu.dma_semaphore, #tpu.memory_space<semaphore_mem>>) src(%dma_wait3A_88 : memref<100000x16xf32, #tpu.memory_space<hbm>>) dst(%dma_wait3A_83 : memref<128x16xf32, #tpu.memory_space<vmem>>)
    %dma_wait3A_89 = arith.constant 128 : i32
    %dma_wait3A_90 = arith.constant 0 : i32
    %dma_wait3A_91 = tpu.memref_slice %arg9[%dma_wait3A_89, %dma_wait3A_90] : memref<512x16xf32, #tpu.memory_space<vmem>> -> memref<128x16xf32, #tpu.memory_space<vmem>>
    %dma_wait3A_92 = arith.constant 128 : i32
    %dma_wait3A_93 = tpu.memref_slice %arg7[%dma_wait3A_92] : memref<512xi32, #tpu.memory_space<vmem>> -> memref<128xi32, #tpu.memory_space<vmem>>
    %dma_wait3A_94 = arith.constant 0 : i32
    %dma_wait3A_95 = arith.constant 0 : i32
    %dma_wait3A_96 = tpu.memref_slice %arg4[%dma_wait3A_94, %dma_wait3A_95] : memref<100000x16xf32, #tpu.memory_space<hbm>> -> memref<100000x16xf32, #tpu.memory_space<hbm>>
    tpu.wait_indirect_dma semaphore(%arg11 : memref<!tpu.dma_semaphore, #tpu.memory_space<semaphore_mem>>) src(%dma_wait3A_96 : memref<100000x16xf32, #tpu.memory_space<hbm>>) dst(%dma_wait3A_91 : memref<128x16xf32, #tpu.memory_space<vmem>>)
    %dma_wait3A_97 = arith.constant 128 : i32
    %dma_wait3A_98 = arith.constant 0 : i32
    %dma_wait3A_99 = tpu.memref_slice %arg10[%dma_wait3A_97, %dma_wait3A_98] : memref<512x16xf32, #tpu.memory_space<vmem>> -> memref<128x16xf32, #tpu.memory_space<vmem>>
    %dma_wait3A_100 = arith.constant 128 : i32
    %dma_wait3A_101 = tpu.memref_slice %arg8[%dma_wait3A_100] : memref<512xi32, #tpu.memory_space<vmem>> -> memref<128xi32, #tpu.memory_space<vmem>>
    %dma_wait3A_102 = arith.constant 0 : i32
    %dma_wait3A_103 = arith.constant 0 : i32
    %dma_wait3A_104 = tpu.memref_slice %arg5[%dma_wait3A_102, %dma_wait3A_103] : memref<100000x16xf32, #tpu.memory_space<hbm>> -> memref<100000x16xf32, #tpu.memory_space<hbm>>
    tpu.wait_indirect_dma semaphore(%arg12 : memref<!tpu.dma_semaphore, #tpu.memory_space<semaphore_mem>>) src(%dma_wait3A_104 : memref<100000x16xf32, #tpu.memory_space<hbm>>) dst(%dma_wait3A_99 : memref<128x16xf32, #tpu.memory_space<vmem>>)
    %dma_wait3A_105 = arith.constant 256 : i32
    %dma_wait3A_106 = arith.constant 0 : i32
    %dma_wait3A_107 = tpu.memref_slice %arg9[%dma_wait3A_105, %dma_wait3A_106] : memref<512x16xf32, #tpu.memory_space<vmem>> -> memref<128x16xf32, #tpu.memory_space<vmem>>
    %dma_wait3A_108 = arith.constant 256 : i32
    %dma_wait3A_109 = tpu.memref_slice %arg7[%dma_wait3A_108] : memref<512xi32, #tpu.memory_space<vmem>> -> memref<128xi32, #tpu.memory_space<vmem>>
    %dma_wait3A_110 = arith.constant 0 : i32
    %dma_wait3A_111 = arith.constant 0 : i32
    %dma_wait3A_112 = tpu.memref_slice %arg4[%dma_wait3A_110, %dma_wait3A_111] : memref<100000x16xf32, #tpu.memory_space<hbm>> -> memref<100000x16xf32, #tpu.memory_space<hbm>>
    tpu.wait_indirect_dma semaphore(%arg11 : memref<!tpu.dma_semaphore, #tpu.memory_space<semaphore_mem>>) src(%dma_wait3A_112 : memref<100000x16xf32, #tpu.memory_space<hbm>>) dst(%dma_wait3A_107 : memref<128x16xf32, #tpu.memory_space<vmem>>)
    %dma_wait3A_113 = arith.constant 256 : i32
    %dma_wait3A_114 = arith.constant 0 : i32
    %dma_wait3A_115 = tpu.memref_slice %arg10[%dma_wait3A_113, %dma_wait3A_114] : memref<512x16xf32, #tpu.memory_space<vmem>> -> memref<128x16xf32, #tpu.memory_space<vmem>>
    %dma_wait3A_116 = arith.constant 256 : i32
    %dma_wait3A_117 = tpu.memref_slice %arg8[%dma_wait3A_116] : memref<512xi32, #tpu.memory_space<vmem>> -> memref<128xi32, #tpu.memory_space<vmem>>
    %dma_wait3A_118 = arith.constant 0 : i32
    %dma_wait3A_119 = arith.constant 0 : i32
    %dma_wait3A_120 = tpu.memref_slice %arg5[%dma_wait3A_118, %dma_wait3A_119] : memref<100000x16xf32, #tpu.memory_space<hbm>> -> memref<100000x16xf32, #tpu.memory_space<hbm>>
    tpu.wait_indirect_dma semaphore(%arg12 : memref<!tpu.dma_semaphore, #tpu.memory_space<semaphore_mem>>) src(%dma_wait3A_120 : memref<100000x16xf32, #tpu.memory_space<hbm>>) dst(%dma_wait3A_115 : memref<128x16xf32, #tpu.memory_space<vmem>>)
    %dma_wait3A_121 = arith.constant 384 : i32
    %dma_wait3A_122 = arith.constant 0 : i32
    %dma_wait3A_123 = tpu.memref_slice %arg9[%dma_wait3A_121, %dma_wait3A_122] : memref<512x16xf32, #tpu.memory_space<vmem>> -> memref<128x16xf32, #tpu.memory_space<vmem>>
    %dma_wait3A_124 = arith.constant 384 : i32
    %dma_wait3A_125 = tpu.memref_slice %arg7[%dma_wait3A_124] : memref<512xi32, #tpu.memory_space<vmem>> -> memref<128xi32, #tpu.memory_space<vmem>>
    %dma_wait3A_126 = arith.constant 0 : i32
    %dma_wait3A_127 = arith.constant 0 : i32
    %dma_wait3A_128 = tpu.memref_slice %arg4[%dma_wait3A_126, %dma_wait3A_127] : memref<100000x16xf32, #tpu.memory_space<hbm>> -> memref<100000x16xf32, #tpu.memory_space<hbm>>
    tpu.wait_indirect_dma semaphore(%arg11 : memref<!tpu.dma_semaphore, #tpu.memory_space<semaphore_mem>>) src(%dma_wait3A_128 : memref<100000x16xf32, #tpu.memory_space<hbm>>) dst(%dma_wait3A_123 : memref<128x16xf32, #tpu.memory_space<vmem>>)
    %dma_wait3A_129 = arith.constant 384 : i32
    %dma_wait3A_130 = arith.constant 0 : i32
    %dma_wait3A_131 = tpu.memref_slice %arg10[%dma_wait3A_129, %dma_wait3A_130] : memref<512x16xf32, #tpu.memory_space<vmem>> -> memref<128x16xf32, #tpu.memory_space<vmem>>
    %dma_wait3A_132 = arith.constant 384 : i32
    %dma_wait3A_133 = tpu.memref_slice %arg8[%dma_wait3A_132] : memref<512xi32, #tpu.memory_space<vmem>> -> memref<128xi32, #tpu.memory_space<vmem>>
    %dma_wait3A_134 = arith.constant 0 : i32
    %dma_wait3A_135 = arith.constant 0 : i32
    %dma_wait3A_136 = tpu.memref_slice %arg5[%dma_wait3A_134, %dma_wait3A_135] : memref<100000x16xf32, #tpu.memory_space<hbm>> -> memref<100000x16xf32, #tpu.memory_space<hbm>>
    tpu.wait_indirect_dma semaphore(%arg12 : memref<!tpu.dma_semaphore, #tpu.memory_space<semaphore_mem>>) src(%dma_wait3A_136 : memref<100000x16xf32, #tpu.memory_space<hbm>>) dst(%dma_wait3A_131 : memref<128x16xf32, #tpu.memory_space<vmem>>)
    %dma_start3A_137 = arith.constant 0 : i32
    %dma_start3A_138 = tpu.memref_slice %arg6[%multiple_of3A, %dma_start3A_137] : memref<16384x128xf32, #tpu.memory_space<hbm>> -> memref<512x16xf32, #tpu.memory_space<hbm>>
    %dma_start3A_139 = arith.constant 0 : i32
    %dma_start3A_140 = tpu.memref_slice %arg6[%multiple_of3A, %dma_start3A_139] : memref<16384x128xf32, #tpu.memory_space<hbm>> -> memref<512x16xf32, #tpu.memory_space<hbm>>
    tpu.enqueue_dma source(%arg9 : memref<512x16xf32, #tpu.memory_space<vmem>>) target(%dma_start3A_140 : memref<512x16xf32, #tpu.memory_space<hbm>>) target_semaphore(%arg11 : memref<!tpu.dma_semaphore, #tpu.memory_space<semaphore_mem>>)
    %dma_start3A_141 = arith.constant 16 : i32
    %dma_start3A_142 = tpu.memref_slice %arg6[%multiple_of3A, %dma_start3A_141] : memref<16384x128xf32, #tpu.memory_space<hbm>> -> memref<512x16xf32, #tpu.memory_space<hbm>>
    %dma_start3A_143 = arith.constant 16 : i32
    %dma_start3A_144 = tpu.memref_slice %arg6[%multiple_of3A, %dma_start3A_143] : memref<16384x128xf32, #tpu.memory_space<hbm>> -> memref<512x16xf32, #tpu.memory_space<hbm>>
    tpu.enqueue_dma source(%arg10 : memref<512x16xf32, #tpu.memory_space<vmem>>) target(%dma_start3A_144 : memref<512x16xf32, #tpu.memory_space<hbm>>) target_semaphore(%arg12 : memref<!tpu.dma_semaphore, #tpu.memory_space<semaphore_mem>>)
    %dma_wait3A_145 = arith.constant 0 : i32
    %dma_wait3A_146 = tpu.memref_slice %arg6[%multiple_of3A, %dma_wait3A_145] : memref<16384x128xf32, #tpu.memory_space<hbm>> -> memref<512x16xf32, #tpu.memory_space<hbm>>
    %dma_wait3A_147 = arith.constant 0 : i32
    %dma_wait3A_148 = tpu.memref_slice %arg6[%multiple_of3A, %dma_wait3A_147] : memref<16384x128xf32, #tpu.memory_space<hbm>> -> memref<512x16xf32, #tpu.memory_space<hbm>>
    tpu.wait_dma2 semaphore(%arg11 : memref<!tpu.dma_semaphore, #tpu.memory_space<semaphore_mem>>) src(%arg9 : memref<512x16xf32, #tpu.memory_space<vmem>>) dst(%dma_wait3A_148 : memref<512x16xf32, #tpu.memory_space<hbm>>)
    %dma_wait3A_149 = arith.constant 16 : i32
    %dma_wait3A_150 = tpu.memref_slice %arg6[%multiple_of3A, %dma_wait3A_149] : memref<16384x128xf32, #tpu.memory_space<hbm>> -> memref<512x16xf32, #tpu.memory_space<hbm>>
    %dma_wait3A_151 = arith.constant 16 : i32
    %dma_wait3A_152 = tpu.memref_slice %arg6[%multiple_of3A, %dma_wait3A_151] : memref<16384x128xf32, #tpu.memory_space<hbm>> -> memref<512x16xf32, #tpu.memory_space<hbm>>
    tpu.wait_dma2 semaphore(%arg12 : memref<!tpu.dma_semaphore, #tpu.memory_space<semaphore_mem>>) src(%arg10 : memref<512x16xf32, #tpu.memory_space<vmem>>) dst(%dma_wait3A_152 : memref<512x16xf32, #tpu.memory_space<hbm>>)
    return
  }
}

module attributes {stable_mosaic.version = 14 : i64} {
  func.func @_mlp_body(%arg0: i32, %arg1: memref<4096x128xf32, #tpu.memory_space<vmem>>, %arg2: memref<4096x26xf32, #tpu.memory_space<vmem>>, %arg3: memref<16x64xf32, #tpu.memory_space<vmem>>, %arg4: memref<16x64xf32, #tpu.memory_space<vmem>>, %arg5: memref<26x64xf32, #tpu.memory_space<vmem>>, %arg6: memref<1x64xf32, #tpu.memory_space<vmem>>, %arg7: memref<64x32xf32, #tpu.memory_space<vmem>>, %arg8: memref<1x32xf32, #tpu.memory_space<vmem>>, %arg9: memref<32x16xf32, #tpu.memory_space<vmem>>, %arg10: memref<1x16xf32, #tpu.memory_space<vmem>>, %arg11: memref<1x16xf32, #tpu.memory_space<vmem>>, %arg12: memref<1x1xf32, #tpu.memory_space<vmem>>, %arg13: memref<4096x1xf32, #tpu.memory_space<vmem>>) attributes {dimension_semantics = [#tpu.dimension_semantics<arbitrary>], iteration_bounds = array<i64: 4>, scalar_prefetch = 0 : i64, scratch_operands = 0 : i64, tpu.core_type = #tpu.core_type<tc>, window_params = [{transform_indices = @transform_0, window_bounds = array<i64: 4096, 128>}, {transform_indices = @transform_1, window_bounds = array<i64: 4096, 26>}, {pipeline_mode = #tpu.pipeline_mode<synchronous>, transform_indices = @transform_2, window_bounds = array<i64: 16, 64>}, {pipeline_mode = #tpu.pipeline_mode<synchronous>, transform_indices = @transform_3, window_bounds = array<i64: 16, 64>}, {pipeline_mode = #tpu.pipeline_mode<synchronous>, transform_indices = @transform_4, window_bounds = array<i64: 26, 64>}, {pipeline_mode = #tpu.pipeline_mode<synchronous>, transform_indices = @transform_5, window_bounds = array<i64: 1, 64>}, {pipeline_mode = #tpu.pipeline_mode<synchronous>, transform_indices = @transform_6, window_bounds = array<i64: 64, 32>}, {pipeline_mode = #tpu.pipeline_mode<synchronous>, transform_indices = @transform_7, window_bounds = array<i64: 1, 32>}, {pipeline_mode = #tpu.pipeline_mode<synchronous>, transform_indices = @transform_8, window_bounds = array<i64: 32, 16>}, {pipeline_mode = #tpu.pipeline_mode<synchronous>, transform_indices = @transform_9, window_bounds = array<i64: 1, 16>}, {pipeline_mode = #tpu.pipeline_mode<synchronous>, transform_indices = @transform_10, window_bounds = array<i64: 1, 16>}, {pipeline_mode = #tpu.pipeline_mode<synchronous>, transform_indices = @transform_11, window_bounds = array<i64: 1, 1>}, {transform_indices = @transform_12, window_bounds = array<i64: 4096, 1>}]} {
    %get3A = arith.constant 0 : index
    %get3A_0 = arith.constant 0 : index
    %get3A_1 = vector.load %arg1[%get3A, %get3A_0] : memref<4096x128xf32, #tpu.memory_space<vmem>>, vector<4096x128xf32>
    %slice3A = vector.extract_strided_slice %get3A_1 {offsets = [0, 0], sizes = [4096, 16], strides = [1, 1]} : vector<4096x128xf32> to vector<4096x16xf32>
    %get3A_2 = arith.constant 0 : index
    %get3A_3 = arith.constant 0 : index
    %get3A_4 = vector.load %arg3[%get3A_2, %get3A_3] : memref<16x64xf32, #tpu.memory_space<vmem>>, vector<16x64xf32>
    %dot_general3A = arith.constant dense<0.000000e+00> : vector<4096x64xf32>
    %dot_general3A_5 = tpu.matmul %slice3A, %get3A_4, %dot_general3A {dimension_numbers = #tpu.dot_dimension_numbers<[1], [0], [0], [1], [0, 0, 1, 1], [], []>, transpose_lhs_hint = false} : vector<4096x16xf32>, vector<16x64xf32>, vector<4096x64xf32> -> vector<4096x64xf32>
    %slice3A_6 = vector.extract_strided_slice %get3A_1 {offsets = [0, 16], sizes = [4096, 16], strides = [1, 1]} : vector<4096x128xf32> to vector<4096x16xf32>
    %get3A_7 = arith.constant 0 : index
    %get3A_8 = arith.constant 0 : index
    %get3A_9 = vector.load %arg4[%get3A_7, %get3A_8] : memref<16x64xf32, #tpu.memory_space<vmem>>, vector<16x64xf32>
    %dot_general3A_10 = arith.constant dense<0.000000e+00> : vector<4096x64xf32>
    %dot_general3A_11 = tpu.matmul %slice3A_6, %get3A_9, %dot_general3A_10 {dimension_numbers = #tpu.dot_dimension_numbers<[1], [0], [0], [1], [0, 0, 1, 1], [], []>, transpose_lhs_hint = false} : vector<4096x16xf32>, vector<16x64xf32>, vector<4096x64xf32> -> vector<4096x64xf32>
    %add3A = arith.addf %dot_general3A_5, %dot_general3A_11 : vector<4096x64xf32>
    %get3A_12 = arith.constant 0 : index
    %get3A_13 = arith.constant 0 : index
    %get3A_14 = vector.load %arg2[%get3A_12, %get3A_13] : memref<4096x26xf32, #tpu.memory_space<vmem>>, vector<4096x26xf32>
    %get3A_15 = arith.constant 0 : index
    %get3A_16 = arith.constant 0 : index
    %get3A_17 = vector.load %arg5[%get3A_15, %get3A_16] : memref<26x64xf32, #tpu.memory_space<vmem>>, vector<26x64xf32>
    %dot_general3A_18 = arith.constant dense<0.000000e+00> : vector<4096x64xf32>
    %dot_general3A_19 = tpu.matmul %get3A_14, %get3A_17, %dot_general3A_18 {dimension_numbers = #tpu.dot_dimension_numbers<[1], [0], [0], [1], [0, 0, 1, 1], [], []>, transpose_lhs_hint = false} : vector<4096x26xf32>, vector<26x64xf32>, vector<4096x64xf32> -> vector<4096x64xf32>
    %add3A_20 = arith.addf %add3A, %dot_general3A_19 : vector<4096x64xf32>
    %get3A_21 = arith.constant 0 : index
    %get3A_22 = arith.constant 0 : index
    %get3A_23 = vector.load %arg6[%get3A_21, %get3A_22] : memref<1x64xf32, #tpu.memory_space<vmem>>, vector<1x64xf32>
    %add3A_24 = vector.broadcast %get3A_23 : vector<1x64xf32> to vector<4096x64xf32>
    %add3A_25 = arith.addf %add3A_20, %add3A_24 : vector<4096x64xf32>
    %max3A = arith.constant 0.000000e+00 : f32
    %max3A_26 = vector.broadcast %max3A : f32 to vector<4096x64xf32>
    %max3A_27 = arith.maximumf %add3A_25, %max3A_26 : vector<4096x64xf32>
    %get3A_28 = arith.constant 0 : index
    %get3A_29 = arith.constant 0 : index
    %get3A_30 = vector.load %arg7[%get3A_28, %get3A_29] : memref<64x32xf32, #tpu.memory_space<vmem>>, vector<64x32xf32>
    %dot_general3A_31 = arith.constant dense<0.000000e+00> : vector<4096x32xf32>
    %dot_general3A_32 = tpu.matmul %max3A_27, %get3A_30, %dot_general3A_31 {dimension_numbers = #tpu.dot_dimension_numbers<[1], [0], [0], [1], [0, 0, 1, 1], [], []>, transpose_lhs_hint = false} : vector<4096x64xf32>, vector<64x32xf32>, vector<4096x32xf32> -> vector<4096x32xf32>
    %get3A_33 = arith.constant 0 : index
    %get3A_34 = arith.constant 0 : index
    %get3A_35 = vector.load %arg8[%get3A_33, %get3A_34] : memref<1x32xf32, #tpu.memory_space<vmem>>, vector<1x32xf32>
    %add3A_36 = vector.broadcast %get3A_35 : vector<1x32xf32> to vector<4096x32xf32>
    %add3A_37 = arith.addf %dot_general3A_32, %add3A_36 : vector<4096x32xf32>
    %max3A_38 = arith.constant 0.000000e+00 : f32
    %max3A_39 = vector.broadcast %max3A_38 : f32 to vector<4096x32xf32>
    %max3A_40 = arith.maximumf %add3A_37, %max3A_39 : vector<4096x32xf32>
    %get3A_41 = arith.constant 0 : index
    %get3A_42 = arith.constant 0 : index
    %get3A_43 = vector.load %arg9[%get3A_41, %get3A_42] : memref<32x16xf32, #tpu.memory_space<vmem>>, vector<32x16xf32>
    %dot_general3A_44 = arith.constant dense<0.000000e+00> : vector<4096x16xf32>
    %dot_general3A_45 = tpu.matmul %max3A_40, %get3A_43, %dot_general3A_44 {dimension_numbers = #tpu.dot_dimension_numbers<[1], [0], [0], [1], [0, 0, 1, 1], [], []>, transpose_lhs_hint = false} : vector<4096x32xf32>, vector<32x16xf32>, vector<4096x16xf32> -> vector<4096x16xf32>
    %get3A_46 = arith.constant 0 : index
    %get3A_47 = arith.constant 0 : index
    %get3A_48 = vector.load %arg10[%get3A_46, %get3A_47] : memref<1x16xf32, #tpu.memory_space<vmem>>, vector<1x16xf32>
    %add3A_49 = vector.broadcast %get3A_48 : vector<1x16xf32> to vector<4096x16xf32>
    %add3A_50 = arith.addf %dot_general3A_45, %add3A_49 : vector<4096x16xf32>
    %max3A_51 = arith.constant 0.000000e+00 : f32
    %max3A_52 = vector.broadcast %max3A_51 : f32 to vector<4096x16xf32>
    %max3A_53 = arith.maximumf %add3A_50, %max3A_52 : vector<4096x16xf32>
    %get3A_54 = arith.constant 0 : index
    %get3A_55 = arith.constant 0 : index
    %get3A_56 = vector.load %arg11[%get3A_54, %get3A_55] : memref<1x16xf32, #tpu.memory_space<vmem>>, vector<1x16xf32>
    %mul3A = vector.broadcast %get3A_56 : vector<1x16xf32> to vector<4096x16xf32>
    %mul3A_57 = arith.mulf %max3A_53, %mul3A : vector<4096x16xf32>
    %reduce_sum3A = arith.constant dense<0.000000e+00> : vector<4096xf32>
    %reduce_sum3A_58 = vector.multi_reduction <add>, %mul3A_57, %reduce_sum3A [1] : vector<4096x16xf32> to vector<4096xf32>
    %broadcast_in_dim3A = vector.shape_cast %reduce_sum3A_58 : vector<4096xf32> to vector<4096x1xf32>
    %get3A_59 = arith.constant 0 : index
    %get3A_60 = arith.constant 0 : index
    %get3A_61 = vector.load %arg12[%get3A_59, %get3A_60] : memref<1x1xf32, #tpu.memory_space<vmem>>, vector<1x1xf32>
    %add3A_62 = vector.broadcast %get3A_61 : vector<1x1xf32> to vector<4096x1xf32>
    %add3A_63 = arith.addf %broadcast_in_dim3A, %add3A_62 : vector<4096x1xf32>
    %neg3A = arith.constant 0.000000e+00 : f32
    %neg3A_64 = vector.broadcast %neg3A : f32 to vector<4096x1xf32>
    %neg3A_65 = arith.subf %neg3A_64, %add3A_63 : vector<4096x1xf32>
    %exp3A = math.exp %neg3A_65 : vector<4096x1xf32>
    %add3A_66 = arith.constant 1.000000e+00 : f32
    %add3A_67 = vector.broadcast %add3A_66 : f32 to vector<4096x1xf32>
    %add3A_68 = arith.addf %add3A_67, %exp3A : vector<4096x1xf32>
    %div3A = arith.constant 1.000000e+00 : f32
    %div3A_69 = vector.broadcast %div3A : f32 to vector<4096x1xf32>
    %div3A_70 = arith.divf %div3A_69, %add3A_68 : vector<4096x1xf32>
    %swap3A = arith.constant 0 : index
    %swap3A_71 = arith.constant 0 : index
    %swap3A_72 = vector.load %arg13[%swap3A, %swap3A_71] : memref<4096x1xf32, #tpu.memory_space<vmem>>, vector<4096x1xf32>
    tpu.vector_store %arg13[%swap3A, %swap3A_71], %div3A_70 {strides = array<i32>} : memref<4096x1xf32, #tpu.memory_space<vmem>>, vector<4096x1xf32>,
    return
  }
  func.func @transform_0(%arg0: i32) -> (i32, i32) {
    %c0_i32 = arith.constant 0 : i32
    %c0_i32_0 = arith.constant 0 : i32
    return %arg0, %c0_i32 : i32, i32
  }
  func.func @transform_1(%arg0: i32) -> (i32, i32) {
    %c0_i32 = arith.constant 0 : i32
    %c0_i32_0 = arith.constant 0 : i32
    return %arg0, %c0_i32 : i32, i32
  }
  func.func @transform_2(%arg0: i32) -> (i32, i32) {
    %c0_i32 = arith.constant 0 : i32
    %c0_i32_0 = arith.constant 0 : i32
    %c0_i32_1 = arith.constant 0 : i32
    return %c0_i32, %c0_i32_0 : i32, i32
  }
  func.func @transform_3(%arg0: i32) -> (i32, i32) {
    %c0_i32 = arith.constant 0 : i32
    %c0_i32_0 = arith.constant 0 : i32
    %c0_i32_1 = arith.constant 0 : i32
    return %c0_i32, %c0_i32_0 : i32, i32
  }
  func.func @transform_4(%arg0: i32) -> (i32, i32) {
    %c0_i32 = arith.constant 0 : i32
    %c0_i32_0 = arith.constant 0 : i32
    %c0_i32_1 = arith.constant 0 : i32
    return %c0_i32, %c0_i32_0 : i32, i32
  }
  func.func @transform_5(%arg0: i32) -> (i32, i32) {
    %c0_i32 = arith.constant 0 : i32
    %c0_i32_0 = arith.constant 0 : i32
    %c0_i32_1 = arith.constant 0 : i32
    return %c0_i32, %c0_i32_0 : i32, i32
  }
  func.func @transform_6(%arg0: i32) -> (i32, i32) {
    %c0_i32 = arith.constant 0 : i32
    %c0_i32_0 = arith.constant 0 : i32
    %c0_i32_1 = arith.constant 0 : i32
    return %c0_i32, %c0_i32_0 : i32, i32
  }
  func.func @transform_7(%arg0: i32) -> (i32, i32) {
    %c0_i32 = arith.constant 0 : i32
    %c0_i32_0 = arith.constant 0 : i32
    %c0_i32_1 = arith.constant 0 : i32
    return %c0_i32, %c0_i32_0 : i32, i32
  }
  func.func @transform_8(%arg0: i32) -> (i32, i32) {
    %c0_i32 = arith.constant 0 : i32
    %c0_i32_0 = arith.constant 0 : i32
    %c0_i32_1 = arith.constant 0 : i32
    return %c0_i32, %c0_i32_0 : i32, i32
  }
  func.func @transform_9(%arg0: i32) -> (i32, i32) {
    %c0_i32 = arith.constant 0 : i32
    %c0_i32_0 = arith.constant 0 : i32
    %c0_i32_1 = arith.constant 0 : i32
    return %c0_i32, %c0_i32_0 : i32, i32
  }
  func.func @transform_10(%arg0: i32) -> (i32, i32) {
    %c0_i32 = arith.constant 0 : i32
    %c0_i32_0 = arith.constant 0 : i32
    %c0_i32_1 = arith.constant 0 : i32
    return %c0_i32, %c0_i32_0 : i32, i32
  }
  func.func @transform_11(%arg0: i32) -> (i32, i32) {
    %c0_i32 = arith.constant 0 : i32
    %c0_i32_0 = arith.constant 0 : i32
    %c0_i32_1 = arith.constant 0 : i32
    return %c0_i32, %c0_i32_0 : i32, i32
  }
  func.func @transform_12(%arg0: i32) -> (i32, i32) {
    %c0_i32 = arith.constant 0 : i32
    %c0_i32_0 = arith.constant 0 : i32
    return %arg0, %c0_i32 : i32, i32
  }
}

</mosaic_0001>

<sc_bundles>
// kernel: kernel.5.cloned.1.call-start
scs
__scs_entry_jumppad:
0x0: {  	(pc) =	sbr.rel $0x88, $3  }
0x1: {  	(tag) =	ssettag $0x0;
	lr =	simm.s32 $0x1  }
0x2: {  	[smem:$0x3F96] =	sst lr;
	_ =	strace $0xD0000000  }
0x3: {  	_ = 	snop  }
0x4: {  	_ = 	snop  }
0x5: {  	_ = 	snop  }
0x6: {  	_ = 	snop  }
0x7: {  	_ = 	snop  }
__scs_overlays_trampoline_lowered:
0x8: {  	[smem:$0x3FA5] =	sst s0  }
0x9: {  	[smem:$0x3FA6] =	sst s1  }
0xa: {  	[smem:$0x3FA7] =	sst s2  }
0xb: {  	[smem:$0x3FA8] =	sst s3  }
0xc: {  	[smem:$0x3FA9] =	sst s4  }
0xd: {  	[smem:$0x3FAA] =	sst s5  }
0xe: {  	[smem:$0x3FAB] =	sst s6  }
0xf: {  	[smem:$0x3FAC] =	sst s7  }
0x10: {  	[smem:$0x3FAD] =	sst s8  }
0x11: {  	[smem:$0x3FAE] =	sst s9;
	s0 =	simm.s32 @!p0 $0x0  }
0x12: {  	s1 =	sld [smem:$0x3F94];
	s0 =	simm.s32 @p0 $0x1  }
0x13: {  	[smem:$0x3FAF] =	sst s0;
	s0 =	simm.s32 @!p1 $0x0  }
0x14: {  	s2 =	sld [smem:$0x3F93];
	s0 =	simm.s32 @p1 $0x1  }
0x15: {  	[smem:$0x3FB0] =	sst s0;
	s0 =	simm.s32 @!p2 $0x0  }
0x16: {  	s3 =	sld [smem:$0x3FDB];
	s0 =	simm.s32 @p2 $0x1  }
0x17: {  	s4 =	simm.s32 $0x1BF5;
	[smem:$0x3FB2] =	sst s0  }
0x18: {  	s0 =	sld [smem:$0x3F95];
	_ =	swait.ge [sflag:s4], $0x0  }
0x19: {  	s7 =	sld [smem:$0x3F96]  }
0x1a: {  	s8 =	sadd.s32 $0xFFFFE003, lr  }
0x1b: {  	s9 =	sadd.s32 $0xFFFFFEF7, lr;
	s5 =	simm.s32 $0xFFFFFFFF;
	p2 =	slt.u32 s8, $0xFFFFF086  }
0x1c: {  	p1 =	slt.u32 s9, $0xF7A;
	s5 =	simm.s32 @!p2 $0x0  }
0x1d: {  	s5 =	simm.s32 @p1 $0x1;
	p0 =	seq.s32 s7, s2  }
0x1e: {  	s7 =	smul.u32 @!p0 $0xF7A, s2;
	p2 =	seq.s32 @!p0 s5, $0x0  }
0x1f: {  	s9 =	smul.u32 $0xF7A, s1;
	s8 =	simm.s32 @!p0 $0x1BF5;
	p2 =	por !p2, p0  }
0x20: {  	[sflag:s8] =	ssyncset.s32 @!p0 $0xFFFFF086;
	s6 =	sadd.s32 @!p0 s3, s7;
	s7 =	simm.s32 @!p0 $0x108  }
0x21: {  	s3 =	sadd.s32 s3, s9;
	s6 =	sadd.s32 @!p0 $0x88, s6;
	s7 =	simm.s32 @p2 $0x1082  }
0x22: {  	[simem:s7], [sflag:s8] =	dma.local @!p0 [hbm:s6], $0xF7A  }
0x23: {  	s9 =	sor.u32 $0xD0000000, s2;
	s6 =	simm.s32 $0x108;
	_ =	swait.ge @!p0 [sflag:s8], $0x0  }
0x24: {  	s3 =	sadd.s32 $0x88, s3;
	s6 =	simm.s32 @!p1 $0x1082;
	[sflag:s4] =	ssyncset.s32 $0xFFFFF086  }
0x25: {  	[simem:s6], [sflag:s4] =	dma.local [hbm:s3], $0xF7A  }
0x26: {  	[smem:$0x3F96] =	sst s1;
	(tag) =	ssettag s2;
	_ =	strace s9  }
0x27: {  	s1 =	sld [smem:$0x3FA6]  }
0x28: {  	s2 =	sld [smem:$0x3FA7]  }
0x29: {  	s4 =	sld [smem:$0x3FA9]  }
0x2a: {  	p0 =	seq.s32 s5, $0x0;
	s5 =	sld [smem:$0x3FAA]  }
0x2b: {  	s6 =	sld [smem:$0x3FAB]  }
0x2c: {  	s7 =	sld [smem:$0x3FAC]  }
0x2d: {  	s3 =	simm.s32 $0x108;
	s8 =	sld [smem:$0x3FAD]  }
0x2e: {  	s3 =	simm.s32 @!p0 $0x1082;
	s9 =	sld [smem:$0x3FAE]  }
0x2f: {  	lr =	sadd.s32 s0, s3;
	s0 =	sld [smem:$0x3FA5]  }
0x30: {  	s3 =	sld [smem:$0x3FA8]  }
0x31: {  	[smem:$0x3FB1] =	sst s10  }
0x32: {  	s10 =	sld [smem:$0x3FAF];
	_ =	sdelay $0x3  }
0x33: {  	p0 =	seq.s32 s10, $0x1;
	s10 =	sld [smem:$0x3FB1];
	_ =	sdelay $0x3  }
0x34: {  	[smem:$0x3FB1] =	sst s10  }
0x35: {  	s10 =	sld [smem:$0x3FB0];
	_ =	sdelay $0x3  }
0x36: {  	p1 =	seq.s32 s10, $0x1;
	s10 =	sld [smem:$0x3FB1];
	_ =	sdelay $0x3  }
0x37: {  	[smem:$0x3FB1] =	sst s10  }
0x38: {  	s10 =	sld [smem:$0x3FB2]  }
0x39: {  	_ = 	snop;
	(pc) =	sbr.ind lr, $3  }
0x3a: {  	_ = 	snop  }
0x3b: {  	_ = 	snop  }
0x3c: {  	p2 =	seq.s32 s10, $0x1;
	s10 =	sld [smem:$0x3FB1]  }
0x3d: {  	_ =	shalt  }
0x3e: {  	_ =	shalt  }
0x3f: {  	_ =	shalt  }
0x40: {  	_ =	shalt  }
0x41: {  	_ =	shalt  }
0x42: {  	_ =	shalt  }
0x43: {  	_ =	shalt  }
0x44: {  	_ =	shalt  }
0x45: {  	_ =	shalt  }
0x46: {  	_ =	shalt  }
0x47: {  	_ =	shalt  }
0x48: {  	_ =	shalt  }
0x49: {  	_ =	shalt  }
0x4a: {  	_ =	shalt  }
0x4b: {  	_ =	shalt  }
0x4c: {  	_ =	shalt  }
0x4d: {  	_ =	shalt  }
0x4e: {  	_ =	shalt  }
0x4f: {  	_ =	shalt  }
0x50: {  	_ =	shalt  }
0x51: {  	_ =	shalt  }
0x52: {  	_ =	shalt  }
0x53: {  	_ =	shalt  }
0x54: {  	_ =	shalt  }
0x55: {  	_ =	shalt  }
0x56: {  	_ =	shalt  }
0x57: {  	_ =	shalt  }
0x58: {  	_ =	shalt  }
0x59: {  	_ =	shalt  }
0x5a: {  	_ =	shalt  }
0x5b: {  	_ =	shalt  }
0x5c: {  	_ =	shalt  }
0x5d: {  	_ =	shalt  }
0x5e: {  	_ =	shalt  }
0x5f: {  	_ =	shalt  }
0x60: {  	_ =	shalt  }
0x61: {  	_ =	shalt  }
0x62: {  	_ =	shalt  }
0x63: {  	_ =	shalt  }
0x64: {  	_ =	shalt  }
0x65: {  	_ =	shalt  }
0x66: {  	_ =	shalt  }
0x67: {  	_ =	shalt  }
0x68: {  	_ =	shalt  }
0x69: {  	_ =	shalt  }
0x6a: {  	_ =	shalt  }
0x6b: {  	_ =	shalt  }
0x6c: {  	_ =	shalt  }
0x6d: {  	_ =	shalt  }
0x6e: {  	_ =	shalt  }
0x6f: {  	_ =	shalt  }
0x70: {  	_ =	shalt  }
0x71: {  	_ =	shalt  }
0x72: {  	_ =	shalt  }
0x73: {  	_ =	shalt  }
0x74: {  	_ =	shalt  }
0x75: {  	_ =	shalt  }
0x76: {  	_ =	shalt  }
0x77: {  	_ =	shalt  }
0x78: {  	_ =	shalt  }
0x79: {  	_ =	shalt  }
0x7a: {  	_ =	shalt  }
0x7b: {  	_ =	shalt  }
0x7c: {  	_ =	shalt  }
0x7d: {  	_ =	shalt  }
0x7e: {  	_ =	shalt  }
0x7f: {  	_ =	shalt  }
0x80: {  	_ =	shalt  }
0x81: {  	_ =	shalt  }
0x82: {  	_ =	shalt  }
0x83: {  	_ =	shalt  }
0x84: {  	_ =	shalt  }
0x85: {  	_ =	shalt  }
0x86: {  	_ =	shalt  }
0x87: {  	_ =	shalt  }
.Lfunc_end0:
.L_simem_size_0:
called_computation_lowered:
.L_overlay_start_0:
0x88: {  	s2 =	sld [smem:$0x3FD9]  }
0x89: {  	s3 =	sld [smem:$0x3FFE];
	_ =	sdelay $0x1  }
0x8a: {  	s1 =	srdreg.scid  }
0x8b: {  	s0 =	sand.u32 $0x1, s1  }
0x8c: {  	s17 =	sshll.u32 s0, $0xA;
	s2 =	sadd.s32 s3, s2  }
0x8d: {  	s2 =	sadd.s32 s2, s17  }
0x8e: {  	[smem:$0x3FBD] =	sst s2  }
0x8f: {  	_ = 	snop  }
0x90: {  	s2 =	sld [smem:$0x3FC8]  }
0x91: {  	s18 =	sld [smem:$0x3FC7];
	(tm) =	ssettm $0x1  }
0x92: {  	s4 =	sld [smem:$0x3FFB];
	_ =	sdelay $0x3  }
0x93: {  	_ =	strace s4  }
0x94: {  	s4 =	sld [smem:$0x3FFC];
	_ =	sdelay $0x3  }
0x95: {  	_ =	strace s4  }
0x96: {  	s4 =	sld [smem:$0x3FFD];
	_ =	sdelay $0x3  }
0x97: {  	_ =	strace s4  }
0x98: {  	_ =	strace $0x8FFFFFFF  }
0x99: {  	s19 =	sld [smem:$0x3FDB];
	_ =	sdelay $0x1  }
0x9a: {  	s5 =	simm.s32 $_scs_section_size  }
0x9b: {  	s6 =	simm.s32 $_size__tile_overlayer_lowered;
	s7 =	simm.s32 $_tile_overlayer_lowered  }
0x9c: {  	s22 =	simm.s32 $0x1BFF;
	s21 =	sshll.u32 s7, $0x1;
	s4 =	sadd.s32 s5, s19  }
0x9d: {  	s8 =	simm.s32 $0x0;
	s20 =	sshll.u32 s6, $0x1;
	s6 =	sadd.s32 s21, s4  }
0x9e: {  	[timem:s8], [sflag:s22] =	dma.local [hbm:s6], s20  }
0x9f: {  	_ =	swait.ge [sflag:s22], s20  }
0xa0: {  	s5 =	ssub.s32 $0x0, s20;
	[sflag:s22] =	ssyncset.done $0x0  }
0xa1: {  	[sflag:s22] =	ssyncadd.s32 s5;
	_ =	sdelay $0x1  }
0xa2: {  	s23 =	simm.s32 $0x1B8B  }
0xa3: {  	_ =	swait.ge [sflag:s23], $0x1  }
0xa4: {  	[sflag:s23] =	ssyncset.done $0x0  }
0xa5: {  	s25 =	simm.s32 $0x1B8E;
	s24 =	sld [smem:$0x3FFE];
	[sflag:s23] =	ssyncadd.s32 $0xFFFFFFFF  }
0xa6: {  	s26 =	simm.s32 $execute0_lowered;
	[smem:$0x3FD2] =	sst s25  }
0xa7: {  	s6 =	sshll.u32 s26, $0x1;
	_ =	strace $0x80000046;
	[dreg:$0x1] =	wrdreg $0xFFFFFFFF  }
0xa8: {  	s28 =	simm.s32 $_size_execute0_lowered;
	s4 =	sadd.s32 s4, s6;
	[dreg:$0x0] =	wrdreg $0x0  }
0xa9: {  	s6 =	sshll.u32 s28, $0x1;
	[dreg:$0x2] =	wrdreg s4  }
0xaa: {  	[dreg:$0x3] =	wrdreg s6  }
0xab: {  	[dreg:$0x4] =	wrdreg $0xC0  }
0xac: {  	_ =	task [dreg:s8], $0x5FFFF  }
0xad: {  	[dreg:$0x1] =	wrdreg $0xFFFFFFFF  }
0xae: {  	[dreg:$0x0] =	wrdreg $0x60  }
0xaf: {  	[dreg:$0x2] =	wrdreg s2  }
0xb0: {  	[dreg:$0x3] =	wrdreg s18  }
0xb1: {  	[dreg:$0x4] =	wrdreg s24  }
0xb2: {  	[dreg:$0x5] =	wrdreg $0x9  }
0xb3: {  	_ =	task.clear_ibuf [dreg:s8], $0x6FFFF;
	_ =	strace $0x90000046  }
0xb4: {  	s29 =	simm.s32 $0x9;
	_ =	strace $0x80000048  }
0xb5: {  	_ =	swait.ge [sflag:s29], $0x1  }
0xb6: {  	[sflag:s29] =	ssyncadd.s32 $0xFFFFFFFF  }
0xb7: {  	_ =	strace $0x90000048  }
0xb8: {  	_ =	sfence  }
0xb9: {  	s30 =	sld [smem:$0x0];
	_ =	sdelay $0x2  }
0xba: {  	s31 =	sshll.u32 s1, $0xD;
	s1 =	sshrl.u32 s1, $0x2  }
0xbb: {  	s3 =	sand.u32 $0x4000, s31;
	s1 =	sadd.s32 s1, s30  }
0xbc: {  	s0 =	sor.u32 s3, s0;
	s1 =	sshll.u32 s1, $0x11  }
0xbd: {  	s0 =	sor.u32 s1, s0  }
0xbe: {  	s0 =	sadd.s32 $0x8F2B, s0  }
0xbf: {  	[sflag:s0] =	ssyncadd.remote.s32 $0x1  }
0xc0: {  	_ =	sfence.sel $0xFFFF  }
0xc1: {  	[dreg:$0x0] =	wrdreg $0xFFFFFFFF;
	(pc) =	sbr.abs _section_cstart, $3  }
0xc2: {  	[dreg:$0x1] =	wrdreg $0xFFFFFFFF  }
0xc3: {  	_ =	task.clear_ibuf [dreg:s8], $0x2FFFF;
	_ =	strace $0x9FFFFFFF  }
0xc4: {  	(tm) =	ssettm $0x7FFFFFFF  }
0xc5: {  	_ =	shalt  }
tec
execute0_lowered:
.L_overlay_start_1:
0x0: {  	(tag) =	ssettag $0x1  }
0x1: {  	s0 =	rddreg [dreg:$0x0]  }
0x2: {  	s1 =	rddreg [dreg:$0x1];
	s2 =	srdreg.scid  }
0x3: {  	s4 =	stileid.u32;
	s3 =	rddreg [dreg:$0x2]  }
0x4: {  	s5 =	simm.s32 $0x0;
	s2 =	sand.u32 $0x1, s2;
	s4 =	sshll.u32 s4, $0x1  }
0x5: {  	[smem:$0x7FF] =	sst s5;
	s6 =	sadd.s32 $0x2400, s3;
	s8 =	sadd.s32 $0x33200, s3  }
0x6: {  	s28 =	sadd.s32 $0x32B00, s3;
	s29 =	sadd.s32 $0x32E00, s3;
	s30 =	sadd.s32 $0x63900, s3  }
0x7: {  	s31 =	sadd.s32 $0x63C00, s3;
	s3 =	simm.s32 $0x1;
	s4 =	sor.u32 s2, s4  }
0x8: {  	s2 =	ssub.s32 $0x2, s2;
	_ =	strace $0x80000047;
	s5 =	smul.u32 $0xC80, s4  }
0x9: {  	s7 =	sshrl.u32 s2, $0x1;
	s11 =	smul.u32 $0x1900, s4;
	p0 =	seq.s32 s4, $0x1F  }
0xa: {  	s4 =	simm.s32 $0x5000;
	s2 =	ssub.s32 s2, s7;
	s7 =	sadd.s32 $0x280, s5  }
0xb: {  	s9 =	sadd.s32 $0x500, s5;
	s10 =	sadd.s32 $0x780, s5;
	s13 =	sadd.s32 s0, s5  }
0xc: {  	s12 =	sadd.s32 $0xA00, s5;
	s23 =	sadd.s32 s6, s11;
	[dreg:$0x4] =	wrdreg s13  }
0xd: {  	s11 =	sadd.s32 s8, s11;
	s22 =	sshll.u32 s7, $0x1;
	[dreg:$0x6] =	wrdreg s23  }
0xe: {  	s14 =	sadd.s32 s0, s7;
	s25 =	sshll.u32 s9, $0x1;
	[dreg:$0xb] =	wrdreg s11  }
0xf: {  	s15 =	sshll.u32 s10, $0x1;
	s21 =	sadd.s32 s0, s9;
	[dreg:$0x5] =	wrdreg s14  }
0x10: {  	s16 =	sshll.u32 s12, $0x1;
	s23 =	sadd.s32 s1, s5;
	[dreg:$0x10] =	wrdreg s21  }
0x11: {  	s5 =	simm.s32 $0x7800;
	s24 =	sadd.s32 s6, s22;
	[dreg:$0x12] =	wrdreg s23  }
0x12: {  	s11 =	simm.s32 $0x5;
	s17 =	sadd.s32 s6, s25;
	[dreg:$0x7] =	wrdreg s24  }
0x13: {  	s13 =	simm.s32 $0xC3800;
	s26 =	sadd.s32 s6, s15;
	[dreg:$0x8] =	wrdreg s17  }
0x14: {  	s6 =	sadd.s32 s6, s16;
	s18 =	sadd.s32 s8, s25;
	[dreg:$0x9] =	wrdreg s26  }
0x15: {  	s19 =	sadd.s32 s8, s15;
	s20 =	sadd.s32 s8, s16;
	[dreg:$0xa] =	wrdreg s6  }
0x16: {  	s25 =	sadd.s32 s1, s9;
	s21 =	sadd.s32 s0, s12;
	[dreg:$0xd] =	wrdreg s18  }
0x17: {  	v0 =	vlaneseq.u32;
	s23 =	sadd.s32 $0x18380, s0;
	s9 =	simm.s32 $0xC800;
	[dreg:$0xe] =	wrdreg s19  }
0x18: {  	v1 =	vand.u32 $0x7, v0;
	v0 =	vmul.u32 $0x10, v0;
	s14 =	simm.s32 $0x0;
	s17 =	sadd.s32 s8, s22;
	[dreg:$0xf] =	wrdreg s20  }
0x19: {  	s22 =	sadd.s32 s0, s10;
	s24 =	sadd.s32 s1, s7;
	[dreg:$0x14] =	wrdreg s25  }
0x1a: {  	v1 =	vmul.u32 $0x10, v1;
	v2 =	vor.u32 $0x1, v0;
	s26 =	sadd.s32 s1, s10;
	s25 =	sadd.s32 $0x18380, s1;
	[dreg:$0xc] =	wrdreg s17  }
.Ltmp0:
0x1b: {  	v3 =	vor.u32 $0x2, v0;
	v4 =	vor.u32 $0x3, v0;
	v5 =	vor.u32 $0x4, v0;
	s6 =	simm.s32 $0x2;
	[dreg:$0x11] =	wrdreg s22;
	(pc) =	sbr.rel .LBB2_1-.Ltmp0, $4  }
0x1c: {  	v6 =	vor.u32 $0x5, v0;
	v7 =	vor.u32 $0x6, v0;
	v8 =	vor.u32 $0x7, v0;
	s7 =	simm.s32 $0xA000;
	s8 =	simm.s32 $0x3;
	[dreg:$0x13] =	wrdreg s24  }
0x1d: {  	v9 =	vor.u32 $0x8, v0;
	v10 =	vor.u32 $0x9, v0;
	v11 =	vor.u32 $0xA, v0;
	s10 =	simm.s32 $0x4;
	[dreg:$0x15] =	wrdreg s26;
	s22 =	sadd.s32 s1, s12  }
0x1e: {  	v12 =	vor.u32 $0xB, v0;
	v13 =	vor.u32 $0xC, v0;
	v14 =	vor.u32 $0xD, v0;
	s24 =	sadd.s32 $0x18500, s0;
	s26 =	sadd.s32 $0x18500, s1;
	s1 =	smax.u32 s2, $0x1  }
0x1f: {  	v15 =	vor.u32 $0xE, v0;
	v16 =	vor.u32 $0xF, v0;
	v1 =	vor.u32 $0xFFFFFF80, v1;
	s0 =	simm.s32 $0x1400;
	s2 =	simm.s32 $0x2800;
	s12 =	simm.s32 $0x6  }
.LBB2_31:
0x20: {  	_ =	sdelay $0x3  }
0x21: {  	v19 =	vor.u32 s15, v0;
	s18 =	sor.u32 s19, s20;
	[tilespmem:v18+s5+$0x0] =	vst.idx.msk $0xffff, v17  }
0x22: {  	v17 =	vld [tilespmem:s18+$0x0];
	v18 =	vand.u32 v1, v19;
	_ =	sdelay $0x4  }
0x23: {  	[tilespmem:v18+s5+$0x0] =	vst.idx.msk $0xffff, v17  }
0x24: {  	v18 =	vor.u32 s15, v2;
	v17 =	vld [tilespmem:s18+$0x80];
	_ =	sdelay $0x4  }
0x25: {  	[tilespmem:v18+s5+$0x0] =	vst.idx.msk $0xffff, v17  }
0x26: {  	v18 =	vor.u32 s15, v3;
	v17 =	vld [tilespmem:s18+$0x100];
	_ =	sdelay $0x4  }
0x27: {  	[tilespmem:v18+s5+$0x0] =	vst.idx.msk $0xffff, v17  }
0x28: {  	v18 =	vor.u32 s15, v4;
	v17 =	vld [tilespmem:s18+$0x180];
	_ =	sdelay $0x4  }
0x29: {  	[tilespmem:v18+s5+$0x0] =	vst.idx.msk $0xffff, v17  }
0x2a: {  	v18 =	vor.u32 s15, v5;
	v17 =	vld [tilespmem:s18+$0x200];
	_ =	sdelay $0x4  }
0x2b: {  	[tilespmem:v18+s5+$0x0] =	vst.idx.msk $0xffff, v17  }
0x2c: {  	v18 =	vor.u32 s15, v6;
	v17 =	vld [tilespmem:s18+$0x280];
	_ =	sdelay $0x4  }
0x2d: {  	[tilespmem:v18+s5+$0x0] =	vst.idx.msk $0xffff, v17  }
0x2e: {  	v18 =	vor.u32 s15, v7;
	v17 =	vld [tilespmem:s18+$0x300];
	_ =	sdelay $0x3  }
0x2f: {  	s16 =	sor.u32 s16, s17  }
0x30: {  	s16 =	sor.u32 $0x380, s16;
	[tilespmem:v18+s5+$0x0] =	vst.idx.msk $0xffff, v17  }
0x31: {  	v18 =	vor.u32 s15, v8;
	v17 =	vld [tilespmem:s16+$0x0];
	_ =	sdelay $0x4  }
0x32: {  	[tilespmem:v18+s5+$0x0] =	vst.idx.msk $0xffff, v17  }
0x33: {  	v18 =	vor.u32 s15, v9;
	v17 =	vld [tilespmem:s18+$0x1400];
	_ =	sdelay $0x4  }
0x34: {  	[tilespmem:v18+s5+$0x0] =	vst.idx.msk $0xffff, v17  }
0x35: {  	v18 =	vor.u32 s15, v10;
	v17 =	vld [tilespmem:s18+$0x1480];
	_ =	sdelay $0x4  }
0x36: {  	[tilespmem:v18+s5+$0x0] =	vst.idx.msk $0xffff, v17  }
0x37: {  	v18 =	vor.u32 s15, v11;
	v17 =	vld [tilespmem:s18+$0x1500];
	_ =	sdelay $0x4  }
0x38: {  	[tilespmem:v18+s5+$0x0] =	vst.idx.msk $0xffff, v17  }
0x39: {  	v18 =	vor.u32 s15, v12;
	v17 =	vld [tilespmem:s18+$0x1580];
	_ =	sdelay $0x4  }
0x3a: {  	[tilespmem:v18+s5+$0x0] =	vst.idx.msk $0xffff, v17  }
0x3b: {  	v18 =	vor.u32 s15, v13;
	v17 =	vld [tilespmem:s18+$0x1600];
	_ =	sdelay $0x4  }
0x3c: {  	[tilespmem:v18+s5+$0x0] =	vst.idx.msk $0xffff, v17  }
0x3d: {  	v18 =	vor.u32 s15, v14;
	v17 =	vld [tilespmem:s18+$0x1680];
	_ =	sdelay $0x4  }
0x3e: {  	[tilespmem:v18+s5+$0x0] =	vst.idx.msk $0xffff, v17  }
0x3f: {  	v18 =	vor.u32 s15, v15;
	v17 =	vld [tilespmem:s18+$0x1700];
	_ =	sdelay $0x4  }
0x40: {  	[tilespmem:v18+s5+$0x0] =	vst.idx.msk $0xffff, v17  }
0x41: {  	v18 =	vor.u32 s15, v16;
	v17 =	vld [tilespmem:s18+$0x1780];
	_ =	sdelay $0x4  }
0x42: {  	s20 =	simm.s32 $0x0;
	[tilespmem:v18+s5+$0x0] =	vst.idx.msk $0xffff, v17  }
0x43: {  	[hbm4b:s31+s20] =	stream.linear.scatter [tilespmem:s5], [sflag:$0x4], $0x1800, $0x38;
	[tilespmem:$0xF000] =	vst v63  }
0x44: {  	_ =	swait.ge [sflag:s10], $0x1800  }
0x45: {  	[sflag:s10] =	ssyncset.done $0x0  }
0x46: {  	[sflag:s10] =	ssyncadd.s32 $0xFFFFE800  }
0x47: {  	_ =	swait.ge [sflag:s11], $0x1800  }
0x48: {  	[sflag:s11] =	ssyncset.done $0x0  }
0x49: {  	[sflag:s11] =	ssyncadd.s32 $0xFFFFE800  }
0x4a: {  	_ =	swait.ge [sflag:s12], $0x1800  }
0x4b: {  	[sflag:s12] =	ssyncset.done $0x0  }
0x4c: {  	[sflag:s12] =	ssyncadd.s32 $0xFFFFE800  }
.LBB2_32:
0x4d: {  	s14 =	sadd.s32 $0x1, s14  }
0x4e: {  	p1 =	sne.s32 s14, s1  }
.Ltmp1:
0x4f: {  	_ = 	snop;
	(pc) =	sbr.rel @!p1 .LBB2_33-.Ltmp1, $1  }
0x50: {  	_ =	sdelay $0x3  }
.LBB2_1:
.Ltmp2:
0x51: {  	(pc) =	sbr.rel @!p0 .LBB2_2-.Ltmp2, $2  }
0x52: {  	_ =	sdelay $0x2  }
0x53: {  	s18 =	simm.s32 $0x0  }
0x54: {  	[tilespmem:s18], [sflag:$0x1] =	stream.linear.gather [hbm4b:s23+s18], $0xC00, $0x38;
	[tilespmem:$0xF000] =	vst v63  }
0x55: {  	s15 =	sadd.s32 $0x18700, s23  }
0x56: {  	[tilespmem:s0], [sflag:$0x1] =	stream.linear.gather [hbm4b:s15+s18], $0xC00, $0x38;
	[tilespmem:$0xF000] =	vst v63  }
0x57: {  	_ = 	snop  }
0x58: {  	[tilespmem:s2], [sflag:$0x2] =	stream.linear.gather [hbm4b:s24+s18], $0xC00, $0x38;
	[tilespmem:$0xF000] =	vst v63  }
0x59: {  	s17 =	sadd.s32 $0x18700, s24;
	s16 =	simm.s32 $0x3C00  }
0x5a: {  	[tilespmem:s16], [sflag:$0x2] =	stream.linear.gather [hbm4b:s17+s18], $0xC00, $0x38;
	[tilespmem:$0xF000] =	vst v63  }
0x5b: {  	_ =	swait.ge [sflag:s3], $0x1800  }
0x5c: {  	[sflag:s3] =	ssyncset.done $0x0  }
0x5d: {  	[sflag:s3] =	ssyncadd.s32 $0xFFFFE800  }
0x5e: {  	[tilespmem:s4], [sflag:$0x3] =	stream.linear.gather [hbm4b:s25+s18], $0xC00, $0x38;
	[tilespmem:$0xF000] =	vst v63  }
0x5f: {  	s19 =	sadd.s32 $0x18700, s25;
	s20 =	simm.s32 $0x6400  }
0x60: {  	[tilespmem:s20], [sflag:$0x3] =	stream.linear.gather [hbm4b:s19+s18], $0xC00, $0x38;
	[tilespmem:$0xF000] =	vst v63  }
0x61: {  	s17 =	sand.u32 $0x70, s18;
	s19 =	sand.u32 $0xC00, s18  }
0x62: {  	v17 =	vor.u32 s18, v0;
	s19 =	sor.u32 s17, s19  }
0x63: {  	v17 =	vand.u32 v1, v17;
	v18 =	vld [tilespmem:s19+$0x0];
	_ =	sdelay $0x4  }
0x64: {  	[tilespmem:v17+s5+$0x0] =	vst.idx.msk $0xffff, v18  }
0x65: {  	v18 =	vor.u32 s18, v2;
	v17 =	vld [tilespmem:s19+$0x80];
	_ =	sdelay $0x4  }
0x66: {  	[tilespmem:v18+s5+$0x0] =	vst.idx.msk $0xffff, v17  }
0x67: {  	v18 =	vor.u32 s18, v3;
	v17 =	vld [tilespmem:s19+$0x100];
	_ =	sdelay $0x4  }
0x68: {  	[tilespmem:v18+s5+$0x0] =	vst.idx.msk $0xffff, v17  }
0x69: {  	v18 =	vor.u32 s18, v4;
	v17 =	vld [tilespmem:s19+$0x180];
	_ =	sdelay $0x4  }
0x6a: {  	[tilespmem:v18+s5+$0x0] =	vst.idx.msk $0xffff, v17  }
0x6b: {  	v18 =	vor.u32 s18, v5;
	v17 =	vld [tilespmem:s19+$0x200];
	_ =	sdelay $0x4  }
0x6c: {  	[tilespmem:v18+s5+$0x0] =	vst.idx.msk $0xffff, v17  }
0x6d: {  	v18 =	vor.u32 s18, v6;
	v17 =	vld [tilespmem:s19+$0x280];
	_ =	sdelay $0x4  }
0x6e: {  	[tilespmem:v18+s5+$0x0] =	vst.idx.msk $0xffff, v17  }
0x6f: {  	v18 =	vor.u32 s18, v7;
	v17 =	vld [tilespmem:s19+$0x300];
	_ =	sdelay $0x3  }
0x70: {  	s20 =	sor.u32 s18, s18  }
0x71: {  	s15 =	sor.u32 $0x380, s20;
	[tilespmem:v18+s5+$0x0] =	vst.idx.msk $0xffff, v17  }
0x72: {  	v18 =	vor.u32 s18, v8;
	v17 =	vld [tilespmem:s15+$0x0];
	_ =	sdelay $0x4  }
0x73: {  	[tilespmem:v18+s5+$0x0] =	vst.idx.msk $0xffff, v17  }
0x74: {  	v18 =	vor.u32 s18, v9;
	v17 =	vld [tilespmem:s19+$0x1400];
	_ =	sdelay $0x4  }
0x75: {  	[tilespmem:v18+s5+$0x0] =	vst.idx.msk $0xffff, v17  }
0x76: {  	v18 =	vor.u32 s18, v10;
	v17 =	vld [tilespmem:s19+$0x1480];
	_ =	sdelay $0x4  }
0x77: {  	[tilespmem:v18+s5+$0x0] =	vst.idx.msk $0xffff, v17  }
0x78: {  	v18 =	vor.u32 s18, v11;
	v17 =	vld [tilespmem:s19+$0x1500];
	_ =	sdelay $0x4  }
0x79: {  	[tilespmem:v18+s5+$0x0] =	vst.idx.msk $0xffff, v17  }
0x7a: {  	v18 =	vor.u32 s18, v12;
	v17 =	vld [tilespmem:s19+$0x1580];
	_ =	sdelay $0x4  }
0x7b: {  	[tilespmem:v18+s5+$0x0] =	vst.idx.msk $0xffff, v17  }
0x7c: {  	v18 =	vor.u32 s18, v13;
	v17 =	vld [tilespmem:s19+$0x1600];
	_ =	sdelay $0x4  }
0x7d: {  	[tilespmem:v18+s5+$0x0] =	vst.idx.msk $0xffff, v17  }
0x7e: {  	v18 =	vor.u32 s18, v14;
	v17 =	vld [tilespmem:s19+$0x1680];
	_ =	sdelay $0x4  }
0x7f: {  	[tilespmem:v18+s5+$0x0] =	vst.idx.msk $0xffff, v17  }
0x80: {  	v18 =	vor.u32 s18, v15;
	v17 =	vld [tilespmem:s19+$0x1700];
	_ =	sdelay $0x4  }
0x81: {  	[tilespmem:v18+s5+$0x0] =	vst.idx.msk $0xffff, v17  }
0x82: {  	v18 =	vor.u32 s18, v16;
	v17 =	vld [tilespmem:s19+$0x1780];
	_ =	sdelay $0x1  }
0x83: {  	s16 =	simm.s32 $0x80  }
0x84: {  	s17 =	simm.s32 $0x10;
	s20 =	sand.u32 $0xC00, s16  }
0x85: {  	s15 =	simm.s32 $0x100;
	s18 =	simm.s32 $0x200;
	s19 =	sand.u32 $0x70, s17  }
.LBB2_24:
0x86: {  	p1 =	sne.s32 s18, $0x1700;
	v19 =	vor.u32 s15, v0;
	s19 =	sor.u32 s19, s20;
	[tilespmem:v18+s5+$0x0] =	vst.idx.msk $0xffff, v17  }
0x87: {  	v17 =	vld [tilespmem:s19+$0x0];
	v18 =	vand.u32 v1, v19;
	_ =	sdelay $0x4  }
0x88: {  	[tilespmem:v18+s5+$0x0] =	vst.idx.msk $0xffff, v17  }
0x89: {  	v18 =	vor.u32 s15, v2;
	v17 =	vld [tilespmem:s19+$0x80];
	_ =	sdelay $0x4  }
0x8a: {  	[tilespmem:v18+s5+$0x0] =	vst.idx.msk $0xffff, v17  }
0x8b: {  	v18 =	vor.u32 s15, v3;
	v17 =	vld [tilespmem:s19+$0x100];
	_ =	sdelay $0x4  }
0x8c: {  	[tilespmem:v18+s5+$0x0] =	vst.idx.msk $0xffff, v17  }
0x8d: {  	v18 =	vor.u32 s15, v4;
	v17 =	vld [tilespmem:s19+$0x180];
	_ =	sdelay $0x4  }
0x8e: {  	[tilespmem:v18+s5+$0x0] =	vst.idx.msk $0xffff, v17  }
0x8f: {  	v18 =	vor.u32 s15, v5;
	v17 =	vld [tilespmem:s19+$0x200];
	_ =	sdelay $0x4  }
0x90: {  	[tilespmem:v18+s5+$0x0] =	vst.idx.msk $0xffff, v17  }
0x91: {  	v18 =	vor.u32 s15, v6;
	v17 =	vld [tilespmem:s19+$0x280];
	_ =	sdelay $0x4  }
0x92: {  	[tilespmem:v18+s5+$0x0] =	vst.idx.msk $0xffff, v17  }
0x93: {  	v18 =	vor.u32 s15, v7;
	v17 =	vld [tilespmem:s19+$0x300];
	_ =	sdelay $0x3  }
0x94: {  	s20 =	sor.u32 s16, s17  }
0x95: {  	s20 =	sor.u32 $0x380, s20;
	[tilespmem:v18+s5+$0x0] =	vst.idx.msk $0xffff, v17  }
0x96: {  	v18 =	vor.u32 s15, v8;
	v17 =	vld [tilespmem:s20+$0x0];
	_ =	sdelay $0x4  }
0x97: {  	[tilespmem:v18+s5+$0x0] =	vst.idx.msk $0xffff, v17  }
0x98: {  	v18 =	vor.u32 s15, v9;
	v17 =	vld [tilespmem:s19+$0x1400];
	_ =	sdelay $0x4  }
0x99: {  	[tilespmem:v18+s5+$0x0] =	vst.idx.msk $0xffff, v17  }
0x9a: {  	v18 =	vor.u32 s15, v10;
	v17 =	vld [tilespmem:s19+$0x1480];
	_ =	sdelay $0x4  }
0x9b: {  	[tilespmem:v18+s5+$0x0] =	vst.idx.msk $0xffff, v17  }
0x9c: {  	v18 =	vor.u32 s15, v11;
	v17 =	vld [tilespmem:s19+$0x1500];
	_ =	sdelay $0x4  }
0x9d: {  	[tilespmem:v18+s5+$0x0] =	vst.idx.msk $0xffff, v17  }
0x9e: {  	v18 =	vor.u32 s15, v12;
	v17 =	vld [tilespmem:s19+$0x1580];
	_ =	sdelay $0x4  }
0x9f: {  	[tilespmem:v18+s5+$0x0] =	vst.idx.msk $0xffff, v17  }
0xa0: {  	v18 =	vor.u32 s15, v13;
	v17 =	vld [tilespmem:s19+$0x1600];
	_ =	sdelay $0x4  }
0xa1: {  	[tilespmem:v18+s5+$0x0] =	vst.idx.msk $0xffff, v17  }
0xa2: {  	v18 =	vor.u32 s15, v14;
	v17 =	vld [tilespmem:s19+$0x1680];
	_ =	sdelay $0x4  }
0xa3: {  	[tilespmem:v18+s5+$0x0] =	vst.idx.msk $0xffff, v17  }
0xa4: {  	v18 =	vor.u32 s15, v15;
	v17 =	vld [tilespmem:s19+$0x1700];
	_ =	sdelay $0x4  }
0xa5: {  	[tilespmem:v18+s5+$0x0] =	vst.idx.msk $0xffff, v17  }
.Ltmp3:
0xa6: {  	v18 =	vor.u32 s15, v16;
	s15 =	smov.u32 s18;
	v17 =	vld [tilespmem:s19+$0x1780];
	(pc) =	sbr.rel @p1 .LBB2_24-.Ltmp3, $3  }
0xa7: {  	_ =	sdelay $0x1  }
0xa8: {  	s16 =	sadd.s32 $0x80, s16;
	s17 =	sadd.s32 $0x10, s17  }
0xa9: {  	s20 =	sand.u32 $0xC00, s16;
	s18 =	sadd.s32 $0x100, s18;
	s19 =	sand.u32 $0x70, s17  }
0xaa: {  	_ =	sdelay $0x3  }
0xab: {  	v19 =	vor.u32 s15, v0;
	s18 =	sor.u32 s19, s20;
	[tilespmem:v18+s5+$0x0] =	vst.idx.msk $0xffff, v17  }
0xac: {  	v17 =	vld [tilespmem:s18+$0x0];
	v18 =	vand.u32 v1, v19;
	_ =	sdelay $0x4  }
0xad: {  	[tilespmem:v18+s5+$0x0] =	vst.idx.msk $0xffff, v17  }
0xae: {  	v18 =	vor.u32 s15, v2;
	v17 =	vld [tilespmem:s18+$0x80];
	_ =	sdelay $0x4  }
0xaf: {  	[tilespmem:v18+s5+$0x0] =	vst.idx.msk $0xffff, v17  }
0xb0: {  	v18 =	vor.u32 s15, v3;
	v17 =	vld [tilespmem:s18+$0x100];
	_ =	sdelay $0x4  }
0xb1: {  	[tilespmem:v18+s5+$0x0] =	vst.idx.msk $0xffff, v17  }
0xb2: {  	v18 =	vor.u32 s15, v4;
	v17 =	vld [tilespmem:s18+$0x180];
	_ =	sdelay $0x4  }
0xb3: {  	[tilespmem:v18+s5+$0x0] =	vst.idx.msk $0xffff, v17  }
0xb4: {  	v18 =	vor.u32 s15, v5;
	v17 =	vld [tilespmem:s18+$0x200];
	_ =	sdelay $0x4  }
0xb5: {  	[tilespmem:v18+s5+$0x0] =	vst.idx.msk $0xffff, v17  }
0xb6: {  	v18 =	vor.u32 s15, v6;
	v17 =	vld [tilespmem:s18+$0x280];
	_ =	sdelay $0x4  }
0xb7: {  	[tilespmem:v18+s5+$0x0] =	vst.idx.msk $0xffff, v17  }
0xb8: {  	v18 =	vor.u32 s15, v7;
	v17 =	vld [tilespmem:s18+$0x300];
	_ =	sdelay $0x3  }
0xb9: {  	s16 =	sor.u32 s16, s17  }
0xba: {  	s16 =	sor.u32 $0x380, s16;
	[tilespmem:v18+s5+$0x0] =	vst.idx.msk $0xffff, v17  }
0xbb: {  	v18 =	vor.u32 s15, v8;
	v17 =	vld [tilespmem:s16+$0x0];
	_ =	sdelay $0x4  }
0xbc: {  	[tilespmem:v18+s5+$0x0] =	vst.idx.msk $0xffff, v17  }
0xbd: {  	v18 =	vor.u32 s15, v9;
	v17 =	vld [tilespmem:s18+$0x1400];
	_ =	sdelay $0x4  }
0xbe: {  	[tilespmem:v18+s5+$0x0] =	vst.idx.msk $0xffff, v17  }
0xbf: {  	v18 =	vor.u32 s15, v10;
	v17 =	vld [tilespmem:s18+$0x1480];
	_ =	sdelay $0x4  }
0xc0: {  	[tilespmem:v18+s5+$0x0] =	vst.idx.msk $0xffff, v17  }
0xc1: {  	v18 =	vor.u32 s15, v11;
	v17 =	vld [tilespmem:s18+$0x1500];
	_ =	sdelay $0x4  }
0xc2: {  	[tilespmem:v18+s5+$0x0] =	vst.idx.msk $0xffff, v17  }
0xc3: {  	v18 =	vor.u32 s15, v12;
	v17 =	vld [tilespmem:s18+$0x1580];
	_ =	sdelay $0x4  }
0xc4: {  	[tilespmem:v18+s5+$0x0] =	vst.idx.msk $0xffff, v17  }
0xc5: {  	v18 =	vor.u32 s15, v13;
	v17 =	vld [tilespmem:s18+$0x1600];
	_ =	sdelay $0x4  }
0xc6: {  	[tilespmem:v18+s5+$0x0] =	vst.idx.msk $0xffff, v17  }
0xc7: {  	v18 =	vor.u32 s15, v14;
	v17 =	vld [tilespmem:s18+$0x1680];
	_ =	sdelay $0x4  }
0xc8: {  	[tilespmem:v18+s5+$0x0] =	vst.idx.msk $0xffff, v17  }
0xc9: {  	v18 =	vor.u32 s15, v15;
	v17 =	vld [tilespmem:s18+$0x1700];
	_ =	sdelay $0x4  }
0xca: {  	[tilespmem:v18+s5+$0x0] =	vst.idx.msk $0xffff, v17  }
0xcb: {  	v18 =	vor.u32 s15, v16;
	v17 =	vld [tilespmem:s18+$0x1780];
	_ =	sdelay $0x4  }
0xcc: {  	s18 =	simm.s32 $0x0;
	[tilespmem:v18+s5+$0x0] =	vst.idx.msk $0xffff, v17  }
0xcd: {  	[hbm4b:s28+s18] =	stream.linear.scatter [tilespmem:s5], [sflag:$0x4], $0x1800, $0x38;
	[tilespmem:$0xF000] =	vst v63  }
0xce: {  	_ =	swait.ge [sflag:s6], $0x1800  }
0xcf: {  	[sflag:s6] =	ssyncset.done $0x0  }
0xd0: {  	s17 =	sand.u32 $0x70, s18;
	s19 =	sand.u32 $0xC00, s18;
	[sflag:s6] =	ssyncadd.s32 $0xFFFFE800  }
0xd1: {  	[tilespmem:s18], [sflag:$0x1] =	stream.linear.gather [hbm4b:s26+s18], $0xC00, $0x38;
	[tilespmem:$0xF000] =	vst v63  }
0xd2: {  	s16 =	sadd.s32 $0x18700, s26;
	s19 =	sor.u32 s17, s19  }
0xd3: {  	v17 =	vor.u32 s18, v0;
	[tilespmem:s0], [sflag:$0x1] =	stream.linear.gather [hbm4b:s16+s18], $0xC00, $0x38;
	[tilespmem:$0xF000] =	vst v63  }
0xd4: {  	v17 =	vand.u32 v1, v17;
	v18 =	vld [tilespmem:s19+$0x2800];
	_ =	sdelay $0x4  }
0xd5: {  	[tilespmem:v17+s7+$0x0] =	vst.idx.msk $0xffff, v18  }
0xd6: {  	v18 =	vor.u32 s18, v2;
	v17 =	vld [tilespmem:s19+$0x2880];
	_ =	sdelay $0x4  }
0xd7: {  	[tilespmem:v18+s7+$0x0] =	vst.idx.msk $0xffff, v17  }
0xd8: {  	v18 =	vor.u32 s18, v3;
	v17 =	vld [tilespmem:s19+$0x2900];
	_ =	sdelay $0x4  }
0xd9: {  	[tilespmem:v18+s7+$0x0] =	vst.idx.msk $0xffff, v17  }
0xda: {  	v18 =	vor.u32 s18, v4;
	v17 =	vld [tilespmem:s19+$0x2980];
	_ =	sdelay $0x4  }
0xdb: {  	[tilespmem:v18+s7+$0x0] =	vst.idx.msk $0xffff, v17  }
0xdc: {  	v18 =	vor.u32 s18, v5;
	v17 =	vld [tilespmem:s19+$0x2A00];
	_ =	sdelay $0x4  }
0xdd: {  	[tilespmem:v18+s7+$0x0] =	vst.idx.msk $0xffff, v17  }
0xde: {  	v18 =	vor.u32 s18, v6;
	v17 =	vld [tilespmem:s19+$0x2A80];
	_ =	sdelay $0x4  }
0xdf: {  	[tilespmem:v18+s7+$0x0] =	vst.idx.msk $0xffff, v17  }
0xe0: {  	v18 =	vor.u32 s18, v7;
	v17 =	vld [tilespmem:s19+$0x2B00];
	_ =	sdelay $0x3  }
0xe1: {  	s20 =	sor.u32 s18, s18  }
0xe2: {  	s15 =	sor.u32 $0x380, s20;
	[tilespmem:v18+s7+$0x0] =	vst.idx.msk $0xffff, v17  }
0xe3: {  	v18 =	vor.u32 s18, v8;
	v17 =	vld [tilespmem:s15+$0x2800];
	_ =	sdelay $0x4  }
0xe4: {  	[tilespmem:v18+s7+$0x0] =	vst.idx.msk $0xffff, v17  }
0xe5: {  	v18 =	vor.u32 s18, v9;
	v17 =	vld [tilespmem:s19+$0x3C00];
	_ =	sdelay $0x4  }
0xe6: {  	[tilespmem:v18+s7+$0x0] =	vst.idx.msk $0xffff, v17  }
0xe7: {  	v18 =	vor.u32 s18, v10;
	v17 =	vld [tilespmem:s19+$0x3C80];
	_ =	sdelay $0x4  }
0xe8: {  	[tilespmem:v18+s7+$0x0] =	vst.idx.msk $0xffff, v17  }
0xe9: {  	v18 =	vor.u32 s18, v11;
	v17 =	vld [tilespmem:s19+$0x3D00];
	_ =	sdelay $0x4  }
0xea: {  	[tilespmem:v18+s7+$0x0] =	vst.idx.msk $0xffff, v17  }
0xeb: {  	v18 =	vor.u32 s18, v12;
	v17 =	vld [tilespmem:s19+$0x3D80];
	_ =	sdelay $0x4  }
0xec: {  	[tilespmem:v18+s7+$0x0] =	vst.idx.msk $0xffff, v17  }
0xed: {  	v18 =	vor.u32 s18, v13;
	v17 =	vld [tilespmem:s19+$0x3E00];
	_ =	sdelay $0x4  }
0xee: {  	[tilespmem:v18+s7+$0x0] =	vst.idx.msk $0xffff, v17  }
0xef: {  	v18 =	vor.u32 s18, v14;
	v17 =	vld [tilespmem:s19+$0x3E80];
	_ =	sdelay $0x4  }
0xf0: {  	[tilespmem:v18+s7+$0x0] =	vst.idx.msk $0xffff, v17  }
0xf1: {  	v18 =	vor.u32 s18, v15;
	v17 =	vld [tilespmem:s19+$0x3F00];
	_ =	sdelay $0x4  }
0xf2: {  	[tilespmem:v18+s7+$0x0] =	vst.idx.msk $0xffff, v17  }
0xf3: {  	v18 =	vor.u32 s18, v16;
	v17 =	vld [tilespmem:s19+$0x3F80];
	_ =	sdelay $0x1  }
0xf4: {  	s16 =	simm.s32 $0x80  }
0xf5: {  	s17 =	simm.s32 $0x10;
	s20 =	sand.u32 $0xC00, s16  }
0xf6: {  	s15 =	simm.s32 $0x100;
	s18 =	simm.s32 $0x200;
	s19 =	sand.u32 $0x70, s17  }
.LBB2_26:
0xf7: {  	p1 =	sne.s32 s18, $0x1700;
	v19 =	vor.u32 s15, v0;
	s19 =	sor.u32 s19, s20;
	[tilespmem:v18+s7+$0x0] =	vst.idx.msk $0xffff, v17  }
0xf8: {  	v17 =	vld [tilespmem:s19+$0x2800];
	v18 =	vand.u32 v1, v19;
	_ =	sdelay $0x4  }
0xf9: {  	[tilespmem:v18+s7+$0x0] =	vst.idx.msk $0xffff, v17  }
0xfa: {  	v18 =	vor.u32 s15, v2;
	v17 =	vld [tilespmem:s19+$0x2880];
	_ =	sdelay $0x4  }
0xfb: {  	[tilespmem:v18+s7+$0x0] =	vst.idx.msk $0xffff, v17  }
0xfc: {  	v18 =	vor.u32 s15, v3;
	v17 =	vld [tilespmem:s19+$0x2900];
	_ =	sdelay $0x4  }
0xfd: {  	[tilespmem:v18+s7+$0x0] =	vst.idx.msk $0xffff, v17  }
0xfe: {  	v18 =	vor.u32 s15, v4;
	v17 =	vld [tilespmem:s19+$0x2980];
	_ =	sdelay $0x4  }
0xff: {  	[tilespmem:v18+s7+$0x0] =	vst.idx.msk $0xffff, v17  }
0x100: {  	v18 =	vor.u32 s15, v5;
	v17 =	vld [tilespmem:s19+$0x2A00];
	_ =	sdelay $0x4  }
0x101: {  	[tilespmem:v18+s7+$0x0] =	vst.idx.msk $0xffff, v17  }
0x102: {  	v18 =	vor.u32 s15, v6;
	v17 =	vld [tilespmem:s19+$0x2A80];
	_ =	sdelay $0x4  }
0x103: {  	[tilespmem:v18+s7+$0x0] =	vst.idx.msk $0xffff, v17  }
0x104: {  	v18 =	vor.u32 s15, v7;
	v17 =	vld [tilespmem:s19+$0x2B00];
	_ =	sdelay $0x3  }
0x105: {  	s20 =	sor.u32 s16, s17  }
0x106: {  	s20 =	sor.u32 $0x380, s20;
	[tilespmem:v18+s7+$0x0] =	vst.idx.msk $0xffff, v17  }
0x107: {  	v18 =	vor.u32 s15, v8;
	v17 =	vld [tilespmem:s20+$0x2800];
	_ =	sdelay $0x4  }
0x108: {  	[tilespmem:v18+s7+$0x0] =	vst.idx.msk $0xffff, v17  }
0x109: {  	v18 =	vor.u32 s15, v9;
	v17 =	vld [tilespmem:s19+$0x3C00];
	_ =	sdelay $0x4  }
0x10a: {  	[tilespmem:v18+s7+$0x0] =	vst.idx.msk $0xffff, v17  }
0x10b: {  	v18 =	vor.u32 s15, v10;
	v17 =	vld [tilespmem:s19+$0x3C80];
	_ =	sdelay $0x4  }
0x10c: {  	[tilespmem:v18+s7+$0x0] =	vst.idx.msk $0xffff, v17  }
0x10d: {  	v18 =	vor.u32 s15, v11;
	v17 =	vld [tilespmem:s19+$0x3D00];
	_ =	sdelay $0x4  }
0x10e: {  	[tilespmem:v18+s7+$0x0] =	vst.idx.msk $0xffff, v17  }
0x10f: {  	v18 =	vor.u32 s15, v12;
	v17 =	vld [tilespmem:s19+$0x3D80];
	_ =	sdelay $0x4  }
0x110: {  	[tilespmem:v18+s7+$0x0] =	vst.idx.msk $0xffff, v17  }
0x111: {  	v18 =	vor.u32 s15, v13;
	v17 =	vld [tilespmem:s19+$0x3E00];
	_ =	sdelay $0x4  }
0x112: {  	[tilespmem:v18+s7+$0x0] =	vst.idx.msk $0xffff, v17  }
0x113: {  	v18 =	vor.u32 s15, v14;
	v17 =	vld [tilespmem:s19+$0x3E80];
	_ =	sdelay $0x4  }
0x114: {  	[tilespmem:v18+s7+$0x0] =	vst.idx.msk $0xffff, v17  }
0x115: {  	v18 =	vor.u32 s15, v15;
	v17 =	vld [tilespmem:s19+$0x3F00];
	_ =	sdelay $0x4  }
0x116: {  	[tilespmem:v18+s7+$0x0] =	vst.idx.msk $0xffff, v17  }
.Ltmp4:
0x117: {  	v18 =	vor.u32 s15, v16;
	s15 =	smov.u32 s18;
	v17 =	vld [tilespmem:s19+$0x3F80];
	(pc) =	sbr.rel @p1 .LBB2_26-.Ltmp4, $3  }
0x118: {  	_ =	sdelay $0x1  }
0x119: {  	s16 =	sadd.s32 $0x80, s16;
	s17 =	sadd.s32 $0x10, s17  }
0x11a: {  	s20 =	sand.u32 $0xC00, s16;
	s18 =	sadd.s32 $0x100, s18;
	s19 =	sand.u32 $0x70, s17  }
0x11b: {  	_ =	sdelay $0x3  }
0x11c: {  	v19 =	vor.u32 s15, v0;
	s18 =	sor.u32 s19, s20;
	[tilespmem:v18+s7+$0x0] =	vst.idx.msk $0xffff, v17  }
0x11d: {  	v17 =	vld [tilespmem:s18+$0x2800];
	v18 =	vand.u32 v1, v19;
	_ =	sdelay $0x4  }
0x11e: {  	[tilespmem:v18+s7+$0x0] =	vst.idx.msk $0xffff, v17  }
0x11f: {  	v18 =	vor.u32 s15, v2;
	v17 =	vld [tilespmem:s18+$0x2880];
	_ =	sdelay $0x4  }
0x120: {  	[tilespmem:v18+s7+$0x0] =	vst.idx.msk $0xffff, v17  }
0x121: {  	v18 =	vor.u32 s15, v3;
	v17 =	vld [tilespmem:s18+$0x2900];
	_ =	sdelay $0x4  }
0x122: {  	[tilespmem:v18+s7+$0x0] =	vst.idx.msk $0xffff, v17  }
0x123: {  	v18 =	vor.u32 s15, v4;
	v17 =	vld [tilespmem:s18+$0x2980];
	_ =	sdelay $0x4  }
0x124: {  	[tilespmem:v18+s7+$0x0] =	vst.idx.msk $0xffff, v17  }
0x125: {  	v18 =	vor.u32 s15, v5;
	v17 =	vld [tilespmem:s18+$0x2A00];
	_ =	sdelay $0x4  }
0x126: {  	[tilespmem:v18+s7+$0x0] =	vst.idx.msk $0xffff, v17  }
0x127: {  	v18 =	vor.u32 s15, v6;
	v17 =	vld [tilespmem:s18+$0x2A80];
	_ =	sdelay $0x4  }
0x128: {  	[tilespmem:v18+s7+$0x0] =	vst.idx.msk $0xffff, v17  }
0x129: {  	v18 =	vor.u32 s15, v7;
	v17 =	vld [tilespmem:s18+$0x2B00];
	_ =	sdelay $0x3  }
0x12a: {  	s16 =	sor.u32 s16, s17  }
0x12b: {  	s16 =	sor.u32 $0x380, s16;
	[tilespmem:v18+s7+$0x0] =	vst.idx.msk $0xffff, v17  }
0x12c: {  	v18 =	vor.u32 s15, v8;
	v17 =	vld [tilespmem:s16+$0x2800];
	_ =	sdelay $0x4  }
0x12d: {  	[tilespmem:v18+s7+$0x0] =	vst.idx.msk $0xffff, v17  }
0x12e: {  	v18 =	vor.u32 s15, v9;
	v17 =	vld [tilespmem:s18+$0x3C00];
	_ =	sdelay $0x4  }
0x12f: {  	[tilespmem:v18+s7+$0x0] =	vst.idx.msk $0xffff, v17  }
0x130: {  	v18 =	vor.u32 s15, v10;
	v17 =	vld [tilespmem:s18+$0x3C80];
	_ =	sdelay $0x4  }
0x131: {  	[tilespmem:v18+s7+$0x0] =	vst.idx.msk $0xffff, v17  }
0x132: {  	v18 =	vor.u32 s15, v11;
	v17 =	vld [tilespmem:s18+$0x3D00];
	_ =	sdelay $0x4  }
0x133: {  	[tilespmem:v18+s7+$0x0] =	vst.idx.msk $0xffff, v17  }
0x134: {  	v18 =	vor.u32 s15, v12;
	v17 =	vld [tilespmem:s18+$0x3D80];
	_ =	sdelay $0x4  }
0x135: {  	[tilespmem:v18+s7+$0x0] =	vst.idx.msk $0xffff, v17  }
0x136: {  	v18 =	vor.u32 s15, v13;
	v17 =	vld [tilespmem:s18+$0x3E00];
	_ =	sdelay $0x4  }
0x137: {  	[tilespmem:v18+s7+$0x0] =	vst.idx.msk $0xffff, v17  }
0x138: {  	v18 =	vor.u32 s15, v14;
	v17 =	vld [tilespmem:s18+$0x3E80];
	_ =	sdelay $0x4  }
0x139: {  	[tilespmem:v18+s7+$0x0] =	vst.idx.msk $0xffff, v17  }
0x13a: {  	v18 =	vor.u32 s15, v15;
	v17 =	vld [tilespmem:s18+$0x3F00];
	_ =	sdelay $0x4  }
0x13b: {  	[tilespmem:v18+s7+$0x0] =	vst.idx.msk $0xffff, v17  }
0x13c: {  	v18 =	vor.u32 s15, v16;
	v17 =	vld [tilespmem:s18+$0x3F80];
	_ =	sdelay $0x4  }
0x13d: {  	s18 =	simm.s32 $0x0;
	[tilespmem:v18+s7+$0x0] =	vst.idx.msk $0xffff, v17  }
0x13e: {  	[hbm4b:s29+s18] =	stream.linear.scatter [tilespmem:s7], [sflag:$0x5], $0x1800, $0x38;
	[tilespmem:$0xF000] =	vst v63  }
0x13f: {  	_ =	swait.ge [sflag:s8], $0x1800  }
0x140: {  	s17 =	sand.u32 $0x70, s18;
	s19 =	sand.u32 $0xC00, s18;
	[sflag:s8] =	ssyncset.done $0x0  }
0x141: {  	s19 =	sor.u32 s17, s19;
	v17 =	vor.u32 s18, v0;
	[sflag:s8] =	ssyncadd.s32 $0xFFFFE800  }
0x142: {  	v17 =	vand.u32 v1, v17;
	v18 =	vld [tilespmem:s19+$0x5000];
	_ =	sdelay $0x4  }
0x143: {  	[tilespmem:v17+s9+$0x0] =	vst.idx.msk $0xffff, v18  }
0x144: {  	v18 =	vor.u32 s18, v2;
	v17 =	vld [tilespmem:s19+$0x5080];
	_ =	sdelay $0x4  }
0x145: {  	[tilespmem:v18+s9+$0x0] =	vst.idx.msk $0xffff, v17  }
0x146: {  	v18 =	vor.u32 s18, v3;
	v17 =	vld [tilespmem:s19+$0x5100];
	_ =	sdelay $0x4  }
0x147: {  	[tilespmem:v18+s9+$0x0] =	vst.idx.msk $0xffff, v17  }
0x148: {  	v18 =	vor.u32 s18, v4;
	v17 =	vld [tilespmem:s19+$0x5180];
	_ =	sdelay $0x4  }
0x149: {  	[tilespmem:v18+s9+$0x0] =	vst.idx.msk $0xffff, v17  }
0x14a: {  	v18 =	vor.u32 s18, v5;
	v17 =	vld [tilespmem:s19+$0x5200];
	_ =	sdelay $0x4  }
0x14b: {  	[tilespmem:v18+s9+$0x0] =	vst.idx.msk $0xffff, v17  }
0x14c: {  	v18 =	vor.u32 s18, v6;
	v17 =	vld [tilespmem:s19+$0x5280];
	_ =	sdelay $0x4  }
0x14d: {  	[tilespmem:v18+s9+$0x0] =	vst.idx.msk $0xffff, v17  }
0x14e: {  	v18 =	vor.u32 s18, v7;
	v17 =	vld [tilespmem:s19+$0x5300];
	_ =	sdelay $0x3  }
0x14f: {  	s20 =	sor.u32 s18, s18  }
0x150: {  	s15 =	sor.u32 $0x380, s20;
	[tilespmem:v18+s9+$0x0] =	vst.idx.msk $0xffff, v17  }
0x151: {  	v18 =	vor.u32 s18, v8;
	v17 =	vld [tilespmem:s15+$0x5000];
	_ =	sdelay $0x4  }
0x152: {  	[tilespmem:v18+s9+$0x0] =	vst.idx.msk $0xffff, v17  }
0x153: {  	v18 =	vor.u32 s18, v9;
	v17 =	vld [tilespmem:s19+$0x6400];
	_ =	sdelay $0x4  }
0x154: {  	[tilespmem:v18+s9+$0x0] =	vst.idx.msk $0xffff, v17  }
0x155: {  	v18 =	vor.u32 s18, v10;
	v17 =	vld [tilespmem:s19+$0x6480];
	_ =	sdelay $0x4  }
0x156: {  	[tilespmem:v18+s9+$0x0] =	vst.idx.msk $0xffff, v17  }
0x157: {  	v18 =	vor.u32 s18, v11;
	v17 =	vld [tilespmem:s19+$0x6500];
	_ =	sdelay $0x4  }
0x158: {  	[tilespmem:v18+s9+$0x0] =	vst.idx.msk $0xffff, v17  }
0x159: {  	v18 =	vor.u32 s18, v12;
	v17 =	vld [tilespmem:s19+$0x6580];
	_ =	sdelay $0x4  }
0x15a: {  	[tilespmem:v18+s9+$0x0] =	vst.idx.msk $0xffff, v17  }
0x15b: {  	v18 =	vor.u32 s18, v13;
	v17 =	vld [tilespmem:s19+$0x6600];
	_ =	sdelay $0x4  }
0x15c: {  	[tilespmem:v18+s9+$0x0] =	vst.idx.msk $0xffff, v17  }
0x15d: {  	v18 =	vor.u32 s18, v14;
	v17 =	vld [tilespmem:s19+$0x6680];
	_ =	sdelay $0x4  }
0x15e: {  	[tilespmem:v18+s9+$0x0] =	vst.idx.msk $0xffff, v17  }
0x15f: {  	v18 =	vor.u32 s18, v15;
	v17 =	vld [tilespmem:s19+$0x6700];
	_ =	sdelay $0x4  }
0x160: {  	[tilespmem:v18+s9+$0x0] =	vst.idx.msk $0xffff, v17  }
0x161: {  	v18 =	vor.u32 s18, v16;
	v17 =	vld [tilespmem:s19+$0x6780];
	_ =	sdelay $0x1  }
0x162: {  	s16 =	simm.s32 $0x80  }
0x163: {  	s17 =	simm.s32 $0x10;
	s20 =	sand.u32 $0xC00, s16  }
0x164: {  	s15 =	simm.s32 $0x100;
	s18 =	simm.s32 $0x200;
	s19 =	sand.u32 $0x70, s17  }
.LBB2_28:
0x165: {  	p1 =	sne.s32 s18, $0x1700;
	v19 =	vor.u32 s15, v0;
	s19 =	sor.u32 s19, s20;
	[tilespmem:v18+s9+$0x0] =	vst.idx.msk $0xffff, v17  }
0x166: {  	v17 =	vld [tilespmem:s19+$0x5000];
	v18 =	vand.u32 v1, v19;
	_ =	sdelay $0x4  }
0x167: {  	[tilespmem:v18+s9+$0x0] =	vst.idx.msk $0xffff, v17  }
0x168: {  	v18 =	vor.u32 s15, v2;
	v17 =	vld [tilespmem:s19+$0x5080];
	_ =	sdelay $0x4  }
0x169: {  	[tilespmem:v18+s9+$0x0] =	vst.idx.msk $0xffff, v17  }
0x16a: {  	v18 =	vor.u32 s15, v3;
	v17 =	vld [tilespmem:s19+$0x5100];
	_ =	sdelay $0x4  }
0x16b: {  	[tilespmem:v18+s9+$0x0] =	vst.idx.msk $0xffff, v17  }
0x16c: {  	v18 =	vor.u32 s15, v4;
	v17 =	vld [tilespmem:s19+$0x5180];
	_ =	sdelay $0x4  }
0x16d: {  	[tilespmem:v18+s9+$0x0] =	vst.idx.msk $0xffff, v17  }
0x16e: {  	v18 =	vor.u32 s15, v5;
	v17 =	vld [tilespmem:s19+$0x5200];
	_ =	sdelay $0x4  }
0x16f: {  	[tilespmem:v18+s9+$0x0] =	vst.idx.msk $0xffff, v17  }
0x170: {  	v18 =	vor.u32 s15, v6;
	v17 =	vld [tilespmem:s19+$0x5280];
	_ =	sdelay $0x4  }
0x171: {  	[tilespmem:v18+s9+$0x0] =	vst.idx.msk $0xffff, v17  }
0x172: {  	v18 =	vor.u32 s15, v7;
	v17 =	vld [tilespmem:s19+$0x5300];
	_ =	sdelay $0x3  }
0x173: {  	s20 =	sor.u32 s16, s17  }
0x174: {  	s20 =	sor.u32 $0x380, s20;
	[tilespmem:v18+s9+$0x0] =	vst.idx.msk $0xffff, v17  }
0x175: {  	v18 =	vor.u32 s15, v8;
	v17 =	vld [tilespmem:s20+$0x5000];
	_ =	sdelay $0x4  }
0x176: {  	[tilespmem:v18+s9+$0x0] =	vst.idx.msk $0xffff, v17  }
0x177: {  	v18 =	vor.u32 s15, v9;
	v17 =	vld [tilespmem:s19+$0x6400];
	_ =	sdelay $0x4  }
0x178: {  	[tilespmem:v18+s9+$0x0] =	vst.idx.msk $0xffff, v17  }
0x179: {  	v18 =	vor.u32 s15, v10;
	v17 =	vld [tilespmem:s19+$0x6480];
	_ =	sdelay $0x4  }
0x17a: {  	[tilespmem:v18+s9+$0x0] =	vst.idx.msk $0xffff, v17  }
0x17b: {  	v18 =	vor.u32 s15, v11;
	v17 =	vld [tilespmem:s19+$0x6500];
	_ =	sdelay $0x4  }
0x17c: {  	[tilespmem:v18+s9+$0x0] =	vst.idx.msk $0xffff, v17  }
0x17d: {  	v18 =	vor.u32 s15, v12;
	v17 =	vld [tilespmem:s19+$0x6580];
	_ =	sdelay $0x4  }
0x17e: {  	[tilespmem:v18+s9+$0x0] =	vst.idx.msk $0xffff, v17  }
0x17f: {  	v18 =	vor.u32 s15, v13;
	v17 =	vld [tilespmem:s19+$0x6600];
	_ =	sdelay $0x4  }
0x180: {  	[tilespmem:v18+s9+$0x0] =	vst.idx.msk $0xffff, v17  }
0x181: {  	v18 =	vor.u32 s15, v14;
	v17 =	vld [tilespmem:s19+$0x6680];
	_ =	sdelay $0x4  }
0x182: {  	[tilespmem:v18+s9+$0x0] =	vst.idx.msk $0xffff, v17  }
0x183: {  	v18 =	vor.u32 s15, v15;
	v17 =	vld [tilespmem:s19+$0x6700];
	_ =	sdelay $0x4  }
0x184: {  	[tilespmem:v18+s9+$0x0] =	vst.idx.msk $0xffff, v17  }
.Ltmp5:
0x185: {  	v18 =	vor.u32 s15, v16;
	s15 =	smov.u32 s18;
	v17 =	vld [tilespmem:s19+$0x6780];
	(pc) =	sbr.rel @p1 .LBB2_28-.Ltmp5, $3  }
0x186: {  	_ =	sdelay $0x1  }
0x187: {  	s16 =	sadd.s32 $0x80, s16;
	s17 =	sadd.s32 $0x10, s17  }
0x188: {  	s20 =	sand.u32 $0xC00, s16;
	s18 =	sadd.s32 $0x100, s18;
	s19 =	sand.u32 $0x70, s17  }
0x189: {  	_ =	sdelay $0x3  }
0x18a: {  	v19 =	vor.u32 s15, v0;
	s18 =	sor.u32 s19, s20;
	[tilespmem:v18+s9+$0x0] =	vst.idx.msk $0xffff, v17  }
0x18b: {  	v17 =	vld [tilespmem:s18+$0x5000];
	v18 =	vand.u32 v1, v19;
	_ =	sdelay $0x4  }
0x18c: {  	[tilespmem:v18+s9+$0x0] =	vst.idx.msk $0xffff, v17  }
0x18d: {  	v18 =	vor.u32 s15, v2;
	v17 =	vld [tilespmem:s18+$0x5080];
	_ =	sdelay $0x4  }
0x18e: {  	[tilespmem:v18+s9+$0x0] =	vst.idx.msk $0xffff, v17  }
0x18f: {  	v18 =	vor.u32 s15, v3;
	v17 =	vld [tilespmem:s18+$0x5100];
	_ =	sdelay $0x4  }
0x190: {  	[tilespmem:v18+s9+$0x0] =	vst.idx.msk $0xffff, v17  }
0x191: {  	v18 =	vor.u32 s15, v4;
	v17 =	vld [tilespmem:s18+$0x5180];
	_ =	sdelay $0x4  }
0x192: {  	[tilespmem:v18+s9+$0x0] =	vst.idx.msk $0xffff, v17  }
0x193: {  	v18 =	vor.u32 s15, v5;
	v17 =	vld [tilespmem:s18+$0x5200];
	_ =	sdelay $0x4  }
0x194: {  	[tilespmem:v18+s9+$0x0] =	vst.idx.msk $0xffff, v17  }
0x195: {  	v18 =	vor.u32 s15, v6;
	v17 =	vld [tilespmem:s18+$0x5280];
	_ =	sdelay $0x4  }
0x196: {  	[tilespmem:v18+s9+$0x0] =	vst.idx.msk $0xffff, v17  }
0x197: {  	v18 =	vor.u32 s15, v7;
	v17 =	vld [tilespmem:s18+$0x5300];
	_ =	sdelay $0x3  }
0x198: {  	s16 =	sor.u32 s16, s17  }
0x199: {  	s16 =	sor.u32 $0x380, s16;
	[tilespmem:v18+s9+$0x0] =	vst.idx.msk $0xffff, v17  }
0x19a: {  	v18 =	vor.u32 s15, v8;
	v17 =	vld [tilespmem:s16+$0x5000];
	_ =	sdelay $0x4  }
0x19b: {  	[tilespmem:v18+s9+$0x0] =	vst.idx.msk $0xffff, v17  }
0x19c: {  	v18 =	vor.u32 s15, v9;
	v17 =	vld [tilespmem:s18+$0x6400];
	_ =	sdelay $0x4  }
0x19d: {  	[tilespmem:v18+s9+$0x0] =	vst.idx.msk $0xffff, v17  }
0x19e: {  	v18 =	vor.u32 s15, v10;
	v17 =	vld [tilespmem:s18+$0x6480];
	_ =	sdelay $0x4  }
0x19f: {  	[tilespmem:v18+s9+$0x0] =	vst.idx.msk $0xffff, v17  }
0x1a0: {  	v18 =	vor.u32 s15, v11;
	v17 =	vld [tilespmem:s18+$0x6500];
	_ =	sdelay $0x4  }
0x1a1: {  	[tilespmem:v18+s9+$0x0] =	vst.idx.msk $0xffff, v17  }
0x1a2: {  	v18 =	vor.u32 s15, v12;
	v17 =	vld [tilespmem:s18+$0x6580];
	_ =	sdelay $0x4  }
0x1a3: {  	[tilespmem:v18+s9+$0x0] =	vst.idx.msk $0xffff, v17  }
0x1a4: {  	v18 =	vor.u32 s15, v13;
	v17 =	vld [tilespmem:s18+$0x6600];
	_ =	sdelay $0x4  }
0x1a5: {  	[tilespmem:v18+s9+$0x0] =	vst.idx.msk $0xffff, v17  }
0x1a6: {  	v18 =	vor.u32 s15, v14;
	v17 =	vld [tilespmem:s18+$0x6680];
	_ =	sdelay $0x4  }
0x1a7: {  	[tilespmem:v18+s9+$0x0] =	vst.idx.msk $0xffff, v17  }
0x1a8: {  	v18 =	vor.u32 s15, v15;
	v17 =	vld [tilespmem:s18+$0x6700];
	_ =	sdelay $0x4  }
0x1a9: {  	[tilespmem:v18+s9+$0x0] =	vst.idx.msk $0xffff, v17  }
0x1aa: {  	v18 =	vor.u32 s15, v16;
	v17 =	vld [tilespmem:s18+$0x6780];
	_ =	sdelay $0x4  }
0x1ab: {  	s18 =	simm.s32 $0x0;
	[tilespmem:v18+s9+$0x0] =	vst.idx.msk $0xffff, v17  }
0x1ac: {  	[hbm4b:s30+s18] =	stream.linear.scatter [tilespmem:s9], [sflag:$0x6], $0x1800, $0x38;
	[tilespmem:$0xF000] =	vst v63  }
0x1ad: {  	_ =	swait.ge [sflag:s3], $0x1800  }
0x1ae: {  	[sflag:s3] =	ssyncset.done $0x0  }
0x1af: {  	[sflag:s3] =	ssyncadd.s32 $0xFFFFE800  }
0x1b0: {  	_ =	swait.ge [sflag:s10], $0x1800  }
0x1b1: {  	s17 =	sand.u32 $0x70, s18;
	s19 =	sand.u32 $0xC00, s18;
	[sflag:s10] =	ssyncset.done $0x0  }
0x1b2: {  	s19 =	sor.u32 s17, s19;
	v17 =	vor.u32 s18, v0;
	[sflag:s10] =	ssyncadd.s32 $0xFFFFE800  }
0x1b3: {  	v17 =	vand.u32 v1, v17;
	v18 =	vld [tilespmem:s19+$0x0];
	_ =	sdelay $0x4  }
0x1b4: {  	[tilespmem:v17+s5+$0x0] =	vst.idx.msk $0xffff, v18  }
0x1b5: {  	v18 =	vor.u32 s18, v2;
	v17 =	vld [tilespmem:s19+$0x80];
	_ =	sdelay $0x4  }
0x1b6: {  	[tilespmem:v18+s5+$0x0] =	vst.idx.msk $0xffff, v17  }
0x1b7: {  	v18 =	vor.u32 s18, v3;
	v17 =	vld [tilespmem:s19+$0x100];
	_ =	sdelay $0x4  }
0x1b8: {  	[tilespmem:v18+s5+$0x0] =	vst.idx.msk $0xffff, v17  }
0x1b9: {  	v18 =	vor.u32 s18, v4;
	v17 =	vld [tilespmem:s19+$0x180];
	_ =	sdelay $0x4  }
0x1ba: {  	[tilespmem:v18+s5+$0x0] =	vst.idx.msk $0xffff, v17  }
0x1bb: {  	v18 =	vor.u32 s18, v5;
	v17 =	vld [tilespmem:s19+$0x200];
	_ =	sdelay $0x4  }
0x1bc: {  	[tilespmem:v18+s5+$0x0] =	vst.idx.msk $0xffff, v17  }
0x1bd: {  	v18 =	vor.u32 s18, v6;
	v17 =	vld [tilespmem:s19+$0x280];
	_ =	sdelay $0x4  }
0x1be: {  	[tilespmem:v18+s5+$0x0] =	vst.idx.msk $0xffff, v17  }
0x1bf: {  	v18 =	vor.u32 s18, v7;
	v17 =	vld [tilespmem:s19+$0x300];
	_ =	sdelay $0x3  }
0x1c0: {  	s20 =	sor.u32 s18, s18  }
0x1c1: {  	s15 =	sor.u32 $0x380, s20;
	[tilespmem:v18+s5+$0x0] =	vst.idx.msk $0xffff, v17  }
0x1c2: {  	v18 =	vor.u32 s18, v8;
	v17 =	vld [tilespmem:s15+$0x0];
	_ =	sdelay $0x4  }
0x1c3: {  	[tilespmem:v18+s5+$0x0] =	vst.idx.msk $0xffff, v17  }
0x1c4: {  	v18 =	vor.u32 s18, v9;
	v17 =	vld [tilespmem:s19+$0x1400];
	_ =	sdelay $0x4  }
0x1c5: {  	[tilespmem:v18+s5+$0x0] =	vst.idx.msk $0xffff, v17  }
0x1c6: {  	v18 =	vor.u32 s18, v10;
	v17 =	vld [tilespmem:s19+$0x1480];
	_ =	sdelay $0x4  }
0x1c7: {  	[tilespmem:v18+s5+$0x0] =	vst.idx.msk $0xffff, v17  }
0x1c8: {  	v18 =	vor.u32 s18, v11;
	v17 =	vld [tilespmem:s19+$0x1500];
	_ =	sdelay $0x4  }
0x1c9: {  	[tilespmem:v18+s5+$0x0] =	vst.idx.msk $0xffff, v17  }
0x1ca: {  	v18 =	vor.u32 s18, v12;
	v17 =	vld [tilespmem:s19+$0x1580];
	_ =	sdelay $0x4  }
0x1cb: {  	[tilespmem:v18+s5+$0x0] =	vst.idx.msk $0xffff, v17  }
0x1cc: {  	v18 =	vor.u32 s18, v13;
	v17 =	vld [tilespmem:s19+$0x1600];
	_ =	sdelay $0x4  }
0x1cd: {  	[tilespmem:v18+s5+$0x0] =	vst.idx.msk $0xffff, v17  }
0x1ce: {  	v18 =	vor.u32 s18, v14;
	v17 =	vld [tilespmem:s19+$0x1680];
	_ =	sdelay $0x4  }
0x1cf: {  	[tilespmem:v18+s5+$0x0] =	vst.idx.msk $0xffff, v17  }
0x1d0: {  	v18 =	vor.u32 s18, v15;
	v17 =	vld [tilespmem:s19+$0x1700];
	_ =	sdelay $0x4  }
0x1d1: {  	[tilespmem:v18+s5+$0x0] =	vst.idx.msk $0xffff, v17  }
0x1d2: {  	v18 =	vor.u32 s18, v16;
	v17 =	vld [tilespmem:s19+$0x1780];
	_ =	sdelay $0x1  }
0x1d3: {  	s16 =	simm.s32 $0x80  }
0x1d4: {  	s17 =	simm.s32 $0x10;
	s20 =	sand.u32 $0xC00, s16  }
0x1d5: {  	s15 =	simm.s32 $0x100;
	s18 =	simm.s32 $0x200;
	s19 =	sand.u32 $0x70, s17  }
.LBB2_30:
0x1d6: {  	p1 =	sne.s32 s18, $0x1700;
	v19 =	vor.u32 s15, v0;
	s19 =	sor.u32 s19, s20;
	[tilespmem:v18+s5+$0x0] =	vst.idx.msk $0xffff, v17  }
0x1d7: {  	v17 =	vld [tilespmem:s19+$0x0];
	v18 =	vand.u32 v1, v19;
	_ =	sdelay $0x4  }
0x1d8: {  	[tilespmem:v18+s5+$0x0] =	vst.idx.msk $0xffff, v17  }
0x1d9: {  	v18 =	vor.u32 s15, v2;
	v17 =	vld [tilespmem:s19+$0x80];
	_ =	sdelay $0x4  }
0x1da: {  	[tilespmem:v18+s5+$0x0] =	vst.idx.msk $0xffff, v17  }
0x1db: {  	v18 =	vor.u32 s15, v3;
	v17 =	vld [tilespmem:s19+$0x100];
	_ =	sdelay $0x4  }
0x1dc: {  	[tilespmem:v18+s5+$0x0] =	vst.idx.msk $0xffff, v17  }
0x1dd: {  	v18 =	vor.u32 s15, v4;
	v17 =	vld [tilespmem:s19+$0x180];
	_ =	sdelay $0x4  }
0x1de: {  	[tilespmem:v18+s5+$0x0] =	vst.idx.msk $0xffff, v17  }
0x1df: {  	v18 =	vor.u32 s15, v5;
	v17 =	vld [tilespmem:s19+$0x200];
	_ =	sdelay $0x4  }
0x1e0: {  	[tilespmem:v18+s5+$0x0] =	vst.idx.msk $0xffff, v17  }
0x1e1: {  	v18 =	vor.u32 s15, v6;
	v17 =	vld [tilespmem:s19+$0x280];
	_ =	sdelay $0x4  }
0x1e2: {  	[tilespmem:v18+s5+$0x0] =	vst.idx.msk $0xffff, v17  }
0x1e3: {  	v18 =	vor.u32 s15, v7;
	v17 =	vld [tilespmem:s19+$0x300];
	_ =	sdelay $0x3  }
0x1e4: {  	s20 =	sor.u32 s16, s17  }
0x1e5: {  	s20 =	sor.u32 $0x380, s20;
	[tilespmem:v18+s5+$0x0] =	vst.idx.msk $0xffff, v17  }
0x1e6: {  	v18 =	vor.u32 s15, v8;
	v17 =	vld [tilespmem:s20+$0x0];
	_ =	sdelay $0x4  }
0x1e7: {  	[tilespmem:v18+s5+$0x0] =	vst.idx.msk $0xffff, v17  }
0x1e8: {  	v18 =	vor.u32 s15, v9;
	v17 =	vld [tilespmem:s19+$0x1400];
	_ =	sdelay $0x4  }
0x1e9: {  	[tilespmem:v18+s5+$0x0] =	vst.idx.msk $0xffff, v17  }
0x1ea: {  	v18 =	vor.u32 s15, v10;
	v17 =	vld [tilespmem:s19+$0x1480];
	_ =	sdelay $0x4  }
0x1eb: {  	[tilespmem:v18+s5+$0x0] =	vst.idx.msk $0xffff, v17  }
0x1ec: {  	v18 =	vor.u32 s15, v11;
	v17 =	vld [tilespmem:s19+$0x1500];
	_ =	sdelay $0x4  }
0x1ed: {  	[tilespmem:v18+s5+$0x0] =	vst.idx.msk $0xffff, v17  }
0x1ee: {  	v18 =	vor.u32 s15, v12;
	v17 =	vld [tilespmem:s19+$0x1580];
	_ =	sdelay $0x4  }
0x1ef: {  	[tilespmem:v18+s5+$0x0] =	vst.idx.msk $0xffff, v17  }
0x1f0: {  	v18 =	vor.u32 s15, v13;
	v17 =	vld [tilespmem:s19+$0x1600];
	_ =	sdelay $0x4  }
0x1f1: {  	[tilespmem:v18+s5+$0x0] =	vst.idx.msk $0xffff, v17  }
0x1f2: {  	v18 =	vor.u32 s15, v14;
	v17 =	vld [tilespmem:s19+$0x1680];
	_ =	sdelay $0x4  }
0x1f3: {  	[tilespmem:v18+s5+$0x0] =	vst.idx.msk $0xffff, v17  }
0x1f4: {  	v18 =	vor.u32 s15, v15;
	v17 =	vld [tilespmem:s19+$0x1700];
	_ =	sdelay $0x4  }
0x1f5: {  	[tilespmem:v18+s5+$0x0] =	vst.idx.msk $0xffff, v17  }
.Ltmp6:
0x1f6: {  	v18 =	vor.u32 s15, v16;
	s15 =	smov.u32 s18;
	v17 =	vld [tilespmem:s19+$0x1780];
	(pc) =	sbr.rel @p1 .LBB2_30-.Ltmp6, $3  }
0x1f7: {  	_ =	sdelay $0x1  }
0x1f8: {  	s16 =	sadd.s32 $0x80, s16;
	s17 =	sadd.s32 $0x10, s17  }
0x1f9: {  	s20 =	sand.u32 $0xC00, s16;
	s18 =	sadd.s32 $0x100, s18;
	s19 =	sand.u32 $0x70, s17  }
.Ltmp7:
0x1fa: {  	_ = 	snop;
	(pc) =	sbr.rel .LBB2_31-.Ltmp7, $1  }
0x1fb: {  	_ =	sdelay $0x3  }
.LBB2_2:
0x1fc: {  	s15 =	rddreg [dreg:$0x4]  }
0x1fd: {  	[tilespmem:s18], [sflag:$0x1] =	stream.strided.gather [hbm4b:s15+s0], $0x2800, s13, s0, $0x38;
	[tilespmem:$0xF000] =	vst v63  }
0x1fe: {  	s16 =	rddreg [dreg:$0x5]  }
0x1ff: {  	[tilespmem:s2], [sflag:$0x2] =	stream.strided.gather [hbm4b:s16+s0], $0x2800, s13, s0, $0x38;
	[tilespmem:$0xF000] =	vst v63  }
0x200: {  	_ =	swait.ge [sflag:s3], $0x2800  }
0x201: {  	s19 =	sand.u32 $0x70, s18;
	s16 =	sand.u32 $0x1C00, s18;
	[sflag:s3] =	ssyncset.done $0x0  }
0x202: {  	s19 =	sor.u32 s19, s16;
	s17 =	rddreg [dreg:$0x10];
	[sflag:s3] =	ssyncadd.s32 $0xFFFFD800  }
0x203: {  	v17 =	vor.u32 s18, v0;
	[tilespmem:s4], [sflag:$0x3] =	stream.strided.gather [hbm4b:s17+s0], $0x2800, s13, s0, $0x38;
	[tilespmem:$0xF000] =	vst v63  }
0x204: {  	v17 =	vand.u32 v1, v17;
	v18 =	vld [tilespmem:s19+$0x0];
	_ =	sdelay $0x4  }
0x205: {  	[tilespmem:v17+s5+$0x0] =	vst.idx.msk $0xffff, v18  }
0x206: {  	v18 =	vor.u32 s18, v2;
	v17 =	vld [tilespmem:s19+$0x80];
	_ =	sdelay $0x4  }
0x207: {  	[tilespmem:v18+s5+$0x0] =	vst.idx.msk $0xffff, v17  }
0x208: {  	v18 =	vor.u32 s18, v3;
	v17 =	vld [tilespmem:s19+$0x100];
	_ =	sdelay $0x4  }
0x209: {  	[tilespmem:v18+s5+$0x0] =	vst.idx.msk $0xffff, v17  }
0x20a: {  	v18 =	vor.u32 s18, v4;
	v17 =	vld [tilespmem:s19+$0x180];
	_ =	sdelay $0x4  }
0x20b: {  	[tilespmem:v18+s5+$0x0] =	vst.idx.msk $0xffff, v17  }
0x20c: {  	v18 =	vor.u32 s18, v5;
	v17 =	vld [tilespmem:s19+$0x200];
	_ =	sdelay $0x4  }
0x20d: {  	[tilespmem:v18+s5+$0x0] =	vst.idx.msk $0xffff, v17  }
0x20e: {  	v18 =	vor.u32 s18, v6;
	v17 =	vld [tilespmem:s19+$0x280];
	_ =	sdelay $0x4  }
0x20f: {  	[tilespmem:v18+s5+$0x0] =	vst.idx.msk $0xffff, v17  }
0x210: {  	v18 =	vor.u32 s18, v7;
	v17 =	vld [tilespmem:s19+$0x300];
	_ =	sdelay $0x3  }
0x211: {  	s20 =	sor.u32 s18, s18  }
0x212: {  	s15 =	sor.u32 $0x380, s20;
	[tilespmem:v18+s5+$0x0] =	vst.idx.msk $0xffff, v17  }
0x213: {  	v18 =	vor.u32 s18, v8;
	v17 =	vld [tilespmem:s15+$0x0];
	_ =	sdelay $0x4  }
0x214: {  	[tilespmem:v18+s5+$0x0] =	vst.idx.msk $0xffff, v17  }
0x215: {  	v18 =	vor.u32 s18, v9;
	v17 =	vld [tilespmem:s19+$0x1400];
	_ =	sdelay $0x4  }
0x216: {  	[tilespmem:v18+s5+$0x0] =	vst.idx.msk $0xffff, v17  }
0x217: {  	v18 =	vor.u32 s18, v10;
	v17 =	vld [tilespmem:s19+$0x1480];
	_ =	sdelay $0x4  }
0x218: {  	[tilespmem:v18+s5+$0x0] =	vst.idx.msk $0xffff, v17  }
0x219: {  	v18 =	vor.u32 s18, v11;
	v17 =	vld [tilespmem:s19+$0x1500];
	_ =	sdelay $0x4  }
0x21a: {  	[tilespmem:v18+s5+$0x0] =	vst.idx.msk $0xffff, v17  }
0x21b: {  	v18 =	vor.u32 s18, v12;
	v17 =	vld [tilespmem:s19+$0x1580];
	_ =	sdelay $0x4  }
0x21c: {  	[tilespmem:v18+s5+$0x0] =	vst.idx.msk $0xffff, v17  }
0x21d: {  	v18 =	vor.u32 s18, v13;
	v17 =	vld [tilespmem:s19+$0x1600];
	_ =	sdelay $0x4  }
0x21e: {  	[tilespmem:v18+s5+$0x0] =	vst.idx.msk $0xffff, v17  }
0x21f: {  	v18 =	vor.u32 s18, v14;
	v17 =	vld [tilespmem:s19+$0x1680];
	_ =	sdelay $0x4  }
0x220: {  	[tilespmem:v18+s5+$0x0] =	vst.idx.msk $0xffff, v17  }
0x221: {  	v18 =	vor.u32 s18, v15;
	v17 =	vld [tilespmem:s19+$0x1700];
	_ =	sdelay $0x4  }
0x222: {  	[tilespmem:v18+s5+$0x0] =	vst.idx.msk $0xffff, v17  }
0x223: {  	v18 =	vor.u32 s18, v16;
	v17 =	vld [tilespmem:s19+$0x1780];
	_ =	sdelay $0x1  }
0x224: {  	s16 =	simm.s32 $0x80  }
0x225: {  	s20 =	sand.u32 $0x1C00, s16;
	s17 =	simm.s32 $0x10  }
0x226: {  	s15 =	simm.s32 $0x100;
	s18 =	simm.s32 $0x200;
	s19 =	sand.u32 $0x70, s17  }
.LBB2_3:
0x227: {  	p1 =	sne.s32 s18, $0x2700;
	v19 =	vor.u32 s15, v0;
	s19 =	sor.u32 s19, s20;
	[tilespmem:v18+s5+$0x0] =	vst.idx.msk $0xffff, v17  }
0x228: {  	v17 =	vld [tilespmem:s19+$0x0];
	v18 =	vand.u32 v1, v19;
	_ =	sdelay $0x4  }
0x229: {  	[tilespmem:v18+s5+$0x0] =	vst.idx.msk $0xffff, v17  }
0x22a: {  	v18 =	vor.u32 s15, v2;
	v17 =	vld [tilespmem:s19+$0x80];
	_ =	sdelay $0x4  }
0x22b: {  	[tilespmem:v18+s5+$0x0] =	vst.idx.msk $0xffff, v17  }
0x22c: {  	v18 =	vor.u32 s15, v3;
	v17 =	vld [tilespmem:s19+$0x100];
	_ =	sdelay $0x4  }
0x22d: {  	[tilespmem:v18+s5+$0x0] =	vst.idx.msk $0xffff, v17  }
0x22e: {  	v18 =	vor.u32 s15, v4;
	v17 =	vld [tilespmem:s19+$0x180];
	_ =	sdelay $0x4  }
0x22f: {  	[tilespmem:v18+s5+$0x0] =	vst.idx.msk $0xffff, v17  }
0x230: {  	v18 =	vor.u32 s15, v5;
	v17 =	vld [tilespmem:s19+$0x200];
	_ =	sdelay $0x4  }
0x231: {  	[tilespmem:v18+s5+$0x0] =	vst.idx.msk $0xffff, v17  }
0x232: {  	v18 =	vor.u32 s15, v6;
	v17 =	vld [tilespmem:s19+$0x280];
	_ =	sdelay $0x4  }
0x233: {  	[tilespmem:v18+s5+$0x0] =	vst.idx.msk $0xffff, v17  }
0x234: {  	v18 =	vor.u32 s15, v7;
	v17 =	vld [tilespmem:s19+$0x300];
	_ =	sdelay $0x3  }
0x235: {  	s20 =	sor.u32 s16, s17  }
0x236: {  	s20 =	sor.u32 $0x380, s20;
	[tilespmem:v18+s5+$0x0] =	vst.idx.msk $0xffff, v17  }
0x237: {  	v18 =	vor.u32 s15, v8;
	v17 =	vld [tilespmem:s20+$0x0];
	_ =	sdelay $0x4  }
0x238: {  	[tilespmem:v18+s5+$0x0] =	vst.idx.msk $0xffff, v17  }
0x239: {  	v18 =	vor.u32 s15, v9;
	v17 =	vld [tilespmem:s19+$0x1400];
	_ =	sdelay $0x4  }
0x23a: {  	[tilespmem:v18+s5+$0x0] =	vst.idx.msk $0xffff, v17  }
0x23b: {  	v18 =	vor.u32 s15, v10;
	v17 =	vld [tilespmem:s19+$0x1480];
	_ =	sdelay $0x4  }
0x23c: {  	[tilespmem:v18+s5+$0x0] =	vst.idx.msk $0xffff, v17  }
0x23d: {  	v18 =	vor.u32 s15, v11;
	v17 =	vld [tilespmem:s19+$0x1500];
	_ =	sdelay $0x4  }
0x23e: {  	[tilespmem:v18+s5+$0x0] =	vst.idx.msk $0xffff, v17  }
0x23f: {  	v18 =	vor.u32 s15, v12;
	v17 =	vld [tilespmem:s19+$0x1580];
	_ =	sdelay $0x4  }
0x240: {  	[tilespmem:v18+s5+$0x0] =	vst.idx.msk $0xffff, v17  }
0x241: {  	v18 =	vor.u32 s15, v13;
	v17 =	vld [tilespmem:s19+$0x1600];
	_ =	sdelay $0x4  }
0x242: {  	[tilespmem:v18+s5+$0x0] =	vst.idx.msk $0xffff, v17  }
0x243: {  	v18 =	vor.u32 s15, v14;
	v17 =	vld [tilespmem:s19+$0x1680];
	_ =	sdelay $0x4  }
0x244: {  	[tilespmem:v18+s5+$0x0] =	vst.idx.msk $0xffff, v17  }
0x245: {  	v18 =	vor.u32 s15, v15;
	v17 =	vld [tilespmem:s19+$0x1700];
	_ =	sdelay $0x4  }
0x246: {  	[tilespmem:v18+s5+$0x0] =	vst.idx.msk $0xffff, v17  }
.Ltmp8:
0x247: {  	v18 =	vor.u32 s15, v16;
	s15 =	smov.u32 s18;
	v17 =	vld [tilespmem:s19+$0x1780];
	(pc) =	sbr.rel @p1 .LBB2_3-.Ltmp8, $3  }
0x248: {  	_ =	sdelay $0x1  }
0x249: {  	s16 =	sadd.s32 $0x80, s16;
	s17 =	sadd.s32 $0x10, s17  }
0x24a: {  	s20 =	sand.u32 $0x1C00, s16;
	s18 =	sadd.s32 $0x100, s18;
	s19 =	sand.u32 $0x70, s17  }
0x24b: {  	_ =	sdelay $0x3  }
0x24c: {  	v19 =	vor.u32 s15, v0;
	s18 =	sor.u32 s19, s20;
	[tilespmem:v18+s5+$0x0] =	vst.idx.msk $0xffff, v17  }
0x24d: {  	v17 =	vld [tilespmem:s18+$0x0];
	v18 =	vand.u32 v1, v19;
	_ =	sdelay $0x4  }
0x24e: {  	[tilespmem:v18+s5+$0x0] =	vst.idx.msk $0xffff, v17  }
0x24f: {  	v18 =	vor.u32 s15, v2;
	v17 =	vld [tilespmem:s18+$0x80];
	_ =	sdelay $0x4  }
0x250: {  	[tilespmem:v18+s5+$0x0] =	vst.idx.msk $0xffff, v17  }
0x251: {  	v18 =	vor.u32 s15, v3;
	v17 =	vld [tilespmem:s18+$0x100];
	_ =	sdelay $0x4  }
0x252: {  	[tilespmem:v18+s5+$0x0] =	vst.idx.msk $0xffff, v17  }
0x253: {  	v18 =	vor.u32 s15, v4;
	v17 =	vld [tilespmem:s18+$0x180];
	_ =	sdelay $0x4  }
0x254: {  	[tilespmem:v18+s5+$0x0] =	vst.idx.msk $0xffff, v17  }
0x255: {  	v18 =	vor.u32 s15, v5;
	v17 =	vld [tilespmem:s18+$0x200];
	_ =	sdelay $0x4  }
0x256: {  	[tilespmem:v18+s5+$0x0] =	vst.idx.msk $0xffff, v17  }
0x257: {  	v18 =	vor.u32 s15, v6;
	v17 =	vld [tilespmem:s18+$0x280];
	_ =	sdelay $0x4  }
0x258: {  	[tilespmem:v18+s5+$0x0] =	vst.idx.msk $0xffff, v17  }
0x259: {  	v18 =	vor.u32 s15, v7;
	v17 =	vld [tilespmem:s18+$0x300];
	_ =	sdelay $0x3  }
0x25a: {  	s16 =	sor.u32 s16, s17  }
0x25b: {  	s16 =	sor.u32 $0x380, s16;
	[tilespmem:v18+s5+$0x0] =	vst.idx.msk $0xffff, v17  }
0x25c: {  	v18 =	vor.u32 s15, v8;
	v17 =	vld [tilespmem:s16+$0x0];
	_ =	sdelay $0x4  }
0x25d: {  	[tilespmem:v18+s5+$0x0] =	vst.idx.msk $0xffff, v17  }
0x25e: {  	v18 =	vor.u32 s15, v9;
	v17 =	vld [tilespmem:s18+$0x1400];
	_ =	sdelay $0x4  }
0x25f: {  	[tilespmem:v18+s5+$0x0] =	vst.idx.msk $0xffff, v17  }
0x260: {  	v18 =	vor.u32 s15, v10;
	v17 =	vld [tilespmem:s18+$0x1480];
	_ =	sdelay $0x4  }
0x261: {  	[tilespmem:v18+s5+$0x0] =	vst.idx.msk $0xffff, v17  }
0x262: {  	v18 =	vor.u32 s15, v11;
	v17 =	vld [tilespmem:s18+$0x1500];
	_ =	sdelay $0x4  }
0x263: {  	[tilespmem:v18+s5+$0x0] =	vst.idx.msk $0xffff, v17  }
0x264: {  	v18 =	vor.u32 s15, v12;
	v17 =	vld [tilespmem:s18+$0x1580];
	_ =	sdelay $0x4  }
0x265: {  	[tilespmem:v18+s5+$0x0] =	vst.idx.msk $0xffff, v17  }
0x266: {  	v18 =	vor.u32 s15, v13;
	v17 =	vld [tilespmem:s18+$0x1600];
	_ =	sdelay $0x4  }
0x267: {  	[tilespmem:v18+s5+$0x0] =	vst.idx.msk $0xffff, v17  }
0x268: {  	v18 =	vor.u32 s15, v14;
	v17 =	vld [tilespmem:s18+$0x1680];
	_ =	sdelay $0x4  }
0x269: {  	[tilespmem:v18+s5+$0x0] =	vst.idx.msk $0xffff, v17  }
0x26a: {  	v18 =	vor.u32 s15, v15;
	v17 =	vld [tilespmem:s18+$0x1700];
	_ =	sdelay $0x4  }
0x26b: {  	[tilespmem:v18+s5+$0x0] =	vst.idx.msk $0xffff, v17  }
0x26c: {  	v18 =	vor.u32 s15, v16;
	v17 =	vld [tilespmem:s18+$0x1780];
	_ =	sdelay $0x4  }
0x26d: {  	s20 =	rddreg [dreg:$0x6];
	s18 =	simm.s32 $0x0;
	[tilespmem:v18+s5+$0x0] =	vst.idx.msk $0xffff, v17  }
0x26e: {  	[hbm4b:s20+s18] =	stream.linear.scatter [tilespmem:s5], [sflag:$0x4], $0x2800, $0x38;
	[tilespmem:$0xF000] =	vst v63  }
0x26f: {  	_ =	swait.ge [sflag:s6], $0x2800  }
0x270: {  	s17 =	sand.u32 $0x70, s18;
	s19 =	sand.u32 $0x1C00, s18;
	[sflag:s6] =	ssyncset.done $0x0  }
0x271: {  	s19 =	sor.u32 s17, s19;
	s16 =	rddreg [dreg:$0x11];
	[sflag:s6] =	ssyncadd.s32 $0xFFFFD800  }
0x272: {  	v17 =	vor.u32 s18, v0;
	[tilespmem:s18], [sflag:$0x1] =	stream.strided.gather [hbm4b:s16+s0], $0x2800, s13, s0, $0x38;
	[tilespmem:$0xF000] =	vst v63  }
0x273: {  	v17 =	vand.u32 v1, v17;
	v18 =	vld [tilespmem:s19+$0x2800];
	_ =	sdelay $0x4  }
0x274: {  	[tilespmem:v17+s7+$0x0] =	vst.idx.msk $0xffff, v18  }
0x275: {  	v18 =	vor.u32 s18, v2;
	v17 =	vld [tilespmem:s19+$0x2880];
	_ =	sdelay $0x4  }
0x276: {  	[tilespmem:v18+s7+$0x0] =	vst.idx.msk $0xffff, v17  }
0x277: {  	v18 =	vor.u32 s18, v3;
	v17 =	vld [tilespmem:s19+$0x2900];
	_ =	sdelay $0x4  }
0x278: {  	[tilespmem:v18+s7+$0x0] =	vst.idx.msk $0xffff, v17  }
0x279: {  	v18 =	vor.u32 s18, v4;
	v17 =	vld [tilespmem:s19+$0x2980];
	_ =	sdelay $0x4  }
0x27a: {  	[tilespmem:v18+s7+$0x0] =	vst.idx.msk $0xffff, v17  }
0x27b: {  	v18 =	vor.u32 s18, v5;
	v17 =	vld [tilespmem:s19+$0x2A00];
	_ =	sdelay $0x4  }
0x27c: {  	[tilespmem:v18+s7+$0x0] =	vst.idx.msk $0xffff, v17  }
0x27d: {  	v18 =	vor.u32 s18, v6;
	v17 =	vld [tilespmem:s19+$0x2A80];
	_ =	sdelay $0x4  }
0x27e: {  	[tilespmem:v18+s7+$0x0] =	vst.idx.msk $0xffff, v17  }
0x27f: {  	v18 =	vor.u32 s18, v7;
	v17 =	vld [tilespmem:s19+$0x2B00];
	_ =	sdelay $0x3  }
0x280: {  	s20 =	sor.u32 s18, s18  }
0x281: {  	s15 =	sor.u32 $0x380, s20;
	[tilespmem:v18+s7+$0x0] =	vst.idx.msk $0xffff, v17  }
0x282: {  	v18 =	vor.u32 s18, v8;
	v17 =	vld [tilespmem:s15+$0x2800];
	_ =	sdelay $0x4  }
0x283: {  	[tilespmem:v18+s7+$0x0] =	vst.idx.msk $0xffff, v17  }
0x284: {  	v18 =	vor.u32 s18, v9;
	v17 =	vld [tilespmem:s19+$0x3C00];
	_ =	sdelay $0x4  }
0x285: {  	[tilespmem:v18+s7+$0x0] =	vst.idx.msk $0xffff, v17  }
0x286: {  	v18 =	vor.u32 s18, v10;
	v17 =	vld [tilespmem:s19+$0x3C80];
	_ =	sdelay $0x4  }
0x287: {  	[tilespmem:v18+s7+$0x0] =	vst.idx.msk $0xffff, v17  }
0x288: {  	v18 =	vor.u32 s18, v11;
	v17 =	vld [tilespmem:s19+$0x3D00];
	_ =	sdelay $0x4  }
0x289: {  	[tilespmem:v18+s7+$0x0] =	vst.idx.msk $0xffff, v17  }
0x28a: {  	v18 =	vor.u32 s18, v12;
	v17 =	vld [tilespmem:s19+$0x3D80];
	_ =	sdelay $0x4  }
0x28b: {  	[tilespmem:v18+s7+$0x0] =	vst.idx.msk $0xffff, v17  }
0x28c: {  	v18 =	vor.u32 s18, v13;
	v17 =	vld [tilespmem:s19+$0x3E00];
	_ =	sdelay $0x4  }
0x28d: {  	[tilespmem:v18+s7+$0x0] =	vst.idx.msk $0xffff, v17  }
0x28e: {  	v18 =	vor.u32 s18, v14;
	v17 =	vld [tilespmem:s19+$0x3E80];
	_ =	sdelay $0x4  }
0x28f: {  	[tilespmem:v18+s7+$0x0] =	vst.idx.msk $0xffff, v17  }
0x290: {  	v18 =	vor.u32 s18, v15;
	v17 =	vld [tilespmem:s19+$0x3F00];
	_ =	sdelay $0x4  }
0x291: {  	[tilespmem:v18+s7+$0x0] =	vst.idx.msk $0xffff, v17  }
0x292: {  	v18 =	vor.u32 s18, v16;
	v17 =	vld [tilespmem:s19+$0x3F80];
	_ =	sdelay $0x1  }
0x293: {  	s16 =	simm.s32 $0x80  }
0x294: {  	s17 =	simm.s32 $0x10;
	s20 =	sand.u32 $0x1C00, s16  }
0x295: {  	s15 =	simm.s32 $0x100;
	s18 =	simm.s32 $0x200;
	s19 =	sand.u32 $0x70, s17  }
.LBB2_5:
0x296: {  	p1 =	sne.s32 s18, $0x2700;
	v19 =	vor.u32 s15, v0;
	s19 =	sor.u32 s19, s20;
	[tilespmem:v18+s7+$0x0] =	vst.idx.msk $0xffff, v17  }
0x297: {  	v17 =	vld [tilespmem:s19+$0x2800];
	v18 =	vand.u32 v1, v19;
	_ =	sdelay $0x4  }
0x298: {  	[tilespmem:v18+s7+$0x0] =	vst.idx.msk $0xffff, v17  }
0x299: {  	v18 =	vor.u32 s15, v2;
	v17 =	vld [tilespmem:s19+$0x2880];
	_ =	sdelay $0x4  }
0x29a: {  	[tilespmem:v18+s7+$0x0] =	vst.idx.msk $0xffff, v17  }
0x29b: {  	v18 =	vor.u32 s15, v3;
	v17 =	vld [tilespmem:s19+$0x2900];
	_ =	sdelay $0x4  }
0x29c: {  	[tilespmem:v18+s7+$0x0] =	vst.idx.msk $0xffff, v17  }
0x29d: {  	v18 =	vor.u32 s15, v4;
	v17 =	vld [tilespmem:s19+$0x2980];
	_ =	sdelay $0x4  }
0x29e: {  	[tilespmem:v18+s7+$0x0] =	vst.idx.msk $0xffff, v17  }
0x29f: {  	v18 =	vor.u32 s15, v5;
	v17 =	vld [tilespmem:s19+$0x2A00];
	_ =	sdelay $0x4  }
0x2a0: {  	[tilespmem:v18+s7+$0x0] =	vst.idx.msk $0xffff, v17  }
0x2a1: {  	v18 =	vor.u32 s15, v6;
	v17 =	vld [tilespmem:s19+$0x2A80];
	_ =	sdelay $0x4  }
0x2a2: {  	[tilespmem:v18+s7+$0x0] =	vst.idx.msk $0xffff, v17  }
0x2a3: {  	v18 =	vor.u32 s15, v7;
	v17 =	vld [tilespmem:s19+$0x2B00];
	_ =	sdelay $0x3  }
0x2a4: {  	s20 =	sor.u32 s16, s17  }
0x2a5: {  	s20 =	sor.u32 $0x380, s20;
	[tilespmem:v18+s7+$0x0] =	vst.idx.msk $0xffff, v17  }
0x2a6: {  	v18 =	vor.u32 s15, v8;
	v17 =	vld [tilespmem:s20+$0x2800];
	_ =	sdelay $0x4  }
0x2a7: {  	[tilespmem:v18+s7+$0x0] =	vst.idx.msk $0xffff, v17  }
0x2a8: {  	v18 =	vor.u32 s15, v9;
	v17 =	vld [tilespmem:s19+$0x3C00];
	_ =	sdelay $0x4  }
0x2a9: {  	[tilespmem:v18+s7+$0x0] =	vst.idx.msk $0xffff, v17  }
0x2aa: {  	v18 =	vor.u32 s15, v10;
	v17 =	vld [tilespmem:s19+$0x3C80];
	_ =	sdelay $0x4  }
0x2ab: {  	[tilespmem:v18+s7+$0x0] =	vst.idx.msk $0xffff, v17  }
0x2ac: {  	v18 =	vor.u32 s15, v11;
	v17 =	vld [tilespmem:s19+$0x3D00];
	_ =	sdelay $0x4  }
0x2ad: {  	[tilespmem:v18+s7+$0x0] =	vst.idx.msk $0xffff, v17  }
0x2ae: {  	v18 =	vor.u32 s15, v12;
	v17 =	vld [tilespmem:s19+$0x3D80];
	_ =	sdelay $0x4  }
0x2af: {  	[tilespmem:v18+s7+$0x0] =	vst.idx.msk $0xffff, v17  }
0x2b0: {  	v18 =	vor.u32 s15, v13;
	v17 =	vld [tilespmem:s19+$0x3E00];
	_ =	sdelay $0x4  }
0x2b1: {  	[tilespmem:v18+s7+$0x0] =	vst.idx.msk $0xffff, v17  }
0x2b2: {  	v18 =	vor.u32 s15, v14;
	v17 =	vld [tilespmem:s19+$0x3E80];
	_ =	sdelay $0x4  }
0x2b3: {  	[tilespmem:v18+s7+$0x0] =	vst.idx.msk $0xffff, v17  }
0x2b4: {  	v18 =	vor.u32 s15, v15;
	v17 =	vld [tilespmem:s19+$0x3F00];
	_ =	sdelay $0x4  }
0x2b5: {  	[tilespmem:v18+s7+$0x0] =	vst.idx.msk $0xffff, v17  }
.Ltmp9:
0x2b6: {  	v18 =	vor.u32 s15, v16;
	s15 =	smov.u32 s18;
	v17 =	vld [tilespmem:s19+$0x3F80];
	(pc) =	sbr.rel @p1 .LBB2_5-.Ltmp9, $3  }
0x2b7: {  	_ =	sdelay $0x1  }
0x2b8: {  	s16 =	sadd.s32 $0x80, s16;
	s17 =	sadd.s32 $0x10, s17  }
0x2b9: {  	s20 =	sand.u32 $0x1C00, s16;
	s18 =	sadd.s32 $0x100, s18;
	s19 =	sand.u32 $0x70, s17  }
0x2ba: {  	_ =	sdelay $0x3  }
0x2bb: {  	v19 =	vor.u32 s15, v0;
	s18 =	sor.u32 s19, s20;
	[tilespmem:v18+s7+$0x0] =	vst.idx.msk $0xffff, v17  }
0x2bc: {  	v17 =	vld [tilespmem:s18+$0x2800];
	v18 =	vand.u32 v1, v19;
	_ =	sdelay $0x4  }
0x2bd: {  	[tilespmem:v18+s7+$0x0] =	vst.idx.msk $0xffff, v17  }
0x2be: {  	v18 =	vor.u32 s15, v2;
	v17 =	vld [tilespmem:s18+$0x2880];
	_ =	sdelay $0x4  }
0x2bf: {  	[tilespmem:v18+s7+$0x0] =	vst.idx.msk $0xffff, v17  }
0x2c0: {  	v18 =	vor.u32 s15, v3;
	v17 =	vld [tilespmem:s18+$0x2900];
	_ =	sdelay $0x4  }
0x2c1: {  	[tilespmem:v18+s7+$0x0] =	vst.idx.msk $0xffff, v17  }
0x2c2: {  	v18 =	vor.u32 s15, v4;
	v17 =	vld [tilespmem:s18+$0x2980];
	_ =	sdelay $0x4  }
0x2c3: {  	[tilespmem:v18+s7+$0x0] =	vst.idx.msk $0xffff, v17  }
0x2c4: {  	v18 =	vor.u32 s15, v5;
	v17 =	vld [tilespmem:s18+$0x2A00];
	_ =	sdelay $0x4  }
0x2c5: {  	[tilespmem:v18+s7+$0x0] =	vst.idx.msk $0xffff, v17  }
0x2c6: {  	v18 =	vor.u32 s15, v6;
	v17 =	vld [tilespmem:s18+$0x2A80];
	_ =	sdelay $0x4  }
0x2c7: {  	[tilespmem:v18+s7+$0x0] =	vst.idx.msk $0xffff, v17  }
0x2c8: {  	v18 =	vor.u32 s15, v7;
	v17 =	vld [tilespmem:s18+$0x2B00];
	_ =	sdelay $0x3  }
0x2c9: {  	s16 =	sor.u32 s16, s17  }
0x2ca: {  	s16 =	sor.u32 $0x380, s16;
	[tilespmem:v18+s7+$0x0] =	vst.idx.msk $0xffff, v17  }
0x2cb: {  	v18 =	vor.u32 s15, v8;
	v17 =	vld [tilespmem:s16+$0x2800];
	_ =	sdelay $0x4  }
0x2cc: {  	[tilespmem:v18+s7+$0x0] =	vst.idx.msk $0xffff, v17  }
0x2cd: {  	v18 =	vor.u32 s15, v9;
	v17 =	vld [tilespmem:s18+$0x3C00];
	_ =	sdelay $0x4  }
0x2ce: {  	[tilespmem:v18+s7+$0x0] =	vst.idx.msk $0xffff, v17  }
0x2cf: {  	v18 =	vor.u32 s15, v10;
	v17 =	vld [tilespmem:s18+$0x3C80];
	_ =	sdelay $0x4  }
0x2d0: {  	[tilespmem:v18+s7+$0x0] =	vst.idx.msk $0xffff, v17  }
0x2d1: {  	v18 =	vor.u32 s15, v11;
	v17 =	vld [tilespmem:s18+$0x3D00];
	_ =	sdelay $0x4  }
0x2d2: {  	[tilespmem:v18+s7+$0x0] =	vst.idx.msk $0xffff, v17  }
0x2d3: {  	v18 =	vor.u32 s15, v12;
	v17 =	vld [tilespmem:s18+$0x3D80];
	_ =	sdelay $0x4  }
0x2d4: {  	[tilespmem:v18+s7+$0x0] =	vst.idx.msk $0xffff, v17  }
0x2d5: {  	v18 =	vor.u32 s15, v13;
	v17 =	vld [tilespmem:s18+$0x3E00];
	_ =	sdelay $0x4  }
0x2d6: {  	[tilespmem:v18+s7+$0x0] =	vst.idx.msk $0xffff, v17  }
0x2d7: {  	v18 =	vor.u32 s15, v14;
	v17 =	vld [tilespmem:s18+$0x3E80];
	_ =	sdelay $0x4  }
0x2d8: {  	[tilespmem:v18+s7+$0x0] =	vst.idx.msk $0xffff, v17  }
0x2d9: {  	v18 =	vor.u32 s15, v15;
	v17 =	vld [tilespmem:s18+$0x3F00];
	_ =	sdelay $0x4  }
0x2da: {  	[tilespmem:v18+s7+$0x0] =	vst.idx.msk $0xffff, v17  }
0x2db: {  	v18 =	vor.u32 s15, v16;
	v17 =	vld [tilespmem:s18+$0x3F80];
	_ =	sdelay $0x4  }
0x2dc: {  	s16 =	rddreg [dreg:$0x7];
	s18 =	simm.s32 $0x0;
	[tilespmem:v18+s7+$0x0] =	vst.idx.msk $0xffff, v17  }
0x2dd: {  	[hbm4b:s16+s18] =	stream.linear.scatter [tilespmem:s7], [sflag:$0x5], $0x2800, $0x38;
	[tilespmem:$0xF000] =	vst v63  }
0x2de: {  	_ =	swait.ge [sflag:s8], $0x2800  }
0x2df: {  	s17 =	sand.u32 $0x70, s18;
	s19 =	sand.u32 $0x1C00, s18;
	[sflag:s8] =	ssyncset.done $0x0  }
0x2e0: {  	s19 =	sor.u32 s17, s19;
	[sflag:s8] =	ssyncadd.s32 $0xFFFFD800  }
0x2e1: {  	v17 =	vor.u32 s18, v0;
	[tilespmem:s2], [sflag:$0x2] =	stream.strided.gather [hbm4b:s21+s0], $0x2800, s13, s0, $0x38;
	[tilespmem:$0xF000] =	vst v63  }
0x2e2: {  	v17 =	vand.u32 v1, v17;
	v18 =	vld [tilespmem:s19+$0x5000];
	_ =	sdelay $0x4  }
0x2e3: {  	[tilespmem:v17+s9+$0x0] =	vst.idx.msk $0xffff, v18  }
0x2e4: {  	v18 =	vor.u32 s18, v2;
	v17 =	vld [tilespmem:s19+$0x5080];
	_ =	sdelay $0x4  }
0x2e5: {  	[tilespmem:v18+s9+$0x0] =	vst.idx.msk $0xffff, v17  }
0x2e6: {  	v18 =	vor.u32 s18, v3;
	v17 =	vld [tilespmem:s19+$0x5100];
	_ =	sdelay $0x4  }
0x2e7: {  	[tilespmem:v18+s9+$0x0] =	vst.idx.msk $0xffff, v17  }
0x2e8: {  	v18 =	vor.u32 s18, v4;
	v17 =	vld [tilespmem:s19+$0x5180];
	_ =	sdelay $0x4  }
0x2e9: {  	[tilespmem:v18+s9+$0x0] =	vst.idx.msk $0xffff, v17  }
0x2ea: {  	v18 =	vor.u32 s18, v5;
	v17 =	vld [tilespmem:s19+$0x5200];
	_ =	sdelay $0x4  }
0x2eb: {  	[tilespmem:v18+s9+$0x0] =	vst.idx.msk $0xffff, v17  }
0x2ec: {  	v18 =	vor.u32 s18, v6;
	v17 =	vld [tilespmem:s19+$0x5280];
	_ =	sdelay $0x4  }
0x2ed: {  	[tilespmem:v18+s9+$0x0] =	vst.idx.msk $0xffff, v17  }
0x2ee: {  	v18 =	vor.u32 s18, v7;
	v17 =	vld [tilespmem:s19+$0x5300];
	_ =	sdelay $0x3  }
0x2ef: {  	s20 =	sor.u32 s18, s18  }
0x2f0: {  	s15 =	sor.u32 $0x380, s20;
	[tilespmem:v18+s9+$0x0] =	vst.idx.msk $0xffff, v17  }
0x2f1: {  	v18 =	vor.u32 s18, v8;
	v17 =	vld [tilespmem:s15+$0x5000];
	_ =	sdelay $0x4  }
0x2f2: {  	[tilespmem:v18+s9+$0x0] =	vst.idx.msk $0xffff, v17  }
0x2f3: {  	v18 =	vor.u32 s18, v9;
	v17 =	vld [tilespmem:s19+$0x6400];
	_ =	sdelay $0x4  }
0x2f4: {  	[tilespmem:v18+s9+$0x0] =	vst.idx.msk $0xffff, v17  }
0x2f5: {  	v18 =	vor.u32 s18, v10;
	v17 =	vld [tilespmem:s19+$0x6480];
	_ =	sdelay $0x4  }
0x2f6: {  	[tilespmem:v18+s9+$0x0] =	vst.idx.msk $0xffff, v17  }
0x2f7: {  	v18 =	vor.u32 s18, v11;
	v17 =	vld [tilespmem:s19+$0x6500];
	_ =	sdelay $0x4  }
0x2f8: {  	[tilespmem:v18+s9+$0x0] =	vst.idx.msk $0xffff, v17  }
0x2f9: {  	v18 =	vor.u32 s18, v12;
	v17 =	vld [tilespmem:s19+$0x6580];
	_ =	sdelay $0x4  }
0x2fa: {  	[tilespmem:v18+s9+$0x0] =	vst.idx.msk $0xffff, v17  }
0x2fb: {  	v18 =	vor.u32 s18, v13;
	v17 =	vld [tilespmem:s19+$0x6600];
	_ =	sdelay $0x4  }
0x2fc: {  	[tilespmem:v18+s9+$0x0] =	vst.idx.msk $0xffff, v17  }
0x2fd: {  	v18 =	vor.u32 s18, v14;
	v17 =	vld [tilespmem:s19+$0x6680];
	_ =	sdelay $0x4  }
0x2fe: {  	[tilespmem:v18+s9+$0x0] =	vst.idx.msk $0xffff, v17  }
0x2ff: {  	v18 =	vor.u32 s18, v15;
	v17 =	vld [tilespmem:s19+$0x6700];
	_ =	sdelay $0x4  }
0x300: {  	[tilespmem:v18+s9+$0x0] =	vst.idx.msk $0xffff, v17  }
0x301: {  	v18 =	vor.u32 s18, v16;
	v17 =	vld [tilespmem:s19+$0x6780];
	_ =	sdelay $0x1  }
0x302: {  	s16 =	simm.s32 $0x80  }
0x303: {  	s17 =	simm.s32 $0x10;
	s20 =	sand.u32 $0x1C00, s16  }
0x304: {  	s15 =	simm.s32 $0x100;
	s18 =	simm.s32 $0x200;
	s19 =	sand.u32 $0x70, s17  }
.LBB2_7:
0x305: {  	p1 =	sne.s32 s18, $0x2700;
	v19 =	vor.u32 s15, v0;
	s19 =	sor.u32 s19, s20;
	[tilespmem:v18+s9+$0x0] =	vst.idx.msk $0xffff, v17  }
0x306: {  	v17 =	vld [tilespmem:s19+$0x5000];
	v18 =	vand.u32 v1, v19;
	_ =	sdelay $0x4  }
0x307: {  	[tilespmem:v18+s9+$0x0] =	vst.idx.msk $0xffff, v17  }
0x308: {  	v18 =	vor.u32 s15, v2;
	v17 =	vld [tilespmem:s19+$0x5080];
	_ =	sdelay $0x4  }
0x309: {  	[tilespmem:v18+s9+$0x0] =	vst.idx.msk $0xffff, v17  }
0x30a: {  	v18 =	vor.u32 s15, v3;
	v17 =	vld [tilespmem:s19+$0x5100];
	_ =	sdelay $0x4  }
0x30b: {  	[tilespmem:v18+s9+$0x0] =	vst.idx.msk $0xffff, v17  }
0x30c: {  	v18 =	vor.u32 s15, v4;
	v17 =	vld [tilespmem:s19+$0x5180];
	_ =	sdelay $0x4  }
0x30d: {  	[tilespmem:v18+s9+$0x0] =	vst.idx.msk $0xffff, v17  }
0x30e: {  	v18 =	vor.u32 s15, v5;
	v17 =	vld [tilespmem:s19+$0x5200];
	_ =	sdelay $0x4  }
0x30f: {  	[tilespmem:v18+s9+$0x0] =	vst.idx.msk $0xffff, v17  }
0x310: {  	v18 =	vor.u32 s15, v6;
	v17 =	vld [tilespmem:s19+$0x5280];
	_ =	sdelay $0x4  }
0x311: {  	[tilespmem:v18+s9+$0x0] =	vst.idx.msk $0xffff, v17  }
0x312: {  	v18 =	vor.u32 s15, v7;
	v17 =	vld [tilespmem:s19+$0x5300];
	_ =	sdelay $0x3  }
0x313: {  	s20 =	sor.u32 s16, s17  }
0x314: {  	s20 =	sor.u32 $0x380, s20;
	[tilespmem:v18+s9+$0x0] =	vst.idx.msk $0xffff, v17  }
0x315: {  	v18 =	vor.u32 s15, v8;
	v17 =	vld [tilespmem:s20+$0x5000];
	_ =	sdelay $0x4  }
0x316: {  	[tilespmem:v18+s9+$0x0] =	vst.idx.msk $0xffff, v17  }
0x317: {  	v18 =	vor.u32 s15, v9;
	v17 =	vld [tilespmem:s19+$0x6400];
	_ =	sdelay $0x4  }
0x318: {  	[tilespmem:v18+s9+$0x0] =	vst.idx.msk $0xffff, v17  }
0x319: {  	v18 =	vor.u32 s15, v10;
	v17 =	vld [tilespmem:s19+$0x6480];
	_ =	sdelay $0x4  }
0x31a: {  	[tilespmem:v18+s9+$0x0] =	vst.idx.msk $0xffff, v17  }
0x31b: {  	v18 =	vor.u32 s15, v11;
	v17 =	vld [tilespmem:s19+$0x6500];
	_ =	sdelay $0x4  }
0x31c: {  	[tilespmem:v18+s9+$0x0] =	vst.idx.msk $0xffff, v17  }
0x31d: {  	v18 =	vor.u32 s15, v12;
	v17 =	vld [tilespmem:s19+$0x6580];
	_ =	sdelay $0x4  }
0x31e: {  	[tilespmem:v18+s9+$0x0] =	vst.idx.msk $0xffff, v17  }
0x31f: {  	v18 =	vor.u32 s15, v13;
	v17 =	vld [tilespmem:s19+$0x6600];
	_ =	sdelay $0x4  }
0x320: {  	[tilespmem:v18+s9+$0x0] =	vst.idx.msk $0xffff, v17  }
0x321: {  	v18 =	vor.u32 s15, v14;
	v17 =	vld [tilespmem:s19+$0x6680];
	_ =	sdelay $0x4  }
0x322: {  	[tilespmem:v18+s9+$0x0] =	vst.idx.msk $0xffff, v17  }
0x323: {  	v18 =	vor.u32 s15, v15;
	v17 =	vld [tilespmem:s19+$0x6700];
	_ =	sdelay $0x4  }
0x324: {  	[tilespmem:v18+s9+$0x0] =	vst.idx.msk $0xffff, v17  }
.Ltmp10:
0x325: {  	v18 =	vor.u32 s15, v16;
	s15 =	smov.u32 s18;
	v17 =	vld [tilespmem:s19+$0x6780];
	(pc) =	sbr.rel @p1 .LBB2_7-.Ltmp10, $3  }
0x326: {  	_ =	sdelay $0x1  }
0x327: {  	s16 =	sadd.s32 $0x80, s16;
	s17 =	sadd.s32 $0x10, s17  }
0x328: {  	s20 =	sand.u32 $0x1C00, s16;
	s18 =	sadd.s32 $0x100, s18;
	s19 =	sand.u32 $0x70, s17  }
0x329: {  	_ =	sdelay $0x3  }
0x32a: {  	v19 =	vor.u32 s15, v0;
	s18 =	sor.u32 s19, s20;
	[tilespmem:v18+s9+$0x0] =	vst.idx.msk $0xffff, v17  }
0x32b: {  	v17 =	vld [tilespmem:s18+$0x5000];
	v18 =	vand.u32 v1, v19;
	_ =	sdelay $0x4  }
0x32c: {  	[tilespmem:v18+s9+$0x0] =	vst.idx.msk $0xffff, v17  }
0x32d: {  	v18 =	vor.u32 s15, v2;
	v17 =	vld [tilespmem:s18+$0x5080];
	_ =	sdelay $0x4  }
0x32e: {  	[tilespmem:v18+s9+$0x0] =	vst.idx.msk $0xffff, v17  }
0x32f: {  	v18 =	vor.u32 s15, v3;
	v17 =	vld [tilespmem:s18+$0x5100];
	_ =	sdelay $0x4  }
0x330: {  	[tilespmem:v18+s9+$0x0] =	vst.idx.msk $0xffff, v17  }
0x331: {  	v18 =	vor.u32 s15, v4;
	v17 =	vld [tilespmem:s18+$0x5180];
	_ =	sdelay $0x4  }
0x332: {  	[tilespmem:v18+s9+$0x0] =	vst.idx.msk $0xffff, v17  }
0x333: {  	v18 =	vor.u32 s15, v5;
	v17 =	vld [tilespmem:s18+$0x5200];
	_ =	sdelay $0x4  }
0x334: {  	[tilespmem:v18+s9+$0x0] =	vst.idx.msk $0xffff, v17  }
0x335: {  	v18 =	vor.u32 s15, v6;
	v17 =	vld [tilespmem:s18+$0x5280];
	_ =	sdelay $0x4  }
0x336: {  	[tilespmem:v18+s9+$0x0] =	vst.idx.msk $0xffff, v17  }
0x337: {  	v18 =	vor.u32 s15, v7;
	v17 =	vld [tilespmem:s18+$0x5300];
	_ =	sdelay $0x3  }
0x338: {  	s16 =	sor.u32 s16, s17  }
0x339: {  	s16 =	sor.u32 $0x380, s16;
	[tilespmem:v18+s9+$0x0] =	vst.idx.msk $0xffff, v17  }
0x33a: {  	v18 =	vor.u32 s15, v8;
	v17 =	vld [tilespmem:s16+$0x5000];
	_ =	sdelay $0x4  }
0x33b: {  	[tilespmem:v18+s9+$0x0] =	vst.idx.msk $0xffff, v17  }
0x33c: {  	v18 =	vor.u32 s15, v9;
	v17 =	vld [tilespmem:s18+$0x6400];
	_ =	sdelay $0x4  }
0x33d: {  	[tilespmem:v18+s9+$0x0] =	vst.idx.msk $0xffff, v17  }
0x33e: {  	v18 =	vor.u32 s15, v10;
	v17 =	vld [tilespmem:s18+$0x6480];
	_ =	sdelay $0x4  }
0x33f: {  	[tilespmem:v18+s9+$0x0] =	vst.idx.msk $0xffff, v17  }
0x340: {  	v18 =	vor.u32 s15, v11;
	v17 =	vld [tilespmem:s18+$0x6500];
	_ =	sdelay $0x4  }
0x341: {  	[tilespmem:v18+s9+$0x0] =	vst.idx.msk $0xffff, v17  }
0x342: {  	v18 =	vor.u32 s15, v12;
	v17 =	vld [tilespmem:s18+$0x6580];
	_ =	sdelay $0x4  }
0x343: {  	[tilespmem:v18+s9+$0x0] =	vst.idx.msk $0xffff, v17  }
0x344: {  	v18 =	vor.u32 s15, v13;
	v17 =	vld [tilespmem:s18+$0x6600];
	_ =	sdelay $0x4  }
0x345: {  	[tilespmem:v18+s9+$0x0] =	vst.idx.msk $0xffff, v17  }
0x346: {  	v18 =	vor.u32 s15, v14;
	v17 =	vld [tilespmem:s18+$0x6680];
	_ =	sdelay $0x4  }
0x347: {  	[tilespmem:v18+s9+$0x0] =	vst.idx.msk $0xffff, v17  }
0x348: {  	v18 =	vor.u32 s15, v15;
	v17 =	vld [tilespmem:s18+$0x6700];
	_ =	sdelay $0x4  }
0x349: {  	[tilespmem:v18+s9+$0x0] =	vst.idx.msk $0xffff, v17  }
0x34a: {  	v18 =	vor.u32 s15, v16;
	v17 =	vld [tilespmem:s18+$0x6780];
	_ =	sdelay $0x4  }
0x34b: {  	s20 =	rddreg [dreg:$0x8];
	s18 =	simm.s32 $0x0;
	[tilespmem:v18+s9+$0x0] =	vst.idx.msk $0xffff, v17  }
0x34c: {  	[hbm4b:s20+s18] =	stream.linear.scatter [tilespmem:s9], [sflag:$0x6], $0x2800, $0x38;
	[tilespmem:$0xF000] =	vst v63  }
0x34d: {  	_ =	swait.ge [sflag:s3], $0x2800  }
0x34e: {  	[sflag:s3] =	ssyncset.done $0x0  }
0x34f: {  	s16 =	rddreg [dreg:$0x12];
	[sflag:s3] =	ssyncadd.s32 $0xFFFFD800  }
0x350: {  	[tilespmem:s4], [sflag:$0x3] =	stream.strided.gather [hbm4b:s16+s0], $0x2800, s13, s0, $0x38;
	[tilespmem:$0xF000] =	vst v63  }
0x351: {  	_ =	swait.ge [sflag:s10], $0x2800  }
0x352: {  	s17 =	sand.u32 $0x70, s18;
	s19 =	sand.u32 $0x1C00, s18;
	[sflag:s10] =	ssyncset.done $0x0  }
0x353: {  	s19 =	sor.u32 s17, s19;
	v17 =	vor.u32 s18, v0;
	[sflag:s10] =	ssyncadd.s32 $0xFFFFD800  }
0x354: {  	v17 =	vand.u32 v1, v17;
	v18 =	vld [tilespmem:s19+$0x0];
	_ =	sdelay $0x4  }
0x355: {  	[tilespmem:v17+s5+$0x0] =	vst.idx.msk $0xffff, v18  }
0x356: {  	v18 =	vor.u32 s18, v2;
	v17 =	vld [tilespmem:s19+$0x80];
	_ =	sdelay $0x4  }
0x357: {  	[tilespmem:v18+s5+$0x0] =	vst.idx.msk $0xffff, v17  }
0x358: {  	v18 =	vor.u32 s18, v3;
	v17 =	vld [tilespmem:s19+$0x100];
	_ =	sdelay $0x4  }
0x359: {  	[tilespmem:v18+s5+$0x0] =	vst.idx.msk $0xffff, v17  }
0x35a: {  	v18 =	vor.u32 s18, v4;
	v17 =	vld [tilespmem:s19+$0x180];
	_ =	sdelay $0x4  }
0x35b: {  	[tilespmem:v18+s5+$0x0] =	vst.idx.msk $0xffff, v17  }
0x35c: {  	v18 =	vor.u32 s18, v5;
	v17 =	vld [tilespmem:s19+$0x200];
	_ =	sdelay $0x4  }
0x35d: {  	[tilespmem:v18+s5+$0x0] =	vst.idx.msk $0xffff, v17  }
0x35e: {  	v18 =	vor.u32 s18, v6;
	v17 =	vld [tilespmem:s19+$0x280];
	_ =	sdelay $0x4  }
0x35f: {  	[tilespmem:v18+s5+$0x0] =	vst.idx.msk $0xffff, v17  }
0x360: {  	v18 =	vor.u32 s18, v7;
	v17 =	vld [tilespmem:s19+$0x300];
	_ =	sdelay $0x3  }
0x361: {  	s20 =	sor.u32 s18, s18  }
0x362: {  	s15 =	sor.u32 $0x380, s20;
	[tilespmem:v18+s5+$0x0] =	vst.idx.msk $0xffff, v17  }
0x363: {  	v18 =	vor.u32 s18, v8;
	v17 =	vld [tilespmem:s15+$0x0];
	_ =	sdelay $0x4  }
0x364: {  	[tilespmem:v18+s5+$0x0] =	vst.idx.msk $0xffff, v17  }
0x365: {  	v18 =	vor.u32 s18, v9;
	v17 =	vld [tilespmem:s19+$0x1400];
	_ =	sdelay $0x4  }
0x366: {  	[tilespmem:v18+s5+$0x0] =	vst.idx.msk $0xffff, v17  }
0x367: {  	v18 =	vor.u32 s18, v10;
	v17 =	vld [tilespmem:s19+$0x1480];
	_ =	sdelay $0x4  }
0x368: {  	[tilespmem:v18+s5+$0x0] =	vst.idx.msk $0xffff, v17  }
0x369: {  	v18 =	vor.u32 s18, v11;
	v17 =	vld [tilespmem:s19+$0x1500];
	_ =	sdelay $0x4  }
0x36a: {  	[tilespmem:v18+s5+$0x0] =	vst.idx.msk $0xffff, v17  }
0x36b: {  	v18 =	vor.u32 s18, v12;
	v17 =	vld [tilespmem:s19+$0x1580];
	_ =	sdelay $0x4  }
0x36c: {  	[tilespmem:v18+s5+$0x0] =	vst.idx.msk $0xffff, v17  }
0x36d: {  	v18 =	vor.u32 s18, v13;
	v17 =	vld [tilespmem:s19+$0x1600];
	_ =	sdelay $0x4  }
0x36e: {  	[tilespmem:v18+s5+$0x0] =	vst.idx.msk $0xffff, v17  }
0x36f: {  	v18 =	vor.u32 s18, v14;
	v17 =	vld [tilespmem:s19+$0x1680];
	_ =	sdelay $0x4  }
0x370: {  	[tilespmem:v18+s5+$0x0] =	vst.idx.msk $0xffff, v17  }
0x371: {  	v18 =	vor.u32 s18, v15;
	v17 =	vld [tilespmem:s19+$0x1700];
	_ =	sdelay $0x4  }
0x372: {  	[tilespmem:v18+s5+$0x0] =	vst.idx.msk $0xffff, v17  }
0x373: {  	v18 =	vor.u32 s18, v16;
	v17 =	vld [tilespmem:s19+$0x1780];
	_ =	sdelay $0x1  }
0x374: {  	s16 =	simm.s32 $0x80  }
0x375: {  	s17 =	simm.s32 $0x10;
	s20 =	sand.u32 $0x1C00, s16  }
0x376: {  	s15 =	simm.s32 $0x100;
	s18 =	simm.s32 $0x200;
	s19 =	sand.u32 $0x70, s17  }
.LBB2_9:
0x377: {  	p1 =	sne.s32 s18, $0x2700;
	v19 =	vor.u32 s15, v0;
	s19 =	sor.u32 s19, s20;
	[tilespmem:v18+s5+$0x0] =	vst.idx.msk $0xffff, v17  }
0x378: {  	v17 =	vld [tilespmem:s19+$0x0];
	v18 =	vand.u32 v1, v19;
	_ =	sdelay $0x4  }
0x379: {  	[tilespmem:v18+s5+$0x0] =	vst.idx.msk $0xffff, v17  }
0x37a: {  	v18 =	vor.u32 s15, v2;
	v17 =	vld [tilespmem:s19+$0x80];
	_ =	sdelay $0x4  }
0x37b: {  	[tilespmem:v18+s5+$0x0] =	vst.idx.msk $0xffff, v17  }
0x37c: {  	v18 =	vor.u32 s15, v3;
	v17 =	vld [tilespmem:s19+$0x100];
	_ =	sdelay $0x4  }
0x37d: {  	[tilespmem:v18+s5+$0x0] =	vst.idx.msk $0xffff, v17  }
0x37e: {  	v18 =	vor.u32 s15, v4;
	v17 =	vld [tilespmem:s19+$0x180];
	_ =	sdelay $0x4  }
0x37f: {  	[tilespmem:v18+s5+$0x0] =	vst.idx.msk $0xffff, v17  }
0x380: {  	v18 =	vor.u32 s15, v5;
	v17 =	vld [tilespmem:s19+$0x200];
	_ =	sdelay $0x4  }
0x381: {  	[tilespmem:v18+s5+$0x0] =	vst.idx.msk $0xffff, v17  }
0x382: {  	v18 =	vor.u32 s15, v6;
	v17 =	vld [tilespmem:s19+$0x280];
	_ =	sdelay $0x4  }
0x383: {  	[tilespmem:v18+s5+$0x0] =	vst.idx.msk $0xffff, v17  }
0x384: {  	v18 =	vor.u32 s15, v7;
	v17 =	vld [tilespmem:s19+$0x300];
	_ =	sdelay $0x3  }
0x385: {  	s20 =	sor.u32 s16, s17  }
0x386: {  	s20 =	sor.u32 $0x380, s20;
	[tilespmem:v18+s5+$0x0] =	vst.idx.msk $0xffff, v17  }
0x387: {  	v18 =	vor.u32 s15, v8;
	v17 =	vld [tilespmem:s20+$0x0];
	_ =	sdelay $0x4  }
0x388: {  	[tilespmem:v18+s5+$0x0] =	vst.idx.msk $0xffff, v17  }
0x389: {  	v18 =	vor.u32 s15, v9;
	v17 =	vld [tilespmem:s19+$0x1400];
	_ =	sdelay $0x4  }
0x38a: {  	[tilespmem:v18+s5+$0x0] =	vst.idx.msk $0xffff, v17  }
0x38b: {  	v18 =	vor.u32 s15, v10;
	v17 =	vld [tilespmem:s19+$0x1480];
	_ =	sdelay $0x4  }
0x38c: {  	[tilespmem:v18+s5+$0x0] =	vst.idx.msk $0xffff, v17  }
0x38d: {  	v18 =	vor.u32 s15, v11;
	v17 =	vld [tilespmem:s19+$0x1500];
	_ =	sdelay $0x4  }
0x38e: {  	[tilespmem:v18+s5+$0x0] =	vst.idx.msk $0xffff, v17  }
0x38f: {  	v18 =	vor.u32 s15, v12;
	v17 =	vld [tilespmem:s19+$0x1580];
	_ =	sdelay $0x4  }
0x390: {  	[tilespmem:v18+s5+$0x0] =	vst.idx.msk $0xffff, v17  }
0x391: {  	v18 =	vor.u32 s15, v13;
	v17 =	vld [tilespmem:s19+$0x1600];
	_ =	sdelay $0x4  }
0x392: {  	[tilespmem:v18+s5+$0x0] =	vst.idx.msk $0xffff, v17  }
0x393: {  	v18 =	vor.u32 s15, v14;
	v17 =	vld [tilespmem:s19+$0x1680];
	_ =	sdelay $0x4  }
0x394: {  	[tilespmem:v18+s5+$0x0] =	vst.idx.msk $0xffff, v17  }
0x395: {  	v18 =	vor.u32 s15, v15;
	v17 =	vld [tilespmem:s19+$0x1700];
	_ =	sdelay $0x4  }
0x396: {  	[tilespmem:v18+s5+$0x0] =	vst.idx.msk $0xffff, v17  }
.Ltmp11:
0x397: {  	v18 =	vor.u32 s15, v16;
	s15 =	smov.u32 s18;
	v17 =	vld [tilespmem:s19+$0x1780];
	(pc) =	sbr.rel @p1 .LBB2_9-.Ltmp11, $3  }
0x398: {  	_ =	sdelay $0x1  }
0x399: {  	s16 =	sadd.s32 $0x80, s16;
	s17 =	sadd.s32 $0x10, s17  }
0x39a: {  	s20 =	sand.u32 $0x1C00, s16;
	s18 =	sadd.s32 $0x100, s18;
	s19 =	sand.u32 $0x70, s17  }
0x39b: {  	_ =	sdelay $0x3  }
0x39c: {  	v19 =	vor.u32 s15, v0;
	s18 =	sor.u32 s19, s20;
	[tilespmem:v18+s5+$0x0] =	vst.idx.msk $0xffff, v17  }
0x39d: {  	v17 =	vld [tilespmem:s18+$0x0];
	v18 =	vand.u32 v1, v19;
	_ =	sdelay $0x4  }
0x39e: {  	[tilespmem:v18+s5+$0x0] =	vst.idx.msk $0xffff, v17  }
0x39f: {  	v18 =	vor.u32 s15, v2;
	v17 =	vld [tilespmem:s18+$0x80];
	_ =	sdelay $0x4  }
0x3a0: {  	[tilespmem:v18+s5+$0x0] =	vst.idx.msk $0xffff, v17  }
0x3a1: {  	v18 =	vor.u32 s15, v3;
	v17 =	vld [tilespmem:s18+$0x100];
	_ =	sdelay $0x4  }
0x3a2: {  	[tilespmem:v18+s5+$0x0] =	vst.idx.msk $0xffff, v17  }
0x3a3: {  	v18 =	vor.u32 s15, v4;
	v17 =	vld [tilespmem:s18+$0x180];
	_ =	sdelay $0x4  }
0x3a4: {  	[tilespmem:v18+s5+$0x0] =	vst.idx.msk $0xffff, v17  }
0x3a5: {  	v18 =	vor.u32 s15, v5;
	v17 =	vld [tilespmem:s18+$0x200];
	_ =	sdelay $0x4  }
0x3a6: {  	[tilespmem:v18+s5+$0x0] =	vst.idx.msk $0xffff, v17  }
0x3a7: {  	v18 =	vor.u32 s15, v6;
	v17 =	vld [tilespmem:s18+$0x280];
	_ =	sdelay $0x4  }
0x3a8: {  	[tilespmem:v18+s5+$0x0] =	vst.idx.msk $0xffff, v17  }
0x3a9: {  	v18 =	vor.u32 s15, v7;
	v17 =	vld [tilespmem:s18+$0x300];
	_ =	sdelay $0x3  }
0x3aa: {  	s16 =	sor.u32 s16, s17  }
0x3ab: {  	s16 =	sor.u32 $0x380, s16;
	[tilespmem:v18+s5+$0x0] =	vst.idx.msk $0xffff, v17  }
0x3ac: {  	v18 =	vor.u32 s15, v8;
	v17 =	vld [tilespmem:s16+$0x0];
	_ =	sdelay $0x4  }
0x3ad: {  	[tilespmem:v18+s5+$0x0] =	vst.idx.msk $0xffff, v17  }
0x3ae: {  	v18 =	vor.u32 s15, v9;
	v17 =	vld [tilespmem:s18+$0x1400];
	_ =	sdelay $0x4  }
0x3af: {  	[tilespmem:v18+s5+$0x0] =	vst.idx.msk $0xffff, v17  }
0x3b0: {  	v18 =	vor.u32 s15, v10;
	v17 =	vld [tilespmem:s18+$0x1480];
	_ =	sdelay $0x4  }
0x3b1: {  	[tilespmem:v18+s5+$0x0] =	vst.idx.msk $0xffff, v17  }
0x3b2: {  	v18 =	vor.u32 s15, v11;
	v17 =	vld [tilespmem:s18+$0x1500];
	_ =	sdelay $0x4  }
0x3b3: {  	[tilespmem:v18+s5+$0x0] =	vst.idx.msk $0xffff, v17  }
0x3b4: {  	v18 =	vor.u32 s15, v12;
	v17 =	vld [tilespmem:s18+$0x1580];
	_ =	sdelay $0x4  }
0x3b5: {  	[tilespmem:v18+s5+$0x0] =	vst.idx.msk $0xffff, v17  }
0x3b6: {  	v18 =	vor.u32 s15, v13;
	v17 =	vld [tilespmem:s18+$0x1600];
	_ =	sdelay $0x4  }
0x3b7: {  	[tilespmem:v18+s5+$0x0] =	vst.idx.msk $0xffff, v17  }
0x3b8: {  	v18 =	vor.u32 s15, v14;
	v17 =	vld [tilespmem:s18+$0x1680];
	_ =	sdelay $0x4  }
0x3b9: {  	[tilespmem:v18+s5+$0x0] =	vst.idx.msk $0xffff, v17  }
0x3ba: {  	v18 =	vor.u32 s15, v15;
	v17 =	vld [tilespmem:s18+$0x1700];
	_ =	sdelay $0x4  }
0x3bb: {  	[tilespmem:v18+s5+$0x0] =	vst.idx.msk $0xffff, v17  }
0x3bc: {  	v18 =	vor.u32 s15, v16;
	v17 =	vld [tilespmem:s18+$0x1780];
	_ =	sdelay $0x4  }
0x3bd: {  	s20 =	rddreg [dreg:$0x9];
	s18 =	simm.s32 $0x0;
	[tilespmem:v18+s5+$0x0] =	vst.idx.msk $0xffff, v17  }
0x3be: {  	[hbm4b:s20+s18] =	stream.linear.scatter [tilespmem:s5], [sflag:$0x4], $0x2800, $0x38;
	[tilespmem:$0xF000] =	vst v63  }
0x3bf: {  	_ =	swait.ge [sflag:s6], $0x2800  }
0x3c0: {  	[sflag:s6] =	ssyncset.done $0x0  }
0x3c1: {  	s16 =	rddreg [dreg:$0x13];
	[sflag:s6] =	ssyncadd.s32 $0xFFFFD800  }
0x3c2: {  	[tilespmem:s18], [sflag:$0x1] =	stream.strided.gather [hbm4b:s16+s0], $0x2800, s13, s0, $0x38;
	[tilespmem:$0xF000] =	vst v63  }
0x3c3: {  	_ =	swait.ge [sflag:s11], $0x2800  }
0x3c4: {  	s17 =	sand.u32 $0x70, s18;
	s19 =	sand.u32 $0x1C00, s18;
	[sflag:s11] =	ssyncset.done $0x0  }
0x3c5: {  	s19 =	sor.u32 s17, s19;
	v17 =	vor.u32 s18, v0;
	[sflag:s11] =	ssyncadd.s32 $0xFFFFD800  }
0x3c6: {  	v17 =	vand.u32 v1, v17;
	v18 =	vld [tilespmem:s19+$0x2800];
	_ =	sdelay $0x4  }
0x3c7: {  	[tilespmem:v17+s7+$0x0] =	vst.idx.msk $0xffff, v18  }
0x3c8: {  	v18 =	vor.u32 s18, v2;
	v17 =	vld [tilespmem:s19+$0x2880];
	_ =	sdelay $0x4  }
0x3c9: {  	[tilespmem:v18+s7+$0x0] =	vst.idx.msk $0xffff, v17  }
0x3ca: {  	v18 =	vor.u32 s18, v3;
	v17 =	vld [tilespmem:s19+$0x2900];
	_ =	sdelay $0x4  }
0x3cb: {  	[tilespmem:v18+s7+$0x0] =	vst.idx.msk $0xffff, v17  }
0x3cc: {  	v18 =	vor.u32 s18, v4;
	v17 =	vld [tilespmem:s19+$0x2980];
	_ =	sdelay $0x4  }
0x3cd: {  	[tilespmem:v18+s7+$0x0] =	vst.idx.msk $0xffff, v17  }
0x3ce: {  	v18 =	vor.u32 s18, v5;
	v17 =	vld [tilespmem:s19+$0x2A00];
	_ =	sdelay $0x4  }
0x3cf: {  	[tilespmem:v18+s7+$0x0] =	vst.idx.msk $0xffff, v17  }
0x3d0: {  	v18 =	vor.u32 s18, v6;
	v17 =	vld [tilespmem:s19+$0x2A80];
	_ =	sdelay $0x4  }
0x3d1: {  	[tilespmem:v18+s7+$0x0] =	vst.idx.msk $0xffff, v17  }
0x3d2: {  	v18 =	vor.u32 s18, v7;
	v17 =	vld [tilespmem:s19+$0x2B00];
	_ =	sdelay $0x3  }
0x3d3: {  	s20 =	sor.u32 s18, s18  }
0x3d4: {  	s15 =	sor.u32 $0x380, s20;
	[tilespmem:v18+s7+$0x0] =	vst.idx.msk $0xffff, v17  }
0x3d5: {  	v18 =	vor.u32 s18, v8;
	v17 =	vld [tilespmem:s15+$0x2800];
	_ =	sdelay $0x4  }
0x3d6: {  	[tilespmem:v18+s7+$0x0] =	vst.idx.msk $0xffff, v17  }
0x3d7: {  	v18 =	vor.u32 s18, v9;
	v17 =	vld [tilespmem:s19+$0x3C00];
	_ =	sdelay $0x4  }
0x3d8: {  	[tilespmem:v18+s7+$0x0] =	vst.idx.msk $0xffff, v17  }
0x3d9: {  	v18 =	vor.u32 s18, v10;
	v17 =	vld [tilespmem:s19+$0x3C80];
	_ =	sdelay $0x4  }
0x3da: {  	[tilespmem:v18+s7+$0x0] =	vst.idx.msk $0xffff, v17  }
0x3db: {  	v18 =	vor.u32 s18, v11;
	v17 =	vld [tilespmem:s19+$0x3D00];
	_ =	sdelay $0x4  }
0x3dc: {  	[tilespmem:v18+s7+$0x0] =	vst.idx.msk $0xffff, v17  }
0x3dd: {  	v18 =	vor.u32 s18, v12;
	v17 =	vld [tilespmem:s19+$0x3D80];
	_ =	sdelay $0x4  }
0x3de: {  	[tilespmem:v18+s7+$0x0] =	vst.idx.msk $0xffff, v17  }
0x3df: {  	v18 =	vor.u32 s18, v13;
	v17 =	vld [tilespmem:s19+$0x3E00];
	_ =	sdelay $0x4  }
0x3e0: {  	[tilespmem:v18+s7+$0x0] =	vst.idx.msk $0xffff, v17  }
0x3e1: {  	v18 =	vor.u32 s18, v14;
	v17 =	vld [tilespmem:s19+$0x3E80];
	_ =	sdelay $0x4  }
0x3e2: {  	[tilespmem:v18+s7+$0x0] =	vst.idx.msk $0xffff, v17  }
0x3e3: {  	v18 =	vor.u32 s18, v15;
	v17 =	vld [tilespmem:s19+$0x3F00];
	_ =	sdelay $0x4  }
0x3e4: {  	[tilespmem:v18+s7+$0x0] =	vst.idx.msk $0xffff, v17  }
0x3e5: {  	v18 =	vor.u32 s18, v16;
	v17 =	vld [tilespmem:s19+$0x3F80];
	_ =	sdelay $0x1  }
0x3e6: {  	s16 =	simm.s32 $0x80  }
0x3e7: {  	s17 =	simm.s32 $0x10;
	s20 =	sand.u32 $0x1C00, s16  }
0x3e8: {  	s15 =	simm.s32 $0x100;
	s18 =	simm.s32 $0x200;
	s19 =	sand.u32 $0x70, s17  }
.LBB2_11:
0x3e9: {  	p1 =	sne.s32 s18, $0x2700;
	v19 =	vor.u32 s15, v0;
	s19 =	sor.u32 s19, s20;
	[tilespmem:v18+s7+$0x0] =	vst.idx.msk $0xffff, v17  }
0x3ea: {  	v17 =	vld [tilespmem:s19+$0x2800];
	v18 =	vand.u32 v1, v19;
	_ =	sdelay $0x4  }
0x3eb: {  	[tilespmem:v18+s7+$0x0] =	vst.idx.msk $0xffff, v17  }
0x3ec: {  	v18 =	vor.u32 s15, v2;
	v17 =	vld [tilespmem:s19+$0x2880];
	_ =	sdelay $0x4  }
0x3ed: {  	[tilespmem:v18+s7+$0x0] =	vst.idx.msk $0xffff, v17  }
0x3ee: {  	v18 =	vor.u32 s15, v3;
	v17 =	vld [tilespmem:s19+$0x2900];
	_ =	sdelay $0x4  }
0x3ef: {  	[tilespmem:v18+s7+$0x0] =	vst.idx.msk $0xffff, v17  }
0x3f0: {  	v18 =	vor.u32 s15, v4;
	v17 =	vld [tilespmem:s19+$0x2980];
	_ =	sdelay $0x4  }
0x3f1: {  	[tilespmem:v18+s7+$0x0] =	vst.idx.msk $0xffff, v17  }
0x3f2: {  	v18 =	vor.u32 s15, v5;
	v17 =	vld [tilespmem:s19+$0x2A00];
	_ =	sdelay $0x4  }
0x3f3: {  	[tilespmem:v18+s7+$0x0] =	vst.idx.msk $0xffff, v17  }
0x3f4: {  	v18 =	vor.u32 s15, v6;
	v17 =	vld [tilespmem:s19+$0x2A80];
	_ =	sdelay $0x4  }
0x3f5: {  	[tilespmem:v18+s7+$0x0] =	vst.idx.msk $0xffff, v17  }
0x3f6: {  	v18 =	vor.u32 s15, v7;
	v17 =	vld [tilespmem:s19+$0x2B00];
	_ =	sdelay $0x3  }
0x3f7: {  	s20 =	sor.u32 s16, s17  }
0x3f8: {  	s20 =	sor.u32 $0x380, s20;
	[tilespmem:v18+s7+$0x0] =	vst.idx.msk $0xffff, v17  }
0x3f9: {  	v18 =	vor.u32 s15, v8;
	v17 =	vld [tilespmem:s20+$0x2800];
	_ =	sdelay $0x4  }
0x3fa: {  	[tilespmem:v18+s7+$0x0] =	vst.idx.msk $0xffff, v17  }
0x3fb: {  	v18 =	vor.u32 s15, v9;
	v17 =	vld [tilespmem:s19+$0x3C00];
	_ =	sdelay $0x4  }
0x3fc: {  	[tilespmem:v18+s7+$0x0] =	vst.idx.msk $0xffff, v17  }
0x3fd: {  	v18 =	vor.u32 s15, v10;
	v17 =	vld [tilespmem:s19+$0x3C80];
	_ =	sdelay $0x4  }
0x3fe: {  	[tilespmem:v18+s7+$0x0] =	vst.idx.msk $0xffff, v17  }
0x3ff: {  	v18 =	vor.u32 s15, v11;
	v17 =	vld [tilespmem:s19+$0x3D00];
	_ =	sdelay $0x4  }
0x400: {  	[tilespmem:v18+s7+$0x0] =	vst.idx.msk $0xffff, v17  }
0x401: {  	v18 =	vor.u32 s15, v12;
	v17 =	vld [tilespmem:s19+$0x3D80];
	_ =	sdelay $0x4  }
0x402: {  	[tilespmem:v18+s7+$0x0] =	vst.idx.msk $0xffff, v17  }
0x403: {  	v18 =	vor.u32 s15, v13;
	v17 =	vld [tilespmem:s19+$0x3E00];
	_ =	sdelay $0x4  }
0x404: {  	[tilespmem:v18+s7+$0x0] =	vst.idx.msk $0xffff, v17  }
0x405: {  	v18 =	vor.u32 s15, v14;
	v17 =	vld [tilespmem:s19+$0x3E80];
	_ =	sdelay $0x4  }
0x406: {  	[tilespmem:v18+s7+$0x0] =	vst.idx.msk $0xffff, v17  }
0x407: {  	v18 =	vor.u32 s15, v15;
	v17 =	vld [tilespmem:s19+$0x3F00];
	_ =	sdelay $0x4  }
0x408: {  	[tilespmem:v18+s7+$0x0] =	vst.idx.msk $0xffff, v17  }
.Ltmp12:
0x409: {  	v18 =	vor.u32 s15, v16;
	s15 =	smov.u32 s18;
	v17 =	vld [tilespmem:s19+$0x3F80];
	(pc) =	sbr.rel @p1 .LBB2_11-.Ltmp12, $3  }
0x40a: {  	_ =	sdelay $0x1  }
0x40b: {  	s16 =	sadd.s32 $0x80, s16;
	s17 =	sadd.s32 $0x10, s17  }
0x40c: {  	s20 =	sand.u32 $0x1C00, s16;
	s18 =	sadd.s32 $0x100, s18;
	s19 =	sand.u32 $0x70, s17  }
0x40d: {  	_ =	sdelay $0x3  }
0x40e: {  	v19 =	vor.u32 s15, v0;
	s18 =	sor.u32 s19, s20;
	[tilespmem:v18+s7+$0x0] =	vst.idx.msk $0xffff, v17  }
0x40f: {  	v17 =	vld [tilespmem:s18+$0x2800];
	v18 =	vand.u32 v1, v19;
	_ =	sdelay $0x4  }
0x410: {  	[tilespmem:v18+s7+$0x0] =	vst.idx.msk $0xffff, v17  }
0x411: {  	v18 =	vor.u32 s15, v2;
	v17 =	vld [tilespmem:s18+$0x2880];
	_ =	sdelay $0x4  }
0x412: {  	[tilespmem:v18+s7+$0x0] =	vst.idx.msk $0xffff, v17  }
0x413: {  	v18 =	vor.u32 s15, v3;
	v17 =	vld [tilespmem:s18+$0x2900];
	_ =	sdelay $0x4  }
0x414: {  	[tilespmem:v18+s7+$0x0] =	vst.idx.msk $0xffff, v17  }
0x415: {  	v18 =	vor.u32 s15, v4;
	v17 =	vld [tilespmem:s18+$0x2980];
	_ =	sdelay $0x4  }
0x416: {  	[tilespmem:v18+s7+$0x0] =	vst.idx.msk $0xffff, v17  }
0x417: {  	v18 =	vor.u32 s15, v5;
	v17 =	vld [tilespmem:s18+$0x2A00];
	_ =	sdelay $0x4  }
0x418: {  	[tilespmem:v18+s7+$0x0] =	vst.idx.msk $0xffff, v17  }
0x419: {  	v18 =	vor.u32 s15, v6;
	v17 =	vld [tilespmem:s18+$0x2A80];
	_ =	sdelay $0x4  }
0x41a: {  	[tilespmem:v18+s7+$0x0] =	vst.idx.msk $0xffff, v17  }
0x41b: {  	v18 =	vor.u32 s15, v7;
	v17 =	vld [tilespmem:s18+$0x2B00];
	_ =	sdelay $0x3  }
0x41c: {  	s16 =	sor.u32 s16, s17  }
0x41d: {  	s16 =	sor.u32 $0x380, s16;
	[tilespmem:v18+s7+$0x0] =	vst.idx.msk $0xffff, v17  }
0x41e: {  	v18 =	vor.u32 s15, v8;
	v17 =	vld [tilespmem:s16+$0x2800];
	_ =	sdelay $0x4  }
0x41f: {  	[tilespmem:v18+s7+$0x0] =	vst.idx.msk $0xffff, v17  }
0x420: {  	v18 =	vor.u32 s15, v9;
	v17 =	vld [tilespmem:s18+$0x3C00];
	_ =	sdelay $0x4  }
0x421: {  	[tilespmem:v18+s7+$0x0] =	vst.idx.msk $0xffff, v17  }
0x422: {  	v18 =	vor.u32 s15, v10;
	v17 =	vld [tilespmem:s18+$0x3C80];
	_ =	sdelay $0x4  }
0x423: {  	[tilespmem:v18+s7+$0x0] =	vst.idx.msk $0xffff, v17  }
0x424: {  	v18 =	vor.u32 s15, v11;
	v17 =	vld [tilespmem:s18+$0x3D00];
	_ =	sdelay $0x4  }
0x425: {  	[tilespmem:v18+s7+$0x0] =	vst.idx.msk $0xffff, v17  }
0x426: {  	v18 =	vor.u32 s15, v12;
	v17 =	vld [tilespmem:s18+$0x3D80];
	_ =	sdelay $0x4  }
0x427: {  	[tilespmem:v18+s7+$0x0] =	vst.idx.msk $0xffff, v17  }
0x428: {  	v18 =	vor.u32 s15, v13;
	v17 =	vld [tilespmem:s18+$0x3E00];
	_ =	sdelay $0x4  }
0x429: {  	[tilespmem:v18+s7+$0x0] =	vst.idx.msk $0xffff, v17  }
0x42a: {  	v18 =	vor.u32 s15, v14;
	v17 =	vld [tilespmem:s18+$0x3E80];
	_ =	sdelay $0x4  }
0x42b: {  	[tilespmem:v18+s7+$0x0] =	vst.idx.msk $0xffff, v17  }
0x42c: {  	v18 =	vor.u32 s15, v15;
	v17 =	vld [tilespmem:s18+$0x3F00];
	_ =	sdelay $0x4  }
0x42d: {  	[tilespmem:v18+s7+$0x0] =	vst.idx.msk $0xffff, v17  }
0x42e: {  	v18 =	vor.u32 s15, v16;
	v17 =	vld [tilespmem:s18+$0x3F80];
	_ =	sdelay $0x4  }
0x42f: {  	s20 =	rddreg [dreg:$0xa];
	s18 =	simm.s32 $0x0;
	[tilespmem:v18+s7+$0x0] =	vst.idx.msk $0xffff, v17  }
0x430: {  	[hbm4b:s20+s18] =	stream.linear.scatter [tilespmem:s7], [sflag:$0x5], $0x2800, $0x38;
	[tilespmem:$0xF000] =	vst v63  }
0x431: {  	_ =	swait.ge [sflag:s8], $0x2800  }
0x432: {  	[sflag:s8] =	ssyncset.done $0x0  }
0x433: {  	s16 =	rddreg [dreg:$0x14];
	[sflag:s8] =	ssyncadd.s32 $0xFFFFD800  }
0x434: {  	[tilespmem:s2], [sflag:$0x2] =	stream.strided.gather [hbm4b:s16+s0], $0x2800, s13, s0, $0x38;
	[tilespmem:$0xF000] =	vst v63  }
0x435: {  	_ =	swait.ge [sflag:s12], $0x2800  }
0x436: {  	s17 =	sand.u32 $0x70, s18;
	s19 =	sand.u32 $0x1C00, s18;
	[sflag:s12] =	ssyncset.done $0x0  }
0x437: {  	s19 =	sor.u32 s17, s19;
	v17 =	vor.u32 s18, v0;
	[sflag:s12] =	ssyncadd.s32 $0xFFFFD800  }
0x438: {  	v17 =	vand.u32 v1, v17;
	v18 =	vld [tilespmem:s19+$0x5000];
	_ =	sdelay $0x4  }
0x439: {  	[tilespmem:v17+s9+$0x0] =	vst.idx.msk $0xffff, v18  }
0x43a: {  	v18 =	vor.u32 s18, v2;
	v17 =	vld [tilespmem:s19+$0x5080];
	_ =	sdelay $0x4  }
0x43b: {  	[tilespmem:v18+s9+$0x0] =	vst.idx.msk $0xffff, v17  }
0x43c: {  	v18 =	vor.u32 s18, v3;
	v17 =	vld [tilespmem:s19+$0x5100];
	_ =	sdelay $0x4  }
0x43d: {  	[tilespmem:v18+s9+$0x0] =	vst.idx.msk $0xffff, v17  }
0x43e: {  	v18 =	vor.u32 s18, v4;
	v17 =	vld [tilespmem:s19+$0x5180];
	_ =	sdelay $0x4  }
0x43f: {  	[tilespmem:v18+s9+$0x0] =	vst.idx.msk $0xffff, v17  }
0x440: {  	v18 =	vor.u32 s18, v5;
	v17 =	vld [tilespmem:s19+$0x5200];
	_ =	sdelay $0x4  }
0x441: {  	[tilespmem:v18+s9+$0x0] =	vst.idx.msk $0xffff, v17  }
0x442: {  	v18 =	vor.u32 s18, v6;
	v17 =	vld [tilespmem:s19+$0x5280];
	_ =	sdelay $0x4  }
0x443: {  	[tilespmem:v18+s9+$0x0] =	vst.idx.msk $0xffff, v17  }
0x444: {  	v18 =	vor.u32 s18, v7;
	v17 =	vld [tilespmem:s19+$0x5300];
	_ =	sdelay $0x3  }
0x445: {  	s20 =	sor.u32 s18, s18  }
0x446: {  	s15 =	sor.u32 $0x380, s20;
	[tilespmem:v18+s9+$0x0] =	vst.idx.msk $0xffff, v17  }
0x447: {  	v18 =	vor.u32 s18, v8;
	v17 =	vld [tilespmem:s15+$0x5000];
	_ =	sdelay $0x4  }
0x448: {  	[tilespmem:v18+s9+$0x0] =	vst.idx.msk $0xffff, v17  }
0x449: {  	v18 =	vor.u32 s18, v9;
	v17 =	vld [tilespmem:s19+$0x6400];
	_ =	sdelay $0x4  }
0x44a: {  	[tilespmem:v18+s9+$0x0] =	vst.idx.msk $0xffff, v17  }
0x44b: {  	v18 =	vor.u32 s18, v10;
	v17 =	vld [tilespmem:s19+$0x6480];
	_ =	sdelay $0x4  }
0x44c: {  	[tilespmem:v18+s9+$0x0] =	vst.idx.msk $0xffff, v17  }
0x44d: {  	v18 =	vor.u32 s18, v11;
	v17 =	vld [tilespmem:s19+$0x6500];
	_ =	sdelay $0x4  }
0x44e: {  	[tilespmem:v18+s9+$0x0] =	vst.idx.msk $0xffff, v17  }
0x44f: {  	v18 =	vor.u32 s18, v12;
	v17 =	vld [tilespmem:s19+$0x6580];
	_ =	sdelay $0x4  }
0x450: {  	[tilespmem:v18+s9+$0x0] =	vst.idx.msk $0xffff, v17  }
0x451: {  	v18 =	vor.u32 s18, v13;
	v17 =	vld [tilespmem:s19+$0x6600];
	_ =	sdelay $0x4  }
0x452: {  	[tilespmem:v18+s9+$0x0] =	vst.idx.msk $0xffff, v17  }
0x453: {  	v18 =	vor.u32 s18, v14;
	v17 =	vld [tilespmem:s19+$0x6680];
	_ =	sdelay $0x4  }
0x454: {  	[tilespmem:v18+s9+$0x0] =	vst.idx.msk $0xffff, v17  }
0x455: {  	v18 =	vor.u32 s18, v15;
	v17 =	vld [tilespmem:s19+$0x6700];
	_ =	sdelay $0x4  }
0x456: {  	[tilespmem:v18+s9+$0x0] =	vst.idx.msk $0xffff, v17  }
0x457: {  	v18 =	vor.u32 s18, v16;
	v17 =	vld [tilespmem:s19+$0x6780];
	_ =	sdelay $0x1  }
0x458: {  	s16 =	simm.s32 $0x80  }
0x459: {  	s17 =	simm.s32 $0x10;
	s20 =	sand.u32 $0x1C00, s16  }
0x45a: {  	s15 =	simm.s32 $0x100;
	s18 =	simm.s32 $0x200;
	s19 =	sand.u32 $0x70, s17  }
.LBB2_13:
0x45b: {  	p1 =	sne.s32 s18, $0x2700;
	v19 =	vor.u32 s15, v0;
	s19 =	sor.u32 s19, s20;
	[tilespmem:v18+s9+$0x0] =	vst.idx.msk $0xffff, v17  }
0x45c: {  	v17 =	vld [tilespmem:s19+$0x5000];
	v18 =	vand.u32 v1, v19;
	_ =	sdelay $0x4  }
0x45d: {  	[tilespmem:v18+s9+$0x0] =	vst.idx.msk $0xffff, v17  }
0x45e: {  	v18 =	vor.u32 s15, v2;
	v17 =	vld [tilespmem:s19+$0x5080];
	_ =	sdelay $0x4  }
0x45f: {  	[tilespmem:v18+s9+$0x0] =	vst.idx.msk $0xffff, v17  }
0x460: {  	v18 =	vor.u32 s15, v3;
	v17 =	vld [tilespmem:s19+$0x5100];
	_ =	sdelay $0x4  }
0x461: {  	[tilespmem:v18+s9+$0x0] =	vst.idx.msk $0xffff, v17  }
0x462: {  	v18 =	vor.u32 s15, v4;
	v17 =	vld [tilespmem:s19+$0x5180];
	_ =	sdelay $0x4  }
0x463: {  	[tilespmem:v18+s9+$0x0] =	vst.idx.msk $0xffff, v17  }
0x464: {  	v18 =	vor.u32 s15, v5;
	v17 =	vld [tilespmem:s19+$0x5200];
	_ =	sdelay $0x4  }
0x465: {  	[tilespmem:v18+s9+$0x0] =	vst.idx.msk $0xffff, v17  }
0x466: {  	v18 =	vor.u32 s15, v6;
	v17 =	vld [tilespmem:s19+$0x5280];
	_ =	sdelay $0x4  }
0x467: {  	[tilespmem:v18+s9+$0x0] =	vst.idx.msk $0xffff, v17  }
0x468: {  	v18 =	vor.u32 s15, v7;
	v17 =	vld [tilespmem:s19+$0x5300];
	_ =	sdelay $0x3  }
0x469: {  	s20 =	sor.u32 s16, s17  }
0x46a: {  	s20 =	sor.u32 $0x380, s20;
	[tilespmem:v18+s9+$0x0] =	vst.idx.msk $0xffff, v17  }
0x46b: {  	v18 =	vor.u32 s15, v8;
	v17 =	vld [tilespmem:s20+$0x5000];
	_ =	sdelay $0x4  }
0x46c: {  	[tilespmem:v18+s9+$0x0] =	vst.idx.msk $0xffff, v17  }
0x46d: {  	v18 =	vor.u32 s15, v9;
	v17 =	vld [tilespmem:s19+$0x6400];
	_ =	sdelay $0x4  }
0x46e: {  	[tilespmem:v18+s9+$0x0] =	vst.idx.msk $0xffff, v17  }
0x46f: {  	v18 =	vor.u32 s15, v10;
	v17 =	vld [tilespmem:s19+$0x6480];
	_ =	sdelay $0x4  }
0x470: {  	[tilespmem:v18+s9+$0x0] =	vst.idx.msk $0xffff, v17  }
0x471: {  	v18 =	vor.u32 s15, v11;
	v17 =	vld [tilespmem:s19+$0x6500];
	_ =	sdelay $0x4  }
0x472: {  	[tilespmem:v18+s9+$0x0] =	vst.idx.msk $0xffff, v17  }
0x473: {  	v18 =	vor.u32 s15, v12;
	v17 =	vld [tilespmem:s19+$0x6580];
	_ =	sdelay $0x4  }
0x474: {  	[tilespmem:v18+s9+$0x0] =	vst.idx.msk $0xffff, v17  }
0x475: {  	v18 =	vor.u32 s15, v13;
	v17 =	vld [tilespmem:s19+$0x6600];
	_ =	sdelay $0x4  }
0x476: {  	[tilespmem:v18+s9+$0x0] =	vst.idx.msk $0xffff, v17  }
0x477: {  	v18 =	vor.u32 s15, v14;
	v17 =	vld [tilespmem:s19+$0x6680];
	_ =	sdelay $0x4  }
0x478: {  	[tilespmem:v18+s9+$0x0] =	vst.idx.msk $0xffff, v17  }
0x479: {  	v18 =	vor.u32 s15, v15;
	v17 =	vld [tilespmem:s19+$0x6700];
	_ =	sdelay $0x4  }
0x47a: {  	[tilespmem:v18+s9+$0x0] =	vst.idx.msk $0xffff, v17  }
.Ltmp13:
0x47b: {  	v18 =	vor.u32 s15, v16;
	s15 =	smov.u32 s18;
	v17 =	vld [tilespmem:s19+$0x6780];
	(pc) =	sbr.rel @p1 .LBB2_13-.Ltmp13, $3  }
0x47c: {  	_ =	sdelay $0x1  }
0x47d: {  	s16 =	sadd.s32 $0x80, s16;
	s17 =	sadd.s32 $0x10, s17  }
0x47e: {  	s20 =	sand.u32 $0x1C00, s16;
	s18 =	sadd.s32 $0x100, s18;
	s19 =	sand.u32 $0x70, s17  }
0x47f: {  	_ =	sdelay $0x3  }
0x480: {  	v19 =	vor.u32 s15, v0;
	s18 =	sor.u32 s19, s20;
	[tilespmem:v18+s9+$0x0] =	vst.idx.msk $0xffff, v17  }
0x481: {  	v17 =	vld [tilespmem:s18+$0x5000];
	v18 =	vand.u32 v1, v19;
	_ =	sdelay $0x4  }
0x482: {  	[tilespmem:v18+s9+$0x0] =	vst.idx.msk $0xffff, v17  }
0x483: {  	v18 =	vor.u32 s15, v2;
	v17 =	vld [tilespmem:s18+$0x5080];
	_ =	sdelay $0x4  }
0x484: {  	[tilespmem:v18+s9+$0x0] =	vst.idx.msk $0xffff, v17  }
0x485: {  	v18 =	vor.u32 s15, v3;
	v17 =	vld [tilespmem:s18+$0x5100];
	_ =	sdelay $0x4  }
0x486: {  	[tilespmem:v18+s9+$0x0] =	vst.idx.msk $0xffff, v17  }
0x487: {  	v18 =	vor.u32 s15, v4;
	v17 =	vld [tilespmem:s18+$0x5180];
	_ =	sdelay $0x4  }
0x488: {  	[tilespmem:v18+s9+$0x0] =	vst.idx.msk $0xffff, v17  }
0x489: {  	v18 =	vor.u32 s15, v5;
	v17 =	vld [tilespmem:s18+$0x5200];
	_ =	sdelay $0x4  }
0x48a: {  	[tilespmem:v18+s9+$0x0] =	vst.idx.msk $0xffff, v17  }
0x48b: {  	v18 =	vor.u32 s15, v6;
	v17 =	vld [tilespmem:s18+$0x5280];
	_ =	sdelay $0x4  }
0x48c: {  	[tilespmem:v18+s9+$0x0] =	vst.idx.msk $0xffff, v17  }
0x48d: {  	v18 =	vor.u32 s15, v7;
	v17 =	vld [tilespmem:s18+$0x5300];
	_ =	sdelay $0x3  }
0x48e: {  	s16 =	sor.u32 s16, s17  }
0x48f: {  	s16 =	sor.u32 $0x380, s16;
	[tilespmem:v18+s9+$0x0] =	vst.idx.msk $0xffff, v17  }
0x490: {  	v18 =	vor.u32 s15, v8;
	v17 =	vld [tilespmem:s16+$0x5000];
	_ =	sdelay $0x4  }
0x491: {  	[tilespmem:v18+s9+$0x0] =	vst.idx.msk $0xffff, v17  }
0x492: {  	v18 =	vor.u32 s15, v9;
	v17 =	vld [tilespmem:s18+$0x6400];
	_ =	sdelay $0x4  }
0x493: {  	[tilespmem:v18+s9+$0x0] =	vst.idx.msk $0xffff, v17  }
0x494: {  	v18 =	vor.u32 s15, v10;
	v17 =	vld [tilespmem:s18+$0x6480];
	_ =	sdelay $0x4  }
0x495: {  	[tilespmem:v18+s9+$0x0] =	vst.idx.msk $0xffff, v17  }
0x496: {  	v18 =	vor.u32 s15, v11;
	v17 =	vld [tilespmem:s18+$0x6500];
	_ =	sdelay $0x4  }
0x497: {  	[tilespmem:v18+s9+$0x0] =	vst.idx.msk $0xffff, v17  }
0x498: {  	v18 =	vor.u32 s15, v12;
	v17 =	vld [tilespmem:s18+$0x6580];
	_ =	sdelay $0x4  }
0x499: {  	[tilespmem:v18+s9+$0x0] =	vst.idx.msk $0xffff, v17  }
0x49a: {  	v18 =	vor.u32 s15, v13;
	v17 =	vld [tilespmem:s18+$0x6600];
	_ =	sdelay $0x4  }
0x49b: {  	[tilespmem:v18+s9+$0x0] =	vst.idx.msk $0xffff, v17  }
0x49c: {  	v18 =	vor.u32 s15, v14;
	v17 =	vld [tilespmem:s18+$0x6680];
	_ =	sdelay $0x4  }
0x49d: {  	[tilespmem:v18+s9+$0x0] =	vst.idx.msk $0xffff, v17  }
0x49e: {  	v18 =	vor.u32 s15, v15;
	v17 =	vld [tilespmem:s18+$0x6700];
	_ =	sdelay $0x4  }
0x49f: {  	[tilespmem:v18+s9+$0x0] =	vst.idx.msk $0xffff, v17  }
0x4a0: {  	v18 =	vor.u32 s15, v16;
	v17 =	vld [tilespmem:s18+$0x6780];
	_ =	sdelay $0x4  }
0x4a1: {  	s20 =	rddreg [dreg:$0xb];
	s18 =	simm.s32 $0x0;
	[tilespmem:v18+s9+$0x0] =	vst.idx.msk $0xffff, v17  }
0x4a2: {  	[hbm4b:s20+s18] =	stream.linear.scatter [tilespmem:s9], [sflag:$0x6], $0x2800, $0x38;
	[tilespmem:$0xF000] =	vst v63  }
0x4a3: {  	_ =	swait.ge [sflag:s3], $0x2800  }
0x4a4: {  	[sflag:s3] =	ssyncset.done $0x0  }
0x4a5: {  	s16 =	rddreg [dreg:$0x15];
	[sflag:s3] =	ssyncadd.s32 $0xFFFFD800  }
0x4a6: {  	[tilespmem:s4], [sflag:$0x3] =	stream.strided.gather [hbm4b:s16+s0], $0x2800, s13, s0, $0x38;
	[tilespmem:$0xF000] =	vst v63  }
0x4a7: {  	_ =	swait.ge [sflag:s10], $0x2800  }
0x4a8: {  	s17 =	sand.u32 $0x70, s18;
	s19 =	sand.u32 $0x1C00, s18;
	[sflag:s10] =	ssyncset.done $0x0  }
0x4a9: {  	s19 =	sor.u32 s17, s19;
	v17 =	vor.u32 s18, v0;
	[sflag:s10] =	ssyncadd.s32 $0xFFFFD800  }
0x4aa: {  	v17 =	vand.u32 v1, v17;
	v18 =	vld [tilespmem:s19+$0x0];
	_ =	sdelay $0x4  }
0x4ab: {  	[tilespmem:v17+s5+$0x0] =	vst.idx.msk $0xffff, v18  }
0x4ac: {  	v18 =	vor.u32 s18, v2;
	v17 =	vld [tilespmem:s19+$0x80];
	_ =	sdelay $0x4  }
0x4ad: {  	[tilespmem:v18+s5+$0x0] =	vst.idx.msk $0xffff, v17  }
0x4ae: {  	v18 =	vor.u32 s18, v3;
	v17 =	vld [tilespmem:s19+$0x100];
	_ =	sdelay $0x4  }
0x4af: {  	[tilespmem:v18+s5+$0x0] =	vst.idx.msk $0xffff, v17  }
0x4b0: {  	v18 =	vor.u32 s18, v4;
	v17 =	vld [tilespmem:s19+$0x180];
	_ =	sdelay $0x4  }
0x4b1: {  	[tilespmem:v18+s5+$0x0] =	vst.idx.msk $0xffff, v17  }
0x4b2: {  	v18 =	vor.u32 s18, v5;
	v17 =	vld [tilespmem:s19+$0x200];
	_ =	sdelay $0x4  }
0x4b3: {  	[tilespmem:v18+s5+$0x0] =	vst.idx.msk $0xffff, v17  }
0x4b4: {  	v18 =	vor.u32 s18, v6;
	v17 =	vld [tilespmem:s19+$0x280];
	_ =	sdelay $0x4  }
0x4b5: {  	[tilespmem:v18+s5+$0x0] =	vst.idx.msk $0xffff, v17  }
0x4b6: {  	v18 =	vor.u32 s18, v7;
	v17 =	vld [tilespmem:s19+$0x300];
	_ =	sdelay $0x3  }
0x4b7: {  	s20 =	sor.u32 s18, s18  }
0x4b8: {  	s15 =	sor.u32 $0x380, s20;
	[tilespmem:v18+s5+$0x0] =	vst.idx.msk $0xffff, v17  }
0x4b9: {  	v18 =	vor.u32 s18, v8;
	v17 =	vld [tilespmem:s15+$0x0];
	_ =	sdelay $0x4  }
0x4ba: {  	[tilespmem:v18+s5+$0x0] =	vst.idx.msk $0xffff, v17  }
0x4bb: {  	v18 =	vor.u32 s18, v9;
	v17 =	vld [tilespmem:s19+$0x1400];
	_ =	sdelay $0x4  }
0x4bc: {  	[tilespmem:v18+s5+$0x0] =	vst.idx.msk $0xffff, v17  }
0x4bd: {  	v18 =	vor.u32 s18, v10;
	v17 =	vld [tilespmem:s19+$0x1480];
	_ =	sdelay $0x4  }
0x4be: {  	[tilespmem:v18+s5+$0x0] =	vst.idx.msk $0xffff, v17  }
0x4bf: {  	v18 =	vor.u32 s18, v11;
	v17 =	vld [tilespmem:s19+$0x1500];
	_ =	sdelay $0x4  }
0x4c0: {  	[tilespmem:v18+s5+$0x0] =	vst.idx.msk $0xffff, v17  }
0x4c1: {  	v18 =	vor.u32 s18, v12;
	v17 =	vld [tilespmem:s19+$0x1580];
	_ =	sdelay $0x4  }
0x4c2: {  	[tilespmem:v18+s5+$0x0] =	vst.idx.msk $0xffff, v17  }
0x4c3: {  	v18 =	vor.u32 s18, v13;
	v17 =	vld [tilespmem:s19+$0x1600];
	_ =	sdelay $0x4  }
0x4c4: {  	[tilespmem:v18+s5+$0x0] =	vst.idx.msk $0xffff, v17  }
0x4c5: {  	v18 =	vor.u32 s18, v14;
	v17 =	vld [tilespmem:s19+$0x1680];
	_ =	sdelay $0x4  }
0x4c6: {  	[tilespmem:v18+s5+$0x0] =	vst.idx.msk $0xffff, v17  }
0x4c7: {  	v18 =	vor.u32 s18, v15;
	v17 =	vld [tilespmem:s19+$0x1700];
	_ =	sdelay $0x4  }
0x4c8: {  	[tilespmem:v18+s5+$0x0] =	vst.idx.msk $0xffff, v17  }
0x4c9: {  	v18 =	vor.u32 s18, v16;
	v17 =	vld [tilespmem:s19+$0x1780];
	_ =	sdelay $0x1  }
0x4ca: {  	s16 =	simm.s32 $0x80  }
0x4cb: {  	s17 =	simm.s32 $0x10;
	s20 =	sand.u32 $0x1C00, s16  }
0x4cc: {  	s15 =	simm.s32 $0x100;
	s18 =	simm.s32 $0x200;
	s19 =	sand.u32 $0x70, s17  }
.LBB2_15:
0x4cd: {  	p1 =	sne.s32 s18, $0x2700;
	v19 =	vor.u32 s15, v0;
	s19 =	sor.u32 s19, s20;
	[tilespmem:v18+s5+$0x0] =	vst.idx.msk $0xffff, v17  }
0x4ce: {  	v17 =	vld [tilespmem:s19+$0x0];
	v18 =	vand.u32 v1, v19;
	_ =	sdelay $0x4  }
0x4cf: {  	[tilespmem:v18+s5+$0x0] =	vst.idx.msk $0xffff, v17  }
0x4d0: {  	v18 =	vor.u32 s15, v2;
	v17 =	vld [tilespmem:s19+$0x80];
	_ =	sdelay $0x4  }
0x4d1: {  	[tilespmem:v18+s5+$0x0] =	vst.idx.msk $0xffff, v17  }
0x4d2: {  	v18 =	vor.u32 s15, v3;
	v17 =	vld [tilespmem:s19+$0x100];
	_ =	sdelay $0x4  }
0x4d3: {  	[tilespmem:v18+s5+$0x0] =	vst.idx.msk $0xffff, v17  }
0x4d4: {  	v18 =	vor.u32 s15, v4;
	v17 =	vld [tilespmem:s19+$0x180];
	_ =	sdelay $0x4  }
0x4d5: {  	[tilespmem:v18+s5+$0x0] =	vst.idx.msk $0xffff, v17  }
0x4d6: {  	v18 =	vor.u32 s15, v5;
	v17 =	vld [tilespmem:s19+$0x200];
	_ =	sdelay $0x4  }
0x4d7: {  	[tilespmem:v18+s5+$0x0] =	vst.idx.msk $0xffff, v17  }
0x4d8: {  	v18 =	vor.u32 s15, v6;
	v17 =	vld [tilespmem:s19+$0x280];
	_ =	sdelay $0x4  }
0x4d9: {  	[tilespmem:v18+s5+$0x0] =	vst.idx.msk $0xffff, v17  }
0x4da: {  	v18 =	vor.u32 s15, v7;
	v17 =	vld [tilespmem:s19+$0x300];
	_ =	sdelay $0x3  }
0x4db: {  	s20 =	sor.u32 s16, s17  }
0x4dc: {  	s20 =	sor.u32 $0x380, s20;
	[tilespmem:v18+s5+$0x0] =	vst.idx.msk $0xffff, v17  }
0x4dd: {  	v18 =	vor.u32 s15, v8;
	v17 =	vld [tilespmem:s20+$0x0];
	_ =	sdelay $0x4  }
0x4de: {  	[tilespmem:v18+s5+$0x0] =	vst.idx.msk $0xffff, v17  }
0x4df: {  	v18 =	vor.u32 s15, v9;
	v17 =	vld [tilespmem:s19+$0x1400];
	_ =	sdelay $0x4  }
0x4e0: {  	[tilespmem:v18+s5+$0x0] =	vst.idx.msk $0xffff, v17  }
0x4e1: {  	v18 =	vor.u32 s15, v10;
	v17 =	vld [tilespmem:s19+$0x1480];
	_ =	sdelay $0x4  }
0x4e2: {  	[tilespmem:v18+s5+$0x0] =	vst.idx.msk $0xffff, v17  }
0x4e3: {  	v18 =	vor.u32 s15, v11;
	v17 =	vld [tilespmem:s19+$0x1500];
	_ =	sdelay $0x4  }
0x4e4: {  	[tilespmem:v18+s5+$0x0] =	vst.idx.msk $0xffff, v17  }
0x4e5: {  	v18 =	vor.u32 s15, v12;
	v17 =	vld [tilespmem:s19+$0x1580];
	_ =	sdelay $0x4  }
0x4e6: {  	[tilespmem:v18+s5+$0x0] =	vst.idx.msk $0xffff, v17  }
0x4e7: {  	v18 =	vor.u32 s15, v13;
	v17 =	vld [tilespmem:s19+$0x1600];
	_ =	sdelay $0x4  }
0x4e8: {  	[tilespmem:v18+s5+$0x0] =	vst.idx.msk $0xffff, v17  }
0x4e9: {  	v18 =	vor.u32 s15, v14;
	v17 =	vld [tilespmem:s19+$0x1680];
	_ =	sdelay $0x4  }
0x4ea: {  	[tilespmem:v18+s5+$0x0] =	vst.idx.msk $0xffff, v17  }
0x4eb: {  	v18 =	vor.u32 s15, v15;
	v17 =	vld [tilespmem:s19+$0x1700];
	_ =	sdelay $0x4  }
0x4ec: {  	[tilespmem:v18+s5+$0x0] =	vst.idx.msk $0xffff, v17  }
.Ltmp14:
0x4ed: {  	v18 =	vor.u32 s15, v16;
	s15 =	smov.u32 s18;
	v17 =	vld [tilespmem:s19+$0x1780];
	(pc) =	sbr.rel @p1 .LBB2_15-.Ltmp14, $3  }
0x4ee: {  	_ =	sdelay $0x1  }
0x4ef: {  	s16 =	sadd.s32 $0x80, s16;
	s17 =	sadd.s32 $0x10, s17  }
0x4f0: {  	s20 =	sand.u32 $0x1C00, s16;
	s18 =	sadd.s32 $0x100, s18;
	s19 =	sand.u32 $0x70, s17  }
0x4f1: {  	_ =	sdelay $0x3  }
0x4f2: {  	v19 =	vor.u32 s15, v0;
	s18 =	sor.u32 s19, s20;
	[tilespmem:v18+s5+$0x0] =	vst.idx.msk $0xffff, v17  }
0x4f3: {  	v17 =	vld [tilespmem:s18+$0x0];
	v18 =	vand.u32 v1, v19;
	_ =	sdelay $0x4  }
0x4f4: {  	[tilespmem:v18+s5+$0x0] =	vst.idx.msk $0xffff, v17  }
0x4f5: {  	v18 =	vor.u32 s15, v2;
	v17 =	vld [tilespmem:s18+$0x80];
	_ =	sdelay $0x4  }
0x4f6: {  	[tilespmem:v18+s5+$0x0] =	vst.idx.msk $0xffff, v17  }
0x4f7: {  	v18 =	vor.u32 s15, v3;
	v17 =	vld [tilespmem:s18+$0x100];
	_ =	sdelay $0x4  }
0x4f8: {  	[tilespmem:v18+s5+$0x0] =	vst.idx.msk $0xffff, v17  }
0x4f9: {  	v18 =	vor.u32 s15, v4;
	v17 =	vld [tilespmem:s18+$0x180];
	_ =	sdelay $0x4  }
0x4fa: {  	[tilespmem:v18+s5+$0x0] =	vst.idx.msk $0xffff, v17  }
0x4fb: {  	v18 =	vor.u32 s15, v5;
	v17 =	vld [tilespmem:s18+$0x200];
	_ =	sdelay $0x4  }
0x4fc: {  	[tilespmem:v18+s5+$0x0] =	vst.idx.msk $0xffff, v17  }
0x4fd: {  	v18 =	vor.u32 s15, v6;
	v17 =	vld [tilespmem:s18+$0x280];
	_ =	sdelay $0x4  }
0x4fe: {  	[tilespmem:v18+s5+$0x0] =	vst.idx.msk $0xffff, v17  }
0x4ff: {  	v18 =	vor.u32 s15, v7;
	v17 =	vld [tilespmem:s18+$0x300];
	_ =	sdelay $0x3  }
0x500: {  	s16 =	sor.u32 s16, s17  }
0x501: {  	s16 =	sor.u32 $0x380, s16;
	[tilespmem:v18+s5+$0x0] =	vst.idx.msk $0xffff, v17  }
0x502: {  	v18 =	vor.u32 s15, v8;
	v17 =	vld [tilespmem:s16+$0x0];
	_ =	sdelay $0x4  }
0x503: {  	[tilespmem:v18+s5+$0x0] =	vst.idx.msk $0xffff, v17  }
0x504: {  	v18 =	vor.u32 s15, v9;
	v17 =	vld [tilespmem:s18+$0x1400];
	_ =	sdelay $0x4  }
0x505: {  	[tilespmem:v18+s5+$0x0] =	vst.idx.msk $0xffff, v17  }
0x506: {  	v18 =	vor.u32 s15, v10;
	v17 =	vld [tilespmem:s18+$0x1480];
	_ =	sdelay $0x4  }
0x507: {  	[tilespmem:v18+s5+$0x0] =	vst.idx.msk $0xffff, v17  }
0x508: {  	v18 =	vor.u32 s15, v11;
	v17 =	vld [tilespmem:s18+$0x1500];
	_ =	sdelay $0x4  }
0x509: {  	[tilespmem:v18+s5+$0x0] =	vst.idx.msk $0xffff, v17  }
0x50a: {  	v18 =	vor.u32 s15, v12;
	v17 =	vld [tilespmem:s18+$0x1580];
	_ =	sdelay $0x4  }
0x50b: {  	[tilespmem:v18+s5+$0x0] =	vst.idx.msk $0xffff, v17  }
0x50c: {  	v18 =	vor.u32 s15, v13;
	v17 =	vld [tilespmem:s18+$0x1600];
	_ =	sdelay $0x4  }
0x50d: {  	[tilespmem:v18+s5+$0x0] =	vst.idx.msk $0xffff, v17  }
0x50e: {  	v18 =	vor.u32 s15, v14;
	v17 =	vld [tilespmem:s18+$0x1680];
	_ =	sdelay $0x4  }
0x50f: {  	[tilespmem:v18+s5+$0x0] =	vst.idx.msk $0xffff, v17  }
0x510: {  	v18 =	vor.u32 s15, v15;
	v17 =	vld [tilespmem:s18+$0x1700];
	_ =	sdelay $0x4  }
0x511: {  	[tilespmem:v18+s5+$0x0] =	vst.idx.msk $0xffff, v17  }
0x512: {  	v18 =	vor.u32 s15, v16;
	v17 =	vld [tilespmem:s18+$0x1780];
	_ =	sdelay $0x4  }
0x513: {  	s16 =	rddreg [dreg:$0xc];
	s18 =	simm.s32 $0x0;
	[tilespmem:v18+s5+$0x0] =	vst.idx.msk $0xffff, v17  }
0x514: {  	[hbm4b:s16+s18] =	stream.linear.scatter [tilespmem:s5], [sflag:$0x4], $0x2800, $0x38;
	[tilespmem:$0xF000] =	vst v63  }
0x515: {  	_ =	swait.ge [sflag:s6], $0x2800  }
0x516: {  	[sflag:s6] =	ssyncset.done $0x0  }
0x517: {  	[sflag:s6] =	ssyncadd.s32 $0xFFFFD800  }
0x518: {  	[tilespmem:s18], [sflag:$0x1] =	stream.strided.gather [hbm4b:s22+s0], $0x2800, s13, s0, $0x38;
	[tilespmem:$0xF000] =	vst v63  }
0x519: {  	_ =	swait.ge [sflag:s11], $0x2800  }
0x51a: {  	s17 =	sand.u32 $0x70, s18;
	s19 =	sand.u32 $0x1C00, s18;
	[sflag:s11] =	ssyncset.done $0x0  }
0x51b: {  	s19 =	sor.u32 s17, s19;
	v17 =	vor.u32 s18, v0;
	[sflag:s11] =	ssyncadd.s32 $0xFFFFD800  }
0x51c: {  	v17 =	vand.u32 v1, v17;
	v18 =	vld [tilespmem:s19+$0x2800];
	_ =	sdelay $0x4  }
0x51d: {  	[tilespmem:v17+s7+$0x0] =	vst.idx.msk $0xffff, v18  }
0x51e: {  	v18 =	vor.u32 s18, v2;
	v17 =	vld [tilespmem:s19+$0x2880];
	_ =	sdelay $0x4  }
0x51f: {  	[tilespmem:v18+s7+$0x0] =	vst.idx.msk $0xffff, v17  }
0x520: {  	v18 =	vor.u32 s18, v3;
	v17 =	vld [tilespmem:s19+$0x2900];
	_ =	sdelay $0x4  }
0x521: {  	[tilespmem:v18+s7+$0x0] =	vst.idx.msk $0xffff, v17  }
0x522: {  	v18 =	vor.u32 s18, v4;
	v17 =	vld [tilespmem:s19+$0x2980];
	_ =	sdelay $0x4  }
0x523: {  	[tilespmem:v18+s7+$0x0] =	vst.idx.msk $0xffff, v17  }
0x524: {  	v18 =	vor.u32 s18, v5;
	v17 =	vld [tilespmem:s19+$0x2A00];
	_ =	sdelay $0x4  }
0x525: {  	[tilespmem:v18+s7+$0x0] =	vst.idx.msk $0xffff, v17  }
0x526: {  	v18 =	vor.u32 s18, v6;
	v17 =	vld [tilespmem:s19+$0x2A80];
	_ =	sdelay $0x4  }
0x527: {  	[tilespmem:v18+s7+$0x0] =	vst.idx.msk $0xffff, v17  }
0x528: {  	v18 =	vor.u32 s18, v7;
	v17 =	vld [tilespmem:s19+$0x2B00];
	_ =	sdelay $0x3  }
0x529: {  	s20 =	sor.u32 s18, s18  }
0x52a: {  	s15 =	sor.u32 $0x380, s20;
	[tilespmem:v18+s7+$0x0] =	vst.idx.msk $0xffff, v17  }
0x52b: {  	v18 =	vor.u32 s18, v8;
	v17 =	vld [tilespmem:s15+$0x2800];
	_ =	sdelay $0x4  }
0x52c: {  	[tilespmem:v18+s7+$0x0] =	vst.idx.msk $0xffff, v17  }
0x52d: {  	v18 =	vor.u32 s18, v9;
	v17 =	vld [tilespmem:s19+$0x3C00];
	_ =	sdelay $0x4  }
0x52e: {  	[tilespmem:v18+s7+$0x0] =	vst.idx.msk $0xffff, v17  }
0x52f: {  	v18 =	vor.u32 s18, v10;
	v17 =	vld [tilespmem:s19+$0x3C80];
	_ =	sdelay $0x4  }
0x530: {  	[tilespmem:v18+s7+$0x0] =	vst.idx.msk $0xffff, v17  }
0x531: {  	v18 =	vor.u32 s18, v11;
	v17 =	vld [tilespmem:s19+$0x3D00];
	_ =	sdelay $0x4  }
0x532: {  	[tilespmem:v18+s7+$0x0] =	vst.idx.msk $0xffff, v17  }
0x533: {  	v18 =	vor.u32 s18, v12;
	v17 =	vld [tilespmem:s19+$0x3D80];
	_ =	sdelay $0x4  }
0x534: {  	[tilespmem:v18+s7+$0x0] =	vst.idx.msk $0xffff, v17  }
0x535: {  	v18 =	vor.u32 s18, v13;
	v17 =	vld [tilespmem:s19+$0x3E00];
	_ =	sdelay $0x4  }
0x536: {  	[tilespmem:v18+s7+$0x0] =	vst.idx.msk $0xffff, v17  }
0x537: {  	v18 =	vor.u32 s18, v14;
	v17 =	vld [tilespmem:s19+$0x3E80];
	_ =	sdelay $0x4  }
0x538: {  	[tilespmem:v18+s7+$0x0] =	vst.idx.msk $0xffff, v17  }
0x539: {  	v18 =	vor.u32 s18, v15;
	v17 =	vld [tilespmem:s19+$0x3F00];
	_ =	sdelay $0x4  }
0x53a: {  	[tilespmem:v18+s7+$0x0] =	vst.idx.msk $0xffff, v17  }
0x53b: {  	v18 =	vor.u32 s18, v16;
	v17 =	vld [tilespmem:s19+$0x3F80];
	_ =	sdelay $0x1  }
0x53c: {  	s16 =	simm.s32 $0x80  }
0x53d: {  	s17 =	simm.s32 $0x10;
	s20 =	sand.u32 $0x1C00, s16  }
0x53e: {  	s15 =	simm.s32 $0x100;
	s18 =	simm.s32 $0x200;
	s19 =	sand.u32 $0x70, s17  }
.LBB2_17:
0x53f: {  	p1 =	sne.s32 s18, $0x2700;
	v19 =	vor.u32 s15, v0;
	s19 =	sor.u32 s19, s20;
	[tilespmem:v18+s7+$0x0] =	vst.idx.msk $0xffff, v17  }
0x540: {  	v17 =	vld [tilespmem:s19+$0x2800];
	v18 =	vand.u32 v1, v19;
	_ =	sdelay $0x4  }
0x541: {  	[tilespmem:v18+s7+$0x0] =	vst.idx.msk $0xffff, v17  }
0x542: {  	v18 =	vor.u32 s15, v2;
	v17 =	vld [tilespmem:s19+$0x2880];
	_ =	sdelay $0x4  }
0x543: {  	[tilespmem:v18+s7+$0x0] =	vst.idx.msk $0xffff, v17  }
0x544: {  	v18 =	vor.u32 s15, v3;
	v17 =	vld [tilespmem:s19+$0x2900];
	_ =	sdelay $0x4  }
0x545: {  	[tilespmem:v18+s7+$0x0] =	vst.idx.msk $0xffff, v17  }
0x546: {  	v18 =	vor.u32 s15, v4;
	v17 =	vld [tilespmem:s19+$0x2980];
	_ =	sdelay $0x4  }
0x547: {  	[tilespmem:v18+s7+$0x0] =	vst.idx.msk $0xffff, v17  }
0x548: {  	v18 =	vor.u32 s15, v5;
	v17 =	vld [tilespmem:s19+$0x2A00];
	_ =	sdelay $0x4  }
0x549: {  	[tilespmem:v18+s7+$0x0] =	vst.idx.msk $0xffff, v17  }
0x54a: {  	v18 =	vor.u32 s15, v6;
	v17 =	vld [tilespmem:s19+$0x2A80];
	_ =	sdelay $0x4  }
0x54b: {  	[tilespmem:v18+s7+$0x0] =	vst.idx.msk $0xffff, v17  }
0x54c: {  	v18 =	vor.u32 s15, v7;
	v17 =	vld [tilespmem:s19+$0x2B00];
	_ =	sdelay $0x3  }
0x54d: {  	s20 =	sor.u32 s16, s17  }
0x54e: {  	s20 =	sor.u32 $0x380, s20;
	[tilespmem:v18+s7+$0x0] =	vst.idx.msk $0xffff, v17  }
0x54f: {  	v18 =	vor.u32 s15, v8;
	v17 =	vld [tilespmem:s20+$0x2800];
	_ =	sdelay $0x4  }
0x550: {  	[tilespmem:v18+s7+$0x0] =	vst.idx.msk $0xffff, v17  }
0x551: {  	v18 =	vor.u32 s15, v9;
	v17 =	vld [tilespmem:s19+$0x3C00];
	_ =	sdelay $0x4  }
0x552: {  	[tilespmem:v18+s7+$0x0] =	vst.idx.msk $0xffff, v17  }
0x553: {  	v18 =	vor.u32 s15, v10;
	v17 =	vld [tilespmem:s19+$0x3C80];
	_ =	sdelay $0x4  }
0x554: {  	[tilespmem:v18+s7+$0x0] =	vst.idx.msk $0xffff, v17  }
0x555: {  	v18 =	vor.u32 s15, v11;
	v17 =	vld [tilespmem:s19+$0x3D00];
	_ =	sdelay $0x4  }
0x556: {  	[tilespmem:v18+s7+$0x0] =	vst.idx.msk $0xffff, v17  }
0x557: {  	v18 =	vor.u32 s15, v12;
	v17 =	vld [tilespmem:s19+$0x3D80];
	_ =	sdelay $0x4  }
0x558: {  	[tilespmem:v18+s7+$0x0] =	vst.idx.msk $0xffff, v17  }
0x559: {  	v18 =	vor.u32 s15, v13;
	v17 =	vld [tilespmem:s19+$0x3E00];
	_ =	sdelay $0x4  }
0x55a: {  	[tilespmem:v18+s7+$0x0] =	vst.idx.msk $0xffff, v17  }
0x55b: {  	v18 =	vor.u32 s15, v14;
	v17 =	vld [tilespmem:s19+$0x3E80];
	_ =	sdelay $0x4  }
0x55c: {  	[tilespmem:v18+s7+$0x0] =	vst.idx.msk $0xffff, v17  }
0x55d: {  	v18 =	vor.u32 s15, v15;
	v17 =	vld [tilespmem:s19+$0x3F00];
	_ =	sdelay $0x4  }
0x55e: {  	[tilespmem:v18+s7+$0x0] =	vst.idx.msk $0xffff, v17  }
.Ltmp15:
0x55f: {  	v18 =	vor.u32 s15, v16;
	s15 =	smov.u32 s18;
	v17 =	vld [tilespmem:s19+$0x3F80];
	(pc) =	sbr.rel @p1 .LBB2_17-.Ltmp15, $3  }
0x560: {  	_ =	sdelay $0x1  }
0x561: {  	s16 =	sadd.s32 $0x80, s16;
	s17 =	sadd.s32 $0x10, s17  }
0x562: {  	s20 =	sand.u32 $0x1C00, s16;
	s18 =	sadd.s32 $0x100, s18;
	s19 =	sand.u32 $0x70, s17  }
0x563: {  	_ =	sdelay $0x3  }
0x564: {  	v19 =	vor.u32 s15, v0;
	s18 =	sor.u32 s19, s20;
	[tilespmem:v18+s7+$0x0] =	vst.idx.msk $0xffff, v17  }
0x565: {  	v17 =	vld [tilespmem:s18+$0x2800];
	v18 =	vand.u32 v1, v19;
	_ =	sdelay $0x4  }
0x566: {  	[tilespmem:v18+s7+$0x0] =	vst.idx.msk $0xffff, v17  }
0x567: {  	v18 =	vor.u32 s15, v2;
	v17 =	vld [tilespmem:s18+$0x2880];
	_ =	sdelay $0x4  }
0x568: {  	[tilespmem:v18+s7+$0x0] =	vst.idx.msk $0xffff, v17  }
0x569: {  	v18 =	vor.u32 s15, v3;
	v17 =	vld [tilespmem:s18+$0x2900];
	_ =	sdelay $0x4  }
0x56a: {  	[tilespmem:v18+s7+$0x0] =	vst.idx.msk $0xffff, v17  }
0x56b: {  	v18 =	vor.u32 s15, v4;
	v17 =	vld [tilespmem:s18+$0x2980];
	_ =	sdelay $0x4  }
0x56c: {  	[tilespmem:v18+s7+$0x0] =	vst.idx.msk $0xffff, v17  }
0x56d: {  	v18 =	vor.u32 s15, v5;
	v17 =	vld [tilespmem:s18+$0x2A00];
	_ =	sdelay $0x4  }
0x56e: {  	[tilespmem:v18+s7+$0x0] =	vst.idx.msk $0xffff, v17  }
0x56f: {  	v18 =	vor.u32 s15, v6;
	v17 =	vld [tilespmem:s18+$0x2A80];
	_ =	sdelay $0x4  }
0x570: {  	[tilespmem:v18+s7+$0x0] =	vst.idx.msk $0xffff, v17  }
0x571: {  	v18 =	vor.u32 s15, v7;
	v17 =	vld [tilespmem:s18+$0x2B00];
	_ =	sdelay $0x3  }
0x572: {  	s16 =	sor.u32 s16, s17  }
0x573: {  	s16 =	sor.u32 $0x380, s16;
	[tilespmem:v18+s7+$0x0] =	vst.idx.msk $0xffff, v17  }
0x574: {  	v18 =	vor.u32 s15, v8;
	v17 =	vld [tilespmem:s16+$0x2800];
	_ =	sdelay $0x4  }
0x575: {  	[tilespmem:v18+s7+$0x0] =	vst.idx.msk $0xffff, v17  }
0x576: {  	v18 =	vor.u32 s15, v9;
	v17 =	vld [tilespmem:s18+$0x3C00];
	_ =	sdelay $0x4  }
0x577: {  	[tilespmem:v18+s7+$0x0] =	vst.idx.msk $0xffff, v17  }
0x578: {  	v18 =	vor.u32 s15, v10;
	v17 =	vld [tilespmem:s18+$0x3C80];
	_ =	sdelay $0x4  }
0x579: {  	[tilespmem:v18+s7+$0x0] =	vst.idx.msk $0xffff, v17  }
0x57a: {  	v18 =	vor.u32 s15, v11;
	v17 =	vld [tilespmem:s18+$0x3D00];
	_ =	sdelay $0x4  }
0x57b: {  	[tilespmem:v18+s7+$0x0] =	vst.idx.msk $0xffff, v17  }
0x57c: {  	v18 =	vor.u32 s15, v12;
	v17 =	vld [tilespmem:s18+$0x3D80];
	_ =	sdelay $0x4  }
0x57d: {  	[tilespmem:v18+s7+$0x0] =	vst.idx.msk $0xffff, v17  }
0x57e: {  	v18 =	vor.u32 s15, v13;
	v17 =	vld [tilespmem:s18+$0x3E00];
	_ =	sdelay $0x4  }
0x57f: {  	[tilespmem:v18+s7+$0x0] =	vst.idx.msk $0xffff, v17  }
0x580: {  	v18 =	vor.u32 s15, v14;
	v17 =	vld [tilespmem:s18+$0x3E80];
	_ =	sdelay $0x4  }
0x581: {  	[tilespmem:v18+s7+$0x0] =	vst.idx.msk $0xffff, v17  }
0x582: {  	v18 =	vor.u32 s15, v15;
	v17 =	vld [tilespmem:s18+$0x3F00];
	_ =	sdelay $0x4  }
0x583: {  	[tilespmem:v18+s7+$0x0] =	vst.idx.msk $0xffff, v17  }
0x584: {  	v18 =	vor.u32 s15, v16;
	v17 =	vld [tilespmem:s18+$0x3F80];
	_ =	sdelay $0x4  }
0x585: {  	s16 =	rddreg [dreg:$0xd];
	s18 =	simm.s32 $0x0;
	[tilespmem:v18+s7+$0x0] =	vst.idx.msk $0xffff, v17  }
0x586: {  	[hbm4b:s16+s18] =	stream.linear.scatter [tilespmem:s7], [sflag:$0x5], $0x2800, $0x38;
	[tilespmem:$0xF000] =	vst v63  }
0x587: {  	_ =	swait.ge [sflag:s8], $0x2800  }
0x588: {  	[sflag:s8] =	ssyncset.done $0x0  }
0x589: {  	[sflag:s8] =	ssyncadd.s32 $0xFFFFD800  }
0x58a: {  	_ =	swait.ge [sflag:s12], $0x2800  }
0x58b: {  	s17 =	sand.u32 $0x70, s18;
	s19 =	sand.u32 $0x1C00, s18;
	[sflag:s12] =	ssyncset.done $0x0  }
0x58c: {  	s19 =	sor.u32 s17, s19;
	v17 =	vor.u32 s18, v0;
	[sflag:s12] =	ssyncadd.s32 $0xFFFFD800  }
0x58d: {  	v17 =	vand.u32 v1, v17;
	v18 =	vld [tilespmem:s19+$0x5000];
	_ =	sdelay $0x4  }
0x58e: {  	[tilespmem:v17+s9+$0x0] =	vst.idx.msk $0xffff, v18  }
0x58f: {  	v18 =	vor.u32 s18, v2;
	v17 =	vld [tilespmem:s19+$0x5080];
	_ =	sdelay $0x4  }
0x590: {  	[tilespmem:v18+s9+$0x0] =	vst.idx.msk $0xffff, v17  }
0x591: {  	v18 =	vor.u32 s18, v3;
	v17 =	vld [tilespmem:s19+$0x5100];
	_ =	sdelay $0x4  }
0x592: {  	[tilespmem:v18+s9+$0x0] =	vst.idx.msk $0xffff, v17  }
0x593: {  	v18 =	vor.u32 s18, v4;
	v17 =	vld [tilespmem:s19+$0x5180];
	_ =	sdelay $0x4  }
0x594: {  	[tilespmem:v18+s9+$0x0] =	vst.idx.msk $0xffff, v17  }
0x595: {  	v18 =	vor.u32 s18, v5;
	v17 =	vld [tilespmem:s19+$0x5200];
	_ =	sdelay $0x4  }
0x596: {  	[tilespmem:v18+s9+$0x0] =	vst.idx.msk $0xffff, v17  }
0x597: {  	v18 =	vor.u32 s18, v6;
	v17 =	vld [tilespmem:s19+$0x5280];
	_ =	sdelay $0x4  }
0x598: {  	[tilespmem:v18+s9+$0x0] =	vst.idx.msk $0xffff, v17  }
0x599: {  	v18 =	vor.u32 s18, v7;
	v17 =	vld [tilespmem:s19+$0x5300];
	_ =	sdelay $0x3  }
0x59a: {  	s20 =	sor.u32 s18, s18  }
0x59b: {  	s15 =	sor.u32 $0x380, s20;
	[tilespmem:v18+s9+$0x0] =	vst.idx.msk $0xffff, v17  }
0x59c: {  	v18 =	vor.u32 s18, v8;
	v17 =	vld [tilespmem:s15+$0x5000];
	_ =	sdelay $0x4  }
0x59d: {  	[tilespmem:v18+s9+$0x0] =	vst.idx.msk $0xffff, v17  }
0x59e: {  	v18 =	vor.u32 s18, v9;
	v17 =	vld [tilespmem:s19+$0x6400];
	_ =	sdelay $0x4  }
0x59f: {  	[tilespmem:v18+s9+$0x0] =	vst.idx.msk $0xffff, v17  }
0x5a0: {  	v18 =	vor.u32 s18, v10;
	v17 =	vld [tilespmem:s19+$0x6480];
	_ =	sdelay $0x4  }
0x5a1: {  	[tilespmem:v18+s9+$0x0] =	vst.idx.msk $0xffff, v17  }
0x5a2: {  	v18 =	vor.u32 s18, v11;
	v17 =	vld [tilespmem:s19+$0x6500];
	_ =	sdelay $0x4  }
0x5a3: {  	[tilespmem:v18+s9+$0x0] =	vst.idx.msk $0xffff, v17  }
0x5a4: {  	v18 =	vor.u32 s18, v12;
	v17 =	vld [tilespmem:s19+$0x6580];
	_ =	sdelay $0x4  }
0x5a5: {  	[tilespmem:v18+s9+$0x0] =	vst.idx.msk $0xffff, v17  }
0x5a6: {  	v18 =	vor.u32 s18, v13;
	v17 =	vld [tilespmem:s19+$0x6600];
	_ =	sdelay $0x4  }
0x5a7: {  	[tilespmem:v18+s9+$0x0] =	vst.idx.msk $0xffff, v17  }
0x5a8: {  	v18 =	vor.u32 s18, v14;
	v17 =	vld [tilespmem:s19+$0x6680];
	_ =	sdelay $0x4  }
0x5a9: {  	[tilespmem:v18+s9+$0x0] =	vst.idx.msk $0xffff, v17  }
0x5aa: {  	v18 =	vor.u32 s18, v15;
	v17 =	vld [tilespmem:s19+$0x6700];
	_ =	sdelay $0x4  }
0x5ab: {  	[tilespmem:v18+s9+$0x0] =	vst.idx.msk $0xffff, v17  }
0x5ac: {  	v18 =	vor.u32 s18, v16;
	v17 =	vld [tilespmem:s19+$0x6780];
	_ =	sdelay $0x1  }
0x5ad: {  	s16 =	simm.s32 $0x80  }
0x5ae: {  	s17 =	simm.s32 $0x10;
	s20 =	sand.u32 $0x1C00, s16  }
0x5af: {  	s15 =	simm.s32 $0x100;
	s18 =	simm.s32 $0x200;
	s19 =	sand.u32 $0x70, s17  }
.LBB2_19:
0x5b0: {  	p1 =	sne.s32 s18, $0x2700;
	v19 =	vor.u32 s15, v0;
	s19 =	sor.u32 s19, s20;
	[tilespmem:v18+s9+$0x0] =	vst.idx.msk $0xffff, v17  }
0x5b1: {  	v17 =	vld [tilespmem:s19+$0x5000];
	v18 =	vand.u32 v1, v19;
	_ =	sdelay $0x4  }
0x5b2: {  	[tilespmem:v18+s9+$0x0] =	vst.idx.msk $0xffff, v17  }
0x5b3: {  	v18 =	vor.u32 s15, v2;
	v17 =	vld [tilespmem:s19+$0x5080];
	_ =	sdelay $0x4  }
0x5b4: {  	[tilespmem:v18+s9+$0x0] =	vst.idx.msk $0xffff, v17  }
0x5b5: {  	v18 =	vor.u32 s15, v3;
	v17 =	vld [tilespmem:s19+$0x5100];
	_ =	sdelay $0x4  }
0x5b6: {  	[tilespmem:v18+s9+$0x0] =	vst.idx.msk $0xffff, v17  }
0x5b7: {  	v18 =	vor.u32 s15, v4;
	v17 =	vld [tilespmem:s19+$0x5180];
	_ =	sdelay $0x4  }
0x5b8: {  	[tilespmem:v18+s9+$0x0] =	vst.idx.msk $0xffff, v17  }
0x5b9: {  	v18 =	vor.u32 s15, v5;
	v17 =	vld [tilespmem:s19+$0x5200];
	_ =	sdelay $0x4  }
0x5ba: {  	[tilespmem:v18+s9+$0x0] =	vst.idx.msk $0xffff, v17  }
0x5bb: {  	v18 =	vor.u32 s15, v6;
	v17 =	vld [tilespmem:s19+$0x5280];
	_ =	sdelay $0x4  }
0x5bc: {  	[tilespmem:v18+s9+$0x0] =	vst.idx.msk $0xffff, v17  }
0x5bd: {  	v18 =	vor.u32 s15, v7;
	v17 =	vld [tilespmem:s19+$0x5300];
	_ =	sdelay $0x3  }
0x5be: {  	s20 =	sor.u32 s16, s17  }
0x5bf: {  	s20 =	sor.u32 $0x380, s20;
	[tilespmem:v18+s9+$0x0] =	vst.idx.msk $0xffff, v17  }
0x5c0: {  	v18 =	vor.u32 s15, v8;
	v17 =	vld [tilespmem:s20+$0x5000];
	_ =	sdelay $0x4  }
0x5c1: {  	[tilespmem:v18+s9+$0x0] =	vst.idx.msk $0xffff, v17  }
0x5c2: {  	v18 =	vor.u32 s15, v9;
	v17 =	vld [tilespmem:s19+$0x6400];
	_ =	sdelay $0x4  }
0x5c3: {  	[tilespmem:v18+s9+$0x0] =	vst.idx.msk $0xffff, v17  }
0x5c4: {  	v18 =	vor.u32 s15, v10;
	v17 =	vld [tilespmem:s19+$0x6480];
	_ =	sdelay $0x4  }
0x5c5: {  	[tilespmem:v18+s9+$0x0] =	vst.idx.msk $0xffff, v17  }
0x5c6: {  	v18 =	vor.u32 s15, v11;
	v17 =	vld [tilespmem:s19+$0x6500];
	_ =	sdelay $0x4  }
0x5c7: {  	[tilespmem:v18+s9+$0x0] =	vst.idx.msk $0xffff, v17  }
0x5c8: {  	v18 =	vor.u32 s15, v12;
	v17 =	vld [tilespmem:s19+$0x6580];
	_ =	sdelay $0x4  }
0x5c9: {  	[tilespmem:v18+s9+$0x0] =	vst.idx.msk $0xffff, v17  }
0x5ca: {  	v18 =	vor.u32 s15, v13;
	v17 =	vld [tilespmem:s19+$0x6600];
	_ =	sdelay $0x4  }
0x5cb: {  	[tilespmem:v18+s9+$0x0] =	vst.idx.msk $0xffff, v17  }
0x5cc: {  	v18 =	vor.u32 s15, v14;
	v17 =	vld [tilespmem:s19+$0x6680];
	_ =	sdelay $0x4  }
0x5cd: {  	[tilespmem:v18+s9+$0x0] =	vst.idx.msk $0xffff, v17  }
0x5ce: {  	v18 =	vor.u32 s15, v15;
	v17 =	vld [tilespmem:s19+$0x6700];
	_ =	sdelay $0x4  }
0x5cf: {  	[tilespmem:v18+s9+$0x0] =	vst.idx.msk $0xffff, v17  }
.Ltmp16:
0x5d0: {  	v18 =	vor.u32 s15, v16;
	s15 =	smov.u32 s18;
	v17 =	vld [tilespmem:s19+$0x6780];
	(pc) =	sbr.rel @p1 .LBB2_19-.Ltmp16, $3  }
0x5d1: {  	_ =	sdelay $0x1  }
0x5d2: {  	s16 =	sadd.s32 $0x80, s16;
	s17 =	sadd.s32 $0x10, s17  }
0x5d3: {  	s20 =	sand.u32 $0x1C00, s16;
	s18 =	sadd.s32 $0x100, s18;
	s19 =	sand.u32 $0x70, s17  }
0x5d4: {  	_ =	sdelay $0x3  }
0x5d5: {  	v19 =	vor.u32 s15, v0;
	s18 =	sor.u32 s19, s20;
	[tilespmem:v18+s9+$0x0] =	vst.idx.msk $0xffff, v17  }
0x5d6: {  	v17 =	vld [tilespmem:s18+$0x5000];
	v18 =	vand.u32 v1, v19;
	_ =	sdelay $0x4  }
0x5d7: {  	[tilespmem:v18+s9+$0x0] =	vst.idx.msk $0xffff, v17  }
0x5d8: {  	v18 =	vor.u32 s15, v2;
	v17 =	vld [tilespmem:s18+$0x5080];
	_ =	sdelay $0x4  }
0x5d9: {  	[tilespmem:v18+s9+$0x0] =	vst.idx.msk $0xffff, v17  }
0x5da: {  	v18 =	vor.u32 s15, v3;
	v17 =	vld [tilespmem:s18+$0x5100];
	_ =	sdelay $0x4  }
0x5db: {  	[tilespmem:v18+s9+$0x0] =	vst.idx.msk $0xffff, v17  }
0x5dc: {  	v18 =	vor.u32 s15, v4;
	v17 =	vld [tilespmem:s18+$0x5180];
	_ =	sdelay $0x4  }
0x5dd: {  	[tilespmem:v18+s9+$0x0] =	vst.idx.msk $0xffff, v17  }
0x5de: {  	v18 =	vor.u32 s15, v5;
	v17 =	vld [tilespmem:s18+$0x5200];
	_ =	sdelay $0x4  }
0x5df: {  	[tilespmem:v18+s9+$0x0] =	vst.idx.msk $0xffff, v17  }
0x5e0: {  	v18 =	vor.u32 s15, v6;
	v17 =	vld [tilespmem:s18+$0x5280];
	_ =	sdelay $0x4  }
0x5e1: {  	[tilespmem:v18+s9+$0x0] =	vst.idx.msk $0xffff, v17  }
0x5e2: {  	v18 =	vor.u32 s15, v7;
	v17 =	vld [tilespmem:s18+$0x5300];
	_ =	sdelay $0x3  }
0x5e3: {  	s16 =	sor.u32 s16, s17  }
0x5e4: {  	s16 =	sor.u32 $0x380, s16;
	[tilespmem:v18+s9+$0x0] =	vst.idx.msk $0xffff, v17  }
0x5e5: {  	v18 =	vor.u32 s15, v8;
	v17 =	vld [tilespmem:s16+$0x5000];
	_ =	sdelay $0x4  }
0x5e6: {  	[tilespmem:v18+s9+$0x0] =	vst.idx.msk $0xffff, v17  }
0x5e7: {  	v18 =	vor.u32 s15, v9;
	v17 =	vld [tilespmem:s18+$0x6400];
	_ =	sdelay $0x4  }
0x5e8: {  	[tilespmem:v18+s9+$0x0] =	vst.idx.msk $0xffff, v17  }
0x5e9: {  	v18 =	vor.u32 s15, v10;
	v17 =	vld [tilespmem:s18+$0x6480];
	_ =	sdelay $0x4  }
0x5ea: {  	[tilespmem:v18+s9+$0x0] =	vst.idx.msk $0xffff, v17  }
0x5eb: {  	v18 =	vor.u32 s15, v11;
	v17 =	vld [tilespmem:s18+$0x6500];
	_ =	sdelay $0x4  }
0x5ec: {  	[tilespmem:v18+s9+$0x0] =	vst.idx.msk $0xffff, v17  }
0x5ed: {  	v18 =	vor.u32 s15, v12;
	v17 =	vld [tilespmem:s18+$0x6580];
	_ =	sdelay $0x4  }
0x5ee: {  	[tilespmem:v18+s9+$0x0] =	vst.idx.msk $0xffff, v17  }
0x5ef: {  	v18 =	vor.u32 s15, v13;
	v17 =	vld [tilespmem:s18+$0x6600];
	_ =	sdelay $0x4  }
0x5f0: {  	[tilespmem:v18+s9+$0x0] =	vst.idx.msk $0xffff, v17  }
0x5f1: {  	v18 =	vor.u32 s15, v14;
	v17 =	vld [tilespmem:s18+$0x6680];
	_ =	sdelay $0x4  }
0x5f2: {  	[tilespmem:v18+s9+$0x0] =	vst.idx.msk $0xffff, v17  }
0x5f3: {  	v18 =	vor.u32 s15, v15;
	v17 =	vld [tilespmem:s18+$0x6700];
	_ =	sdelay $0x4  }
0x5f4: {  	[tilespmem:v18+s9+$0x0] =	vst.idx.msk $0xffff, v17  }
0x5f5: {  	v18 =	vor.u32 s15, v16;
	v17 =	vld [tilespmem:s18+$0x6780];
	_ =	sdelay $0x4  }
0x5f6: {  	s16 =	rddreg [dreg:$0xe];
	s18 =	simm.s32 $0x0;
	[tilespmem:v18+s9+$0x0] =	vst.idx.msk $0xffff, v17  }
0x5f7: {  	[hbm4b:s16+s18] =	stream.linear.scatter [tilespmem:s9], [sflag:$0x6], $0x2800, $0x38;
	[tilespmem:$0xF000] =	vst v63  }
0x5f8: {  	_ =	swait.ge [sflag:s3], $0x2800  }
0x5f9: {  	[sflag:s3] =	ssyncset.done $0x0  }
0x5fa: {  	[sflag:s3] =	ssyncadd.s32 $0xFFFFD800  }
0x5fb: {  	_ =	swait.ge [sflag:s10], $0x2800  }
0x5fc: {  	s17 =	sand.u32 $0x70, s18;
	s19 =	sand.u32 $0x1C00, s18;
	[sflag:s10] =	ssyncset.done $0x0  }
0x5fd: {  	s19 =	sor.u32 s17, s19;
	v17 =	vor.u32 s18, v0;
	[sflag:s10] =	ssyncadd.s32 $0xFFFFD800  }
0x5fe: {  	v17 =	vand.u32 v1, v17;
	v18 =	vld [tilespmem:s19+$0x0];
	_ =	sdelay $0x4  }
0x5ff: {  	[tilespmem:v17+s5+$0x0] =	vst.idx.msk $0xffff, v18  }
0x600: {  	v18 =	vor.u32 s18, v2;
	v17 =	vld [tilespmem:s19+$0x80];
	_ =	sdelay $0x4  }
0x601: {  	[tilespmem:v18+s5+$0x0] =	vst.idx.msk $0xffff, v17  }
0x602: {  	v18 =	vor.u32 s18, v3;
	v17 =	vld [tilespmem:s19+$0x100];
	_ =	sdelay $0x4  }
0x603: {  	[tilespmem:v18+s5+$0x0] =	vst.idx.msk $0xffff, v17  }
0x604: {  	v18 =	vor.u32 s18, v4;
	v17 =	vld [tilespmem:s19+$0x180];
	_ =	sdelay $0x4  }
0x605: {  	[tilespmem:v18+s5+$0x0] =	vst.idx.msk $0xffff, v17  }
0x606: {  	v18 =	vor.u32 s18, v5;
	v17 =	vld [tilespmem:s19+$0x200];
	_ =	sdelay $0x4  }
0x607: {  	[tilespmem:v18+s5+$0x0] =	vst.idx.msk $0xffff, v17  }
0x608: {  	v18 =	vor.u32 s18, v6;
	v17 =	vld [tilespmem:s19+$0x280];
	_ =	sdelay $0x4  }
0x609: {  	[tilespmem:v18+s5+$0x0] =	vst.idx.msk $0xffff, v17  }
0x60a: {  	v18 =	vor.u32 s18, v7;
	v17 =	vld [tilespmem:s19+$0x300];
	_ =	sdelay $0x3  }
0x60b: {  	s20 =	sor.u32 s18, s18  }
0x60c: {  	s15 =	sor.u32 $0x380, s20;
	[tilespmem:v18+s5+$0x0] =	vst.idx.msk $0xffff, v17  }
0x60d: {  	v18 =	vor.u32 s18, v8;
	v17 =	vld [tilespmem:s15+$0x0];
	_ =	sdelay $0x4  }
0x60e: {  	[tilespmem:v18+s5+$0x0] =	vst.idx.msk $0xffff, v17  }
0x60f: {  	v18 =	vor.u32 s18, v9;
	v17 =	vld [tilespmem:s19+$0x1400];
	_ =	sdelay $0x4  }
0x610: {  	[tilespmem:v18+s5+$0x0] =	vst.idx.msk $0xffff, v17  }
0x611: {  	v18 =	vor.u32 s18, v10;
	v17 =	vld [tilespmem:s19+$0x1480];
	_ =	sdelay $0x4  }
0x612: {  	[tilespmem:v18+s5+$0x0] =	vst.idx.msk $0xffff, v17  }
0x613: {  	v18 =	vor.u32 s18, v11;
	v17 =	vld [tilespmem:s19+$0x1500];
	_ =	sdelay $0x4  }
0x614: {  	[tilespmem:v18+s5+$0x0] =	vst.idx.msk $0xffff, v17  }
0x615: {  	v18 =	vor.u32 s18, v12;
	v17 =	vld [tilespmem:s19+$0x1580];
	_ =	sdelay $0x4  }
0x616: {  	[tilespmem:v18+s5+$0x0] =	vst.idx.msk $0xffff, v17  }
0x617: {  	v18 =	vor.u32 s18, v13;
	v17 =	vld [tilespmem:s19+$0x1600];
	_ =	sdelay $0x4  }
0x618: {  	[tilespmem:v18+s5+$0x0] =	vst.idx.msk $0xffff, v17  }
0x619: {  	v18 =	vor.u32 s18, v14;
	v17 =	vld [tilespmem:s19+$0x1680];
	_ =	sdelay $0x4  }
0x61a: {  	[tilespmem:v18+s5+$0x0] =	vst.idx.msk $0xffff, v17  }
0x61b: {  	v18 =	vor.u32 s18, v15;
	v17 =	vld [tilespmem:s19+$0x1700];
	_ =	sdelay $0x4  }
0x61c: {  	[tilespmem:v18+s5+$0x0] =	vst.idx.msk $0xffff, v17  }
0x61d: {  	v18 =	vor.u32 s18, v16;
	v17 =	vld [tilespmem:s19+$0x1780];
	_ =	sdelay $0x1  }
0x61e: {  	s16 =	simm.s32 $0x80  }
0x61f: {  	s17 =	simm.s32 $0x10;
	s20 =	sand.u32 $0x1C00, s16  }
0x620: {  	s15 =	simm.s32 $0x100;
	s18 =	simm.s32 $0x200;
	s19 =	sand.u32 $0x70, s17  }
.LBB2_21:
0x621: {  	p1 =	sne.s32 s18, $0x2700;
	v19 =	vor.u32 s15, v0;
	s19 =	sor.u32 s19, s20;
	[tilespmem:v18+s5+$0x0] =	vst.idx.msk $0xffff, v17  }
0x622: {  	v17 =	vld [tilespmem:s19+$0x0];
	v18 =	vand.u32 v1, v19;
	_ =	sdelay $0x4  }
0x623: {  	[tilespmem:v18+s5+$0x0] =	vst.idx.msk $0xffff, v17  }
0x624: {  	v18 =	vor.u32 s15, v2;
	v17 =	vld [tilespmem:s19+$0x80];
	_ =	sdelay $0x4  }
0x625: {  	[tilespmem:v18+s5+$0x0] =	vst.idx.msk $0xffff, v17  }
0x626: {  	v18 =	vor.u32 s15, v3;
	v17 =	vld [tilespmem:s19+$0x100];
	_ =	sdelay $0x4  }
0x627: {  	[tilespmem:v18+s5+$0x0] =	vst.idx.msk $0xffff, v17  }
0x628: {  	v18 =	vor.u32 s15, v4;
	v17 =	vld [tilespmem:s19+$0x180];
	_ =	sdelay $0x4  }
0x629: {  	[tilespmem:v18+s5+$0x0] =	vst.idx.msk $0xffff, v17  }
0x62a: {  	v18 =	vor.u32 s15, v5;
	v17 =	vld [tilespmem:s19+$0x200];
	_ =	sdelay $0x4  }
0x62b: {  	[tilespmem:v18+s5+$0x0] =	vst.idx.msk $0xffff, v17  }
0x62c: {  	v18 =	vor.u32 s15, v6;
	v17 =	vld [tilespmem:s19+$0x280];
	_ =	sdelay $0x4  }
0x62d: {  	[tilespmem:v18+s5+$0x0] =	vst.idx.msk $0xffff, v17  }
0x62e: {  	v18 =	vor.u32 s15, v7;
	v17 =	vld [tilespmem:s19+$0x300];
	_ =	sdelay $0x3  }
0x62f: {  	s20 =	sor.u32 s16, s17  }
0x630: {  	s20 =	sor.u32 $0x380, s20;
	[tilespmem:v18+s5+$0x0] =	vst.idx.msk $0xffff, v17  }
0x631: {  	v18 =	vor.u32 s15, v8;
	v17 =	vld [tilespmem:s20+$0x0];
	_ =	sdelay $0x4  }
0x632: {  	[tilespmem:v18+s5+$0x0] =	vst.idx.msk $0xffff, v17  }
0x633: {  	v18 =	vor.u32 s15, v9;
	v17 =	vld [tilespmem:s19+$0x1400];
	_ =	sdelay $0x4  }
0x634: {  	[tilespmem:v18+s5+$0x0] =	vst.idx.msk $0xffff, v17  }
0x635: {  	v18 =	vor.u32 s15, v10;
	v17 =	vld [tilespmem:s19+$0x1480];
	_ =	sdelay $0x4  }
0x636: {  	[tilespmem:v18+s5+$0x0] =	vst.idx.msk $0xffff, v17  }
0x637: {  	v18 =	vor.u32 s15, v11;
	v17 =	vld [tilespmem:s19+$0x1500];
	_ =	sdelay $0x4  }
0x638: {  	[tilespmem:v18+s5+$0x0] =	vst.idx.msk $0xffff, v17  }
0x639: {  	v18 =	vor.u32 s15, v12;
	v17 =	vld [tilespmem:s19+$0x1580];
	_ =	sdelay $0x4  }
0x63a: {  	[tilespmem:v18+s5+$0x0] =	vst.idx.msk $0xffff, v17  }
0x63b: {  	v18 =	vor.u32 s15, v13;
	v17 =	vld [tilespmem:s19+$0x1600];
	_ =	sdelay $0x4  }
0x63c: {  	[tilespmem:v18+s5+$0x0] =	vst.idx.msk $0xffff, v17  }
0x63d: {  	v18 =	vor.u32 s15, v14;
	v17 =	vld [tilespmem:s19+$0x1680];
	_ =	sdelay $0x4  }
0x63e: {  	[tilespmem:v18+s5+$0x0] =	vst.idx.msk $0xffff, v17  }
0x63f: {  	v18 =	vor.u32 s15, v15;
	v17 =	vld [tilespmem:s19+$0x1700];
	_ =	sdelay $0x4  }
0x640: {  	[tilespmem:v18+s5+$0x0] =	vst.idx.msk $0xffff, v17  }
.Ltmp17:
0x641: {  	v18 =	vor.u32 s15, v16;
	s15 =	smov.u32 s18;
	v17 =	vld [tilespmem:s19+$0x1780];
	(pc) =	sbr.rel @p1 .LBB2_21-.Ltmp17, $3  }
0x642: {  	_ =	sdelay $0x1  }
0x643: {  	s16 =	sadd.s32 $0x80, s16;
	s17 =	sadd.s32 $0x10, s17  }
0x644: {  	s20 =	sand.u32 $0x1C00, s16;
	s18 =	sadd.s32 $0x100, s18;
	s19 =	sand.u32 $0x70, s17  }
0x645: {  	_ =	sdelay $0x3  }
0x646: {  	v19 =	vor.u32 s15, v0;
	s18 =	sor.u32 s19, s20;
	[tilespmem:v18+s5+$0x0] =	vst.idx.msk $0xffff, v17  }
0x647: {  	v17 =	vld [tilespmem:s18+$0x0];
	v18 =	vand.u32 v1, v19;
	_ =	sdelay $0x4  }
0x648: {  	[tilespmem:v18+s5+$0x0] =	vst.idx.msk $0xffff, v17  }
0x649: {  	v18 =	vor.u32 s15, v2;
	v17 =	vld [tilespmem:s18+$0x80];
	_ =	sdelay $0x4  }
0x64a: {  	[tilespmem:v18+s5+$0x0] =	vst.idx.msk $0xffff, v17  }
0x64b: {  	v18 =	vor.u32 s15, v3;
	v17 =	vld [tilespmem:s18+$0x100];
	_ =	sdelay $0x4  }
0x64c: {  	[tilespmem:v18+s5+$0x0] =	vst.idx.msk $0xffff, v17  }
0x64d: {  	v18 =	vor.u32 s15, v4;
	v17 =	vld [tilespmem:s18+$0x180];
	_ =	sdelay $0x4  }
0x64e: {  	[tilespmem:v18+s5+$0x0] =	vst.idx.msk $0xffff, v17  }
0x64f: {  	v18 =	vor.u32 s15, v5;
	v17 =	vld [tilespmem:s18+$0x200];
	_ =	sdelay $0x4  }
0x650: {  	[tilespmem:v18+s5+$0x0] =	vst.idx.msk $0xffff, v17  }
0x651: {  	v18 =	vor.u32 s15, v6;
	v17 =	vld [tilespmem:s18+$0x280];
	_ =	sdelay $0x4  }
0x652: {  	[tilespmem:v18+s5+$0x0] =	vst.idx.msk $0xffff, v17  }
0x653: {  	v18 =	vor.u32 s15, v7;
	v17 =	vld [tilespmem:s18+$0x300];
	_ =	sdelay $0x3  }
0x654: {  	s16 =	sor.u32 s16, s17  }
0x655: {  	s16 =	sor.u32 $0x380, s16;
	[tilespmem:v18+s5+$0x0] =	vst.idx.msk $0xffff, v17  }
0x656: {  	v18 =	vor.u32 s15, v8;
	v17 =	vld [tilespmem:s16+$0x0];
	_ =	sdelay $0x4  }
0x657: {  	[tilespmem:v18+s5+$0x0] =	vst.idx.msk $0xffff, v17  }
0x658: {  	v18 =	vor.u32 s15, v9;
	v17 =	vld [tilespmem:s18+$0x1400];
	_ =	sdelay $0x4  }
0x659: {  	[tilespmem:v18+s5+$0x0] =	vst.idx.msk $0xffff, v17  }
0x65a: {  	v18 =	vor.u32 s15, v10;
	v17 =	vld [tilespmem:s18+$0x1480];
	_ =	sdelay $0x4  }
0x65b: {  	[tilespmem:v18+s5+$0x0] =	vst.idx.msk $0xffff, v17  }
0x65c: {  	v18 =	vor.u32 s15, v11;
	v17 =	vld [tilespmem:s18+$0x1500];
	_ =	sdelay $0x4  }
0x65d: {  	[tilespmem:v18+s5+$0x0] =	vst.idx.msk $0xffff, v17  }
0x65e: {  	v18 =	vor.u32 s15, v12;
	v17 =	vld [tilespmem:s18+$0x1580];
	_ =	sdelay $0x4  }
0x65f: {  	[tilespmem:v18+s5+$0x0] =	vst.idx.msk $0xffff, v17  }
0x660: {  	v18 =	vor.u32 s15, v13;
	v17 =	vld [tilespmem:s18+$0x1600];
	_ =	sdelay $0x4  }
0x661: {  	[tilespmem:v18+s5+$0x0] =	vst.idx.msk $0xffff, v17  }
0x662: {  	v18 =	vor.u32 s15, v14;
	v17 =	vld [tilespmem:s18+$0x1680];
	_ =	sdelay $0x4  }
0x663: {  	[tilespmem:v18+s5+$0x0] =	vst.idx.msk $0xffff, v17  }
0x664: {  	v18 =	vor.u32 s15, v15;
	v17 =	vld [tilespmem:s18+$0x1700];
	_ =	sdelay $0x4  }
0x665: {  	[tilespmem:v18+s5+$0x0] =	vst.idx.msk $0xffff, v17  }
0x666: {  	v18 =	vor.u32 s15, v16;
	v17 =	vld [tilespmem:s18+$0x1780];
	_ =	sdelay $0x4  }
0x667: {  	s19 =	simm.s32 $0x0;
	s20 =	rddreg [dreg:$0xf];
	[tilespmem:v18+s5+$0x0] =	vst.idx.msk $0xffff, v17  }
0x668: {  	[hbm4b:s20+s19] =	stream.linear.scatter [tilespmem:s5], [sflag:$0x4], $0x2800, $0x38;
	[tilespmem:$0xF000] =	vst v63  }
0x669: {  	_ =	swait.ge [sflag:s10], $0x2800  }
0x66a: {  	[sflag:s10] =	ssyncset.done $0x0  }
0x66b: {  	[sflag:s10] =	ssyncadd.s32 $0xFFFFD800  }
0x66c: {  	_ =	swait.ge [sflag:s11], $0x2800  }
.Ltmp18:
0x66d: {  	[sflag:s11] =	ssyncset.done $0x0;
	(pc) =	sbr.rel .LBB2_32-.Ltmp18, $4  }
0x66e: {  	[sflag:s11] =	ssyncadd.s32 $0xFFFFD800  }
0x66f: {  	_ =	swait.ge [sflag:s12], $0x2800  }
0x670: {  	[sflag:s12] =	ssyncset.done $0x0  }
0x671: {  	[sflag:s12] =	ssyncadd.s32 $0xFFFFD800  }
.LBB2_33:
0x672: {  	_ =	sfence.sel $0x180000  }
0x673: {  	[bflag:$0x0] =	sbarrier.arrive $0xFFFF  }
0x674: {  	_ =	strace $0x90000047  }
0x675: {  	s0 =	stileid.u32;
	[bflag:$0x2] =	sbarrier.arrive $0xFFFF  }
0x676: {  	p0 =	sne.s32 s0, $0x0;
	s0 =	rddreg [dreg:$0x3]  }
0x677: {  	s0 =	sadd.s32 @!p0 $0x100000, s0  }
0x678: {  	[sflag:s0] =	ssyncadd.tile.s32 @!p0 $0x1;
	_ =	shalt  }
.Lfunc_end2:
_tile_overlayer_lowered:
.L_overlay_start_2:
0x679: {  	(tag) =	ssettag $0x2  }
0x67a: {  	s0 =	rddreg [dreg:$0x0];
	s2 =	stileid.u32  }
0x67b: {  	s1 =	rddreg [dreg:$0x1];
	p0 =	sne.s32 s2, $0x0  }
0x67c: {  	s3 =	rddreg [dreg:$0x2];
	[bflag:$0x3] =	sbarrier.arrive $0xFFFF;
	s2 =	simm.s32 @!p0 $0x1C07  }
0x67d: {  	[timem:s3], [sflag:s2] =	dma.local @!p0 [hbm:s0], s1  }
0x67e: {  	s0 =	simm.s32 @!p0 $0x7  }
0x67f: {  	_ =	swait.ge @!p0 [sflag:s0], s1  }
0x680: {  	s1 =	ssub.s32 @!p0 $0x0, s1;
	[sflag:s0] =	ssyncset.done @!p0 $0x0  }
0x681: {  	[sflag:s0] =	ssyncadd.s32 @!p0 s1  }
0x682: {  	[bflag:$0x3] =	sbarrier.arrive $0xFFFF  }
0x683: {  	_ =	shalt  }

// kernel: kernel.8.cloned.1.call-start
scs
__scs_entry_jumppad:
0x0: {  	(pc) =	sbr.rel $0x88, $3  }
0x1: {  	(tag) =	ssettag $0x0;
	lr =	simm.s32 $0x1  }
0x2: {  	[smem:$0x3F96] =	sst lr;
	_ =	strace $0xD0000000  }
0x3: {  	_ = 	snop  }
0x4: {  	_ = 	snop  }
0x5: {  	_ = 	snop  }
0x6: {  	_ = 	snop  }
0x7: {  	_ = 	snop  }
__scs_overlays_trampoline_lowered:
0x8: {  	[smem:$0x3FA5] =	sst s0  }
0x9: {  	[smem:$0x3FA6] =	sst s1  }
0xa: {  	[smem:$0x3FA7] =	sst s2  }
0xb: {  	[smem:$0x3FA8] =	sst s3  }
0xc: {  	[smem:$0x3FA9] =	sst s4  }
0xd: {  	[smem:$0x3FAA] =	sst s5  }
0xe: {  	[smem:$0x3FAB] =	sst s6  }
0xf: {  	[smem:$0x3FAC] =	sst s7  }
0x10: {  	[smem:$0x3FAD] =	sst s8  }
0x11: {  	[smem:$0x3FAE] =	sst s9;
	s0 =	simm.s32 @!p0 $0x0  }
0x12: {  	s1 =	sld [smem:$0x3F94];
	s0 =	simm.s32 @p0 $0x1  }
0x13: {  	[smem:$0x3FAF] =	sst s0;
	s0 =	simm.s32 @!p1 $0x0  }
0x14: {  	s2 =	sld [smem:$0x3F93];
	s0 =	simm.s32 @p1 $0x1  }
0x15: {  	[smem:$0x3FB0] =	sst s0;
	s0 =	simm.s32 @!p2 $0x0  }
0x16: {  	s3 =	sld [smem:$0x3FDB];
	s0 =	simm.s32 @p2 $0x1  }
0x17: {  	s4 =	simm.s32 $0x1BF5;
	[smem:$0x3FB2] =	sst s0  }
0x18: {  	s0 =	sld [smem:$0x3F95];
	_ =	swait.ge [sflag:s4], $0x0  }
0x19: {  	s7 =	sld [smem:$0x3F96]  }
0x1a: {  	s8 =	sadd.s32 $0xFFFFE003, lr  }
0x1b: {  	s9 =	sadd.s32 $0xFFFFFEF7, lr;
	s5 =	simm.s32 $0xFFFFFFFF;
	p2 =	slt.u32 s8, $0xFFFFF086  }
0x1c: {  	p1 =	slt.u32 s9, $0xF7A;
	s5 =	simm.s32 @!p2 $0x0  }
0x1d: {  	s5 =	simm.s32 @p1 $0x1;
	p0 =	seq.s32 s7, s2  }
0x1e: {  	s7 =	smul.u32 @!p0 $0xF7A, s2;
	p2 =	seq.s32 @!p0 s5, $0x0  }
0x1f: {  	s9 =	smul.u32 $0xF7A, s1;
	s8 =	simm.s32 @!p0 $0x1BF5;
	p2 =	por !p2, p0  }
0x20: {  	[sflag:s8] =	ssyncset.s32 @!p0 $0xFFFFF086;
	s6 =	sadd.s32 @!p0 s3, s7;
	s7 =	simm.s32 @!p0 $0x108  }
0x21: {  	s3 =	sadd.s32 s3, s9;
	s6 =	sadd.s32 @!p0 $0x88, s6;
	s7 =	simm.s32 @p2 $0x1082  }
0x22: {  	[simem:s7], [sflag:s8] =	dma.local @!p0 [hbm:s6], $0xF7A  }
0x23: {  	s9 =	sor.u32 $0xD0000000, s2;
	s6 =	simm.s32 $0x108;
	_ =	swait.ge @!p0 [sflag:s8], $0x0  }
0x24: {  	s3 =	sadd.s32 $0x88, s3;
	s6 =	simm.s32 @!p1 $0x1082;
	[sflag:s4] =	ssyncset.s32 $0xFFFFF086  }
0x25: {  	[simem:s6], [sflag:s4] =	dma.local [hbm:s3], $0xF7A  }
0x26: {  	[smem:$0x3F96] =	sst s1;
	(tag) =	ssettag s2;
	_ =	strace s9  }
0x27: {  	s1 =	sld [smem:$0x3FA6]  }
0x28: {  	s2 =	sld [smem:$0x3FA7]  }
0x29: {  	s4 =	sld [smem:$0x3FA9]  }
0x2a: {  	p0 =	seq.s32 s5, $0x0;
	s5 =	sld [smem:$0x3FAA]  }
0x2b: {  	s6 =	sld [smem:$0x3FAB]  }
0x2c: {  	s7 =	sld [smem:$0x3FAC]  }
0x2d: {  	s3 =	simm.s32 $0x108;
	s8 =	sld [smem:$0x3FAD]  }
0x2e: {  	s3 =	simm.s32 @!p0 $0x1082;
	s9 =	sld [smem:$0x3FAE]  }
0x2f: {  	lr =	sadd.s32 s0, s3;
	s0 =	sld [smem:$0x3FA5]  }
0x30: {  	s3 =	sld [smem:$0x3FA8]  }
0x31: {  	[smem:$0x3FB1] =	sst s10  }
0x32: {  	s10 =	sld [smem:$0x3FAF];
	_ =	sdelay $0x3  }
0x33: {  	p0 =	seq.s32 s10, $0x1;
	s10 =	sld [smem:$0x3FB1];
	_ =	sdelay $0x3  }
0x34: {  	[smem:$0x3FB1] =	sst s10  }
0x35: {  	s10 =	sld [smem:$0x3FB0];
	_ =	sdelay $0x3  }
0x36: {  	p1 =	seq.s32 s10, $0x1;
	s10 =	sld [smem:$0x3FB1];
	_ =	sdelay $0x3  }
0x37: {  	[smem:$0x3FB1] =	sst s10  }
0x38: {  	s10 =	sld [smem:$0x3FB2]  }
0x39: {  	_ = 	snop;
	(pc) =	sbr.ind lr, $3  }
0x3a: {  	_ = 	snop  }
0x3b: {  	_ = 	snop  }
0x3c: {  	p2 =	seq.s32 s10, $0x1;
	s10 =	sld [smem:$0x3FB1]  }
0x3d: {  	_ =	shalt  }
0x3e: {  	_ =	shalt  }
0x3f: {  	_ =	shalt  }
0x40: {  	_ =	shalt  }
0x41: {  	_ =	shalt  }
0x42: {  	_ =	shalt  }
0x43: {  	_ =	shalt  }
0x44: {  	_ =	shalt  }
0x45: {  	_ =	shalt  }
0x46: {  	_ =	shalt  }
0x47: {  	_ =	shalt  }
0x48: {  	_ =	shalt  }
0x49: {  	_ =	shalt  }
0x4a: {  	_ =	shalt  }
0x4b: {  	_ =	shalt  }
0x4c: {  	_ =	shalt  }
0x4d: {  	_ =	shalt  }
0x4e: {  	_ =	shalt  }
0x4f: {  	_ =	shalt  }
0x50: {  	_ =	shalt  }
0x51: {  	_ =	shalt  }
0x52: {  	_ =	shalt  }
0x53: {  	_ =	shalt  }
0x54: {  	_ =	shalt  }
0x55: {  	_ =	shalt  }
0x56: {  	_ =	shalt  }
0x57: {  	_ =	shalt  }
0x58: {  	_ =	shalt  }
0x59: {  	_ =	shalt  }
0x5a: {  	_ =	shalt  }
0x5b: {  	_ =	shalt  }
0x5c: {  	_ =	shalt  }
0x5d: {  	_ =	shalt  }
0x5e: {  	_ =	shalt  }
0x5f: {  	_ =	shalt  }
0x60: {  	_ =	shalt  }
0x61: {  	_ =	shalt  }
0x62: {  	_ =	shalt  }
0x63: {  	_ =	shalt  }
0x64: {  	_ =	shalt  }
0x65: {  	_ =	shalt  }
0x66: {  	_ =	shalt  }
0x67: {  	_ =	shalt  }
0x68: {  	_ =	shalt  }
0x69: {  	_ =	shalt  }
0x6a: {  	_ =	shalt  }
0x6b: {  	_ =	shalt  }
0x6c: {  	_ =	shalt  }
0x6d: {  	_ =	shalt  }
0x6e: {  	_ =	shalt  }
0x6f: {  	_ =	shalt  }
0x70: {  	_ =	shalt  }
0x71: {  	_ =	shalt  }
0x72: {  	_ =	shalt  }
0x73: {  	_ =	shalt  }
0x74: {  	_ =	shalt  }
0x75: {  	_ =	shalt  }
0x76: {  	_ =	shalt  }
0x77: {  	_ =	shalt  }
0x78: {  	_ =	shalt  }
0x79: {  	_ =	shalt  }
0x7a: {  	_ =	shalt  }
0x7b: {  	_ =	shalt  }
0x7c: {  	_ =	shalt  }
0x7d: {  	_ =	shalt  }
0x7e: {  	_ =	shalt  }
0x7f: {  	_ =	shalt  }
0x80: {  	_ =	shalt  }
0x81: {  	_ =	shalt  }
0x82: {  	_ =	shalt  }
0x83: {  	_ =	shalt  }
0x84: {  	_ =	shalt  }
0x85: {  	_ =	shalt  }
0x86: {  	_ =	shalt  }
0x87: {  	_ =	shalt  }
.Lfunc_end0:
.L_simem_size_0:
called_computation.1_lowered:
.L_overlay_start_0:
0x88: {  	s2 =	sld [smem:$0x3FD9]  }
0x89: {  	s3 =	sld [smem:$0x3FFE];
	_ =	sdelay $0x1  }
0x8a: {  	s1 =	srdreg.scid  }
0x8b: {  	s0 =	sand.u32 $0x1, s1  }
0x8c: {  	s17 =	sshll.u32 s0, $0xA;
	s2 =	sadd.s32 s3, s2  }
0x8d: {  	s2 =	sadd.s32 s2, s17  }
0x8e: {  	[smem:$0x3FBD] =	sst s2  }
0x8f: {  	_ = 	snop  }
0x90: {  	s2 =	sld [smem:$0x3FD0];
	(tm) =	ssettm $0x1  }
0x91: {  	s18 =	sld [smem:$0x3FFB];
	_ =	sdelay $0x3  }
0x92: {  	_ =	strace s18  }
0x93: {  	s3 =	sld [smem:$0x3FFC];
	_ =	sdelay $0x3  }
0x94: {  	_ =	strace s3  }
0x95: {  	s3 =	sld [smem:$0x3FFD];
	_ =	sdelay $0x3  }
0x96: {  	_ =	strace s3  }
0x97: {  	_ =	strace $0x8FFFFFFF  }
0x98: {  	s19 =	sld [smem:$0x3FDB];
	_ =	sdelay $0x1  }
0x99: {  	s4 =	simm.s32 $_scs_section_size  }
0x9a: {  	s5 =	simm.s32 $_size__tile_overlayer_lowered;
	s6 =	simm.s32 $_tile_overlayer_lowered  }
0x9b: {  	s22 =	simm.s32 $0x1BFF;
	s21 =	sshll.u32 s6, $0x1;
	s3 =	sadd.s32 s4, s19  }
0x9c: {  	s7 =	simm.s32 $0x0;
	s20 =	sshll.u32 s5, $0x1;
	s5 =	sadd.s32 s21, s3  }
0x9d: {  	[timem:s7], [sflag:s22] =	dma.local [hbm:s5], s20  }
0x9e: {  	_ =	swait.ge [sflag:s22], s20  }
0x9f: {  	s4 =	ssub.s32 $0x0, s20;
	[sflag:s22] =	ssyncset.done $0x0  }
0xa0: {  	[sflag:s22] =	ssyncadd.s32 s4;
	_ =	sdelay $0x1  }
0xa1: {  	s23 =	simm.s32 $0x1B8B  }
0xa2: {  	_ =	swait.ge [sflag:s23], $0x1  }
0xa3: {  	[sflag:s23] =	ssyncset.done $0x0  }
0xa4: {  	s25 =	simm.s32 $0x1B8E;
	s24 =	sld [smem:$0x3FFE];
	[sflag:s23] =	ssyncadd.s32 $0xFFFFFFFF  }
0xa5: {  	s26 =	simm.s32 $execute0_lowered;
	[smem:$0x3FD2] =	sst s25  }
0xa6: {  	s5 =	sshll.u32 s26, $0x1;
	_ =	strace $0x80000049;
	[dreg:$0x1] =	wrdreg $0xFFFFFFFF  }
0xa7: {  	s28 =	simm.s32 $_size_execute0_lowered;
	s3 =	sadd.s32 s3, s5;
	[dreg:$0x0] =	wrdreg $0x0  }
0xa8: {  	s5 =	sshll.u32 s28, $0x1;
	[dreg:$0x2] =	wrdreg s3  }
0xa9: {  	[dreg:$0x3] =	wrdreg s5  }
0xaa: {  	[dreg:$0x4] =	wrdreg $0xC0  }
0xab: {  	_ =	task [dreg:s7], $0x5FFFF  }
0xac: {  	[dreg:$0x1] =	wrdreg $0xFFFFFFFF  }
0xad: {  	[dreg:$0x0] =	wrdreg $0x60  }
0xae: {  	[dreg:$0x2] =	wrdreg s24  }
0xaf: {  	[dreg:$0x3] =	wrdreg s2  }
0xb0: {  	[dreg:$0x4] =	wrdreg $0x9  }
0xb1: {  	_ =	task.clear_ibuf [dreg:s7], $0x5FFFF;
	_ =	strace $0x90000049  }
0xb2: {  	s29 =	simm.s32 $0x9;
	_ =	strace $0x8000004B  }
0xb3: {  	_ =	swait.ge [sflag:s29], $0x1  }
0xb4: {  	[sflag:s29] =	ssyncadd.s32 $0xFFFFFFFF  }
0xb5: {  	_ =	strace $0x9000004B  }
0xb6: {  	_ =	sfence  }
0xb7: {  	s30 =	sld [smem:$0x0];
	_ =	sdelay $0x2  }
0xb8: {  	s31 =	sshll.u32 s1, $0xD;
	s1 =	sshrl.u32 s1, $0x2  }
0xb9: {  	s3 =	sand.u32 $0x4000, s31;
	s1 =	sadd.s32 s1, s30  }
0xba: {  	s0 =	sor.u32 s3, s0;
	s1 =	sshll.u32 s1, $0x11  }
0xbb: {  	s0 =	sor.u32 s1, s0  }
0xbc: {  	s0 =	sadd.s32 $0x8F2B, s0  }
0xbd: {  	[sflag:s0] =	ssyncadd.remote.s32 $0x1  }
0xbe: {  	_ =	sfence.sel $0xFFFF  }
0xbf: {  	[dreg:$0x0] =	wrdreg $0xFFFFFFFF;
	(pc) =	sbr.abs _section_cstart, $3  }
0xc0: {  	[dreg:$0x1] =	wrdreg $0xFFFFFFFF  }
0xc1: {  	_ =	task.clear_ibuf [dreg:s7], $0x2FFFF;
	_ =	strace $0x9FFFFFFF  }
0xc2: {  	(tm) =	ssettm $0x7FFFFFFF  }
0xc3: {  	_ =	shalt  }
tec
execute0_lowered:
.L_overlay_start_1:
0x0: {  	(tag) =	ssettag $0x1  }
0x1: {  	s1 =	srdreg.scid  }
0x2: {  	s0 =	stileid.u32;
	s26 =	sand.u32 $0x1, s1  }
0x3: {  	s31 =	sshll.u32 s0, $0xA;
	s2 =	sshll.u32 s26, $0x9  }
0x4: {  	s24 =	rddreg [dreg:$0x0];
	s25 =	sor.u32 s2, s31  }
0x5: {  	s4 =	rddreg [dreg:$0x1];
	s2 =	simm.s32 $0x0;
	s5 =	sshrl.u32 s25, $0x3  }
0x6: {  	[smem:$0x7FF] =	sst s2;
	s3 =	sadd.s32 s5, s24  }
0x7: {  	s1 =	rddreg [dreg:$0x2];
	_ =	strace $0x8000004A;
	s3 =	sadd.s32 $0x64000, s3  }
0x8: {  	[tilespmem:s2], [sflag:$0x1] =	stream.linear.gather [hbm4b:s3+s2], $0x200, $0x38;
	[tilespmem:$0x4400] =	vst v63  }
0x9: {  	s6 =	simm.s32 $0x1;
	s4 =	sadd.s32 s4, s5;
	s5 =	simm.s32 $0x200  }
0xa: {  	[tilespmem:s5], [sflag:$0x2] =	stream.linear.gather [hbm4b:s4+s2], $0x200, $0x38;
	[tilespmem:$0x4400] =	vst v63  }
0xb: {  	_ =	swait.ge [sflag:s6], $0x200  }
0xc: {  	[sflag:s6] =	ssyncset.done $0x0  }
0xd: {  	s7 =	simm.s32 $0x2;
	[sflag:s6] =	ssyncadd.s32 $0xFFFFFE00  }
0xe: {  	_ =	swait.ge [sflag:s7], $0x200  }
0xf: {  	s9 =	simm.s32 $0x80;
	[sflag:s7] =	ssyncset.done $0x0  }
0x10: {  	s10 =	simm.s32 $0x400;
	s8 =	sadd.s32 $0x2400, s24;
	[sflag:s7] =	ssyncadd.s32 $0xFFFFFE00  }
0x11: {  	[tilespmem:s10], [sflag:$0x1] =	stream.indirect.gather [hbm4b:s8+s9], $0x10, s2, s9, $0xb8;
	[tilespmem:$0x4400] =	vst v63  }
0x12: {  	s12 =	simm.s32 $0x2400;
	s11 =	sadd.s32 $0x33200, s24  }
0x13: {  	[tilespmem:s12], [sflag:$0x2] =	stream.indirect.gather [hbm4b:s11+s9], $0x10, s5, s9, $0xb8;
	[tilespmem:$0x4400] =	vst v63  }
0x14: {  	s13 =	simm.s32 $0xC00  }
0x15: {  	[tilespmem:s13], [sflag:$0x1] =	stream.indirect.gather [hbm4b:s8+s9], $0x10, s9, s9, $0xb8;
	[tilespmem:$0x4400] =	vst v63  }
0x16: {  	s14 =	simm.s32 $0x280;
	s15 =	simm.s32 $0x2C00  }
0x17: {  	[tilespmem:s15], [sflag:$0x2] =	stream.indirect.gather [hbm4b:s11+s9], $0x10, s14, s9, $0xb8;
	[tilespmem:$0x4400] =	vst v63  }
0x18: {  	s16 =	simm.s32 $0x100;
	s17 =	simm.s32 $0x1400  }
0x19: {  	[tilespmem:s17], [sflag:$0x1] =	stream.indirect.gather [hbm4b:s8+s9], $0x10, s16, s9, $0xb8;
	[tilespmem:$0x4400] =	vst v63  }
0x1a: {  	s18 =	simm.s32 $0x300;
	s19 =	simm.s32 $0x3400  }
0x1b: {  	[tilespmem:s19], [sflag:$0x2] =	stream.indirect.gather [hbm4b:s11+s9], $0x10, s18, s9, $0xb8;
	[tilespmem:$0x4400] =	vst v63  }
0x1c: {  	s20 =	simm.s32 $0x180;
	s21 =	simm.s32 $0x1C00  }
0x1d: {  	[tilespmem:s21], [sflag:$0x1] =	stream.indirect.gather [hbm4b:s8+s9], $0x10, s20, s9, $0xb8;
	[tilespmem:$0x4400] =	vst v63  }
0x1e: {  	s22 =	simm.s32 $0x380;
	s23 =	simm.s32 $0x3C00  }
0x1f: {  	[tilespmem:s23], [sflag:$0x2] =	stream.indirect.gather [hbm4b:s11+s9], $0x10, s22, s9, $0xb8;
	[tilespmem:$0x4400] =	vst v63  }
0x20: {  	_ =	swait.ge [sflag:s6], $0x800  }
0x21: {  	[sflag:s6] =	ssyncset.done $0x0  }
0x22: {  	[sflag:s6] =	ssyncadd.s32 $0xFFFFF800  }
0x23: {  	_ =	swait.ge [sflag:s7], $0x800  }
0x24: {  	[sflag:s7] =	ssyncset.done $0x0  }
0x25: {  	[sflag:s7] =	ssyncadd.s32 $0xFFFFF800  }
0x26: {  	_ =	swait.ge [sflag:s6], $0x800  }
0x27: {  	[sflag:s6] =	ssyncset.done $0x0  }
0x28: {  	[sflag:s6] =	ssyncadd.s32 $0xFFFFF800  }
0x29: {  	_ =	swait.ge [sflag:s7], $0x800  }
0x2a: {  	[sflag:s7] =	ssyncset.done $0x0  }
0x2b: {  	[sflag:s7] =	ssyncadd.s32 $0xFFFFF800  }
0x2c: {  	_ =	swait.ge [sflag:s6], $0x800  }
0x2d: {  	[sflag:s6] =	ssyncset.done $0x0  }
0x2e: {  	[sflag:s6] =	ssyncadd.s32 $0xFFFFF800  }
0x2f: {  	_ =	swait.ge [sflag:s7], $0x800  }
0x30: {  	[sflag:s7] =	ssyncset.done $0x0  }
0x31: {  	[sflag:s7] =	ssyncadd.s32 $0xFFFFF800  }
0x32: {  	s25 =	sshll.u32 s25, $0x4;
	_ =	swait.ge [sflag:s6], $0x800  }
0x33: {  	s28 =	sadd.s32 s25, s24;
	[sflag:s6] =	ssyncset.done $0x0  }
0x34: {  	s29 =	ssub.s32 $0x2, s26;
	s24 =	sadd.s32 $0x64800, s28;
	[sflag:s6] =	ssyncadd.s32 $0xFFFFF800  }
0x35: {  	s26 =	sadd.s32 $0x64802, s28;
	s28 =	sshrl.u32 s29, $0x1;
	_ =	swait.ge [sflag:s7], $0x800  }
0x36: {  	s28 =	ssub.s32 s29, s28;
	[sflag:s7] =	ssyncset.done $0x0  }
0x37: {  	s25 =	simm.s32 $0x10;
	s28 =	smax.u32 s28, $0x1;
	[sflag:s7] =	ssyncadd.s32 $0xFFFFF800  }
0x38: {  	[hbm4b:s24+s25] =	stream.strided.scatter [tilespmem:s10], [sflag:$0x1], $0x2000, s9, s25, $0x38;
	[tilespmem:$0x4400] =	vst v63  }
0x39: {  	p0 =	sne.s32 s28, $0x1  }
0x3a: {  	[hbm4b:s26+s25] =	stream.strided.scatter [tilespmem:s12], [sflag:$0x2], $0x2000, s9, s25, $0x38;
	[tilespmem:$0x4400] =	vst v63  }
.Ltmp0:
0x3b: {  	_ =	swait.ge [sflag:s6], $0x2000;
	(pc) =	sbr.rel @!p0 .LBB2_2-.Ltmp0, $4  }
0x3c: {  	[sflag:s6] =	ssyncset.done $0x0  }
0x3d: {  	[sflag:s6] =	ssyncadd.s32 $0xFFFFE000  }
0x3e: {  	_ =	swait.ge [sflag:s7], $0x2000  }
0x3f: {  	s28 =	sadd.s32 $0xFFFFFFFF, s28;
	[sflag:s7] =	ssyncset.done $0x0  }
.LBB2_1:
0x40: {  	p0 =	sne.s32 s28, $0x1;
	s28 =	sadd.s32 $0xFFFFFFFF, s28;
	[sflag:s7] =	ssyncadd.s32 $0xFFFFE000  }
0x41: {  	[tilespmem:s2], [sflag:$0x1] =	stream.linear.gather [hbm4b:s3+s2], $0x200, $0x38;
	[tilespmem:$0x4400] =	vst v63  }
0x42: {  	_ = 	snop  }
0x43: {  	[tilespmem:s5], [sflag:$0x2] =	stream.linear.gather [hbm4b:s4+s2], $0x200, $0x38;
	[tilespmem:$0x4400] =	vst v63  }
0x44: {  	_ =	swait.ge [sflag:s6], $0x200  }
0x45: {  	[sflag:s6] =	ssyncset.done $0x0  }
0x46: {  	[sflag:s6] =	ssyncadd.s32 $0xFFFFFE00  }
0x47: {  	_ =	swait.ge [sflag:s7], $0x200  }
0x48: {  	[sflag:s7] =	ssyncset.done $0x0  }
0x49: {  	[sflag:s7] =	ssyncadd.s32 $0xFFFFFE00  }
0x4a: {  	[tilespmem:s10], [sflag:$0x1] =	stream.indirect.gather [hbm4b:s8+s9], $0x10, s2, s9, $0xb8;
	[tilespmem:$0x4400] =	vst v63  }
0x4b: {  	_ = 	snop  }
0x4c: {  	[tilespmem:s12], [sflag:$0x2] =	stream.indirect.gather [hbm4b:s11+s9], $0x10, s5, s9, $0xb8;
	[tilespmem:$0x4400] =	vst v63  }
0x4d: {  	_ = 	snop  }
0x4e: {  	[tilespmem:s13], [sflag:$0x1] =	stream.indirect.gather [hbm4b:s8+s9], $0x10, s9, s9, $0xb8;
	[tilespmem:$0x4400] =	vst v63  }
0x4f: {  	_ = 	snop  }
0x50: {  	[tilespmem:s15], [sflag:$0x2] =	stream.indirect.gather [hbm4b:s11+s9], $0x10, s14, s9, $0xb8;
	[tilespmem:$0x4400] =	vst v63  }
0x51: {  	_ = 	snop  }
0x52: {  	[tilespmem:s17], [sflag:$0x1] =	stream.indirect.gather [hbm4b:s8+s9], $0x10, s16, s9, $0xb8;
	[tilespmem:$0x4400] =	vst v63  }
0x53: {  	_ = 	snop  }
0x54: {  	[tilespmem:s19], [sflag:$0x2] =	stream.indirect.gather [hbm4b:s11+s9], $0x10, s18, s9, $0xb8;
	[tilespmem:$0x4400] =	vst v63  }
0x55: {  	_ = 	snop  }
0x56: {  	[tilespmem:s21], [sflag:$0x1] =	stream.indirect.gather [hbm4b:s8+s9], $0x10, s20, s9, $0xb8;
	[tilespmem:$0x4400] =	vst v63  }
0x57: {  	_ = 	snop  }
0x58: {  	[tilespmem:s23], [sflag:$0x2] =	stream.indirect.gather [hbm4b:s11+s9], $0x10, s22, s9, $0xb8;
	[tilespmem:$0x4400] =	vst v63  }
0x59: {  	_ =	swait.ge [sflag:s6], $0x800  }
0x5a: {  	[sflag:s6] =	ssyncset.done $0x0  }
0x5b: {  	[sflag:s6] =	ssyncadd.s32 $0xFFFFF800  }
0x5c: {  	_ =	swait.ge [sflag:s7], $0x800  }
0x5d: {  	[sflag:s7] =	ssyncset.done $0x0  }
0x5e: {  	[sflag:s7] =	ssyncadd.s32 $0xFFFFF800  }
0x5f: {  	_ =	swait.ge [sflag:s6], $0x800  }
0x60: {  	[sflag:s6] =	ssyncset.done $0x0  }
0x61: {  	[sflag:s6] =	ssyncadd.s32 $0xFFFFF800  }
0x62: {  	_ =	swait.ge [sflag:s7], $0x800  }
0x63: {  	[sflag:s7] =	ssyncset.done $0x0  }
0x64: {  	[sflag:s7] =	ssyncadd.s32 $0xFFFFF800  }
0x65: {  	_ =	swait.ge [sflag:s6], $0x800  }
0x66: {  	[sflag:s6] =	ssyncset.done $0x0  }
0x67: {  	[sflag:s6] =	ssyncadd.s32 $0xFFFFF800  }
0x68: {  	_ =	swait.ge [sflag:s7], $0x800  }
0x69: {  	[sflag:s7] =	ssyncset.done $0x0  }
0x6a: {  	[sflag:s7] =	ssyncadd.s32 $0xFFFFF800  }
0x6b: {  	_ =	swait.ge [sflag:s6], $0x800  }
0x6c: {  	[sflag:s6] =	ssyncset.done $0x0  }
0x6d: {  	[sflag:s6] =	ssyncadd.s32 $0xFFFFF800  }
0x6e: {  	_ =	swait.ge [sflag:s7], $0x800  }
0x6f: {  	[sflag:s7] =	ssyncset.done $0x0  }
0x70: {  	[sflag:s7] =	ssyncadd.s32 $0xFFFFF800  }
0x71: {  	[hbm4b:s24+s25] =	stream.strided.scatter [tilespmem:s10], [sflag:$0x1], $0x2000, s9, s25, $0x38;
	[tilespmem:$0x4400] =	vst v63  }
0x72: {  	_ = 	snop  }
0x73: {  	[hbm4b:s26+s25] =	stream.strided.scatter [tilespmem:s12], [sflag:$0x2], $0x2000, s9, s25, $0x38;
	[tilespmem:$0x4400] =	vst v63  }
.Ltmp1:
0x74: {  	_ =	swait.ge [sflag:s6], $0x2000;
	(pc) =	sbr.rel @p0 .LBB2_1-.Ltmp1, $4  }
0x75: {  	[sflag:s6] =	ssyncset.done $0x0  }
0x76: {  	[sflag:s6] =	ssyncadd.s32 $0xFFFFE000  }
0x77: {  	_ =	swait.ge [sflag:s7], $0x2000  }
0x78: {  	[sflag:s7] =	ssyncset.done $0x0  }
.LBB2_2:
0x79: {  	[sflag:s7] =	ssyncadd.s32 $0xFFFFE000  }
0x7a: {  	_ =	sfence.sel $0x180000  }
0x7b: {  	[bflag:$0x0] =	sbarrier.arrive $0xFFFF  }
0x7c: {  	p0 =	sne.s32 s0, $0x0;
	_ =	strace $0x9000004A  }
0x7d: {  	s0 =	sadd.s32 @!p0 $0x100000, s1;
	[bflag:$0x2] =	sbarrier.arrive $0xFFFF  }
0x7e: {  	[sflag:s0] =	ssyncadd.tile.s32 @!p0 $0x1;
	_ =	shalt  }
.Lfunc_end2:
_tile_overlayer_lowered:
.L_overlay_start_2:
0x7f: {  	(tag) =	ssettag $0x2  }
0x80: {  	s0 =	rddreg [dreg:$0x0];
	s2 =	stileid.u32  }
0x81: {  	s1 =	rddreg [dreg:$0x1];
	p0 =	sne.s32 s2, $0x0  }
0x82: {  	s3 =	rddreg [dreg:$0x2];
	[bflag:$0x3] =	sbarrier.arrive $0xFFFF;
	s2 =	simm.s32 @!p0 $0x1C03  }
0x83: {  	[timem:s3], [sflag:s2] =	dma.local @!p0 [hbm:s0], s1  }
0x84: {  	s0 =	simm.s32 @!p0 $0x3  }
0x85: {  	_ =	swait.ge @!p0 [sflag:s0], s1  }
0x86: {  	s1 =	ssub.s32 @!p0 $0x0, s1;
	[sflag:s0] =	ssyncset.done @!p0 $0x0  }
0x87: {  	[sflag:s0] =	ssyncadd.s32 @!p0 s1  }
0x88: {  	[bflag:$0x3] =	sbarrier.arrive $0xFFFF  }
0x89: {  	_ =	shalt  }

</sc_bundles>
